<compile_context>
chip_gen: v7x
topology: tpu7x:2x2x1
jax: 0.10.2.dev20260603
libtpu: 0.0.44.dev20260713+nightly
codegen_flags: <defaults>
</compile_context>

<pallas_src>
import jax
import jax.numpy as jnp
from jax import lax
from jax.experimental import pallas as pl
from jax.experimental.pallas import tpu as pltpu
from jax.experimental.pallas import tpu_sc as plsc

_B = 64
_V = 100000

_G = 768
_NSUB = 32
_C_SC = _G * _NSUB
_C_TC = _V - _C_SC

_BLK = 8192
_CHUNK = 2048

_K0 = 0
_K1 = 42
_K2 = _K0 ^ _K1 ^ 0x1BD11BDA

_ROTS = ((13, 15, 26, 6), (17, 29, 16, 24))
_SCHED = ((_K1, _K2), (_K2, _K0), (_K0, _K1), (_K1, _K2), (_K2, _K0))

_LN2 = 0.6931471805599453


def _threefry_bits(x1):
    x1 = x1 + jnp.uint32(_K1)
    x0 = x1
    x1 = ((x1 << jnp.uint32(13)) | (x1 >> jnp.uint32(19))) ^ x0
    first = True
    for i in range(5):
        for r in _ROTS[i % 2]:
            if first:
                first = False
                continue
            x0 = x0 + x1
            x1 = (x1 << jnp.uint32(r)) | (x1 >> jnp.uint32(32 - r))
            x1 = x1 ^ x0
        ka, kb = _SCHED[i]
        x0 = x0 + jnp.uint32(ka)
        x1 = x1 + jnp.uint32(kb) + jnp.uint32(i + 1)
    return x0 ^ x1


def _bits_to_uniform(bits):
    fbits = (bits >> jnp.uint32(9)) | jnp.uint32(0x3F800000)
    u = lax.bitcast_convert_type(fbits, jnp.float32) - 1.0
    return jnp.maximum(u, jnp.float32(1e-20))



def _tc_kernel(x_ref, oi_ref, om_ref, max_ref, idx_ref):
    b = pl.program_id(0)
    nb = pl.num_programs(0)

    @pl.when(b == 0)
    def _init():
        max_ref[...] = jnp.full_like(max_ref[...], -jnp.inf)
        idx_ref[...] = jnp.zeros_like(idx_ref[...])

    acc_m = max_ref[...]
    acc_i = idx_ref[...]
    shp = (_B, _CHUNK)
    base2d = (lax.broadcasted_iota(jnp.uint32, shp, 0) * jnp.uint32(_V)
              + lax.broadcasted_iota(jnp.uint32, shp, 1))
    iota2d = lax.broadcasted_iota(jnp.int32, shp, 1)
    for c in range(_BLK // _CHUNK):
        off = b * _BLK + c * _CHUNK + _C_SC
        col = iota2d + off
        flat = base2d + jnp.uint32(off)

        bits = _threefry_bits(flat)
        u = _bits_to_uniform(bits)
        gumbel = -jnp.log(-jnp.log(u))

        pert = x_ref[:, c * _CHUNK:(c + 1) * _CHUNK] + gumbel
        pert = jnp.where(col < _V, pert, -jnp.inf)

        for s in range(_CHUNK // 128):
            tile = pert[:, s * 128:(s + 1) * 128]
            itile = col[:, s * 128:(s + 1) * 128]
            upd = tile > acc_m
            acc_i = jnp.where(upd, itile, acc_i)
            acc_m = jnp.maximum(acc_m, tile)
    max_ref[...] = acc_m
    idx_ref[...] = acc_i

    @pl.when(b == nb - 1)
    def _done():
        acc_mt = acc_m.T
        acc_it = acc_i.T
        m = jnp.max(acc_mt, axis=0, keepdims=True)
        cand = jnp.where(acc_mt == m, acc_it, jnp.int32(0x7FFFFFFF))
        oi_ref[...] = jnp.min(cand, axis=0, keepdims=True)
        om_ref[...] = m



def _neg_ln(u):
    bits = lax.bitcast_convert_type(u, jnp.uint32)
    e = (bits >> jnp.uint32(23)).astype(jnp.int32) - 127
    m = lax.bitcast_convert_type(
        (bits & jnp.uint32(0x7FFFFF)) | jnp.uint32(0x3F800000), jnp.float32)
    big = m > jnp.float32(1.4142135)
    m = jnp.where(big, m * jnp.float32(0.5), m)
    e = e + jnp.where(big, jnp.int32(1), jnp.int32(0))
    ef = e.astype(jnp.float32)
    z = (m - 1.0) / (m + 1.0)
    z2 = z * z
    p = jnp.float32(2 / 9)
    for cc in (2 / 7, 2 / 5, 2 / 3, 2.0):
        p = p * z2 + jnp.float32(cc)
    lnm = z * p
    return -(ef * jnp.float32(_LN2) + lnm)


def _sc_body(x_ref, ol_ref, oi_ref,
             stripe, bl_vmem, bi_vmem, sem_in, sem_l, sem_i):
    c = lax.axis_index("c")
    s = lax.axis_index("s")
    t = c * 16 + s
    col0 = t * _G

    cp = pltpu.make_async_copy(x_ref.at[:, pl.ds(col0, _G)], stripe, sem_in)
    cp.start()
    cp.wait()

    iota_i = lax.iota(jnp.int32, 16)
    iota_u = lax.iota(jnp.uint32, 16)
    _dnums = lax.GatherDimensionNumbers(
        offset_dims=(), collapsed_slice_dims=(0,), start_index_map=(0,))

    def _shuf(x, perm):
        return lax.gather(x, perm[:, None], _dnums, (1,),
                          mode=lax.GatherScatterMode.PROMISE_IN_BOUNDS)

    perms = [iota_i ^ jnp.int32(k) for k in (8, 4, 2, 1)]

    def row_body(r, _):
        base_u = jnp.uint32(r * _V + col0)

        def col_body(v, carry):
            bn, bd, bi, blg = carry
            for k in range(4):
                o = v * 64 + k * 16
                l = stripe[r, pl.ds(o, 16)]
                colv = (col0 + o) + iota_i
                flat = (base_u + jnp.uint32(o).astype(jnp.uint32)) + iota_u
                bits = _threefry_bits(flat)
                u = _bits_to_uniform(bits)
                y = _neg_ln(u)
                num = jnp.exp(l)
                upd = num * bd > bn * y
                bn = jnp.where(upd, num, bn)
                bd = jnp.where(upd, y, bd)
                bi = jnp.where(upd, colv, bi)
                blg = jnp.where(upd, l, blg)
            return bn, bd, bi, blg

        init = (jnp.zeros(16, jnp.float32), jnp.ones(16, jnp.float32),
                jnp.zeros(16, jnp.int32), jnp.zeros(16, jnp.float32))
        bn, bd, bi, blg = lax.fori_loop(0, _G // 64, col_body, init)

        w = bn / bd
        sm = w
        for pm in perms:
            sm = jnp.maximum(sm, _shuf(sm, pm))
        cand = jnp.where(w == sm, bi, jnp.int32(0x7FFFFFFF))
        for pm in perms:
            cand = jnp.minimum(cand, _shuf(cand, pm))
        lgv = jnp.where(bi == cand, blg, jnp.float32(jnp.inf))
        for pm in perms:
            lgv = jnp.minimum(lgv, _shuf(lgv, pm))

        g16 = (r // 16) * 16
        q = r % 16
        pend_l = bl_vmem[0, pl.ds(g16, 16)]
        bl_vmem[0, pl.ds(g16, 16)] = jnp.where(iota_i == q, lgv, pend_l)
        pend_i = bi_vmem[0, pl.ds(g16, 16)]
        bi_vmem[0, pl.ds(g16, 16)] = jnp.where(iota_i == q, cand, pend_i)
        return 0

    lax.fori_loop(0, _B, row_body, 0)

    cpl = pltpu.make_async_copy(bl_vmem, ol_ref.at[t], sem_l)
    cpl.start()
    cpi = pltpu.make_async_copy(bi_vmem, oi_ref.at[t], sem_i)
    cpi.start()
    cpl.wait()
    cpi.wait()


def _sc_candidates(logits):
    fn = pl.kernel(
        _sc_body,
        out_type=(
            jax.ShapeDtypeStruct((_NSUB, 1, _B), jnp.float32),
            jax.ShapeDtypeStruct((_NSUB, 1, _B), jnp.int32),
        ),
        mesh=plsc.VectorSubcoreMesh(core_axis_name="c", subcore_axis_name="s",
                                    num_cores=2, num_subcores=16),
        scratch_types=(
            pltpu.VMEM((_B, _G), jnp.float32),
            pltpu.VMEM((1, _B), jnp.float32),
            pltpu.VMEM((1, _B), jnp.int32),
            pltpu.SemaphoreType.DMA,
            pltpu.SemaphoreType.DMA,
            pltpu.SemaphoreType.DMA,
        ),
    )
    return fn(logits)



def _merge_kernel(cl_ref, ci_ref, tm_ref, ti_ref, o_ref):
    ci = ci_ref[...]
    row = lax.broadcasted_iota(jnp.uint32, ci.shape, 1)
    flat = row * jnp.uint32(_V) + ci.astype(jnp.uint32)
    bits = _threefry_bits(flat)
    u = _bits_to_uniform(bits)
    gumbel = -jnp.log(-jnp.log(u))
    sc = cl_ref[...] + gumbel

    m = jnp.max(sc, axis=0, keepdims=True)
    cand = jnp.where(sc == m, ci, jnp.int32(0x7FFFFFFF))
    ii = jnp.min(cand, axis=0, keepdims=True)
    better = m >= tm_ref[...]
    o_ref[...] = jnp.where(better, ii, ti_ref[...])



def kernel(logits):
    tc_idx, tc_max = pl.pallas_call(
        _tc_kernel,
        grid=(pl.cdiv(_C_TC, _BLK),),
        in_specs=[pl.BlockSpec((_B, _BLK), lambda b: (0, b + _C_SC // _BLK))],
        out_specs=(pl.BlockSpec((1, _B), lambda b: (0, 0)),
                   pl.BlockSpec((1, _B), lambda b: (0, 0))),
        out_shape=(jax.ShapeDtypeStruct((1, _B), jnp.int32),
                   jax.ShapeDtypeStruct((1, _B), jnp.float32)),
        scratch_shapes=[
            pltpu.VMEM((_B, 128), jnp.float32),
            pltpu.VMEM((_B, 128), jnp.int32),
        ],
    )(logits)

    sc_l, sc_i = _sc_candidates(logits)
    sc_l = sc_l.reshape(_NSUB, _B)
    sc_i = sc_i.reshape(_NSUB, _B)

    out = pl.pallas_call(
        _merge_kernel,
        out_shape=jax.ShapeDtypeStruct((1, _B), jnp.int32),
    )(sc_l, sc_i, tc_max, tc_idx)
    return out[0].astype(jnp.int64)

# --- scband reference (transcript-rebuilt; emitter-appended) ---
"""Pipeline reference for scband-probability-distribution-38740605010553 (READ-ONLY COPY).

The authoritative reference and input builder live on the scoring server;
editing this copy changes nothing except your own understanding.
"""

import jax, jax.numpy as jnp
import numpy as np

def setup_inputs(seed: int = 0) -> dict:
    key = jax.random.key(seed)
    logits = jax.random.normal(key, (64, 100000), dtype=jnp.float32)
    return {"logits": logits}

def reference(logits):
    # Faithful jax translation of ProbabilityDistribution.call:
    #   tf.squeeze(tf.random.categorical(logits, 1), axis=-1)
    # tf.random.categorical draws 1 sample per row from the categorical
    # distribution defined by unnormalized log-probabilities `logits`.
    # Implemented via the Gumbel-max trick (exactly what TF does internally),
    # which is also what jax.random.categorical does.
    key = jax.random.key(42)
    gumbel = -jnp.log(-jnp.log(jax.random.uniform(key, logits.shape, dtype=logits.dtype, minval=1e-20, maxval=1.0)))
    perturbed = logits + gumbel
    sample = jnp.argmax(perturbed, axis=-1)  # shape [B], int
    return sample.astype(jnp.int64)

if __name__ == "__main__":
    import jax
    _d = setup_inputs()
    print(jax.jit(kernel)(*tuple(_d.values())))

</pallas_src>

<mosaic_0001>
#map = affine_map<(d0, d1) -> (0, 0)>
#map1 = affine_map<(d0, d1) -> (0, 0, 0)>
module attributes {stable_mosaic.version = 14 : i64} {
  func.func @_sc_body(%arg0: i32, %arg1: i32, %arg2: memref<64x100000xf32, #tpu.memory_space<hbm>>, %arg3: memref<32x1x64xf32, #tpu.memory_space<hbm>>, %arg4: memref<32x1x64xi32, #tpu.memory_space<hbm>>, %arg5: memref<64x768xf32, #tpu.memory_space<vmem>>, %arg6: memref<1x64xf32, #tpu.memory_space<vmem>>, %arg7: memref<1x64xi32, #tpu.memory_space<vmem>>, %arg8: memref<!tpu.dma_semaphore, #tpu.memory_space<semaphore_mem>>, %arg9: memref<!tpu.dma_semaphore, #tpu.memory_space<semaphore_mem>>, %arg10: memref<!tpu.dma_semaphore, #tpu.memory_space<semaphore_mem>>) attributes {dimension_semantics = [#tpu.dimension_semantics<core_parallel>, #tpu.dimension_semantics<subcore_parallel>], iteration_bounds = array<i64: 2, 16>, scalar_prefetch = 0 : i64, scratch_operands = 6 : i64, tpu.core_type = #tpu.core_type<sc_vector_subcore>, window_params = [{transform_indices = #map}, {transform_indices = #map1}, {transform_indices = #map1}]} {
    %mul3A = arith.constant 16 : i32
    %mul3A_0 = arith.muli %arg0, %mul3A : i32
    %add3A = arith.addi %mul3A_0, %arg1 : i32
    %mul3A_1 = arith.constant 768 : i32
    %mul3A_2 = arith.muli %add3A, %mul3A_1 : i32
    %dma_start3A = arith.constant 0 : i32
    %dma_start3A_3 = tpu.memref_slice %arg2[%dma_start3A, %mul3A_2] : memref<64x100000xf32, #tpu.memory_space<hbm>> -> memref<64x768xf32, #tpu.memory_space<hbm>>
    %dma_start3A_4 = arith.constant 0 : i32
    %dma_start3A_5 = tpu.memref_slice %arg2[%dma_start3A_4, %mul3A_2] : memref<64x100000xf32, #tpu.memory_space<hbm>> -> memref<64x768xf32, #tpu.memory_space<hbm>>
    tpu.enqueue_dma source(%dma_start3A_5 : memref<64x768xf32, #tpu.memory_space<hbm>>) target(%arg5 : memref<64x768xf32, #tpu.memory_space<vmem>>) target_semaphore(%arg8 : memref<!tpu.dma_semaphore, #tpu.memory_space<semaphore_mem>>)
    %dma_wait3A = arith.constant 0 : i32
    %dma_wait3A_6 = tpu.memref_slice %arg2[%dma_wait3A, %mul3A_2] : memref<64x100000xf32, #tpu.memory_space<hbm>> -> memref<64x768xf32, #tpu.memory_space<hbm>>
    %dma_wait3A_7 = arith.constant 0 : i32
    %dma_wait3A_8 = tpu.memref_slice %arg2[%dma_wait3A_7, %mul3A_2] : memref<64x100000xf32, #tpu.memory_space<hbm>> -> memref<64x768xf32, #tpu.memory_space<hbm>>
    tpu.wait_dma2 semaphore(%arg8 : memref<!tpu.dma_semaphore, #tpu.memory_space<semaphore_mem>>) src(%dma_wait3A_8 : memref<64x768xf32, #tpu.memory_space<hbm>>) dst(%arg5 : memref<64x768xf32, #tpu.memory_space<vmem>>)
    %iota3A = tpu.iota {dimensions = array<i32: 0>} : vector<16xi32>
    %iota3A_9 = tpu.iota {dimensions = array<i32: 0>} : vector<16xi32>
    %xor3A = arith.constant 8 : i32
    %xor3A_10 = vector.broadcast %xor3A : i32 to vector<16xi32>
    %xor3A_11 = arith.xori %iota3A, %xor3A_10 : vector<16xi32>
    %xor3A_12 = arith.constant 4 : i32
    %xor3A_13 = vector.broadcast %xor3A_12 : i32 to vector<16xi32>
    %xor3A_14 = arith.xori %iota3A, %xor3A_13 : vector<16xi32>
    %xor3A_15 = arith.constant 2 : i32
    %xor3A_16 = vector.broadcast %xor3A_15 : i32 to vector<16xi32>
    %xor3A_17 = arith.xori %iota3A, %xor3A_16 : vector<16xi32>
    %xor3A_18 = arith.constant 1 : i32
    %xor3A_19 = vector.broadcast %xor3A_18 : i32 to vector<16xi32>
    %xor3A_20 = arith.xori %iota3A, %xor3A_19 : vector<16xi32>
    %scan3A = arith.constant 0 : i32
    %scan3A_21 = arith.constant 0 : i32
    %scan3A_22 = arith.constant 64 : i32
    %scan3A_23 = arith.addi %scan3A_21, %scan3A_22 : i32
    %scan3A_24 = arith.constant 1 : i32
    %scan3A_25 = scf.for %scan3A_59 = %scan3A_21 to %scan3A_23 step %scan3A_24 iter_args(%scan3A_60 = %scan3A) -> (i32)  : i32 {
      %mul3A_61 = arith.constant 100000 : i32
      %mul3A_62 = arith.muli %scan3A_59, %mul3A_61 : i32
      %add3A_63 = arith.addi %mul3A_62, %mul3A_2 : i32
      %broadcast_in_dim3A = arith.constant 0.000000e+00 : f32
      %broadcast_in_dim3A_64 = vector.broadcast %broadcast_in_dim3A : f32 to vector<16xf32>
      %broadcast_in_dim3A_65 = arith.constant 1.000000e+00 : f32
      %broadcast_in_dim3A_66 = vector.broadcast %broadcast_in_dim3A_65 : f32 to vector<16xf32>
      %broadcast_in_dim3A_67 = arith.constant 0 : i32
      %broadcast_in_dim3A_68 = vector.broadcast %broadcast_in_dim3A_67 : i32 to vector<16xi32>
      %broadcast_in_dim3A_69 = arith.constant 0.000000e+00 : f32
      %broadcast_in_dim3A_70 = vector.broadcast %broadcast_in_dim3A_69 : f32 to vector<16xf32>
      %scan3A_71 = arith.constant 0 : i32
      %scan3A_72 = arith.constant 12 : i32
      %scan3A_73 = arith.addi %scan3A_71, %scan3A_72 : i32
      %scan3A_74 = arith.constant 1 : i32
      %scan3A_75:4 = scf.for %scan3A_190 = %scan3A_71 to %scan3A_73 step %scan3A_74 iter_args(%scan3A_191 = %broadcast_in_dim3A_64, %scan3A_192 = %broadcast_in_dim3A_66, %scan3A_193 = %broadcast_in_dim3A_68, %scan3A_194 = %broadcast_in_dim3A_70) -> (vector<16xf32>, vector<16xf32>, vector<16xi32>, vector<16xf32>)  : i32 {
        %mul3A_195 = arith.constant 64 : i32
        %mul3A_196 = arith.muli %scan3A_190, %mul3A_195 : i32
        %add3A_197 = arith.constant 0 : i32
        %add3A_198 = arith.addi %mul3A_196, %add3A_197 : i32
        %get3A_199 = arith.index_cast %scan3A_59 : i32 to index
        %get3A_200 = arith.index_cast %add3A_198 : i32 to index
        %get3A_201 = tpu.vector_load %arg5[%get3A_199, %get3A_200] {strides = array<i32>} : memref<64x768xf32, #tpu.memory_space<vmem>>, vector<1x16xf32>,
        %get3A_202 = vector.shape_cast %get3A_201 : vector<1x16xf32> to vector<16xf32>
        %add3A_203 = arith.addi %mul3A_2, %add3A_198 : i32
        %add3A_204 = vector.broadcast %add3A_203 : i32 to vector<16xi32>
        %add3A_205 = arith.addi %add3A_204, %iota3A : vector<16xi32>
        %add3A_206 = arith.addi %add3A_63, %add3A_198 : i32
        %add3A_207 = vector.broadcast %add3A_206 : i32 to vector<16xi32>
        %add3A_208 = arith.addi %add3A_207, %iota3A_9 : vector<16xi32>
        %add3A_209 = arith.constant 42 : i32
        %add3A_210 = vector.broadcast %add3A_209 : i32 to vector<16xi32>
        %add3A_211 = arith.addi %add3A_208, %add3A_210 : vector<16xi32>
        %shift_left3A = arith.constant 13 : i32
        %shift_left3A_212 = vector.broadcast %shift_left3A : i32 to vector<16xi32>
        %shift_left3A_213 = arith.shli %add3A_211, %shift_left3A_212 : vector<16xi32>
        %shift_right_logical3A = arith.constant 19 : i32
        %shift_right_logical3A_214 = vector.broadcast %shift_right_logical3A : i32 to vector<16xi32>
        %shift_right_logical3A_215 = arith.shrui %add3A_211, %shift_right_logical3A_214 : vector<16xi32>
        %or3A = arith.ori %shift_left3A_213, %shift_right_logical3A_215 : vector<16xi32>
        %xor3A_216 = arith.xori %or3A, %add3A_211 : vector<16xi32>
        %add3A_217 = arith.addi %add3A_211, %xor3A_216 : vector<16xi32>
        %shift_left3A_218 = arith.constant 15 : i32
        %shift_left3A_219 = vector.broadcast %shift_left3A_218 : i32 to vector<16xi32>
        %shift_left3A_220 = arith.shli %xor3A_216, %shift_left3A_219 : vector<16xi32>
        %shift_right_logical3A_221 = arith.constant 17 : i32
        %shift_right_logical3A_222 = vector.broadcast %shift_right_logical3A_221 : i32 to vector<16xi32>
        %shift_right_logical3A_223 = arith.shrui %xor3A_216, %shift_right_logical3A_222 : vector<16xi32>
        %or3A_224 = arith.ori %shift_left3A_220, %shift_right_logical3A_223 : vector<16xi32>
        %xor3A_225 = arith.xori %or3A_224, %add3A_217 : vector<16xi32>
        %add3A_226 = arith.addi %add3A_217, %xor3A_225 : vector<16xi32>
        %shift_left3A_227 = arith.constant 26 : i32
        %shift_left3A_228 = vector.broadcast %shift_left3A_227 : i32 to vector<16xi32>
        %shift_left3A_229 = arith.shli %xor3A_225, %shift_left3A_228 : vector<16xi32>
        %shift_right_logical3A_230 = arith.constant 6 : i32
        %shift_right_logical3A_231 = vector.broadcast %shift_right_logical3A_230 : i32 to vector<16xi32>
        %shift_right_logical3A_232 = arith.shrui %xor3A_225, %shift_right_logical3A_231 : vector<16xi32>
        %or3A_233 = arith.ori %shift_left3A_229, %shift_right_logical3A_232 : vector<16xi32>
        %xor3A_234 = arith.xori %or3A_233, %add3A_226 : vector<16xi32>
        %add3A_235 = arith.addi %add3A_226, %xor3A_234 : vector<16xi32>
        %shift_left3A_236 = arith.constant 6 : i32
        %shift_left3A_237 = vector.broadcast %shift_left3A_236 : i32 to vector<16xi32>
        %shift_left3A_238 = arith.shli %xor3A_234, %shift_left3A_237 : vector<16xi32>
        %shift_right_logical3A_239 = arith.constant 26 : i32
        %shift_right_logical3A_240 = vector.broadcast %shift_right_logical3A_239 : i32 to vector<16xi32>
        %shift_right_logical3A_241 = arith.shrui %xor3A_234, %shift_right_logical3A_240 : vector<16xi32>
        %or3A_242 = arith.ori %shift_left3A_238, %shift_right_logical3A_241 : vector<16xi32>
        %xor3A_243 = arith.xori %or3A_242, %add3A_235 : vector<16xi32>
        %add3A_244 = arith.constant 42 : i32
        %add3A_245 = vector.broadcast %add3A_244 : i32 to vector<16xi32>
        %add3A_246 = arith.addi %add3A_235, %add3A_245 : vector<16xi32>
        %add3A_247 = arith.constant 466689008 : i32
        %add3A_248 = vector.broadcast %add3A_247 : i32 to vector<16xi32>
        %add3A_249 = arith.addi %xor3A_243, %add3A_248 : vector<16xi32>
        %add3A_250 = arith.constant 1 : i32
        %add3A_251 = vector.broadcast %add3A_250 : i32 to vector<16xi32>
        %add3A_252 = arith.addi %add3A_249, %add3A_251 : vector<16xi32>
        %add3A_253 = arith.addi %add3A_246, %add3A_252 : vector<16xi32>
        %shift_left3A_254 = arith.constant 17 : i32
        %shift_left3A_255 = vector.broadcast %shift_left3A_254 : i32 to vector<16xi32>
        %shift_left3A_256 = arith.shli %add3A_252, %shift_left3A_255 : vector<16xi32>
        %shift_right_logical3A_257 = arith.constant 15 : i32
        %shift_right_logical3A_258 = vector.broadcast %shift_right_logical3A_257 : i32 to vector<16xi32>
        %shift_right_logical3A_259 = arith.shrui %add3A_252, %shift_right_logical3A_258 : vector<16xi32>
        %or3A_260 = arith.ori %shift_left3A_256, %shift_right_logical3A_259 : vector<16xi32>
        %xor3A_261 = arith.xori %or3A_260, %add3A_253 : vector<16xi32>
        %add3A_262 = arith.addi %add3A_253, %xor3A_261 : vector<16xi32>
        %shift_left3A_263 = arith.constant 29 : i32
        %shift_left3A_264 = vector.broadcast %shift_left3A_263 : i32 to vector<16xi32>
        %shift_left3A_265 = arith.shli %xor3A_261, %shift_left3A_264 : vector<16xi32>
        %shift_right_logical3A_266 = arith.constant 3 : i32
        %shift_right_logical3A_267 = vector.broadcast %shift_right_logical3A_266 : i32 to vector<16xi32>
        %shift_right_logical3A_268 = arith.shrui %xor3A_261, %shift_right_logical3A_267 : vector<16xi32>
        %or3A_269 = arith.ori %shift_left3A_265, %shift_right_logical3A_268 : vector<16xi32>
        %xor3A_270 = arith.xori %or3A_269, %add3A_262 : vector<16xi32>
        %add3A_271 = arith.addi %add3A_262, %xor3A_270 : vector<16xi32>
        %shift_left3A_272 = arith.constant 16 : i32
        %shift_left3A_273 = vector.broadcast %shift_left3A_272 : i32 to vector<16xi32>
        %shift_left3A_274 = arith.shli %xor3A_270, %shift_left3A_273 : vector<16xi32>
        %shift_right_logical3A_275 = arith.constant 16 : i32
        %shift_right_logical3A_276 = vector.broadcast %shift_right_logical3A_275 : i32 to vector<16xi32>
        %shift_right_logical3A_277 = arith.shrui %xor3A_270, %shift_right_logical3A_276 : vector<16xi32>
        %or3A_278 = arith.ori %shift_left3A_274, %shift_right_logical3A_277 : vector<16xi32>
        %xor3A_279 = arith.xori %or3A_278, %add3A_271 : vector<16xi32>
        %add3A_280 = arith.addi %add3A_271, %xor3A_279 : vector<16xi32>
        %shift_left3A_281 = arith.constant 24 : i32
        %shift_left3A_282 = vector.broadcast %shift_left3A_281 : i32 to vector<16xi32>
        %shift_left3A_283 = arith.shli %xor3A_279, %shift_left3A_282 : vector<16xi32>
        %shift_right_logical3A_284 = arith.constant 8 : i32
        %shift_right_logical3A_285 = vector.broadcast %shift_right_logical3A_284 : i32 to vector<16xi32>
        %shift_right_logical3A_286 = arith.shrui %xor3A_279, %shift_right_logical3A_285 : vector<16xi32>
        %or3A_287 = arith.ori %shift_left3A_283, %shift_right_logical3A_286 : vector<16xi32>
        %xor3A_288 = arith.xori %or3A_287, %add3A_280 : vector<16xi32>
        %add3A_289 = arith.constant 466689008 : i32
        %add3A_290 = vector.broadcast %add3A_289 : i32 to vector<16xi32>
        %add3A_291 = arith.addi %add3A_280, %add3A_290 : vector<16xi32>
        %add3A_292 = arith.constant 0 : i32
        %add3A_293 = vector.broadcast %add3A_292 : i32 to vector<16xi32>
        %add3A_294 = arith.addi %xor3A_288, %add3A_293 : vector<16xi32>
        %add3A_295 = arith.constant 2 : i32
        %add3A_296 = vector.broadcast %add3A_295 : i32 to vector<16xi32>
        %add3A_297 = arith.addi %add3A_294, %add3A_296 : vector<16xi32>
        %add3A_298 = arith.addi %add3A_291, %add3A_297 : vector<16xi32>
        %shift_left3A_299 = arith.constant 13 : i32
        %shift_left3A_300 = vector.broadcast %shift_left3A_299 : i32 to vector<16xi32>
        %shift_left3A_301 = arith.shli %add3A_297, %shift_left3A_300 : vector<16xi32>
        %shift_right_logical3A_302 = arith.constant 19 : i32
        %shift_right_logical3A_303 = vector.broadcast %shift_right_logical3A_302 : i32 to vector<16xi32>
        %shift_right_logical3A_304 = arith.shrui %add3A_297, %shift_right_logical3A_303 : vector<16xi32>
        %or3A_305 = arith.ori %shift_left3A_301, %shift_right_logical3A_304 : vector<16xi32>
        %xor3A_306 = arith.xori %or3A_305, %add3A_298 : vector<16xi32>
        %add3A_307 = arith.addi %add3A_298, %xor3A_306 : vector<16xi32>
        %shift_left3A_308 = arith.constant 15 : i32
        %shift_left3A_309 = vector.broadcast %shift_left3A_308 : i32 to vector<16xi32>
        %shift_left3A_310 = arith.shli %xor3A_306, %shift_left3A_309 : vector<16xi32>
        %shift_right_logical3A_311 = arith.constant 17 : i32
        %shift_right_logical3A_312 = vector.broadcast %shift_right_logical3A_311 : i32 to vector<16xi32>
        %shift_right_logical3A_313 = arith.shrui %xor3A_306, %shift_right_logical3A_312 : vector<16xi32>
        %or3A_314 = arith.ori %shift_left3A_310, %shift_right_logical3A_313 : vector<16xi32>
        %xor3A_315 = arith.xori %or3A_314, %add3A_307 : vector<16xi32>
        %add3A_316 = arith.addi %add3A_307, %xor3A_315 : vector<16xi32>
        %shift_left3A_317 = arith.constant 26 : i32
        %shift_left3A_318 = vector.broadcast %shift_left3A_317 : i32 to vector<16xi32>
        %shift_left3A_319 = arith.shli %xor3A_315, %shift_left3A_318 : vector<16xi32>
        %shift_right_logical3A_320 = arith.constant 6 : i32
        %shift_right_logical3A_321 = vector.broadcast %shift_right_logical3A_320 : i32 to vector<16xi32>
        %shift_right_logical3A_322 = arith.shrui %xor3A_315, %shift_right_logical3A_321 : vector<16xi32>
        %or3A_323 = arith.ori %shift_left3A_319, %shift_right_logical3A_322 : vector<16xi32>
        %xor3A_324 = arith.xori %or3A_323, %add3A_316 : vector<16xi32>
        %add3A_325 = arith.addi %add3A_316, %xor3A_324 : vector<16xi32>
        %shift_left3A_326 = arith.constant 6 : i32
        %shift_left3A_327 = vector.broadcast %shift_left3A_326 : i32 to vector<16xi32>
        %shift_left3A_328 = arith.shli %xor3A_324, %shift_left3A_327 : vector<16xi32>
        %shift_right_logical3A_329 = arith.constant 26 : i32
        %shift_right_logical3A_330 = vector.broadcast %shift_right_logical3A_329 : i32 to vector<16xi32>
        %shift_right_logical3A_331 = arith.shrui %xor3A_324, %shift_right_logical3A_330 : vector<16xi32>
        %or3A_332 = arith.ori %shift_left3A_328, %shift_right_logical3A_331 : vector<16xi32>
        %xor3A_333 = arith.xori %or3A_332, %add3A_325 : vector<16xi32>
        %add3A_334 = arith.constant 0 : i32
        %add3A_335 = vector.broadcast %add3A_334 : i32 to vector<16xi32>
        %add3A_336 = arith.addi %add3A_325, %add3A_335 : vector<16xi32>
        %add3A_337 = arith.constant 42 : i32
        %add3A_338 = vector.broadcast %add3A_337 : i32 to vector<16xi32>
        %add3A_339 = arith.addi %xor3A_333, %add3A_338 : vector<16xi32>
        %add3A_340 = arith.constant 3 : i32
        %add3A_341 = vector.broadcast %add3A_340 : i32 to vector<16xi32>
        %add3A_342 = arith.addi %add3A_339, %add3A_341 : vector<16xi32>
        %add3A_343 = arith.addi %add3A_336, %add3A_342 : vector<16xi32>
        %shift_left3A_344 = arith.constant 17 : i32
        %shift_left3A_345 = vector.broadcast %shift_left3A_344 : i32 to vector<16xi32>
        %shift_left3A_346 = arith.shli %add3A_342, %shift_left3A_345 : vector<16xi32>
        %shift_right_logical3A_347 = arith.constant 15 : i32
        %shift_right_logical3A_348 = vector.broadcast %shift_right_logical3A_347 : i32 to vector<16xi32>
        %shift_right_logical3A_349 = arith.shrui %add3A_342, %shift_right_logical3A_348 : vector<16xi32>
        %or3A_350 = arith.ori %shift_left3A_346, %shift_right_logical3A_349 : vector<16xi32>
        %xor3A_351 = arith.xori %or3A_350, %add3A_343 : vector<16xi32>
        %add3A_352 = arith.addi %add3A_343, %xor3A_351 : vector<16xi32>
        %shift_left3A_353 = arith.constant 29 : i32
        %shift_left3A_354 = vector.broadcast %shift_left3A_353 : i32 to vector<16xi32>
        %shift_left3A_355 = arith.shli %xor3A_351, %shift_left3A_354 : vector<16xi32>
        %shift_right_logical3A_356 = arith.constant 3 : i32
        %shift_right_logical3A_357 = vector.broadcast %shift_right_logical3A_356 : i32 to vector<16xi32>
        %shift_right_logical3A_358 = arith.shrui %xor3A_351, %shift_right_logical3A_357 : vector<16xi32>
        %or3A_359 = arith.ori %shift_left3A_355, %shift_right_logical3A_358 : vector<16xi32>
        %xor3A_360 = arith.xori %or3A_359, %add3A_352 : vector<16xi32>
        %add3A_361 = arith.addi %add3A_352, %xor3A_360 : vector<16xi32>
        %shift_left3A_362 = arith.constant 16 : i32
        %shift_left3A_363 = vector.broadcast %shift_left3A_362 : i32 to vector<16xi32>
        %shift_left3A_364 = arith.shli %xor3A_360, %shift_left3A_363 : vector<16xi32>
        %shift_right_logical3A_365 = arith.constant 16 : i32
        %shift_right_logical3A_366 = vector.broadcast %shift_right_logical3A_365 : i32 to vector<16xi32>
        %shift_right_logical3A_367 = arith.shrui %xor3A_360, %shift_right_logical3A_366 : vector<16xi32>
        %or3A_368 = arith.ori %shift_left3A_364, %shift_right_logical3A_367 : vector<16xi32>
        %xor3A_369 = arith.xori %or3A_368, %add3A_361 : vector<16xi32>
        %add3A_370 = arith.addi %add3A_361, %xor3A_369 : vector<16xi32>
        %shift_left3A_371 = arith.constant 24 : i32
        %shift_left3A_372 = vector.broadcast %shift_left3A_371 : i32 to vector<16xi32>
        %shift_left3A_373 = arith.shli %xor3A_369, %shift_left3A_372 : vector<16xi32>
        %shift_right_logical3A_374 = arith.constant 8 : i32
        %shift_right_logical3A_375 = vector.broadcast %shift_right_logical3A_374 : i32 to vector<16xi32>
        %shift_right_logical3A_376 = arith.shrui %xor3A_369, %shift_right_logical3A_375 : vector<16xi32>
        %or3A_377 = arith.ori %shift_left3A_373, %shift_right_logical3A_376 : vector<16xi32>
        %xor3A_378 = arith.xori %or3A_377, %add3A_370 : vector<16xi32>
        %add3A_379 = arith.constant 42 : i32
        %add3A_380 = vector.broadcast %add3A_379 : i32 to vector<16xi32>
        %add3A_381 = arith.addi %add3A_370, %add3A_380 : vector<16xi32>
        %add3A_382 = arith.constant 466689008 : i32
        %add3A_383 = vector.broadcast %add3A_382 : i32 to vector<16xi32>
        %add3A_384 = arith.addi %xor3A_378, %add3A_383 : vector<16xi32>
        %add3A_385 = arith.constant 4 : i32
        %add3A_386 = vector.broadcast %add3A_385 : i32 to vector<16xi32>
        %add3A_387 = arith.addi %add3A_384, %add3A_386 : vector<16xi32>
        %add3A_388 = arith.addi %add3A_381, %add3A_387 : vector<16xi32>
        %shift_left3A_389 = arith.constant 13 : i32
        %shift_left3A_390 = vector.broadcast %shift_left3A_389 : i32 to vector<16xi32>
        %shift_left3A_391 = arith.shli %add3A_387, %shift_left3A_390 : vector<16xi32>
        %shift_right_logical3A_392 = arith.constant 19 : i32
        %shift_right_logical3A_393 = vector.broadcast %shift_right_logical3A_392 : i32 to vector<16xi32>
        %shift_right_logical3A_394 = arith.shrui %add3A_387, %shift_right_logical3A_393 : vector<16xi32>
        %or3A_395 = arith.ori %shift_left3A_391, %shift_right_logical3A_394 : vector<16xi32>
        %xor3A_396 = arith.xori %or3A_395, %add3A_388 : vector<16xi32>
        %add3A_397 = arith.addi %add3A_388, %xor3A_396 : vector<16xi32>
        %shift_left3A_398 = arith.constant 15 : i32
        %shift_left3A_399 = vector.broadcast %shift_left3A_398 : i32 to vector<16xi32>
        %shift_left3A_400 = arith.shli %xor3A_396, %shift_left3A_399 : vector<16xi32>
        %shift_right_logical3A_401 = arith.constant 17 : i32
        %shift_right_logical3A_402 = vector.broadcast %shift_right_logical3A_401 : i32 to vector<16xi32>
        %shift_right_logical3A_403 = arith.shrui %xor3A_396, %shift_right_logical3A_402 : vector<16xi32>
        %or3A_404 = arith.ori %shift_left3A_400, %shift_right_logical3A_403 : vector<16xi32>
        %xor3A_405 = arith.xori %or3A_404, %add3A_397 : vector<16xi32>
        %add3A_406 = arith.addi %add3A_397, %xor3A_405 : vector<16xi32>
        %shift_left3A_407 = arith.constant 26 : i32
        %shift_left3A_408 = vector.broadcast %shift_left3A_407 : i32 to vector<16xi32>
        %shift_left3A_409 = arith.shli %xor3A_405, %shift_left3A_408 : vector<16xi32>
        %shift_right_logical3A_410 = arith.constant 6 : i32
        %shift_right_logical3A_411 = vector.broadcast %shift_right_logical3A_410 : i32 to vector<16xi32>
        %shift_right_logical3A_412 = arith.shrui %xor3A_405, %shift_right_logical3A_411 : vector<16xi32>
        %or3A_413 = arith.ori %shift_left3A_409, %shift_right_logical3A_412 : vector<16xi32>
        %xor3A_414 = arith.xori %or3A_413, %add3A_406 : vector<16xi32>
        %add3A_415 = arith.addi %add3A_406, %xor3A_414 : vector<16xi32>
        %shift_left3A_416 = arith.constant 6 : i32
        %shift_left3A_417 = vector.broadcast %shift_left3A_416 : i32 to vector<16xi32>
        %shift_left3A_418 = arith.shli %xor3A_414, %shift_left3A_417 : vector<16xi32>
        %shift_right_logical3A_419 = arith.constant 26 : i32
        %shift_right_logical3A_420 = vector.broadcast %shift_right_logical3A_419 : i32 to vector<16xi32>
        %shift_right_logical3A_421 = arith.shrui %xor3A_414, %shift_right_logical3A_420 : vector<16xi32>
        %or3A_422 = arith.ori %shift_left3A_418, %shift_right_logical3A_421 : vector<16xi32>
        %xor3A_423 = arith.xori %or3A_422, %add3A_415 : vector<16xi32>
        %add3A_424 = arith.constant 466689008 : i32
        %add3A_425 = vector.broadcast %add3A_424 : i32 to vector<16xi32>
        %add3A_426 = arith.addi %add3A_415, %add3A_425 : vector<16xi32>
        %add3A_427 = arith.constant 0 : i32
        %add3A_428 = vector.broadcast %add3A_427 : i32 to vector<16xi32>
        %add3A_429 = arith.addi %xor3A_423, %add3A_428 : vector<16xi32>
        %add3A_430 = arith.constant 5 : i32
        %add3A_431 = vector.broadcast %add3A_430 : i32 to vector<16xi32>
        %add3A_432 = arith.addi %add3A_429, %add3A_431 : vector<16xi32>
        %xor3A_433 = arith.xori %add3A_426, %add3A_432 : vector<16xi32>
        %shift_right_logical3A_434 = arith.constant 9 : i32
        %shift_right_logical3A_435 = vector.broadcast %shift_right_logical3A_434 : i32 to vector<16xi32>
        %shift_right_logical3A_436 = arith.shrui %xor3A_433, %shift_right_logical3A_435 : vector<16xi32>
        %or3A_437 = arith.constant 1065353216 : i32
        %or3A_438 = vector.broadcast %or3A_437 : i32 to vector<16xi32>
        %or3A_439 = arith.ori %shift_right_logical3A_436, %or3A_438 : vector<16xi32>
        %bitcast_convert_type3A = tpu.bitcast %or3A_439 : vector<16xi32> -> vector<16xf32>
        %sub3A_440 = arith.constant 1.000000e+00 : f32
        %sub3A_441 = vector.broadcast %sub3A_440 : f32 to vector<16xf32>
        %sub3A_442 = arith.subf %bitcast_convert_type3A, %sub3A_441 : vector<16xf32>
        %max3A_443 = arith.constant 9.99999968E-21 : f32
        %max3A_444 = vector.broadcast %max3A_443 : f32 to vector<16xf32>
        %max3A_445 = arith.maximumf %sub3A_442, %max3A_444 : vector<16xf32>
        %bitcast_convert_type3A_446 = tpu.bitcast %max3A_445 : vector<16xf32> -> vector<16xi32>
        %shift_right_logical3A_447 = arith.constant 23 : i32
        %shift_right_logical3A_448 = vector.broadcast %shift_right_logical3A_447 : i32 to vector<16xi32>
        %shift_right_logical3A_449 = arith.shrui %bitcast_convert_type3A_446, %shift_right_logical3A_448 : vector<16xi32>
        %sub3A_450 = arith.constant 127 : i32
        %sub3A_451 = vector.broadcast %sub3A_450 : i32 to vector<16xi32>
        %sub3A_452 = arith.subi %shift_right_logical3A_449, %sub3A_451 : vector<16xi32>
        %and3A_453 = arith.constant 8388607 : i32
        %and3A_454 = vector.broadcast %and3A_453 : i32 to vector<16xi32>
        %and3A_455 = arith.andi %bitcast_convert_type3A_446, %and3A_454 : vector<16xi32>
        %or3A_456 = arith.constant 1065353216 : i32
        %or3A_457 = vector.broadcast %or3A_456 : i32 to vector<16xi32>
        %or3A_458 = arith.ori %and3A_455, %or3A_457 : vector<16xi32>
        %bitcast_convert_type3A_459 = tpu.bitcast %or3A_458 : vector<16xi32> -> vector<16xf32>
        %gt3A = arith.constant 1.41421354 : f32
        %gt3A_460 = vector.broadcast %gt3A : f32 to vector<16xf32>
        %gt3A_461 = arith.cmpf ogt, %bitcast_convert_type3A_459, %gt3A_460 : vector<16xf32>
        %mul3A_462 = arith.constant 5.000000e-01 : f32
        %mul3A_463 = vector.broadcast %mul3A_462 : f32 to vector<16xf32>
        %mul3A_464 = arith.mulf %bitcast_convert_type3A_459, %mul3A_463 : vector<16xf32>
        %select_n3A_465 = arith.select %gt3A_461, %mul3A_464, %bitcast_convert_type3A_459 : vector<16xi1>, vector<16xf32>
        %jit3A_466 = arith.constant 1 : i32
        %jit3A_467 = arith.constant 0 : i32
        %broadcast_in_dim3A_468 = vector.broadcast %jit3A_466 : i32 to vector<16xi32>
        %broadcast_in_dim3A_469 = vector.broadcast %jit3A_467 : i32 to vector<16xi32>
        %select_n3A_470 = arith.select %gt3A_461, %broadcast_in_dim3A_468, %broadcast_in_dim3A_469 : vector<16xi1>, vector<16xi32>
        %add3A_471 = arith.addi %sub3A_452, %select_n3A_470 : vector<16xi32>
        %convert_element_type3A = arith.sitofp %add3A_471 : vector<16xi32> to vector<16xf32>
        %sub3A_472 = arith.constant 1.000000e+00 : f32
        %sub3A_473 = vector.broadcast %sub3A_472 : f32 to vector<16xf32>
        %sub3A_474 = arith.subf %select_n3A_465, %sub3A_473 : vector<16xf32>
        %add3A_475 = arith.constant 1.000000e+00 : f32
        %add3A_476 = vector.broadcast %add3A_475 : f32 to vector<16xf32>
        %add3A_477 = arith.addf %select_n3A_465, %add3A_476 : vector<16xf32>
        %div3A_478 = arith.divf %sub3A_474, %add3A_477 : vector<16xf32>
        %mul3A_479 = arith.mulf %div3A_478, %div3A_478 : vector<16xf32>
        %mul3A_480 = arith.constant 0.222222224 : f32
        %mul3A_481 = vector.broadcast %mul3A_480 : f32 to vector<16xf32>
        %mul3A_482 = arith.mulf %mul3A_481, %mul3A_479 : vector<16xf32>
        %add3A_483 = arith.constant 0.285714298 : f32
        %add3A_484 = vector.broadcast %add3A_483 : f32 to vector<16xf32>
        %add3A_485 = arith.addf %mul3A_482, %add3A_484 : vector<16xf32>
        %mul3A_486 = arith.mulf %add3A_485, %mul3A_479 : vector<16xf32>
        %add3A_487 = arith.constant 4.000000e-01 : f32
        %add3A_488 = vector.broadcast %add3A_487 : f32 to vector<16xf32>
        %add3A_489 = arith.addf %mul3A_486, %add3A_488 : vector<16xf32>
        %mul3A_490 = arith.mulf %add3A_489, %mul3A_479 : vector<16xf32>
        %add3A_491 = arith.constant 0.666666686 : f32
        %add3A_492 = vector.broadcast %add3A_491 : f32 to vector<16xf32>
        %add3A_493 = arith.addf %mul3A_490, %add3A_492 : vector<16xf32>
        %mul3A_494 = arith.mulf %add3A_493, %mul3A_479 : vector<16xf32>
        %add3A_495 = arith.constant 2.000000e+00 : f32
        %add3A_496 = vector.broadcast %add3A_495 : f32 to vector<16xf32>
        %add3A_497 = arith.addf %mul3A_494, %add3A_496 : vector<16xf32>
        %mul3A_498 = arith.mulf %div3A_478, %add3A_497 : vector<16xf32>
        %mul3A_499 = arith.constant 0.693147182 : f32
        %mul3A_500 = vector.broadcast %mul3A_499 : f32 to vector<16xf32>
        %mul3A_501 = arith.mulf %convert_element_type3A, %mul3A_500 : vector<16xf32>
        %add3A_502 = arith.addf %mul3A_501, %mul3A_498 : vector<16xf32>
        %neg3A = arith.constant 0.000000e+00 : f32
        %neg3A_503 = vector.broadcast %neg3A : f32 to vector<16xf32>
        %neg3A_504 = arith.subf %neg3A_503, %add3A_502 : vector<16xf32>
        %exp3A = math.exp %get3A_202 : vector<16xf32>
        %mul3A_505 = arith.mulf %exp3A, %scan3A_192 : vector<16xf32>
        %mul3A_506 = arith.mulf %scan3A_191, %neg3A_504 : vector<16xf32>
        %gt3A_507 = arith.cmpf ogt, %mul3A_505, %mul3A_506 : vector<16xf32>
        %select_n3A_508 = arith.select %gt3A_507, %exp3A, %scan3A_191 : vector<16xi1>, vector<16xf32>
        %select_n3A_509 = arith.select %gt3A_507, %neg3A_504, %scan3A_192 : vector<16xi1>, vector<16xf32>
        %select_n3A_510 = arith.select %gt3A_507, %add3A_205, %scan3A_193 : vector<16xi1>, vector<16xi32>
        %select_n3A_511 = arith.select %gt3A_507, %get3A_202, %scan3A_194 : vector<16xi1>, vector<16xf32>
        %mul3A_512 = arith.constant 64 : i32
        %mul3A_513 = arith.muli %scan3A_190, %mul3A_512 : i32
        %add3A_514 = arith.constant 16 : i32
        %add3A_515 = arith.addi %mul3A_513, %add3A_514 : i32
        %get3A_516 = arith.index_cast %scan3A_59 : i32 to index
        %get3A_517 = arith.index_cast %add3A_515 : i32 to index
        %get3A_518 = tpu.vector_load %arg5[%get3A_516, %get3A_517] {strides = array<i32>} : memref<64x768xf32, #tpu.memory_space<vmem>>, vector<1x16xf32>,
        %get3A_519 = vector.shape_cast %get3A_518 : vector<1x16xf32> to vector<16xf32>
        %add3A_520 = arith.addi %mul3A_2, %add3A_515 : i32
        %add3A_521 = vector.broadcast %add3A_520 : i32 to vector<16xi32>
        %add3A_522 = arith.addi %add3A_521, %iota3A : vector<16xi32>
        %add3A_523 = arith.addi %add3A_63, %add3A_515 : i32
        %add3A_524 = vector.broadcast %add3A_523 : i32 to vector<16xi32>
        %add3A_525 = arith.addi %add3A_524, %iota3A_9 : vector<16xi32>
        %add3A_526 = arith.constant 42 : i32
        %add3A_527 = vector.broadcast %add3A_526 : i32 to vector<16xi32>
        %add3A_528 = arith.addi %add3A_525, %add3A_527 : vector<16xi32>
        %shift_left3A_529 = arith.constant 13 : i32
        %shift_left3A_530 = vector.broadcast %shift_left3A_529 : i32 to vector<16xi32>
        %shift_left3A_531 = arith.shli %add3A_528, %shift_left3A_530 : vector<16xi32>
        %shift_right_logical3A_532 = arith.constant 19 : i32
        %shift_right_logical3A_533 = vector.broadcast %shift_right_logical3A_532 : i32 to vector<16xi32>
        %shift_right_logical3A_534 = arith.shrui %add3A_528, %shift_right_logical3A_533 : vector<16xi32>
        %or3A_535 = arith.ori %shift_left3A_531, %shift_right_logical3A_534 : vector<16xi32>
        %xor3A_536 = arith.xori %or3A_535, %add3A_528 : vector<16xi32>
        %add3A_537 = arith.addi %add3A_528, %xor3A_536 : vector<16xi32>
        %shift_left3A_538 = arith.constant 15 : i32
        %shift_left3A_539 = vector.broadcast %shift_left3A_538 : i32 to vector<16xi32>
        %shift_left3A_540 = arith.shli %xor3A_536, %shift_left3A_539 : vector<16xi32>
        %shift_right_logical3A_541 = arith.constant 17 : i32
        %shift_right_logical3A_542 = vector.broadcast %shift_right_logical3A_541 : i32 to vector<16xi32>
        %shift_right_logical3A_543 = arith.shrui %xor3A_536, %shift_right_logical3A_542 : vector<16xi32>
        %or3A_544 = arith.ori %shift_left3A_540, %shift_right_logical3A_543 : vector<16xi32>
        %xor3A_545 = arith.xori %or3A_544, %add3A_537 : vector<16xi32>
        %add3A_546 = arith.addi %add3A_537, %xor3A_545 : vector<16xi32>
        %shift_left3A_547 = arith.constant 26 : i32
        %shift_left3A_548 = vector.broadcast %shift_left3A_547 : i32 to vector<16xi32>
        %shift_left3A_549 = arith.shli %xor3A_545, %shift_left3A_548 : vector<16xi32>
        %shift_right_logical3A_550 = arith.constant 6 : i32
        %shift_right_logical3A_551 = vector.broadcast %shift_right_logical3A_550 : i32 to vector<16xi32>
        %shift_right_logical3A_552 = arith.shrui %xor3A_545, %shift_right_logical3A_551 : vector<16xi32>
        %or3A_553 = arith.ori %shift_left3A_549, %shift_right_logical3A_552 : vector<16xi32>
        %xor3A_554 = arith.xori %or3A_553, %add3A_546 : vector<16xi32>
        %add3A_555 = arith.addi %add3A_546, %xor3A_554 : vector<16xi32>
        %shift_left3A_556 = arith.constant 6 : i32
        %shift_left3A_557 = vector.broadcast %shift_left3A_556 : i32 to vector<16xi32>
        %shift_left3A_558 = arith.shli %xor3A_554, %shift_left3A_557 : vector<16xi32>
        %shift_right_logical3A_559 = arith.constant 26 : i32
        %shift_right_logical3A_560 = vector.broadcast %shift_right_logical3A_559 : i32 to vector<16xi32>
        %shift_right_logical3A_561 = arith.shrui %xor3A_554, %shift_right_logical3A_560 : vector<16xi32>
        %or3A_562 = arith.ori %shift_left3A_558, %shift_right_logical3A_561 : vector<16xi32>
        %xor3A_563 = arith.xori %or3A_562, %add3A_555 : vector<16xi32>
        %add3A_564 = arith.constant 42 : i32
        %add3A_565 = vector.broadcast %add3A_564 : i32 to vector<16xi32>
        %add3A_566 = arith.addi %add3A_555, %add3A_565 : vector<16xi32>
        %add3A_567 = arith.constant 466689008 : i32
        %add3A_568 = vector.broadcast %add3A_567 : i32 to vector<16xi32>
        %add3A_569 = arith.addi %xor3A_563, %add3A_568 : vector<16xi32>
        %add3A_570 = arith.constant 1 : i32
        %add3A_571 = vector.broadcast %add3A_570 : i32 to vector<16xi32>
        %add3A_572 = arith.addi %add3A_569, %add3A_571 : vector<16xi32>
        %add3A_573 = arith.addi %add3A_566, %add3A_572 : vector<16xi32>
        %shift_left3A_574 = arith.constant 17 : i32
        %shift_left3A_575 = vector.broadcast %shift_left3A_574 : i32 to vector<16xi32>
        %shift_left3A_576 = arith.shli %add3A_572, %shift_left3A_575 : vector<16xi32>
        %shift_right_logical3A_577 = arith.constant 15 : i32
        %shift_right_logical3A_578 = vector.broadcast %shift_right_logical3A_577 : i32 to vector<16xi32>
        %shift_right_logical3A_579 = arith.shrui %add3A_572, %shift_right_logical3A_578 : vector<16xi32>
        %or3A_580 = arith.ori %shift_left3A_576, %shift_right_logical3A_579 : vector<16xi32>
        %xor3A_581 = arith.xori %or3A_580, %add3A_573 : vector<16xi32>
        %add3A_582 = arith.addi %add3A_573, %xor3A_581 : vector<16xi32>
        %shift_left3A_583 = arith.constant 29 : i32
        %shift_left3A_584 = vector.broadcast %shift_left3A_583 : i32 to vector<16xi32>
        %shift_left3A_585 = arith.shli %xor3A_581, %shift_left3A_584 : vector<16xi32>
        %shift_right_logical3A_586 = arith.constant 3 : i32
        %shift_right_logical3A_587 = vector.broadcast %shift_right_logical3A_586 : i32 to vector<16xi32>
        %shift_right_logical3A_588 = arith.shrui %xor3A_581, %shift_right_logical3A_587 : vector<16xi32>
        %or3A_589 = arith.ori %shift_left3A_585, %shift_right_logical3A_588 : vector<16xi32>
        %xor3A_590 = arith.xori %or3A_589, %add3A_582 : vector<16xi32>
        %add3A_591 = arith.addi %add3A_582, %xor3A_590 : vector<16xi32>
        %shift_left3A_592 = arith.constant 16 : i32
        %shift_left3A_593 = vector.broadcast %shift_left3A_592 : i32 to vector<16xi32>
        %shift_left3A_594 = arith.shli %xor3A_590, %shift_left3A_593 : vector<16xi32>
        %shift_right_logical3A_595 = arith.constant 16 : i32
        %shift_right_logical3A_596 = vector.broadcast %shift_right_logical3A_595 : i32 to vector<16xi32>
        %shift_right_logical3A_597 = arith.shrui %xor3A_590, %shift_right_logical3A_596 : vector<16xi32>
        %or3A_598 = arith.ori %shift_left3A_594, %shift_right_logical3A_597 : vector<16xi32>
        %xor3A_599 = arith.xori %or3A_598, %add3A_591 : vector<16xi32>
        %add3A_600 = arith.addi %add3A_591, %xor3A_599 : vector<16xi32>
        %shift_left3A_601 = arith.constant 24 : i32
        %shift_left3A_602 = vector.broadcast %shift_left3A_601 : i32 to vector<16xi32>
        %shift_left3A_603 = arith.shli %xor3A_599, %shift_left3A_602 : vector<16xi32>
        %shift_right_logical3A_604 = arith.constant 8 : i32
        %shift_right_logical3A_605 = vector.broadcast %shift_right_logical3A_604 : i32 to vector<16xi32>
        %shift_right_logical3A_606 = arith.shrui %xor3A_599, %shift_right_logical3A_605 : vector<16xi32>
        %or3A_607 = arith.ori %shift_left3A_603, %shift_right_logical3A_606 : vector<16xi32>
        %xor3A_608 = arith.xori %or3A_607, %add3A_600 : vector<16xi32>
        %add3A_609 = arith.constant 466689008 : i32
        %add3A_610 = vector.broadcast %add3A_609 : i32 to vector<16xi32>
        %add3A_611 = arith.addi %add3A_600, %add3A_610 : vector<16xi32>
        %add3A_612 = arith.constant 0 : i32
        %add3A_613 = vector.broadcast %add3A_612 : i32 to vector<16xi32>
        %add3A_614 = arith.addi %xor3A_608, %add3A_613 : vector<16xi32>
        %add3A_615 = arith.constant 2 : i32
        %add3A_616 = vector.broadcast %add3A_615 : i32 to vector<16xi32>
        %add3A_617 = arith.addi %add3A_614, %add3A_616 : vector<16xi32>
        %add3A_618 = arith.addi %add3A_611, %add3A_617 : vector<16xi32>
        %shift_left3A_619 = arith.constant 13 : i32
        %shift_left3A_620 = vector.broadcast %shift_left3A_619 : i32 to vector<16xi32>
        %shift_left3A_621 = arith.shli %add3A_617, %shift_left3A_620 : vector<16xi32>
        %shift_right_logical3A_622 = arith.constant 19 : i32
        %shift_right_logical3A_623 = vector.broadcast %shift_right_logical3A_622 : i32 to vector<16xi32>
        %shift_right_logical3A_624 = arith.shrui %add3A_617, %shift_right_logical3A_623 : vector<16xi32>
        %or3A_625 = arith.ori %shift_left3A_621, %shift_right_logical3A_624 : vector<16xi32>
        %xor3A_626 = arith.xori %or3A_625, %add3A_618 : vector<16xi32>
        %add3A_627 = arith.addi %add3A_618, %xor3A_626 : vector<16xi32>
        %shift_left3A_628 = arith.constant 15 : i32
        %shift_left3A_629 = vector.broadcast %shift_left3A_628 : i32 to vector<16xi32>
        %shift_left3A_630 = arith.shli %xor3A_626, %shift_left3A_629 : vector<16xi32>
        %shift_right_logical3A_631 = arith.constant 17 : i32
        %shift_right_logical3A_632 = vector.broadcast %shift_right_logical3A_631 : i32 to vector<16xi32>
        %shift_right_logical3A_633 = arith.shrui %xor3A_626, %shift_right_logical3A_632 : vector<16xi32>
        %or3A_634 = arith.ori %shift_left3A_630, %shift_right_logical3A_633 : vector<16xi32>
        %xor3A_635 = arith.xori %or3A_634, %add3A_627 : vector<16xi32>
        %add3A_636 = arith.addi %add3A_627, %xor3A_635 : vector<16xi32>
        %shift_left3A_637 = arith.constant 26 : i32
        %shift_left3A_638 = vector.broadcast %shift_left3A_637 : i32 to vector<16xi32>
        %shift_left3A_639 = arith.shli %xor3A_635, %shift_left3A_638 : vector<16xi32>
        %shift_right_logical3A_640 = arith.constant 6 : i32
        %shift_right_logical3A_641 = vector.broadcast %shift_right_logical3A_640 : i32 to vector<16xi32>
        %shift_right_logical3A_642 = arith.shrui %xor3A_635, %shift_right_logical3A_641 : vector<16xi32>
        %or3A_643 = arith.ori %shift_left3A_639, %shift_right_logical3A_642 : vector<16xi32>
        %xor3A_644 = arith.xori %or3A_643, %add3A_636 : vector<16xi32>
        %add3A_645 = arith.addi %add3A_636, %xor3A_644 : vector<16xi32>
        %shift_left3A_646 = arith.constant 6 : i32
        %shift_left3A_647 = vector.broadcast %shift_left3A_646 : i32 to vector<16xi32>
        %shift_left3A_648 = arith.shli %xor3A_644, %shift_left3A_647 : vector<16xi32>
        %shift_right_logical3A_649 = arith.constant 26 : i32
        %shift_right_logical3A_650 = vector.broadcast %shift_right_logical3A_649 : i32 to vector<16xi32>
        %shift_right_logical3A_651 = arith.shrui %xor3A_644, %shift_right_logical3A_650 : vector<16xi32>
        %or3A_652 = arith.ori %shift_left3A_648, %shift_right_logical3A_651 : vector<16xi32>
        %xor3A_653 = arith.xori %or3A_652, %add3A_645 : vector<16xi32>
        %add3A_654 = arith.constant 0 : i32
        %add3A_655 = vector.broadcast %add3A_654 : i32 to vector<16xi32>
        %add3A_656 = arith.addi %add3A_645, %add3A_655 : vector<16xi32>
        %add3A_657 = arith.constant 42 : i32
        %add3A_658 = vector.broadcast %add3A_657 : i32 to vector<16xi32>
        %add3A_659 = arith.addi %xor3A_653, %add3A_658 : vector<16xi32>
        %add3A_660 = arith.constant 3 : i32
        %add3A_661 = vector.broadcast %add3A_660 : i32 to vector<16xi32>
        %add3A_662 = arith.addi %add3A_659, %add3A_661 : vector<16xi32>
        %add3A_663 = arith.addi %add3A_656, %add3A_662 : vector<16xi32>
        %shift_left3A_664 = arith.constant 17 : i32
        %shift_left3A_665 = vector.broadcast %shift_left3A_664 : i32 to vector<16xi32>
        %shift_left3A_666 = arith.shli %add3A_662, %shift_left3A_665 : vector<16xi32>
        %shift_right_logical3A_667 = arith.constant 15 : i32
        %shift_right_logical3A_668 = vector.broadcast %shift_right_logical3A_667 : i32 to vector<16xi32>
        %shift_right_logical3A_669 = arith.shrui %add3A_662, %shift_right_logical3A_668 : vector<16xi32>
        %or3A_670 = arith.ori %shift_left3A_666, %shift_right_logical3A_669 : vector<16xi32>
        %xor3A_671 = arith.xori %or3A_670, %add3A_663 : vector<16xi32>
        %add3A_672 = arith.addi %add3A_663, %xor3A_671 : vector<16xi32>
        %shift_left3A_673 = arith.constant 29 : i32
        %shift_left3A_674 = vector.broadcast %shift_left3A_673 : i32 to vector<16xi32>
        %shift_left3A_675 = arith.shli %xor3A_671, %shift_left3A_674 : vector<16xi32>
        %shift_right_logical3A_676 = arith.constant 3 : i32
        %shift_right_logical3A_677 = vector.broadcast %shift_right_logical3A_676 : i32 to vector<16xi32>
        %shift_right_logical3A_678 = arith.shrui %xor3A_671, %shift_right_logical3A_677 : vector<16xi32>
        %or3A_679 = arith.ori %shift_left3A_675, %shift_right_logical3A_678 : vector<16xi32>
        %xor3A_680 = arith.xori %or3A_679, %add3A_672 : vector<16xi32>
        %add3A_681 = arith.addi %add3A_672, %xor3A_680 : vector<16xi32>
        %shift_left3A_682 = arith.constant 16 : i32
        %shift_left3A_683 = vector.broadcast %shift_left3A_682 : i32 to vector<16xi32>
        %shift_left3A_684 = arith.shli %xor3A_680, %shift_left3A_683 : vector<16xi32>
        %shift_right_logical3A_685 = arith.constant 16 : i32
        %shift_right_logical3A_686 = vector.broadcast %shift_right_logical3A_685 : i32 to vector<16xi32>
        %shift_right_logical3A_687 = arith.shrui %xor3A_680, %shift_right_logical3A_686 : vector<16xi32>
        %or3A_688 = arith.ori %shift_left3A_684, %shift_right_logical3A_687 : vector<16xi32>
        %xor3A_689 = arith.xori %or3A_688, %add3A_681 : vector<16xi32>
        %add3A_690 = arith.addi %add3A_681, %xor3A_689 : vector<16xi32>
        %shift_left3A_691 = arith.constant 24 : i32
        %shift_left3A_692 = vector.broadcast %shift_left3A_691 : i32 to vector<16xi32>
        %shift_left3A_693 = arith.shli %xor3A_689, %shift_left3A_692 : vector<16xi32>
        %shift_right_logical3A_694 = arith.constant 8 : i32
        %shift_right_logical3A_695 = vector.broadcast %shift_right_logical3A_694 : i32 to vector<16xi32>
        %shift_right_logical3A_696 = arith.shrui %xor3A_689, %shift_right_logical3A_695 : vector<16xi32>
        %or3A_697 = arith.ori %shift_left3A_693, %shift_right_logical3A_696 : vector<16xi32>
        %xor3A_698 = arith.xori %or3A_697, %add3A_690 : vector<16xi32>
        %add3A_699 = arith.constant 42 : i32
        %add3A_700 = vector.broadcast %add3A_699 : i32 to vector<16xi32>
        %add3A_701 = arith.addi %add3A_690, %add3A_700 : vector<16xi32>
        %add3A_702 = arith.constant 466689008 : i32
        %add3A_703 = vector.broadcast %add3A_702 : i32 to vector<16xi32>
        %add3A_704 = arith.addi %xor3A_698, %add3A_703 : vector<16xi32>
        %add3A_705 = arith.constant 4 : i32
        %add3A_706 = vector.broadcast %add3A_705 : i32 to vector<16xi32>
        %add3A_707 = arith.addi %add3A_704, %add3A_706 : vector<16xi32>
        %add3A_708 = arith.addi %add3A_701, %add3A_707 : vector<16xi32>
        %shift_left3A_709 = arith.constant 13 : i32
        %shift_left3A_710 = vector.broadcast %shift_left3A_709 : i32 to vector<16xi32>
        %shift_left3A_711 = arith.shli %add3A_707, %shift_left3A_710 : vector<16xi32>
        %shift_right_logical3A_712 = arith.constant 19 : i32
        %shift_right_logical3A_713 = vector.broadcast %shift_right_logical3A_712 : i32 to vector<16xi32>
        %shift_right_logical3A_714 = arith.shrui %add3A_707, %shift_right_logical3A_713 : vector<16xi32>
        %or3A_715 = arith.ori %shift_left3A_711, %shift_right_logical3A_714 : vector<16xi32>
        %xor3A_716 = arith.xori %or3A_715, %add3A_708 : vector<16xi32>
        %add3A_717 = arith.addi %add3A_708, %xor3A_716 : vector<16xi32>
        %shift_left3A_718 = arith.constant 15 : i32
        %shift_left3A_719 = vector.broadcast %shift_left3A_718 : i32 to vector<16xi32>
        %shift_left3A_720 = arith.shli %xor3A_716, %shift_left3A_719 : vector<16xi32>
        %shift_right_logical3A_721 = arith.constant 17 : i32
        %shift_right_logical3A_722 = vector.broadcast %shift_right_logical3A_721 : i32 to vector<16xi32>
        %shift_right_logical3A_723 = arith.shrui %xor3A_716, %shift_right_logical3A_722 : vector<16xi32>
        %or3A_724 = arith.ori %shift_left3A_720, %shift_right_logical3A_723 : vector<16xi32>
        %xor3A_725 = arith.xori %or3A_724, %add3A_717 : vector<16xi32>
        %add3A_726 = arith.addi %add3A_717, %xor3A_725 : vector<16xi32>
        %shift_left3A_727 = arith.constant 26 : i32
        %shift_left3A_728 = vector.broadcast %shift_left3A_727 : i32 to vector<16xi32>
        %shift_left3A_729 = arith.shli %xor3A_725, %shift_left3A_728 : vector<16xi32>
        %shift_right_logical3A_730 = arith.constant 6 : i32
        %shift_right_logical3A_731 = vector.broadcast %shift_right_logical3A_730 : i32 to vector<16xi32>
        %shift_right_logical3A_732 = arith.shrui %xor3A_725, %shift_right_logical3A_731 : vector<16xi32>
        %or3A_733 = arith.ori %shift_left3A_729, %shift_right_logical3A_732 : vector<16xi32>
        %xor3A_734 = arith.xori %or3A_733, %add3A_726 : vector<16xi32>
        %add3A_735 = arith.addi %add3A_726, %xor3A_734 : vector<16xi32>
        %shift_left3A_736 = arith.constant 6 : i32
        %shift_left3A_737 = vector.broadcast %shift_left3A_736 : i32 to vector<16xi32>
        %shift_left3A_738 = arith.shli %xor3A_734, %shift_left3A_737 : vector<16xi32>
        %shift_right_logical3A_739 = arith.constant 26 : i32
        %shift_right_logical3A_740 = vector.broadcast %shift_right_logical3A_739 : i32 to vector<16xi32>
        %shift_right_logical3A_741 = arith.shrui %xor3A_734, %shift_right_logical3A_740 : vector<16xi32>
        %or3A_742 = arith.ori %shift_left3A_738, %shift_right_logical3A_741 : vector<16xi32>
        %xor3A_743 = arith.xori %or3A_742, %add3A_735 : vector<16xi32>
        %add3A_744 = arith.constant 466689008 : i32
        %add3A_745 = vector.broadcast %add3A_744 : i32 to vector<16xi32>
        %add3A_746 = arith.addi %add3A_735, %add3A_745 : vector<16xi32>
        %add3A_747 = arith.constant 0 : i32
        %add3A_748 = vector.broadcast %add3A_747 : i32 to vector<16xi32>
        %add3A_749 = arith.addi %xor3A_743, %add3A_748 : vector<16xi32>
        %add3A_750 = arith.constant 5 : i32
        %add3A_751 = vector.broadcast %add3A_750 : i32 to vector<16xi32>
        %add3A_752 = arith.addi %add3A_749, %add3A_751 : vector<16xi32>
        %xor3A_753 = arith.xori %add3A_746, %add3A_752 : vector<16xi32>
        %shift_right_logical3A_754 = arith.constant 9 : i32
        %shift_right_logical3A_755 = vector.broadcast %shift_right_logical3A_754 : i32 to vector<16xi32>
        %shift_right_logical3A_756 = arith.shrui %xor3A_753, %shift_right_logical3A_755 : vector<16xi32>
        %or3A_757 = arith.constant 1065353216 : i32
        %or3A_758 = vector.broadcast %or3A_757 : i32 to vector<16xi32>
        %or3A_759 = arith.ori %shift_right_logical3A_756, %or3A_758 : vector<16xi32>
        %bitcast_convert_type3A_760 = tpu.bitcast %or3A_759 : vector<16xi32> -> vector<16xf32>
        %sub3A_761 = arith.constant 1.000000e+00 : f32
        %sub3A_762 = vector.broadcast %sub3A_761 : f32 to vector<16xf32>
        %sub3A_763 = arith.subf %bitcast_convert_type3A_760, %sub3A_762 : vector<16xf32>
        %max3A_764 = arith.constant 9.99999968E-21 : f32
        %max3A_765 = vector.broadcast %max3A_764 : f32 to vector<16xf32>
        %max3A_766 = arith.maximumf %sub3A_763, %max3A_765 : vector<16xf32>
        %bitcast_convert_type3A_767 = tpu.bitcast %max3A_766 : vector<16xf32> -> vector<16xi32>
        %shift_right_logical3A_768 = arith.constant 23 : i32
        %shift_right_logical3A_769 = vector.broadcast %shift_right_logical3A_768 : i32 to vector<16xi32>
        %shift_right_logical3A_770 = arith.shrui %bitcast_convert_type3A_767, %shift_right_logical3A_769 : vector<16xi32>
        %sub3A_771 = arith.constant 127 : i32
        %sub3A_772 = vector.broadcast %sub3A_771 : i32 to vector<16xi32>
        %sub3A_773 = arith.subi %shift_right_logical3A_770, %sub3A_772 : vector<16xi32>
        %and3A_774 = arith.constant 8388607 : i32
        %and3A_775 = vector.broadcast %and3A_774 : i32 to vector<16xi32>
        %and3A_776 = arith.andi %bitcast_convert_type3A_767, %and3A_775 : vector<16xi32>
        %or3A_777 = arith.constant 1065353216 : i32
        %or3A_778 = vector.broadcast %or3A_777 : i32 to vector<16xi32>
        %or3A_779 = arith.ori %and3A_776, %or3A_778 : vector<16xi32>
        %bitcast_convert_type3A_780 = tpu.bitcast %or3A_779 : vector<16xi32> -> vector<16xf32>
        %gt3A_781 = arith.constant 1.41421354 : f32
        %gt3A_782 = vector.broadcast %gt3A_781 : f32 to vector<16xf32>
        %gt3A_783 = arith.cmpf ogt, %bitcast_convert_type3A_780, %gt3A_782 : vector<16xf32>
        %mul3A_784 = arith.constant 5.000000e-01 : f32
        %mul3A_785 = vector.broadcast %mul3A_784 : f32 to vector<16xf32>
        %mul3A_786 = arith.mulf %bitcast_convert_type3A_780, %mul3A_785 : vector<16xf32>
        %select_n3A_787 = arith.select %gt3A_783, %mul3A_786, %bitcast_convert_type3A_780 : vector<16xi1>, vector<16xf32>
        %jit3A_788 = arith.constant 1 : i32
        %jit3A_789 = arith.constant 0 : i32
        %broadcast_in_dim3A_790 = vector.broadcast %jit3A_788 : i32 to vector<16xi32>
        %broadcast_in_dim3A_791 = vector.broadcast %jit3A_789 : i32 to vector<16xi32>
        %select_n3A_792 = arith.select %gt3A_783, %broadcast_in_dim3A_790, %broadcast_in_dim3A_791 : vector<16xi1>, vector<16xi32>
        %add3A_793 = arith.addi %sub3A_773, %select_n3A_792 : vector<16xi32>
        %convert_element_type3A_794 = arith.sitofp %add3A_793 : vector<16xi32> to vector<16xf32>
        %sub3A_795 = arith.constant 1.000000e+00 : f32
        %sub3A_796 = vector.broadcast %sub3A_795 : f32 to vector<16xf32>
        %sub3A_797 = arith.subf %select_n3A_787, %sub3A_796 : vector<16xf32>
        %add3A_798 = arith.constant 1.000000e+00 : f32
        %add3A_799 = vector.broadcast %add3A_798 : f32 to vector<16xf32>
        %add3A_800 = arith.addf %select_n3A_787, %add3A_799 : vector<16xf32>
        %div3A_801 = arith.divf %sub3A_797, %add3A_800 : vector<16xf32>
        %mul3A_802 = arith.mulf %div3A_801, %div3A_801 : vector<16xf32>
        %mul3A_803 = arith.constant 0.222222224 : f32
        %mul3A_804 = vector.broadcast %mul3A_803 : f32 to vector<16xf32>
        %mul3A_805 = arith.mulf %mul3A_804, %mul3A_802 : vector<16xf32>
        %add3A_806 = arith.constant 0.285714298 : f32
        %add3A_807 = vector.broadcast %add3A_806 : f32 to vector<16xf32>
        %add3A_808 = arith.addf %mul3A_805, %add3A_807 : vector<16xf32>
        %mul3A_809 = arith.mulf %add3A_808, %mul3A_802 : vector<16xf32>
        %add3A_810 = arith.constant 4.000000e-01 : f32
        %add3A_811 = vector.broadcast %add3A_810 : f32 to vector<16xf32>
        %add3A_812 = arith.addf %mul3A_809, %add3A_811 : vector<16xf32>
        %mul3A_813 = arith.mulf %add3A_812, %mul3A_802 : vector<16xf32>
        %add3A_814 = arith.constant 0.666666686 : f32
        %add3A_815 = vector.broadcast %add3A_814 : f32 to vector<16xf32>
        %add3A_816 = arith.addf %mul3A_813, %add3A_815 : vector<16xf32>
        %mul3A_817 = arith.mulf %add3A_816, %mul3A_802 : vector<16xf32>
        %add3A_818 = arith.constant 2.000000e+00 : f32
        %add3A_819 = vector.broadcast %add3A_818 : f32 to vector<16xf32>
        %add3A_820 = arith.addf %mul3A_817, %add3A_819 : vector<16xf32>
        %mul3A_821 = arith.mulf %div3A_801, %add3A_820 : vector<16xf32>
        %mul3A_822 = arith.constant 0.693147182 : f32
        %mul3A_823 = vector.broadcast %mul3A_822 : f32 to vector<16xf32>
        %mul3A_824 = arith.mulf %convert_element_type3A_794, %mul3A_823 : vector<16xf32>
        %add3A_825 = arith.addf %mul3A_824, %mul3A_821 : vector<16xf32>
        %neg3A_826 = arith.constant 0.000000e+00 : f32
        %neg3A_827 = vector.broadcast %neg3A_826 : f32 to vector<16xf32>
        %neg3A_828 = arith.subf %neg3A_827, %add3A_825 : vector<16xf32>
        %exp3A_829 = math.exp %get3A_519 : vector<16xf32>
        %mul3A_830 = arith.mulf %exp3A_829, %select_n3A_509 : vector<16xf32>
        %mul3A_831 = arith.mulf %select_n3A_508, %neg3A_828 : vector<16xf32>
        %gt3A_832 = arith.cmpf ogt, %mul3A_830, %mul3A_831 : vector<16xf32>
        %select_n3A_833 = arith.select %gt3A_832, %exp3A_829, %select_n3A_508 : vector<16xi1>, vector<16xf32>
        %select_n3A_834 = arith.select %gt3A_832, %neg3A_828, %select_n3A_509 : vector<16xi1>, vector<16xf32>
        %select_n3A_835 = arith.select %gt3A_832, %add3A_522, %select_n3A_510 : vector<16xi1>, vector<16xi32>
        %select_n3A_836 = arith.select %gt3A_832, %get3A_519, %select_n3A_511 : vector<16xi1>, vector<16xf32>
        %mul3A_837 = arith.constant 64 : i32
        %mul3A_838 = arith.muli %scan3A_190, %mul3A_837 : i32
        %add3A_839 = arith.constant 32 : i32
        %add3A_840 = arith.addi %mul3A_838, %add3A_839 : i32
        %get3A_841 = arith.index_cast %scan3A_59 : i32 to index
        %get3A_842 = arith.index_cast %add3A_840 : i32 to index
        %get3A_843 = tpu.vector_load %arg5[%get3A_841, %get3A_842] {strides = array<i32>} : memref<64x768xf32, #tpu.memory_space<vmem>>, vector<1x16xf32>,
        %get3A_844 = vector.shape_cast %get3A_843 : vector<1x16xf32> to vector<16xf32>
        %add3A_845 = arith.addi %mul3A_2, %add3A_840 : i32
        %add3A_846 = vector.broadcast %add3A_845 : i32 to vector<16xi32>
        %add3A_847 = arith.addi %add3A_846, %iota3A : vector<16xi32>
        %add3A_848 = arith.addi %add3A_63, %add3A_840 : i32
        %add3A_849 = vector.broadcast %add3A_848 : i32 to vector<16xi32>
        %add3A_850 = arith.addi %add3A_849, %iota3A_9 : vector<16xi32>
        %add3A_851 = arith.constant 42 : i32
        %add3A_852 = vector.broadcast %add3A_851 : i32 to vector<16xi32>
        %add3A_853 = arith.addi %add3A_850, %add3A_852 : vector<16xi32>
        %shift_left3A_854 = arith.constant 13 : i32
        %shift_left3A_855 = vector.broadcast %shift_left3A_854 : i32 to vector<16xi32>
        %shift_left3A_856 = arith.shli %add3A_853, %shift_left3A_855 : vector<16xi32>
        %shift_right_logical3A_857 = arith.constant 19 : i32
        %shift_right_logical3A_858 = vector.broadcast %shift_right_logical3A_857 : i32 to vector<16xi32>
        %shift_right_logical3A_859 = arith.shrui %add3A_853, %shift_right_logical3A_858 : vector<16xi32>
        %or3A_860 = arith.ori %shift_left3A_856, %shift_right_logical3A_859 : vector<16xi32>
        %xor3A_861 = arith.xori %or3A_860, %add3A_853 : vector<16xi32>
        %add3A_862 = arith.addi %add3A_853, %xor3A_861 : vector<16xi32>
        %shift_left3A_863 = arith.constant 15 : i32
        %shift_left3A_864 = vector.broadcast %shift_left3A_863 : i32 to vector<16xi32>
        %shift_left3A_865 = arith.shli %xor3A_861, %shift_left3A_864 : vector<16xi32>
        %shift_right_logical3A_866 = arith.constant 17 : i32
        %shift_right_logical3A_867 = vector.broadcast %shift_right_logical3A_866 : i32 to vector<16xi32>
        %shift_right_logical3A_868 = arith.shrui %xor3A_861, %shift_right_logical3A_867 : vector<16xi32>
        %or3A_869 = arith.ori %shift_left3A_865, %shift_right_logical3A_868 : vector<16xi32>
        %xor3A_870 = arith.xori %or3A_869, %add3A_862 : vector<16xi32>
        %add3A_871 = arith.addi %add3A_862, %xor3A_870 : vector<16xi32>
        %shift_left3A_872 = arith.constant 26 : i32
        %shift_left3A_873 = vector.broadcast %shift_left3A_872 : i32 to vector<16xi32>
        %shift_left3A_874 = arith.shli %xor3A_870, %shift_left3A_873 : vector<16xi32>
        %shift_right_logical3A_875 = arith.constant 6 : i32
        %shift_right_logical3A_876 = vector.broadcast %shift_right_logical3A_875 : i32 to vector<16xi32>
        %shift_right_logical3A_877 = arith.shrui %xor3A_870, %shift_right_logical3A_876 : vector<16xi32>
        %or3A_878 = arith.ori %shift_left3A_874, %shift_right_logical3A_877 : vector<16xi32>
        %xor3A_879 = arith.xori %or3A_878, %add3A_871 : vector<16xi32>
        %add3A_880 = arith.addi %add3A_871, %xor3A_879 : vector<16xi32>
        %shift_left3A_881 = arith.constant 6 : i32
        %shift_left3A_882 = vector.broadcast %shift_left3A_881 : i32 to vector<16xi32>
        %shift_left3A_883 = arith.shli %xor3A_879, %shift_left3A_882 : vector<16xi32>
        %shift_right_logical3A_884 = arith.constant 26 : i32
        %shift_right_logical3A_885 = vector.broadcast %shift_right_logical3A_884 : i32 to vector<16xi32>
        %shift_right_logical3A_886 = arith.shrui %xor3A_879, %shift_right_logical3A_885 : vector<16xi32>
        %or3A_887 = arith.ori %shift_left3A_883, %shift_right_logical3A_886 : vector<16xi32>
        %xor3A_888 = arith.xori %or3A_887, %add3A_880 : vector<16xi32>
        %add3A_889 = arith.constant 42 : i32
        %add3A_890 = vector.broadcast %add3A_889 : i32 to vector<16xi32>
        %add3A_891 = arith.addi %add3A_880, %add3A_890 : vector<16xi32>
        %add3A_892 = arith.constant 466689008 : i32
        %add3A_893 = vector.broadcast %add3A_892 : i32 to vector<16xi32>
        %add3A_894 = arith.addi %xor3A_888, %add3A_893 : vector<16xi32>
        %add3A_895 = arith.constant 1 : i32
        %add3A_896 = vector.broadcast %add3A_895 : i32 to vector<16xi32>
        %add3A_897 = arith.addi %add3A_894, %add3A_896 : vector<16xi32>
        %add3A_898 = arith.addi %add3A_891, %add3A_897 : vector<16xi32>
        %shift_left3A_899 = arith.constant 17 : i32
        %shift_left3A_900 = vector.broadcast %shift_left3A_899 : i32 to vector<16xi32>
        %shift_left3A_901 = arith.shli %add3A_897, %shift_left3A_900 : vector<16xi32>
        %shift_right_logical3A_902 = arith.constant 15 : i32
        %shift_right_logical3A_903 = vector.broadcast %shift_right_logical3A_902 : i32 to vector<16xi32>
        %shift_right_logical3A_904 = arith.shrui %add3A_897, %shift_right_logical3A_903 : vector<16xi32>
        %or3A_905 = arith.ori %shift_left3A_901, %shift_right_logical3A_904 : vector<16xi32>
        %xor3A_906 = arith.xori %or3A_905, %add3A_898 : vector<16xi32>
        %add3A_907 = arith.addi %add3A_898, %xor3A_906 : vector<16xi32>
        %shift_left3A_908 = arith.constant 29 : i32
        %shift_left3A_909 = vector.broadcast %shift_left3A_908 : i32 to vector<16xi32>
        %shift_left3A_910 = arith.shli %xor3A_906, %shift_left3A_909 : vector<16xi32>
        %shift_right_logical3A_911 = arith.constant 3 : i32
        %shift_right_logical3A_912 = vector.broadcast %shift_right_logical3A_911 : i32 to vector<16xi32>
        %shift_right_logical3A_913 = arith.shrui %xor3A_906, %shift_right_logical3A_912 : vector<16xi32>
        %or3A_914 = arith.ori %shift_left3A_910, %shift_right_logical3A_913 : vector<16xi32>
        %xor3A_915 = arith.xori %or3A_914, %add3A_907 : vector<16xi32>
        %add3A_916 = arith.addi %add3A_907, %xor3A_915 : vector<16xi32>
        %shift_left3A_917 = arith.constant 16 : i32
        %shift_left3A_918 = vector.broadcast %shift_left3A_917 : i32 to vector<16xi32>
        %shift_left3A_919 = arith.shli %xor3A_915, %shift_left3A_918 : vector<16xi32>
        %shift_right_logical3A_920 = arith.constant 16 : i32
        %shift_right_logical3A_921 = vector.broadcast %shift_right_logical3A_920 : i32 to vector<16xi32>
        %shift_right_logical3A_922 = arith.shrui %xor3A_915, %shift_right_logical3A_921 : vector<16xi32>
        %or3A_923 = arith.ori %shift_left3A_919, %shift_right_logical3A_922 : vector<16xi32>
        %xor3A_924 = arith.xori %or3A_923, %add3A_916 : vector<16xi32>
        %add3A_925 = arith.addi %add3A_916, %xor3A_924 : vector<16xi32>
        %shift_left3A_926 = arith.constant 24 : i32
        %shift_left3A_927 = vector.broadcast %shift_left3A_926 : i32 to vector<16xi32>
        %shift_left3A_928 = arith.shli %xor3A_924, %shift_left3A_927 : vector<16xi32>
        %shift_right_logical3A_929 = arith.constant 8 : i32
        %shift_right_logical3A_930 = vector.broadcast %shift_right_logical3A_929 : i32 to vector<16xi32>
        %shift_right_logical3A_931 = arith.shrui %xor3A_924, %shift_right_logical3A_930 : vector<16xi32>
        %or3A_932 = arith.ori %shift_left3A_928, %shift_right_logical3A_931 : vector<16xi32>
        %xor3A_933 = arith.xori %or3A_932, %add3A_925 : vector<16xi32>
        %add3A_934 = arith.constant 466689008 : i32
        %add3A_935 = vector.broadcast %add3A_934 : i32 to vector<16xi32>
        %add3A_936 = arith.addi %add3A_925, %add3A_935 : vector<16xi32>
        %add3A_937 = arith.constant 0 : i32
        %add3A_938 = vector.broadcast %add3A_937 : i32 to vector<16xi32>
        %add3A_939 = arith.addi %xor3A_933, %add3A_938 : vector<16xi32>
        %add3A_940 = arith.constant 2 : i32
        %add3A_941 = vector.broadcast %add3A_940 : i32 to vector<16xi32>
        %add3A_942 = arith.addi %add3A_939, %add3A_941 : vector<16xi32>
        %add3A_943 = arith.addi %add3A_936, %add3A_942 : vector<16xi32>
        %shift_left3A_944 = arith.constant 13 : i32
        %shift_left3A_945 = vector.broadcast %shift_left3A_944 : i32 to vector<16xi32>
        %shift_left3A_946 = arith.shli %add3A_942, %shift_left3A_945 : vector<16xi32>
        %shift_right_logical3A_947 = arith.constant 19 : i32
        %shift_right_logical3A_948 = vector.broadcast %shift_right_logical3A_947 : i32 to vector<16xi32>
        %shift_right_logical3A_949 = arith.shrui %add3A_942, %shift_right_logical3A_948 : vector<16xi32>
        %or3A_950 = arith.ori %shift_left3A_946, %shift_right_logical3A_949 : vector<16xi32>
        %xor3A_951 = arith.xori %or3A_950, %add3A_943 : vector<16xi32>
        %add3A_952 = arith.addi %add3A_943, %xor3A_951 : vector<16xi32>
        %shift_left3A_953 = arith.constant 15 : i32
        %shift_left3A_954 = vector.broadcast %shift_left3A_953 : i32 to vector<16xi32>
        %shift_left3A_955 = arith.shli %xor3A_951, %shift_left3A_954 : vector<16xi32>
        %shift_right_logical3A_956 = arith.constant 17 : i32
        %shift_right_logical3A_957 = vector.broadcast %shift_right_logical3A_956 : i32 to vector<16xi32>
        %shift_right_logical3A_958 = arith.shrui %xor3A_951, %shift_right_logical3A_957 : vector<16xi32>
        %or3A_959 = arith.ori %shift_left3A_955, %shift_right_logical3A_958 : vector<16xi32>
        %xor3A_960 = arith.xori %or3A_959, %add3A_952 : vector<16xi32>
        %add3A_961 = arith.addi %add3A_952, %xor3A_960 : vector<16xi32>
        %shift_left3A_962 = arith.constant 26 : i32
        %shift_left3A_963 = vector.broadcast %shift_left3A_962 : i32 to vector<16xi32>
        %shift_left3A_964 = arith.shli %xor3A_960, %shift_left3A_963 : vector<16xi32>
        %shift_right_logical3A_965 = arith.constant 6 : i32
        %shift_right_logical3A_966 = vector.broadcast %shift_right_logical3A_965 : i32 to vector<16xi32>
        %shift_right_logical3A_967 = arith.shrui %xor3A_960, %shift_right_logical3A_966 : vector<16xi32>
        %or3A_968 = arith.ori %shift_left3A_964, %shift_right_logical3A_967 : vector<16xi32>
        %xor3A_969 = arith.xori %or3A_968, %add3A_961 : vector<16xi32>
        %add3A_970 = arith.addi %add3A_961, %xor3A_969 : vector<16xi32>
        %shift_left3A_971 = arith.constant 6 : i32
        %shift_left3A_972 = vector.broadcast %shift_left3A_971 : i32 to vector<16xi32>
        %shift_left3A_973 = arith.shli %xor3A_969, %shift_left3A_972 : vector<16xi32>
        %shift_right_logical3A_974 = arith.constant 26 : i32
        %shift_right_logical3A_975 = vector.broadcast %shift_right_logical3A_974 : i32 to vector<16xi32>
        %shift_right_logical3A_976 = arith.shrui %xor3A_969, %shift_right_logical3A_975 : vector<16xi32>
        %or3A_977 = arith.ori %shift_left3A_973, %shift_right_logical3A_976 : vector<16xi32>
        %xor3A_978 = arith.xori %or3A_977, %add3A_970 : vector<16xi32>
        %add3A_979 = arith.constant 0 : i32
        %add3A_980 = vector.broadcast %add3A_979 : i32 to vector<16xi32>
        %add3A_981 = arith.addi %add3A_970, %add3A_980 : vector<16xi32>
        %add3A_982 = arith.constant 42 : i32
        %add3A_983 = vector.broadcast %add3A_982 : i32 to vector<16xi32>
        %add3A_984 = arith.addi %xor3A_978, %add3A_983 : vector<16xi32>
        %add3A_985 = arith.constant 3 : i32
        %add3A_986 = vector.broadcast %add3A_985 : i32 to vector<16xi32>
        %add3A_987 = arith.addi %add3A_984, %add3A_986 : vector<16xi32>
        %add3A_988 = arith.addi %add3A_981, %add3A_987 : vector<16xi32>
        %shift_left3A_989 = arith.constant 17 : i32
        %shift_left3A_990 = vector.broadcast %shift_left3A_989 : i32 to vector<16xi32>
        %shift_left3A_991 = arith.shli %add3A_987, %shift_left3A_990 : vector<16xi32>
        %shift_right_logical3A_992 = arith.constant 15 : i32
        %shift_right_logical3A_993 = vector.broadcast %shift_right_logical3A_992 : i32 to vector<16xi32>
        %shift_right_logical3A_994 = arith.shrui %add3A_987, %shift_right_logical3A_993 : vector<16xi32>
        %or3A_995 = arith.ori %shift_left3A_991, %shift_right_logical3A_994 : vector<16xi32>
        %xor3A_996 = arith.xori %or3A_995, %add3A_988 : vector<16xi32>
        %add3A_997 = arith.addi %add3A_988, %xor3A_996 : vector<16xi32>
        %shift_left3A_998 = arith.constant 29 : i32
        %shift_left3A_999 = vector.broadcast %shift_left3A_998 : i32 to vector<16xi32>
        %shift_left3A_1000 = arith.shli %xor3A_996, %shift_left3A_999 : vector<16xi32>
        %shift_right_logical3A_1001 = arith.constant 3 : i32
        %shift_right_logical3A_1002 = vector.broadcast %shift_right_logical3A_1001 : i32 to vector<16xi32>
        %shift_right_logical3A_1003 = arith.shrui %xor3A_996, %shift_right_logical3A_1002 : vector<16xi32>
        %or3A_1004 = arith.ori %shift_left3A_1000, %shift_right_logical3A_1003 : vector<16xi32>
        %xor3A_1005 = arith.xori %or3A_1004, %add3A_997 : vector<16xi32>
        %add3A_1006 = arith.addi %add3A_997, %xor3A_1005 : vector<16xi32>
        %shift_left3A_1007 = arith.constant 16 : i32
        %shift_left3A_1008 = vector.broadcast %shift_left3A_1007 : i32 to vector<16xi32>
        %shift_left3A_1009 = arith.shli %xor3A_1005, %shift_left3A_1008 : vector<16xi32>
        %shift_right_logical3A_1010 = arith.constant 16 : i32
        %shift_right_logical3A_1011 = vector.broadcast %shift_right_logical3A_1010 : i32 to vector<16xi32>
        %shift_right_logical3A_1012 = arith.shrui %xor3A_1005, %shift_right_logical3A_1011 : vector<16xi32>
        %or3A_1013 = arith.ori %shift_left3A_1009, %shift_right_logical3A_1012 : vector<16xi32>
        %xor3A_1014 = arith.xori %or3A_1013, %add3A_1006 : vector<16xi32>
        %add3A_1015 = arith.addi %add3A_1006, %xor3A_1014 : vector<16xi32>
        %shift_left3A_1016 = arith.constant 24 : i32
        %shift_left3A_1017 = vector.broadcast %shift_left3A_1016 : i32 to vector<16xi32>
        %shift_left3A_1018 = arith.shli %xor3A_1014, %shift_left3A_1017 : vector<16xi32>
        %shift_right_logical3A_1019 = arith.constant 8 : i32
        %shift_right_logical3A_1020 = vector.broadcast %shift_right_logical3A_1019 : i32 to vector<16xi32>
        %shift_right_logical3A_1021 = arith.shrui %xor3A_1014, %shift_right_logical3A_1020 : vector<16xi32>
        %or3A_1022 = arith.ori %shift_left3A_1018, %shift_right_logical3A_1021 : vector<16xi32>
        %xor3A_1023 = arith.xori %or3A_1022, %add3A_1015 : vector<16xi32>
        %add3A_1024 = arith.constant 42 : i32
        %add3A_1025 = vector.broadcast %add3A_1024 : i32 to vector<16xi32>
        %add3A_1026 = arith.addi %add3A_1015, %add3A_1025 : vector<16xi32>
        %add3A_1027 = arith.constant 466689008 : i32
        %add3A_1028 = vector.broadcast %add3A_1027 : i32 to vector<16xi32>
        %add3A_1029 = arith.addi %xor3A_1023, %add3A_1028 : vector<16xi32>
        %add3A_1030 = arith.constant 4 : i32
        %add3A_1031 = vector.broadcast %add3A_1030 : i32 to vector<16xi32>
        %add3A_1032 = arith.addi %add3A_1029, %add3A_1031 : vector<16xi32>
        %add3A_1033 = arith.addi %add3A_1026, %add3A_1032 : vector<16xi32>
        %shift_left3A_1034 = arith.constant 13 : i32
        %shift_left3A_1035 = vector.broadcast %shift_left3A_1034 : i32 to vector<16xi32>
        %shift_left3A_1036 = arith.shli %add3A_1032, %shift_left3A_1035 : vector<16xi32>
        %shift_right_logical3A_1037 = arith.constant 19 : i32
        %shift_right_logical3A_1038 = vector.broadcast %shift_right_logical3A_1037 : i32 to vector<16xi32>
        %shift_right_logical3A_1039 = arith.shrui %add3A_1032, %shift_right_logical3A_1038 : vector<16xi32>
        %or3A_1040 = arith.ori %shift_left3A_1036, %shift_right_logical3A_1039 : vector<16xi32>
        %xor3A_1041 = arith.xori %or3A_1040, %add3A_1033 : vector<16xi32>
        %add3A_1042 = arith.addi %add3A_1033, %xor3A_1041 : vector<16xi32>
        %shift_left3A_1043 = arith.constant 15 : i32
        %shift_left3A_1044 = vector.broadcast %shift_left3A_1043 : i32 to vector<16xi32>
        %shift_left3A_1045 = arith.shli %xor3A_1041, %shift_left3A_1044 : vector<16xi32>
        %shift_right_logical3A_1046 = arith.constant 17 : i32
        %shift_right_logical3A_1047 = vector.broadcast %shift_right_logical3A_1046 : i32 to vector<16xi32>
        %shift_right_logical3A_1048 = arith.shrui %xor3A_1041, %shift_right_logical3A_1047 : vector<16xi32>
        %or3A_1049 = arith.ori %shift_left3A_1045, %shift_right_logical3A_1048 : vector<16xi32>
        %xor3A_1050 = arith.xori %or3A_1049, %add3A_1042 : vector<16xi32>
        %add3A_1051 = arith.addi %add3A_1042, %xor3A_1050 : vector<16xi32>
        %shift_left3A_1052 = arith.constant 26 : i32
        %shift_left3A_1053 = vector.broadcast %shift_left3A_1052 : i32 to vector<16xi32>
        %shift_left3A_1054 = arith.shli %xor3A_1050, %shift_left3A_1053 : vector<16xi32>
        %shift_right_logical3A_1055 = arith.constant 6 : i32
        %shift_right_logical3A_1056 = vector.broadcast %shift_right_logical3A_1055 : i32 to vector<16xi32>
        %shift_right_logical3A_1057 = arith.shrui %xor3A_1050, %shift_right_logical3A_1056 : vector<16xi32>
        %or3A_1058 = arith.ori %shift_left3A_1054, %shift_right_logical3A_1057 : vector<16xi32>
        %xor3A_1059 = arith.xori %or3A_1058, %add3A_1051 : vector<16xi32>
        %add3A_1060 = arith.addi %add3A_1051, %xor3A_1059 : vector<16xi32>
        %shift_left3A_1061 = arith.constant 6 : i32
        %shift_left3A_1062 = vector.broadcast %shift_left3A_1061 : i32 to vector<16xi32>
        %shift_left3A_1063 = arith.shli %xor3A_1059, %shift_left3A_1062 : vector<16xi32>
        %shift_right_logical3A_1064 = arith.constant 26 : i32
        %shift_right_logical3A_1065 = vector.broadcast %shift_right_logical3A_1064 : i32 to vector<16xi32>
        %shift_right_logical3A_1066 = arith.shrui %xor3A_1059, %shift_right_logical3A_1065 : vector<16xi32>
        %or3A_1067 = arith.ori %shift_left3A_1063, %shift_right_logical3A_1066 : vector<16xi32>
        %xor3A_1068 = arith.xori %or3A_1067, %add3A_1060 : vector<16xi32>
        %add3A_1069 = arith.constant 466689008 : i32
        %add3A_1070 = vector.broadcast %add3A_1069 : i32 to vector<16xi32>
        %add3A_1071 = arith.addi %add3A_1060, %add3A_1070 : vector<16xi32>
        %add3A_1072 = arith.constant 0 : i32
        %add3A_1073 = vector.broadcast %add3A_1072 : i32 to vector<16xi32>
        %add3A_1074 = arith.addi %xor3A_1068, %add3A_1073 : vector<16xi32>
        %add3A_1075 = arith.constant 5 : i32
        %add3A_1076 = vector.broadcast %add3A_1075 : i32 to vector<16xi32>
        %add3A_1077 = arith.addi %add3A_1074, %add3A_1076 : vector<16xi32>
        %xor3A_1078 = arith.xori %add3A_1071, %add3A_1077 : vector<16xi32>
        %shift_right_logical3A_1079 = arith.constant 9 : i32
        %shift_right_logical3A_1080 = vector.broadcast %shift_right_logical3A_1079 : i32 to vector<16xi32>
        %shift_right_logical3A_1081 = arith.shrui %xor3A_1078, %shift_right_logical3A_1080 : vector<16xi32>
        %or3A_1082 = arith.constant 1065353216 : i32
        %or3A_1083 = vector.broadcast %or3A_1082 : i32 to vector<16xi32>
        %or3A_1084 = arith.ori %shift_right_logical3A_1081, %or3A_1083 : vector<16xi32>
        %bitcast_convert_type3A_1085 = tpu.bitcast %or3A_1084 : vector<16xi32> -> vector<16xf32>
        %sub3A_1086 = arith.constant 1.000000e+00 : f32
        %sub3A_1087 = vector.broadcast %sub3A_1086 : f32 to vector<16xf32>
        %sub3A_1088 = arith.subf %bitcast_convert_type3A_1085, %sub3A_1087 : vector<16xf32>
        %max3A_1089 = arith.constant 9.99999968E-21 : f32
        %max3A_1090 = vector.broadcast %max3A_1089 : f32 to vector<16xf32>
        %max3A_1091 = arith.maximumf %sub3A_1088, %max3A_1090 : vector<16xf32>
        %bitcast_convert_type3A_1092 = tpu.bitcast %max3A_1091 : vector<16xf32> -> vector<16xi32>
        %shift_right_logical3A_1093 = arith.constant 23 : i32
        %shift_right_logical3A_1094 = vector.broadcast %shift_right_logical3A_1093 : i32 to vector<16xi32>
        %shift_right_logical3A_1095 = arith.shrui %bitcast_convert_type3A_1092, %shift_right_logical3A_1094 : vector<16xi32>
        %sub3A_1096 = arith.constant 127 : i32
        %sub3A_1097 = vector.broadcast %sub3A_1096 : i32 to vector<16xi32>
        %sub3A_1098 = arith.subi %shift_right_logical3A_1095, %sub3A_1097 : vector<16xi32>
        %and3A_1099 = arith.constant 8388607 : i32
        %and3A_1100 = vector.broadcast %and3A_1099 : i32 to vector<16xi32>
        %and3A_1101 = arith.andi %bitcast_convert_type3A_1092, %and3A_1100 : vector<16xi32>
        %or3A_1102 = arith.constant 1065353216 : i32
        %or3A_1103 = vector.broadcast %or3A_1102 : i32 to vector<16xi32>
        %or3A_1104 = arith.ori %and3A_1101, %or3A_1103 : vector<16xi32>
        %bitcast_convert_type3A_1105 = tpu.bitcast %or3A_1104 : vector<16xi32> -> vector<16xf32>
        %gt3A_1106 = arith.constant 1.41421354 : f32
        %gt3A_1107 = vector.broadcast %gt3A_1106 : f32 to vector<16xf32>
        %gt3A_1108 = arith.cmpf ogt, %bitcast_convert_type3A_1105, %gt3A_1107 : vector<16xf32>
        %mul3A_1109 = arith.constant 5.000000e-01 : f32
        %mul3A_1110 = vector.broadcast %mul3A_1109 : f32 to vector<16xf32>
        %mul3A_1111 = arith.mulf %bitcast_convert_type3A_1105, %mul3A_1110 : vector<16xf32>
        %select_n3A_1112 = arith.select %gt3A_1108, %mul3A_1111, %bitcast_convert_type3A_1105 : vector<16xi1>, vector<16xf32>
        %jit3A_1113 = arith.constant 1 : i32
        %jit3A_1114 = arith.constant 0 : i32
        %broadcast_in_dim3A_1115 = vector.broadcast %jit3A_1113 : i32 to vector<16xi32>
        %broadcast_in_dim3A_1116 = vector.broadcast %jit3A_1114 : i32 to vector<16xi32>
        %select_n3A_1117 = arith.select %gt3A_1108, %broadcast_in_dim3A_1115, %broadcast_in_dim3A_1116 : vector<16xi1>, vector<16xi32>
        %add3A_1118 = arith.addi %sub3A_1098, %select_n3A_1117 : vector<16xi32>
        %convert_element_type3A_1119 = arith.sitofp %add3A_1118 : vector<16xi32> to vector<16xf32>
        %sub3A_1120 = arith.constant 1.000000e+00 : f32
        %sub3A_1121 = vector.broadcast %sub3A_1120 : f32 to vector<16xf32>
        %sub3A_1122 = arith.subf %select_n3A_1112, %sub3A_1121 : vector<16xf32>
        %add3A_1123 = arith.constant 1.000000e+00 : f32
        %add3A_1124 = vector.broadcast %add3A_1123 : f32 to vector<16xf32>
        %add3A_1125 = arith.addf %select_n3A_1112, %add3A_1124 : vector<16xf32>
        %div3A_1126 = arith.divf %sub3A_1122, %add3A_1125 : vector<16xf32>
        %mul3A_1127 = arith.mulf %div3A_1126, %div3A_1126 : vector<16xf32>
        %mul3A_1128 = arith.constant 0.222222224 : f32
        %mul3A_1129 = vector.broadcast %mul3A_1128 : f32 to vector<16xf32>
        %mul3A_1130 = arith.mulf %mul3A_1129, %mul3A_1127 : vector<16xf32>
        %add3A_1131 = arith.constant 0.285714298 : f32
        %add3A_1132 = vector.broadcast %add3A_1131 : f32 to vector<16xf32>
        %add3A_1133 = arith.addf %mul3A_1130, %add3A_1132 : vector<16xf32>
        %mul3A_1134 = arith.mulf %add3A_1133, %mul3A_1127 : vector<16xf32>
        %add3A_1135 = arith.constant 4.000000e-01 : f32
        %add3A_1136 = vector.broadcast %add3A_1135 : f32 to vector<16xf32>
        %add3A_1137 = arith.addf %mul3A_1134, %add3A_1136 : vector<16xf32>
        %mul3A_1138 = arith.mulf %add3A_1137, %mul3A_1127 : vector<16xf32>
        %add3A_1139 = arith.constant 0.666666686 : f32
        %add3A_1140 = vector.broadcast %add3A_1139 : f32 to vector<16xf32>
        %add3A_1141 = arith.addf %mul3A_1138, %add3A_1140 : vector<16xf32>
        %mul3A_1142 = arith.mulf %add3A_1141, %mul3A_1127 : vector<16xf32>
        %add3A_1143 = arith.constant 2.000000e+00 : f32
        %add3A_1144 = vector.broadcast %add3A_1143 : f32 to vector<16xf32>
        %add3A_1145 = arith.addf %mul3A_1142, %add3A_1144 : vector<16xf32>
        %mul3A_1146 = arith.mulf %div3A_1126, %add3A_1145 : vector<16xf32>
        %mul3A_1147 = arith.constant 0.693147182 : f32
        %mul3A_1148 = vector.broadcast %mul3A_1147 : f32 to vector<16xf32>
        %mul3A_1149 = arith.mulf %convert_element_type3A_1119, %mul3A_1148 : vector<16xf32>
        %add3A_1150 = arith.addf %mul3A_1149, %mul3A_1146 : vector<16xf32>
        %neg3A_1151 = arith.constant 0.000000e+00 : f32
        %neg3A_1152 = vector.broadcast %neg3A_1151 : f32 to vector<16xf32>
        %neg3A_1153 = arith.subf %neg3A_1152, %add3A_1150 : vector<16xf32>
        %exp3A_1154 = math.exp %get3A_844 : vector<16xf32>
        %mul3A_1155 = arith.mulf %exp3A_1154, %select_n3A_834 : vector<16xf32>
        %mul3A_1156 = arith.mulf %select_n3A_833, %neg3A_1153 : vector<16xf32>
        %gt3A_1157 = arith.cmpf ogt, %mul3A_1155, %mul3A_1156 : vector<16xf32>
        %select_n3A_1158 = arith.select %gt3A_1157, %exp3A_1154, %select_n3A_833 : vector<16xi1>, vector<16xf32>
        %select_n3A_1159 = arith.select %gt3A_1157, %neg3A_1153, %select_n3A_834 : vector<16xi1>, vector<16xf32>
        %select_n3A_1160 = arith.select %gt3A_1157, %add3A_847, %select_n3A_835 : vector<16xi1>, vector<16xi32>
        %select_n3A_1161 = arith.select %gt3A_1157, %get3A_844, %select_n3A_836 : vector<16xi1>, vector<16xf32>
        %mul3A_1162 = arith.constant 64 : i32
        %mul3A_1163 = arith.muli %scan3A_190, %mul3A_1162 : i32
        %add3A_1164 = arith.constant 48 : i32
        %add3A_1165 = arith.addi %mul3A_1163, %add3A_1164 : i32
        %get3A_1166 = arith.index_cast %scan3A_59 : i32 to index
        %get3A_1167 = arith.index_cast %add3A_1165 : i32 to index
        %get3A_1168 = tpu.vector_load %arg5[%get3A_1166, %get3A_1167] {strides = array<i32>} : memref<64x768xf32, #tpu.memory_space<vmem>>, vector<1x16xf32>,
        %get3A_1169 = vector.shape_cast %get3A_1168 : vector<1x16xf32> to vector<16xf32>
        %add3A_1170 = arith.addi %mul3A_2, %add3A_1165 : i32
        %add3A_1171 = vector.broadcast %add3A_1170 : i32 to vector<16xi32>
        %add3A_1172 = arith.addi %add3A_1171, %iota3A : vector<16xi32>
        %add3A_1173 = arith.addi %add3A_63, %add3A_1165 : i32
        %add3A_1174 = vector.broadcast %add3A_1173 : i32 to vector<16xi32>
        %add3A_1175 = arith.addi %add3A_1174, %iota3A_9 : vector<16xi32>
        %add3A_1176 = arith.constant 42 : i32
        %add3A_1177 = vector.broadcast %add3A_1176 : i32 to vector<16xi32>
        %add3A_1178 = arith.addi %add3A_1175, %add3A_1177 : vector<16xi32>
        %shift_left3A_1179 = arith.constant 13 : i32
        %shift_left3A_1180 = vector.broadcast %shift_left3A_1179 : i32 to vector<16xi32>
        %shift_left3A_1181 = arith.shli %add3A_1178, %shift_left3A_1180 : vector<16xi32>
        %shift_right_logical3A_1182 = arith.constant 19 : i32
        %shift_right_logical3A_1183 = vector.broadcast %shift_right_logical3A_1182 : i32 to vector<16xi32>
        %shift_right_logical3A_1184 = arith.shrui %add3A_1178, %shift_right_logical3A_1183 : vector<16xi32>
        %or3A_1185 = arith.ori %shift_left3A_1181, %shift_right_logical3A_1184 : vector<16xi32>
        %xor3A_1186 = arith.xori %or3A_1185, %add3A_1178 : vector<16xi32>
        %add3A_1187 = arith.addi %add3A_1178, %xor3A_1186 : vector<16xi32>
        %shift_left3A_1188 = arith.constant 15 : i32
        %shift_left3A_1189 = vector.broadcast %shift_left3A_1188 : i32 to vector<16xi32>
        %shift_left3A_1190 = arith.shli %xor3A_1186, %shift_left3A_1189 : vector<16xi32>
        %shift_right_logical3A_1191 = arith.constant 17 : i32
        %shift_right_logical3A_1192 = vector.broadcast %shift_right_logical3A_1191 : i32 to vector<16xi32>
        %shift_right_logical3A_1193 = arith.shrui %xor3A_1186, %shift_right_logical3A_1192 : vector<16xi32>
        %or3A_1194 = arith.ori %shift_left3A_1190, %shift_right_logical3A_1193 : vector<16xi32>
        %xor3A_1195 = arith.xori %or3A_1194, %add3A_1187 : vector<16xi32>
        %add3A_1196 = arith.addi %add3A_1187, %xor3A_1195 : vector<16xi32>
        %shift_left3A_1197 = arith.constant 26 : i32
        %shift_left3A_1198 = vector.broadcast %shift_left3A_1197 : i32 to vector<16xi32>
        %shift_left3A_1199 = arith.shli %xor3A_1195, %shift_left3A_1198 : vector<16xi32>
        %shift_right_logical3A_1200 = arith.constant 6 : i32
        %shift_right_logical3A_1201 = vector.broadcast %shift_right_logical3A_1200 : i32 to vector<16xi32>
        %shift_right_logical3A_1202 = arith.shrui %xor3A_1195, %shift_right_logical3A_1201 : vector<16xi32>
        %or3A_1203 = arith.ori %shift_left3A_1199, %shift_right_logical3A_1202 : vector<16xi32>
        %xor3A_1204 = arith.xori %or3A_1203, %add3A_1196 : vector<16xi32>
        %add3A_1205 = arith.addi %add3A_1196, %xor3A_1204 : vector<16xi32>
        %shift_left3A_1206 = arith.constant 6 : i32
        %shift_left3A_1207 = vector.broadcast %shift_left3A_1206 : i32 to vector<16xi32>
        %shift_left3A_1208 = arith.shli %xor3A_1204, %shift_left3A_1207 : vector<16xi32>
        %shift_right_logical3A_1209 = arith.constant 26 : i32
        %shift_right_logical3A_1210 = vector.broadcast %shift_right_logical3A_1209 : i32 to vector<16xi32>
        %shift_right_logical3A_1211 = arith.shrui %xor3A_1204, %shift_right_logical3A_1210 : vector<16xi32>
        %or3A_1212 = arith.ori %shift_left3A_1208, %shift_right_logical3A_1211 : vector<16xi32>
        %xor3A_1213 = arith.xori %or3A_1212, %add3A_1205 : vector<16xi32>
        %add3A_1214 = arith.constant 42 : i32
        %add3A_1215 = vector.broadcast %add3A_1214 : i32 to vector<16xi32>
        %add3A_1216 = arith.addi %add3A_1205, %add3A_1215 : vector<16xi32>
        %add3A_1217 = arith.constant 466689008 : i32
        %add3A_1218 = vector.broadcast %add3A_1217 : i32 to vector<16xi32>
        %add3A_1219 = arith.addi %xor3A_1213, %add3A_1218 : vector<16xi32>
        %add3A_1220 = arith.constant 1 : i32
        %add3A_1221 = vector.broadcast %add3A_1220 : i32 to vector<16xi32>
        %add3A_1222 = arith.addi %add3A_1219, %add3A_1221 : vector<16xi32>
        %add3A_1223 = arith.addi %add3A_1216, %add3A_1222 : vector<16xi32>
        %shift_left3A_1224 = arith.constant 17 : i32
        %shift_left3A_1225 = vector.broadcast %shift_left3A_1224 : i32 to vector<16xi32>
        %shift_left3A_1226 = arith.shli %add3A_1222, %shift_left3A_1225 : vector<16xi32>
        %shift_right_logical3A_1227 = arith.constant 15 : i32
        %shift_right_logical3A_1228 = vector.broadcast %shift_right_logical3A_1227 : i32 to vector<16xi32>
        %shift_right_logical3A_1229 = arith.shrui %add3A_1222, %shift_right_logical3A_1228 : vector<16xi32>
        %or3A_1230 = arith.ori %shift_left3A_1226, %shift_right_logical3A_1229 : vector<16xi32>
        %xor3A_1231 = arith.xori %or3A_1230, %add3A_1223 : vector<16xi32>
        %add3A_1232 = arith.addi %add3A_1223, %xor3A_1231 : vector<16xi32>
        %shift_left3A_1233 = arith.constant 29 : i32
        %shift_left3A_1234 = vector.broadcast %shift_left3A_1233 : i32 to vector<16xi32>
        %shift_left3A_1235 = arith.shli %xor3A_1231, %shift_left3A_1234 : vector<16xi32>
        %shift_right_logical3A_1236 = arith.constant 3 : i32
        %shift_right_logical3A_1237 = vector.broadcast %shift_right_logical3A_1236 : i32 to vector<16xi32>
        %shift_right_logical3A_1238 = arith.shrui %xor3A_1231, %shift_right_logical3A_1237 : vector<16xi32>
        %or3A_1239 = arith.ori %shift_left3A_1235, %shift_right_logical3A_1238 : vector<16xi32>
        %xor3A_1240 = arith.xori %or3A_1239, %add3A_1232 : vector<16xi32>
        %add3A_1241 = arith.addi %add3A_1232, %xor3A_1240 : vector<16xi32>
        %shift_left3A_1242 = arith.constant 16 : i32
        %shift_left3A_1243 = vector.broadcast %shift_left3A_1242 : i32 to vector<16xi32>
        %shift_left3A_1244 = arith.shli %xor3A_1240, %shift_left3A_1243 : vector<16xi32>
        %shift_right_logical3A_1245 = arith.constant 16 : i32
        %shift_right_logical3A_1246 = vector.broadcast %shift_right_logical3A_1245 : i32 to vector<16xi32>
        %shift_right_logical3A_1247 = arith.shrui %xor3A_1240, %shift_right_logical3A_1246 : vector<16xi32>
        %or3A_1248 = arith.ori %shift_left3A_1244, %shift_right_logical3A_1247 : vector<16xi32>
        %xor3A_1249 = arith.xori %or3A_1248, %add3A_1241 : vector<16xi32>
        %add3A_1250 = arith.addi %add3A_1241, %xor3A_1249 : vector<16xi32>
        %shift_left3A_1251 = arith.constant 24 : i32
        %shift_left3A_1252 = vector.broadcast %shift_left3A_1251 : i32 to vector<16xi32>
        %shift_left3A_1253 = arith.shli %xor3A_1249, %shift_left3A_1252 : vector<16xi32>
        %shift_right_logical3A_1254 = arith.constant 8 : i32
        %shift_right_logical3A_1255 = vector.broadcast %shift_right_logical3A_1254 : i32 to vector<16xi32>
        %shift_right_logical3A_1256 = arith.shrui %xor3A_1249, %shift_right_logical3A_1255 : vector<16xi32>
        %or3A_1257 = arith.ori %shift_left3A_1253, %shift_right_logical3A_1256 : vector<16xi32>
        %xor3A_1258 = arith.xori %or3A_1257, %add3A_1250 : vector<16xi32>
        %add3A_1259 = arith.constant 466689008 : i32
        %add3A_1260 = vector.broadcast %add3A_1259 : i32 to vector<16xi32>
        %add3A_1261 = arith.addi %add3A_1250, %add3A_1260 : vector<16xi32>
        %add3A_1262 = arith.constant 0 : i32
        %add3A_1263 = vector.broadcast %add3A_1262 : i32 to vector<16xi32>
        %add3A_1264 = arith.addi %xor3A_1258, %add3A_1263 : vector<16xi32>
        %add3A_1265 = arith.constant 2 : i32
        %add3A_1266 = vector.broadcast %add3A_1265 : i32 to vector<16xi32>
        %add3A_1267 = arith.addi %add3A_1264, %add3A_1266 : vector<16xi32>
        %add3A_1268 = arith.addi %add3A_1261, %add3A_1267 : vector<16xi32>
        %shift_left3A_1269 = arith.constant 13 : i32
        %shift_left3A_1270 = vector.broadcast %shift_left3A_1269 : i32 to vector<16xi32>
        %shift_left3A_1271 = arith.shli %add3A_1267, %shift_left3A_1270 : vector<16xi32>
        %shift_right_logical3A_1272 = arith.constant 19 : i32
        %shift_right_logical3A_1273 = vector.broadcast %shift_right_logical3A_1272 : i32 to vector<16xi32>
        %shift_right_logical3A_1274 = arith.shrui %add3A_1267, %shift_right_logical3A_1273 : vector<16xi32>
        %or3A_1275 = arith.ori %shift_left3A_1271, %shift_right_logical3A_1274 : vector<16xi32>
        %xor3A_1276 = arith.xori %or3A_1275, %add3A_1268 : vector<16xi32>
        %add3A_1277 = arith.addi %add3A_1268, %xor3A_1276 : vector<16xi32>
        %shift_left3A_1278 = arith.constant 15 : i32
        %shift_left3A_1279 = vector.broadcast %shift_left3A_1278 : i32 to vector<16xi32>
        %shift_left3A_1280 = arith.shli %xor3A_1276, %shift_left3A_1279 : vector<16xi32>
        %shift_right_logical3A_1281 = arith.constant 17 : i32
        %shift_right_logical3A_1282 = vector.broadcast %shift_right_logical3A_1281 : i32 to vector<16xi32>
        %shift_right_logical3A_1283 = arith.shrui %xor3A_1276, %shift_right_logical3A_1282 : vector<16xi32>
        %or3A_1284 = arith.ori %shift_left3A_1280, %shift_right_logical3A_1283 : vector<16xi32>
        %xor3A_1285 = arith.xori %or3A_1284, %add3A_1277 : vector<16xi32>
        %add3A_1286 = arith.addi %add3A_1277, %xor3A_1285 : vector<16xi32>
        %shift_left3A_1287 = arith.constant 26 : i32
        %shift_left3A_1288 = vector.broadcast %shift_left3A_1287 : i32 to vector<16xi32>
        %shift_left3A_1289 = arith.shli %xor3A_1285, %shift_left3A_1288 : vector<16xi32>
        %shift_right_logical3A_1290 = arith.constant 6 : i32
        %shift_right_logical3A_1291 = vector.broadcast %shift_right_logical3A_1290 : i32 to vector<16xi32>
        %shift_right_logical3A_1292 = arith.shrui %xor3A_1285, %shift_right_logical3A_1291 : vector<16xi32>
        %or3A_1293 = arith.ori %shift_left3A_1289, %shift_right_logical3A_1292 : vector<16xi32>
        %xor3A_1294 = arith.xori %or3A_1293, %add3A_1286 : vector<16xi32>
        %add3A_1295 = arith.addi %add3A_1286, %xor3A_1294 : vector<16xi32>
        %shift_left3A_1296 = arith.constant 6 : i32
        %shift_left3A_1297 = vector.broadcast %shift_left3A_1296 : i32 to vector<16xi32>
        %shift_left3A_1298 = arith.shli %xor3A_1294, %shift_left3A_1297 : vector<16xi32>
        %shift_right_logical3A_1299 = arith.constant 26 : i32
        %shift_right_logical3A_1300 = vector.broadcast %shift_right_logical3A_1299 : i32 to vector<16xi32>
        %shift_right_logical3A_1301 = arith.shrui %xor3A_1294, %shift_right_logical3A_1300 : vector<16xi32>
        %or3A_1302 = arith.ori %shift_left3A_1298, %shift_right_logical3A_1301 : vector<16xi32>
        %xor3A_1303 = arith.xori %or3A_1302, %add3A_1295 : vector<16xi32>
        %add3A_1304 = arith.constant 0 : i32
        %add3A_1305 = vector.broadcast %add3A_1304 : i32 to vector<16xi32>
        %add3A_1306 = arith.addi %add3A_1295, %add3A_1305 : vector<16xi32>
        %add3A_1307 = arith.constant 42 : i32
        %add3A_1308 = vector.broadcast %add3A_1307 : i32 to vector<16xi32>
        %add3A_1309 = arith.addi %xor3A_1303, %add3A_1308 : vector<16xi32>
        %add3A_1310 = arith.constant 3 : i32
        %add3A_1311 = vector.broadcast %add3A_1310 : i32 to vector<16xi32>
        %add3A_1312 = arith.addi %add3A_1309, %add3A_1311 : vector<16xi32>
        %add3A_1313 = arith.addi %add3A_1306, %add3A_1312 : vector<16xi32>
        %shift_left3A_1314 = arith.constant 17 : i32
        %shift_left3A_1315 = vector.broadcast %shift_left3A_1314 : i32 to vector<16xi32>
        %shift_left3A_1316 = arith.shli %add3A_1312, %shift_left3A_1315 : vector<16xi32>
        %shift_right_logical3A_1317 = arith.constant 15 : i32
        %shift_right_logical3A_1318 = vector.broadcast %shift_right_logical3A_1317 : i32 to vector<16xi32>
        %shift_right_logical3A_1319 = arith.shrui %add3A_1312, %shift_right_logical3A_1318 : vector<16xi32>
        %or3A_1320 = arith.ori %shift_left3A_1316, %shift_right_logical3A_1319 : vector<16xi32>
        %xor3A_1321 = arith.xori %or3A_1320, %add3A_1313 : vector<16xi32>
        %add3A_1322 = arith.addi %add3A_1313, %xor3A_1321 : vector<16xi32>
        %shift_left3A_1323 = arith.constant 29 : i32
        %shift_left3A_1324 = vector.broadcast %shift_left3A_1323 : i32 to vector<16xi32>
        %shift_left3A_1325 = arith.shli %xor3A_1321, %shift_left3A_1324 : vector<16xi32>
        %shift_right_logical3A_1326 = arith.constant 3 : i32
        %shift_right_logical3A_1327 = vector.broadcast %shift_right_logical3A_1326 : i32 to vector<16xi32>
        %shift_right_logical3A_1328 = arith.shrui %xor3A_1321, %shift_right_logical3A_1327 : vector<16xi32>
        %or3A_1329 = arith.ori %shift_left3A_1325, %shift_right_logical3A_1328 : vector<16xi32>
        %xor3A_1330 = arith.xori %or3A_1329, %add3A_1322 : vector<16xi32>
        %add3A_1331 = arith.addi %add3A_1322, %xor3A_1330 : vector<16xi32>
        %shift_left3A_1332 = arith.constant 16 : i32
        %shift_left3A_1333 = vector.broadcast %shift_left3A_1332 : i32 to vector<16xi32>
        %shift_left3A_1334 = arith.shli %xor3A_1330, %shift_left3A_1333 : vector<16xi32>
        %shift_right_logical3A_1335 = arith.constant 16 : i32
        %shift_right_logical3A_1336 = vector.broadcast %shift_right_logical3A_1335 : i32 to vector<16xi32>
        %shift_right_logical3A_1337 = arith.shrui %xor3A_1330, %shift_right_logical3A_1336 : vector<16xi32>
        %or3A_1338 = arith.ori %shift_left3A_1334, %shift_right_logical3A_1337 : vector<16xi32>
        %xor3A_1339 = arith.xori %or3A_1338, %add3A_1331 : vector<16xi32>
        %add3A_1340 = arith.addi %add3A_1331, %xor3A_1339 : vector<16xi32>
        %shift_left3A_1341 = arith.constant 24 : i32
        %shift_left3A_1342 = vector.broadcast %shift_left3A_1341 : i32 to vector<16xi32>
        %shift_left3A_1343 = arith.shli %xor3A_1339, %shift_left3A_1342 : vector<16xi32>
        %shift_right_logical3A_1344 = arith.constant 8 : i32
        %shift_right_logical3A_1345 = vector.broadcast %shift_right_logical3A_1344 : i32 to vector<16xi32>
        %shift_right_logical3A_1346 = arith.shrui %xor3A_1339, %shift_right_logical3A_1345 : vector<16xi32>
        %or3A_1347 = arith.ori %shift_left3A_1343, %shift_right_logical3A_1346 : vector<16xi32>
        %xor3A_1348 = arith.xori %or3A_1347, %add3A_1340 : vector<16xi32>
        %add3A_1349 = arith.constant 42 : i32
        %add3A_1350 = vector.broadcast %add3A_1349 : i32 to vector<16xi32>
        %add3A_1351 = arith.addi %add3A_1340, %add3A_1350 : vector<16xi32>
        %add3A_1352 = arith.constant 466689008 : i32
        %add3A_1353 = vector.broadcast %add3A_1352 : i32 to vector<16xi32>
        %add3A_1354 = arith.addi %xor3A_1348, %add3A_1353 : vector<16xi32>
        %add3A_1355 = arith.constant 4 : i32
        %add3A_1356 = vector.broadcast %add3A_1355 : i32 to vector<16xi32>
        %add3A_1357 = arith.addi %add3A_1354, %add3A_1356 : vector<16xi32>
        %add3A_1358 = arith.addi %add3A_1351, %add3A_1357 : vector<16xi32>
        %shift_left3A_1359 = arith.constant 13 : i32
        %shift_left3A_1360 = vector.broadcast %shift_left3A_1359 : i32 to vector<16xi32>
        %shift_left3A_1361 = arith.shli %add3A_1357, %shift_left3A_1360 : vector<16xi32>
        %shift_right_logical3A_1362 = arith.constant 19 : i32
        %shift_right_logical3A_1363 = vector.broadcast %shift_right_logical3A_1362 : i32 to vector<16xi32>
        %shift_right_logical3A_1364 = arith.shrui %add3A_1357, %shift_right_logical3A_1363 : vector<16xi32>
        %or3A_1365 = arith.ori %shift_left3A_1361, %shift_right_logical3A_1364 : vector<16xi32>
        %xor3A_1366 = arith.xori %or3A_1365, %add3A_1358 : vector<16xi32>
        %add3A_1367 = arith.addi %add3A_1358, %xor3A_1366 : vector<16xi32>
        %shift_left3A_1368 = arith.constant 15 : i32
        %shift_left3A_1369 = vector.broadcast %shift_left3A_1368 : i32 to vector<16xi32>
        %shift_left3A_1370 = arith.shli %xor3A_1366, %shift_left3A_1369 : vector<16xi32>
        %shift_right_logical3A_1371 = arith.constant 17 : i32
        %shift_right_logical3A_1372 = vector.broadcast %shift_right_logical3A_1371 : i32 to vector<16xi32>
        %shift_right_logical3A_1373 = arith.shrui %xor3A_1366, %shift_right_logical3A_1372 : vector<16xi32>
        %or3A_1374 = arith.ori %shift_left3A_1370, %shift_right_logical3A_1373 : vector<16xi32>
        %xor3A_1375 = arith.xori %or3A_1374, %add3A_1367 : vector<16xi32>
        %add3A_1376 = arith.addi %add3A_1367, %xor3A_1375 : vector<16xi32>
        %shift_left3A_1377 = arith.constant 26 : i32
        %shift_left3A_1378 = vector.broadcast %shift_left3A_1377 : i32 to vector<16xi32>
        %shift_left3A_1379 = arith.shli %xor3A_1375, %shift_left3A_1378 : vector<16xi32>
        %shift_right_logical3A_1380 = arith.constant 6 : i32
        %shift_right_logical3A_1381 = vector.broadcast %shift_right_logical3A_1380 : i32 to vector<16xi32>
        %shift_right_logical3A_1382 = arith.shrui %xor3A_1375, %shift_right_logical3A_1381 : vector<16xi32>
        %or3A_1383 = arith.ori %shift_left3A_1379, %shift_right_logical3A_1382 : vector<16xi32>
        %xor3A_1384 = arith.xori %or3A_1383, %add3A_1376 : vector<16xi32>
        %add3A_1385 = arith.addi %add3A_1376, %xor3A_1384 : vector<16xi32>
        %shift_left3A_1386 = arith.constant 6 : i32
        %shift_left3A_1387 = vector.broadcast %shift_left3A_1386 : i32 to vector<16xi32>
        %shift_left3A_1388 = arith.shli %xor3A_1384, %shift_left3A_1387 : vector<16xi32>
        %shift_right_logical3A_1389 = arith.constant 26 : i32
        %shift_right_logical3A_1390 = vector.broadcast %shift_right_logical3A_1389 : i32 to vector<16xi32>
        %shift_right_logical3A_1391 = arith.shrui %xor3A_1384, %shift_right_logical3A_1390 : vector<16xi32>
        %or3A_1392 = arith.ori %shift_left3A_1388, %shift_right_logical3A_1391 : vector<16xi32>
        %xor3A_1393 = arith.xori %or3A_1392, %add3A_1385 : vector<16xi32>
        %add3A_1394 = arith.constant 466689008 : i32
        %add3A_1395 = vector.broadcast %add3A_1394 : i32 to vector<16xi32>
        %add3A_1396 = arith.addi %add3A_1385, %add3A_1395 : vector<16xi32>
        %add3A_1397 = arith.constant 0 : i32
        %add3A_1398 = vector.broadcast %add3A_1397 : i32 to vector<16xi32>
        %add3A_1399 = arith.addi %xor3A_1393, %add3A_1398 : vector<16xi32>
        %add3A_1400 = arith.constant 5 : i32
        %add3A_1401 = vector.broadcast %add3A_1400 : i32 to vector<16xi32>
        %add3A_1402 = arith.addi %add3A_1399, %add3A_1401 : vector<16xi32>
        %xor3A_1403 = arith.xori %add3A_1396, %add3A_1402 : vector<16xi32>
        %shift_right_logical3A_1404 = arith.constant 9 : i32
        %shift_right_logical3A_1405 = vector.broadcast %shift_right_logical3A_1404 : i32 to vector<16xi32>
        %shift_right_logical3A_1406 = arith.shrui %xor3A_1403, %shift_right_logical3A_1405 : vector<16xi32>
        %or3A_1407 = arith.constant 1065353216 : i32
        %or3A_1408 = vector.broadcast %or3A_1407 : i32 to vector<16xi32>
        %or3A_1409 = arith.ori %shift_right_logical3A_1406, %or3A_1408 : vector<16xi32>
        %bitcast_convert_type3A_1410 = tpu.bitcast %or3A_1409 : vector<16xi32> -> vector<16xf32>
        %sub3A_1411 = arith.constant 1.000000e+00 : f32
        %sub3A_1412 = vector.broadcast %sub3A_1411 : f32 to vector<16xf32>
        %sub3A_1413 = arith.subf %bitcast_convert_type3A_1410, %sub3A_1412 : vector<16xf32>
        %max3A_1414 = arith.constant 9.99999968E-21 : f32
        %max3A_1415 = vector.broadcast %max3A_1414 : f32 to vector<16xf32>
        %max3A_1416 = arith.maximumf %sub3A_1413, %max3A_1415 : vector<16xf32>
        %bitcast_convert_type3A_1417 = tpu.bitcast %max3A_1416 : vector<16xf32> -> vector<16xi32>
        %shift_right_logical3A_1418 = arith.constant 23 : i32
        %shift_right_logical3A_1419 = vector.broadcast %shift_right_logical3A_1418 : i32 to vector<16xi32>
        %shift_right_logical3A_1420 = arith.shrui %bitcast_convert_type3A_1417, %shift_right_logical3A_1419 : vector<16xi32>
        %sub3A_1421 = arith.constant 127 : i32
        %sub3A_1422 = vector.broadcast %sub3A_1421 : i32 to vector<16xi32>
        %sub3A_1423 = arith.subi %shift_right_logical3A_1420, %sub3A_1422 : vector<16xi32>
        %and3A_1424 = arith.constant 8388607 : i32
        %and3A_1425 = vector.broadcast %and3A_1424 : i32 to vector<16xi32>
        %and3A_1426 = arith.andi %bitcast_convert_type3A_1417, %and3A_1425 : vector<16xi32>
        %or3A_1427 = arith.constant 1065353216 : i32
        %or3A_1428 = vector.broadcast %or3A_1427 : i32 to vector<16xi32>
        %or3A_1429 = arith.ori %and3A_1426, %or3A_1428 : vector<16xi32>
        %bitcast_convert_type3A_1430 = tpu.bitcast %or3A_1429 : vector<16xi32> -> vector<16xf32>
        %gt3A_1431 = arith.constant 1.41421354 : f32
        %gt3A_1432 = vector.broadcast %gt3A_1431 : f32 to vector<16xf32>
        %gt3A_1433 = arith.cmpf ogt, %bitcast_convert_type3A_1430, %gt3A_1432 : vector<16xf32>
        %mul3A_1434 = arith.constant 5.000000e-01 : f32
        %mul3A_1435 = vector.broadcast %mul3A_1434 : f32 to vector<16xf32>
        %mul3A_1436 = arith.mulf %bitcast_convert_type3A_1430, %mul3A_1435 : vector<16xf32>
        %select_n3A_1437 = arith.select %gt3A_1433, %mul3A_1436, %bitcast_convert_type3A_1430 : vector<16xi1>, vector<16xf32>
        %jit3A_1438 = arith.constant 1 : i32
        %jit3A_1439 = arith.constant 0 : i32
        %broadcast_in_dim3A_1440 = vector.broadcast %jit3A_1438 : i32 to vector<16xi32>
        %broadcast_in_dim3A_1441 = vector.broadcast %jit3A_1439 : i32 to vector<16xi32>
        %select_n3A_1442 = arith.select %gt3A_1433, %broadcast_in_dim3A_1440, %broadcast_in_dim3A_1441 : vector<16xi1>, vector<16xi32>
        %add3A_1443 = arith.addi %sub3A_1423, %select_n3A_1442 : vector<16xi32>
        %convert_element_type3A_1444 = arith.sitofp %add3A_1443 : vector<16xi32> to vector<16xf32>
        %sub3A_1445 = arith.constant 1.000000e+00 : f32
        %sub3A_1446 = vector.broadcast %sub3A_1445 : f32 to vector<16xf32>
        %sub3A_1447 = arith.subf %select_n3A_1437, %sub3A_1446 : vector<16xf32>
        %add3A_1448 = arith.constant 1.000000e+00 : f32
        %add3A_1449 = vector.broadcast %add3A_1448 : f32 to vector<16xf32>
        %add3A_1450 = arith.addf %select_n3A_1437, %add3A_1449 : vector<16xf32>
        %div3A_1451 = arith.divf %sub3A_1447, %add3A_1450 : vector<16xf32>
        %mul3A_1452 = arith.mulf %div3A_1451, %div3A_1451 : vector<16xf32>
        %mul3A_1453 = arith.constant 0.222222224 : f32
        %mul3A_1454 = vector.broadcast %mul3A_1453 : f32 to vector<16xf32>
        %mul3A_1455 = arith.mulf %mul3A_1454, %mul3A_1452 : vector<16xf32>
        %add3A_1456 = arith.constant 0.285714298 : f32
        %add3A_1457 = vector.broadcast %add3A_1456 : f32 to vector<16xf32>
        %add3A_1458 = arith.addf %mul3A_1455, %add3A_1457 : vector<16xf32>
        %mul3A_1459 = arith.mulf %add3A_1458, %mul3A_1452 : vector<16xf32>
        %add3A_1460 = arith.constant 4.000000e-01 : f32
        %add3A_1461 = vector.broadcast %add3A_1460 : f32 to vector<16xf32>
        %add3A_1462 = arith.addf %mul3A_1459, %add3A_1461 : vector<16xf32>
        %mul3A_1463 = arith.mulf %add3A_1462, %mul3A_1452 : vector<16xf32>
        %add3A_1464 = arith.constant 0.666666686 : f32
        %add3A_1465 = vector.broadcast %add3A_1464 : f32 to vector<16xf32>
        %add3A_1466 = arith.addf %mul3A_1463, %add3A_1465 : vector<16xf32>
        %mul3A_1467 = arith.mulf %add3A_1466, %mul3A_1452 : vector<16xf32>
        %add3A_1468 = arith.constant 2.000000e+00 : f32
        %add3A_1469 = vector.broadcast %add3A_1468 : f32 to vector<16xf32>
        %add3A_1470 = arith.addf %mul3A_1467, %add3A_1469 : vector<16xf32>
        %mul3A_1471 = arith.mulf %div3A_1451, %add3A_1470 : vector<16xf32>
        %mul3A_1472 = arith.constant 0.693147182 : f32
        %mul3A_1473 = vector.broadcast %mul3A_1472 : f32 to vector<16xf32>
        %mul3A_1474 = arith.mulf %convert_element_type3A_1444, %mul3A_1473 : vector<16xf32>
        %add3A_1475 = arith.addf %mul3A_1474, %mul3A_1471 : vector<16xf32>
        %neg3A_1476 = arith.constant 0.000000e+00 : f32
        %neg3A_1477 = vector.broadcast %neg3A_1476 : f32 to vector<16xf32>
        %neg3A_1478 = arith.subf %neg3A_1477, %add3A_1475 : vector<16xf32>
        %exp3A_1479 = math.exp %get3A_1169 : vector<16xf32>
        %mul3A_1480 = arith.mulf %exp3A_1479, %select_n3A_1159 : vector<16xf32>
        %mul3A_1481 = arith.mulf %select_n3A_1158, %neg3A_1478 : vector<16xf32>
        %gt3A_1482 = arith.cmpf ogt, %mul3A_1480, %mul3A_1481 : vector<16xf32>
        %select_n3A_1483 = arith.select %gt3A_1482, %exp3A_1479, %select_n3A_1158 : vector<16xi1>, vector<16xf32>
        %select_n3A_1484 = arith.select %gt3A_1482, %neg3A_1478, %select_n3A_1159 : vector<16xi1>, vector<16xf32>
        %select_n3A_1485 = arith.select %gt3A_1482, %add3A_1172, %select_n3A_1160 : vector<16xi1>, vector<16xi32>
        %select_n3A_1486 = arith.select %gt3A_1482, %get3A_1169, %select_n3A_1161 : vector<16xi1>, vector<16xf32>
        scf.yield %select_n3A_1483, %select_n3A_1484, %select_n3A_1485, %select_n3A_1486 : vector<16xf32>, vector<16xf32>, vector<16xi32>, vector<16xf32>
      }
      %scan3A_76 = arith.constant 12 : i32
      %div3A = arith.divf %scan3A_75#0, %scan3A_75#1 : vector<16xf32>
      %broadcast_in_dim3A_77 = vector.shape_cast %xor3A_11 : vector<16xi32> to vector<16x1xi32>
      %gather3A = vector.shape_cast %broadcast_in_dim3A_77 : vector<16x1xi32> to vector<16xi32>
      %gather3A_78 = tpu.dynamic_gather %div3A[%gather3A] in [0] : vector<16xf32>, vector<16xi32> -> vector<16xf32>
      %max3A = arith.maximumf %div3A, %gather3A_78 : vector<16xf32>
      %broadcast_in_dim3A_79 = vector.shape_cast %xor3A_14 : vector<16xi32> to vector<16x1xi32>
      %gather3A_80 = vector.shape_cast %broadcast_in_dim3A_79 : vector<16x1xi32> to vector<16xi32>
      %gather3A_81 = tpu.dynamic_gather %max3A[%gather3A_80] in [0] : vector<16xf32>, vector<16xi32> -> vector<16xf32>
      %max3A_82 = arith.maximumf %max3A, %gather3A_81 : vector<16xf32>
      %broadcast_in_dim3A_83 = vector.shape_cast %xor3A_17 : vector<16xi32> to vector<16x1xi32>
      %gather3A_84 = vector.shape_cast %broadcast_in_dim3A_83 : vector<16x1xi32> to vector<16xi32>
      %gather3A_85 = tpu.dynamic_gather %max3A_82[%gather3A_84] in [0] : vector<16xf32>, vector<16xi32> -> vector<16xf32>
      %max3A_86 = arith.maximumf %max3A_82, %gather3A_85 : vector<16xf32>
      %broadcast_in_dim3A_87 = vector.shape_cast %xor3A_20 : vector<16xi32> to vector<16x1xi32>
      %gather3A_88 = vector.shape_cast %broadcast_in_dim3A_87 : vector<16x1xi32> to vector<16xi32>
      %gather3A_89 = tpu.dynamic_gather %max3A_86[%gather3A_88] in [0] : vector<16xf32>, vector<16xi32> -> vector<16xf32>
      %max3A_90 = arith.maximumf %max3A_86, %gather3A_89 : vector<16xf32>
      %eq3A = arith.cmpf oeq, %div3A, %max3A_90 : vector<16xf32>
      %jit3A = arith.constant 2147483647 : i32
      %broadcast_in_dim3A_91 = vector.broadcast %jit3A : i32 to vector<16xi32>
      %select_n3A = arith.select %eq3A, %scan3A_75#2, %broadcast_in_dim3A_91 : vector<16xi1>, vector<16xi32>
      %broadcast_in_dim3A_92 = vector.shape_cast %xor3A_11 : vector<16xi32> to vector<16x1xi32>
      %gather3A_93 = vector.shape_cast %broadcast_in_dim3A_92 : vector<16x1xi32> to vector<16xi32>
      %gather3A_94 = tpu.dynamic_gather %select_n3A[%gather3A_93] in [0] : vector<16xi32>, vector<16xi32> -> vector<16xi32>
      %min3A = arith.minsi %select_n3A, %gather3A_94 : vector<16xi32>
      %broadcast_in_dim3A_95 = vector.shape_cast %xor3A_14 : vector<16xi32> to vector<16x1xi32>
      %gather3A_96 = vector.shape_cast %broadcast_in_dim3A_95 : vector<16x1xi32> to vector<16xi32>
      %gather3A_97 = tpu.dynamic_gather %min3A[%gather3A_96] in [0] : vector<16xi32>, vector<16xi32> -> vector<16xi32>
      %min3A_98 = arith.minsi %min3A, %gather3A_97 : vector<16xi32>
      %broadcast_in_dim3A_99 = vector.shape_cast %xor3A_17 : vector<16xi32> to vector<16x1xi32>
      %gather3A_100 = vector.shape_cast %broadcast_in_dim3A_99 : vector<16x1xi32> to vector<16xi32>
      %gather3A_101 = tpu.dynamic_gather %min3A_98[%gather3A_100] in [0] : vector<16xi32>, vector<16xi32> -> vector<16xi32>
      %min3A_102 = arith.minsi %min3A_98, %gather3A_101 : vector<16xi32>
      %broadcast_in_dim3A_103 = vector.shape_cast %xor3A_20 : vector<16xi32> to vector<16x1xi32>
      %gather3A_104 = vector.shape_cast %broadcast_in_dim3A_103 : vector<16x1xi32> to vector<16xi32>
      %gather3A_105 = tpu.dynamic_gather %min3A_102[%gather3A_104] in [0] : vector<16xi32>, vector<16xi32> -> vector<16xi32>
      %min3A_106 = arith.minsi %min3A_102, %gather3A_105 : vector<16xi32>
      %eq3A_107 = arith.cmpi eq, %scan3A_75#2, %min3A_106 : vector<16xi32>
      %jit3A_108 = arith.constant 0x7F800000 : f32
      %broadcast_in_dim3A_109 = vector.broadcast %jit3A_108 : f32 to vector<16xf32>
      %select_n3A_110 = arith.select %eq3A_107, %scan3A_75#3, %broadcast_in_dim3A_109 : vector<16xi1>, vector<16xf32>
      %broadcast_in_dim3A_111 = vector.shape_cast %xor3A_11 : vector<16xi32> to vector<16x1xi32>
      %gather3A_112 = vector.shape_cast %broadcast_in_dim3A_111 : vector<16x1xi32> to vector<16xi32>
      %gather3A_113 = tpu.dynamic_gather %select_n3A_110[%gather3A_112] in [0] : vector<16xf32>, vector<16xi32> -> vector<16xf32>
      %min3A_114 = arith.minimumf %select_n3A_110, %gather3A_113 : vector<16xf32>
      %broadcast_in_dim3A_115 = vector.shape_cast %xor3A_14 : vector<16xi32> to vector<16x1xi32>
      %gather3A_116 = vector.shape_cast %broadcast_in_dim3A_115 : vector<16x1xi32> to vector<16xi32>
      %gather3A_117 = tpu.dynamic_gather %min3A_114[%gather3A_116] in [0] : vector<16xf32>, vector<16xi32> -> vector<16xf32>
      %min3A_118 = arith.minimumf %min3A_114, %gather3A_117 : vector<16xf32>
      %broadcast_in_dim3A_119 = vector.shape_cast %xor3A_17 : vector<16xi32> to vector<16x1xi32>
      %gather3A_120 = vector.shape_cast %broadcast_in_dim3A_119 : vector<16x1xi32> to vector<16xi32>
      %gather3A_121 = tpu.dynamic_gather %min3A_118[%gather3A_120] in [0] : vector<16xf32>, vector<16xi32> -> vector<16xf32>
      %min3A_122 = arith.minimumf %min3A_118, %gather3A_121 : vector<16xf32>
      %broadcast_in_dim3A_123 = vector.shape_cast %xor3A_20 : vector<16xi32> to vector<16x1xi32>
      %gather3A_124 = vector.shape_cast %broadcast_in_dim3A_123 : vector<16x1xi32> to vector<16xi32>
      %gather3A_125 = tpu.dynamic_gather %min3A_122[%gather3A_124] in [0] : vector<16xf32>, vector<16xi32> -> vector<16xf32>
      %min3A_126 = arith.minimumf %min3A_122, %gather3A_125 : vector<16xf32>
      %jit3A_127 = arith.constant 16 : i32
      %div3A_128 = arith.divsi %scan3A_59, %jit3A_127 : i32
      %sign3A = arith.constant 0 : i32
      %sign3A_129 = arith.cmpi sgt, %scan3A_59, %sign3A : i32
      %sign3A_130 = arith.extui %sign3A_129 : i1 to i32
      %sign3A_131 = arith.constant 0 : i32
      %sign3A_132 = arith.cmpi slt, %scan3A_59, %sign3A_131 : i32
      %sign3A_133 = arith.extui %sign3A_132 : i1 to i32
      %sign3A_134 = arith.subi %sign3A_130, %sign3A_133 : i32
      %sign3A_135 = arith.constant 0 : i32
      %sign3A_136 = arith.cmpi sgt, %jit3A_127, %sign3A_135 : i32
      %sign3A_137 = arith.extui %sign3A_136 : i1 to i32
      %sign3A_138 = arith.constant 0 : i32
      %sign3A_139 = arith.cmpi slt, %jit3A_127, %sign3A_138 : i32
      %sign3A_140 = arith.extui %sign3A_139 : i1 to i32
      %sign3A_141 = arith.subi %sign3A_137, %sign3A_140 : i32
      %ne3A = arith.cmpi ne, %sign3A_134, %sign3A_141 : i32
      %rem3A = arith.remsi %scan3A_59, %jit3A_127 : i32
      %ne3A_142 = arith.constant 0 : i32
      %ne3A_143 = arith.cmpi ne, %rem3A, %ne3A_142 : i32
      %and3A = arith.andi %ne3A, %ne3A_143 : i1
      %sub3A = arith.constant 1 : i32
      %sub3A_144 = arith.subi %div3A_128, %sub3A : i32
      %select_n3A_145 = arith.select %and3A, %sub3A_144, %div3A_128 : i32
      %mul3A_146 = arith.constant 16 : i32
      %mul3A_147 = arith.muli %select_n3A_145, %mul3A_146 : i32
      %jit3A_148 = arith.constant 16 : i32
      %eq3A_149 = arith.constant 0 : i32
      %eq3A_150 = arith.cmpi eq, %jit3A_148, %eq3A_149 : i32
      %jit3A_151 = arith.constant 1 : i32
      %select_n3A_152 = arith.select %eq3A_150, %jit3A_151, %jit3A_148 : i32
      %rem3A_153 = arith.remsi %scan3A_59, %select_n3A_152 : i32
      %ne3A_154 = arith.constant 0 : i32
      %ne3A_155 = arith.cmpi ne, %rem3A_153, %ne3A_154 : i32
      %lt3A = arith.constant 0 : i32
      %lt3A_156 = arith.cmpi slt, %rem3A_153, %lt3A : i32
      %lt3A_157 = arith.constant 0 : i32
      %lt3A_158 = arith.cmpi slt, %select_n3A_152, %lt3A_157 : i32
      %ne3A_159 = arith.xori %lt3A_156, %lt3A_158 : i1
      %and3A_160 = arith.andi %ne3A_159, %ne3A_155 : i1
      %add3A_161 = arith.addi %rem3A_153, %select_n3A_152 : i32
      %select_n3A_162 = arith.select %and3A_160, %add3A_161, %rem3A_153 : i32
      %get3A = arith.constant 0 : i32
      %get3A_163 = arith.index_cast %get3A : i32 to index
      %get3A_164 = arith.index_cast %mul3A_147 : i32 to index
      %get3A_165 = tpu.vector_load %arg6[%get3A_163, %get3A_164] {strides = array<i32>} : memref<1x64xf32, #tpu.memory_space<vmem>>, vector<1x16xf32>,
      %get3A_166 = vector.shape_cast %get3A_165 : vector<1x16xf32> to vector<16xf32>
      %eq3A_167 = vector.broadcast %select_n3A_162 : i32 to vector<16xi32>
      %eq3A_168 = arith.cmpi eq, %iota3A, %eq3A_167 : vector<16xi32>
      %select_n3A_169 = arith.select %eq3A_168, %min3A_126, %get3A_166 : vector<16xi1>, vector<16xf32>
      %swap3A = arith.constant 0 : i32
      %swap3A_170 = arith.index_cast %swap3A : i32 to index
      %swap3A_171 = arith.index_cast %mul3A_147 : i32 to index
      %swap3A_172 = tpu.vector_load %arg6[%swap3A_170, %swap3A_171] {strides = array<i32>} : memref<1x64xf32, #tpu.memory_space<vmem>>, vector<1x16xf32>,
      %swap3A_173 = vector.shape_cast %swap3A_172 : vector<1x16xf32> to vector<16xf32>
      %swap3A_174 = vector.shape_cast %select_n3A_169 : vector<16xf32> to vector<1x16xf32>
      tpu.vector_store %arg6[%swap3A_170, %swap3A_171], %swap3A_174 {strides = array<i32>} : memref<1x64xf32, #tpu.memory_space<vmem>>, vector<1x16xf32>,
      %get3A_175 = arith.constant 0 : i32
      %get3A_176 = arith.index_cast %get3A_175 : i32 to index
      %get3A_177 = arith.index_cast %mul3A_147 : i32 to index
      %get3A_178 = tpu.vector_load %arg7[%get3A_176, %get3A_177] {strides = array<i32>} : memref<1x64xi32, #tpu.memory_space<vmem>>, vector<1x16xi32>,
      %get3A_179 = vector.shape_cast %get3A_178 : vector<1x16xi32> to vector<16xi32>
      %eq3A_180 = vector.broadcast %select_n3A_162 : i32 to vector<16xi32>
      %eq3A_181 = arith.cmpi eq, %iota3A, %eq3A_180 : vector<16xi32>
      %select_n3A_182 = arith.select %eq3A_181, %min3A_106, %get3A_179 : vector<16xi1>, vector<16xi32>
      %swap3A_183 = arith.constant 0 : i32
      %swap3A_184 = arith.index_cast %swap3A_183 : i32 to index
      %swap3A_185 = arith.index_cast %mul3A_147 : i32 to index
      %swap3A_186 = tpu.vector_load %arg7[%swap3A_184, %swap3A_185] {strides = array<i32>} : memref<1x64xi32, #tpu.memory_space<vmem>>, vector<1x16xi32>,
      %swap3A_187 = vector.shape_cast %swap3A_186 : vector<1x16xi32> to vector<16xi32>
      %swap3A_188 = vector.shape_cast %select_n3A_182 : vector<16xi32> to vector<1x16xi32>
      tpu.vector_store %arg7[%swap3A_184, %swap3A_185], %swap3A_188 {strides = array<i32>} : memref<1x64xi32, #tpu.memory_space<vmem>>, vector<1x16xi32>,
      %scan3A_189 = arith.constant 0 : i32
      scf.yield %scan3A_189 : i32
    }
    %scan3A_26 = arith.constant 64 : i32
    %dma_start3A_27 = arith.constant 0 : i32
    %dma_start3A_28 = arith.constant 0 : i32
    %dma_start3A_29 = tpu.memref_slice %arg3[%add3A, %dma_start3A_27, %dma_start3A_28] : memref<32x1x64xf32, #tpu.memory_space<hbm>> -> memref<1x1x64xf32, #tpu.memory_space<hbm>>
    %dma_start3A_30 = tpu.memref_squeeze %dma_start3A_29 : memref<1x1x64xf32, #tpu.memory_space<hbm>> -> memref<1x64xf32, #tpu.memory_space<hbm>>
    %dma_start3A_31 = arith.constant 0 : i32
    %dma_start3A_32 = arith.constant 0 : i32
    %dma_start3A_33 = tpu.memref_slice %arg3[%add3A, %dma_start3A_31, %dma_start3A_32] : memref<32x1x64xf32, #tpu.memory_space<hbm>> -> memref<1x1x64xf32, #tpu.memory_space<hbm>>
    %dma_start3A_34 = tpu.memref_squeeze %dma_start3A_33 : memref<1x1x64xf32, #tpu.memory_space<hbm>> -> memref<1x64xf32, #tpu.memory_space<hbm>>
    tpu.enqueue_dma source(%arg6 : memref<1x64xf32, #tpu.memory_space<vmem>>) target(%dma_start3A_34 : memref<1x64xf32, #tpu.memory_space<hbm>>) target_semaphore(%arg9 : memref<!tpu.dma_semaphore, #tpu.memory_space<semaphore_mem>>)
    %dma_start3A_35 = arith.constant 0 : i32
    %dma_start3A_36 = arith.constant 0 : i32
    %dma_start3A_37 = tpu.memref_slice %arg4[%add3A, %dma_start3A_35, %dma_start3A_36] : memref<32x1x64xi32, #tpu.memory_space<hbm>> -> memref<1x1x64xi32, #tpu.memory_space<hbm>>
    %dma_start3A_38 = tpu.memref_squeeze %dma_start3A_37 : memref<1x1x64xi32, #tpu.memory_space<hbm>> -> memref<1x64xi32, #tpu.memory_space<hbm>>
    %dma_start3A_39 = arith.constant 0 : i32
    %dma_start3A_40 = arith.constant 0 : i32
    %dma_start3A_41 = tpu.memref_slice %arg4[%add3A, %dma_start3A_39, %dma_start3A_40] : memref<32x1x64xi32, #tpu.memory_space<hbm>> -> memref<1x1x64xi32, #tpu.memory_space<hbm>>
    %dma_start3A_42 = tpu.memref_squeeze %dma_start3A_41 : memref<1x1x64xi32, #tpu.memory_space<hbm>> -> memref<1x64xi32, #tpu.memory_space<hbm>>
    tpu.enqueue_dma source(%arg7 : memref<1x64xi32, #tpu.memory_space<vmem>>) target(%dma_start3A_42 : memref<1x64xi32, #tpu.memory_space<hbm>>) target_semaphore(%arg10 : memref<!tpu.dma_semaphore, #tpu.memory_space<semaphore_mem>>)
    %dma_wait3A_43 = arith.constant 0 : i32
    %dma_wait3A_44 = arith.constant 0 : i32
    %dma_wait3A_45 = tpu.memref_slice %arg3[%add3A, %dma_wait3A_43, %dma_wait3A_44] : memref<32x1x64xf32, #tpu.memory_space<hbm>> -> memref<1x1x64xf32, #tpu.memory_space<hbm>>
    %dma_wait3A_46 = tpu.memref_squeeze %dma_wait3A_45 : memref<1x1x64xf32, #tpu.memory_space<hbm>> -> memref<1x64xf32, #tpu.memory_space<hbm>>
    %dma_wait3A_47 = arith.constant 0 : i32
    %dma_wait3A_48 = arith.constant 0 : i32
    %dma_wait3A_49 = tpu.memref_slice %arg3[%add3A, %dma_wait3A_47, %dma_wait3A_48] : memref<32x1x64xf32, #tpu.memory_space<hbm>> -> memref<1x1x64xf32, #tpu.memory_space<hbm>>
    %dma_wait3A_50 = tpu.memref_squeeze %dma_wait3A_49 : memref<1x1x64xf32, #tpu.memory_space<hbm>> -> memref<1x64xf32, #tpu.memory_space<hbm>>
    tpu.wait_dma2 semaphore(%arg9 : memref<!tpu.dma_semaphore, #tpu.memory_space<semaphore_mem>>) src(%arg6 : memref<1x64xf32, #tpu.memory_space<vmem>>) dst(%dma_wait3A_50 : memref<1x64xf32, #tpu.memory_space<hbm>>)
    %dma_wait3A_51 = arith.constant 0 : i32
    %dma_wait3A_52 = arith.constant 0 : i32
    %dma_wait3A_53 = tpu.memref_slice %arg4[%add3A, %dma_wait3A_51, %dma_wait3A_52] : memref<32x1x64xi32, #tpu.memory_space<hbm>> -> memref<1x1x64xi32, #tpu.memory_space<hbm>>
    %dma_wait3A_54 = tpu.memref_squeeze %dma_wait3A_53 : memref<1x1x64xi32, #tpu.memory_space<hbm>> -> memref<1x64xi32, #tpu.memory_space<hbm>>
    %dma_wait3A_55 = arith.constant 0 : i32
    %dma_wait3A_56 = arith.constant 0 : i32
    %dma_wait3A_57 = tpu.memref_slice %arg4[%add3A, %dma_wait3A_55, %dma_wait3A_56] : memref<32x1x64xi32, #tpu.memory_space<hbm>> -> memref<1x1x64xi32, #tpu.memory_space<hbm>>
    %dma_wait3A_58 = tpu.memref_squeeze %dma_wait3A_57 : memref<1x1x64xi32, #tpu.memory_space<hbm>> -> memref<1x64xi32, #tpu.memory_space<hbm>>
    tpu.wait_dma2 semaphore(%arg10 : memref<!tpu.dma_semaphore, #tpu.memory_space<semaphore_mem>>) src(%arg7 : memref<1x64xi32, #tpu.memory_space<vmem>>) dst(%dma_wait3A_58 : memref<1x64xi32, #tpu.memory_space<hbm>>)
    return
  }
}

module attributes {stable_mosaic.version = 14 : i64} {
  func.func @_tc_kernel(%arg0: i32, %arg1: memref<64x8192xf32, #tpu.memory_space<vmem>>, %arg2: memref<1x64xi32, #tpu.memory_space<vmem>>, %arg3: memref<1x64xf32, #tpu.memory_space<vmem>>, %arg4: memref<64x128xf32, #tpu.memory_space<vmem>>, %arg5: memref<64x128xi32, #tpu.memory_space<vmem>>) attributes {dimension_semantics = [#tpu.dimension_semantics<arbitrary>], iteration_bounds = array<i64: 10>, scalar_prefetch = 0 : i64, scratch_operands = 2 : i64, tpu.core_type = #tpu.core_type<tc>, window_params = [{transform_indices = @transform_0, window_bounds = array<i64: 64, 8192>}, {pipeline_mode = #tpu.pipeline_mode<synchronous>, transform_indices = @transform_1, window_bounds = array<i64: 1, 64>}, {pipeline_mode = #tpu.pipeline_mode<synchronous>, transform_indices = @transform_2, window_bounds = array<i64: 1, 64>}]} {
    %eq3A = arith.constant 0 : i32
    %eq3A_0 = arith.cmpi eq, %arg0, %eq3A : i32
    %convert_element_type3A = arith.extui %eq3A_0 : i1 to i32
    %cond3A = arith.constant 0 : i32
    %cond3A_1 = arith.cmpi ne, %convert_element_type3A, %cond3A : i32
    scf.if %cond3A_1 {
      %broadcast_in_dim3A_1402 = arith.constant 0xFF800000 : f32
      %broadcast_in_dim3A_1403 = vector.broadcast %broadcast_in_dim3A_1402 : f32 to vector<64x128xf32>
      %swap3A_1404 = arith.constant 0 : index
      %swap3A_1405 = arith.constant 0 : index
      %swap3A_1406 = vector.load %arg4[%swap3A_1404, %swap3A_1405] : memref<64x128xf32, #tpu.memory_space<vmem>>, vector<64x128xf32>
      tpu.vector_store %arg4[%swap3A_1404, %swap3A_1405], %broadcast_in_dim3A_1403 {strides = array<i32>} : memref<64x128xf32, #tpu.memory_space<vmem>>, vector<64x128xf32>,
      %broadcast_in_dim3A_1407 = arith.constant 0 : i32
      %broadcast_in_dim3A_1408 = vector.broadcast %broadcast_in_dim3A_1407 : i32 to vector<64x128xi32>
      %swap3A_1409 = arith.constant 0 : index
      %swap3A_1410 = arith.constant 0 : index
      %swap3A_1411 = vector.load %arg5[%swap3A_1409, %swap3A_1410] : memref<64x128xi32, #tpu.memory_space<vmem>>, vector<64x128xi32>
      tpu.vector_store %arg5[%swap3A_1409, %swap3A_1410], %broadcast_in_dim3A_1408 {strides = array<i32>} : memref<64x128xi32, #tpu.memory_space<vmem>>, vector<64x128xi32>,
    } else {
    }
    %get3A = arith.constant 0 : index
    %get3A_2 = arith.constant 0 : index
    %get3A_3 = vector.load %arg4[%get3A, %get3A_2] : memref<64x128xf32, #tpu.memory_space<vmem>>, vector<64x128xf32>
    %get3A_4 = arith.constant 0 : index
    %get3A_5 = arith.constant 0 : index
    %get3A_6 = vector.load %arg5[%get3A_4, %get3A_5] : memref<64x128xi32, #tpu.memory_space<vmem>>, vector<64x128xi32>
    %iota3A = tpu.iota {dimensions = array<i32: 0>} : vector<64x2048xi32>
    %mul3A = arith.constant 100000 : i32
    %mul3A_7 = vector.broadcast %mul3A : i32 to vector<64x2048xi32>
    %mul3A_8 = arith.muli %iota3A, %mul3A_7 : vector<64x2048xi32>
    %iota3A_9 = tpu.iota {dimensions = array<i32: 1>} : vector<64x2048xi32>
    %add3A = arith.addi %mul3A_8, %iota3A_9 : vector<64x2048xi32>
    %iota3A_10 = tpu.iota {dimensions = array<i32: 1>} : vector<64x2048xi32>
    %mul3A_11 = arith.constant 8192 : i32
    %mul3A_12 = arith.muli %arg0, %mul3A_11 : i32
    %add3A_13 = arith.constant 0 : i32
    %add3A_14 = arith.addi %mul3A_12, %add3A_13 : i32
    %add3A_15 = arith.constant 24576 : i32
    %add3A_16 = arith.addi %add3A_14, %add3A_15 : i32
    %add3A_17 = vector.broadcast %add3A_16 : i32 to vector<64x2048xi32>
    %add3A_18 = arith.addi %iota3A_10, %add3A_17 : vector<64x2048xi32>
    %add3A_19 = vector.broadcast %add3A_16 : i32 to vector<64x2048xi32>
    %add3A_20 = arith.addi %add3A, %add3A_19 : vector<64x2048xi32>
    %add3A_21 = arith.constant 42 : i32
    %add3A_22 = vector.broadcast %add3A_21 : i32 to vector<64x2048xi32>
    %add3A_23 = arith.addi %add3A_20, %add3A_22 : vector<64x2048xi32>
    %shift_left3A = arith.constant 13 : i32
    %shift_left3A_24 = vector.broadcast %shift_left3A : i32 to vector<64x2048xi32>
    %shift_left3A_25 = arith.shli %add3A_23, %shift_left3A_24 : vector<64x2048xi32>
    %shift_right_logical3A = arith.constant 19 : i32
    %shift_right_logical3A_26 = vector.broadcast %shift_right_logical3A : i32 to vector<64x2048xi32>
    %shift_right_logical3A_27 = arith.shrui %add3A_23, %shift_right_logical3A_26 : vector<64x2048xi32>
    %or3A = arith.ori %shift_left3A_25, %shift_right_logical3A_27 : vector<64x2048xi32>
    %xor3A = arith.xori %or3A, %add3A_23 : vector<64x2048xi32>
    %add3A_28 = arith.addi %add3A_23, %xor3A : vector<64x2048xi32>
    %shift_left3A_29 = arith.constant 15 : i32
    %shift_left3A_30 = vector.broadcast %shift_left3A_29 : i32 to vector<64x2048xi32>
    %shift_left3A_31 = arith.shli %xor3A, %shift_left3A_30 : vector<64x2048xi32>
    %shift_right_logical3A_32 = arith.constant 17 : i32
    %shift_right_logical3A_33 = vector.broadcast %shift_right_logical3A_32 : i32 to vector<64x2048xi32>
    %shift_right_logical3A_34 = arith.shrui %xor3A, %shift_right_logical3A_33 : vector<64x2048xi32>
    %or3A_35 = arith.ori %shift_left3A_31, %shift_right_logical3A_34 : vector<64x2048xi32>
    %xor3A_36 = arith.xori %or3A_35, %add3A_28 : vector<64x2048xi32>
    %add3A_37 = arith.addi %add3A_28, %xor3A_36 : vector<64x2048xi32>
    %shift_left3A_38 = arith.constant 26 : i32
    %shift_left3A_39 = vector.broadcast %shift_left3A_38 : i32 to vector<64x2048xi32>
    %shift_left3A_40 = arith.shli %xor3A_36, %shift_left3A_39 : vector<64x2048xi32>
    %shift_right_logical3A_41 = arith.constant 6 : i32
    %shift_right_logical3A_42 = vector.broadcast %shift_right_logical3A_41 : i32 to vector<64x2048xi32>
    %shift_right_logical3A_43 = arith.shrui %xor3A_36, %shift_right_logical3A_42 : vector<64x2048xi32>
    %or3A_44 = arith.ori %shift_left3A_40, %shift_right_logical3A_43 : vector<64x2048xi32>
    %xor3A_45 = arith.xori %or3A_44, %add3A_37 : vector<64x2048xi32>
    %add3A_46 = arith.addi %add3A_37, %xor3A_45 : vector<64x2048xi32>
    %shift_left3A_47 = arith.constant 6 : i32
    %shift_left3A_48 = vector.broadcast %shift_left3A_47 : i32 to vector<64x2048xi32>
    %shift_left3A_49 = arith.shli %xor3A_45, %shift_left3A_48 : vector<64x2048xi32>
    %shift_right_logical3A_50 = arith.constant 26 : i32
    %shift_right_logical3A_51 = vector.broadcast %shift_right_logical3A_50 : i32 to vector<64x2048xi32>
    %shift_right_logical3A_52 = arith.shrui %xor3A_45, %shift_right_logical3A_51 : vector<64x2048xi32>
    %or3A_53 = arith.ori %shift_left3A_49, %shift_right_logical3A_52 : vector<64x2048xi32>
    %xor3A_54 = arith.xori %or3A_53, %add3A_46 : vector<64x2048xi32>
    %add3A_55 = arith.constant 42 : i32
    %add3A_56 = vector.broadcast %add3A_55 : i32 to vector<64x2048xi32>
    %add3A_57 = arith.addi %add3A_46, %add3A_56 : vector<64x2048xi32>
    %add3A_58 = arith.constant 466689008 : i32
    %add3A_59 = vector.broadcast %add3A_58 : i32 to vector<64x2048xi32>
    %add3A_60 = arith.addi %xor3A_54, %add3A_59 : vector<64x2048xi32>
    %add3A_61 = arith.constant 1 : i32
    %add3A_62 = vector.broadcast %add3A_61 : i32 to vector<64x2048xi32>
    %add3A_63 = arith.addi %add3A_60, %add3A_62 : vector<64x2048xi32>
    %add3A_64 = arith.addi %add3A_57, %add3A_63 : vector<64x2048xi32>
    %shift_left3A_65 = arith.constant 17 : i32
    %shift_left3A_66 = vector.broadcast %shift_left3A_65 : i32 to vector<64x2048xi32>
    %shift_left3A_67 = arith.shli %add3A_63, %shift_left3A_66 : vector<64x2048xi32>
    %shift_right_logical3A_68 = arith.constant 15 : i32
    %shift_right_logical3A_69 = vector.broadcast %shift_right_logical3A_68 : i32 to vector<64x2048xi32>
    %shift_right_logical3A_70 = arith.shrui %add3A_63, %shift_right_logical3A_69 : vector<64x2048xi32>
    %or3A_71 = arith.ori %shift_left3A_67, %shift_right_logical3A_70 : vector<64x2048xi32>
    %xor3A_72 = arith.xori %or3A_71, %add3A_64 : vector<64x2048xi32>
    %add3A_73 = arith.addi %add3A_64, %xor3A_72 : vector<64x2048xi32>
    %shift_left3A_74 = arith.constant 29 : i32
    %shift_left3A_75 = vector.broadcast %shift_left3A_74 : i32 to vector<64x2048xi32>
    %shift_left3A_76 = arith.shli %xor3A_72, %shift_left3A_75 : vector<64x2048xi32>
    %shift_right_logical3A_77 = arith.constant 3 : i32
    %shift_right_logical3A_78 = vector.broadcast %shift_right_logical3A_77 : i32 to vector<64x2048xi32>
    %shift_right_logical3A_79 = arith.shrui %xor3A_72, %shift_right_logical3A_78 : vector<64x2048xi32>
    %or3A_80 = arith.ori %shift_left3A_76, %shift_right_logical3A_79 : vector<64x2048xi32>
    %xor3A_81 = arith.xori %or3A_80, %add3A_73 : vector<64x2048xi32>
    %add3A_82 = arith.addi %add3A_73, %xor3A_81 : vector<64x2048xi32>
    %shift_left3A_83 = arith.constant 16 : i32
    %shift_left3A_84 = vector.broadcast %shift_left3A_83 : i32 to vector<64x2048xi32>
    %shift_left3A_85 = arith.shli %xor3A_81, %shift_left3A_84 : vector<64x2048xi32>
    %shift_right_logical3A_86 = arith.constant 16 : i32
    %shift_right_logical3A_87 = vector.broadcast %shift_right_logical3A_86 : i32 to vector<64x2048xi32>
    %shift_right_logical3A_88 = arith.shrui %xor3A_81, %shift_right_logical3A_87 : vector<64x2048xi32>
    %or3A_89 = arith.ori %shift_left3A_85, %shift_right_logical3A_88 : vector<64x2048xi32>
    %xor3A_90 = arith.xori %or3A_89, %add3A_82 : vector<64x2048xi32>
    %add3A_91 = arith.addi %add3A_82, %xor3A_90 : vector<64x2048xi32>
    %shift_left3A_92 = arith.constant 24 : i32
    %shift_left3A_93 = vector.broadcast %shift_left3A_92 : i32 to vector<64x2048xi32>
    %shift_left3A_94 = arith.shli %xor3A_90, %shift_left3A_93 : vector<64x2048xi32>
    %shift_right_logical3A_95 = arith.constant 8 : i32
    %shift_right_logical3A_96 = vector.broadcast %shift_right_logical3A_95 : i32 to vector<64x2048xi32>
    %shift_right_logical3A_97 = arith.shrui %xor3A_90, %shift_right_logical3A_96 : vector<64x2048xi32>
    %or3A_98 = arith.ori %shift_left3A_94, %shift_right_logical3A_97 : vector<64x2048xi32>
    %xor3A_99 = arith.xori %or3A_98, %add3A_91 : vector<64x2048xi32>
    %add3A_100 = arith.constant 466689008 : i32
    %add3A_101 = vector.broadcast %add3A_100 : i32 to vector<64x2048xi32>
    %add3A_102 = arith.addi %add3A_91, %add3A_101 : vector<64x2048xi32>
    %add3A_103 = arith.constant 0 : i32
    %add3A_104 = vector.broadcast %add3A_103 : i32 to vector<64x2048xi32>
    %add3A_105 = arith.addi %xor3A_99, %add3A_104 : vector<64x2048xi32>
    %add3A_106 = arith.constant 2 : i32
    %add3A_107 = vector.broadcast %add3A_106 : i32 to vector<64x2048xi32>
    %add3A_108 = arith.addi %add3A_105, %add3A_107 : vector<64x2048xi32>
    %add3A_109 = arith.addi %add3A_102, %add3A_108 : vector<64x2048xi32>
    %shift_left3A_110 = arith.constant 13 : i32
    %shift_left3A_111 = vector.broadcast %shift_left3A_110 : i32 to vector<64x2048xi32>
    %shift_left3A_112 = arith.shli %add3A_108, %shift_left3A_111 : vector<64x2048xi32>
    %shift_right_logical3A_113 = arith.constant 19 : i32
    %shift_right_logical3A_114 = vector.broadcast %shift_right_logical3A_113 : i32 to vector<64x2048xi32>
    %shift_right_logical3A_115 = arith.shrui %add3A_108, %shift_right_logical3A_114 : vector<64x2048xi32>
    %or3A_116 = arith.ori %shift_left3A_112, %shift_right_logical3A_115 : vector<64x2048xi32>
    %xor3A_117 = arith.xori %or3A_116, %add3A_109 : vector<64x2048xi32>
    %add3A_118 = arith.addi %add3A_109, %xor3A_117 : vector<64x2048xi32>
    %shift_left3A_119 = arith.constant 15 : i32
    %shift_left3A_120 = vector.broadcast %shift_left3A_119 : i32 to vector<64x2048xi32>
    %shift_left3A_121 = arith.shli %xor3A_117, %shift_left3A_120 : vector<64x2048xi32>
    %shift_right_logical3A_122 = arith.constant 17 : i32
    %shift_right_logical3A_123 = vector.broadcast %shift_right_logical3A_122 : i32 to vector<64x2048xi32>
    %shift_right_logical3A_124 = arith.shrui %xor3A_117, %shift_right_logical3A_123 : vector<64x2048xi32>
    %or3A_125 = arith.ori %shift_left3A_121, %shift_right_logical3A_124 : vector<64x2048xi32>
    %xor3A_126 = arith.xori %or3A_125, %add3A_118 : vector<64x2048xi32>
    %add3A_127 = arith.addi %add3A_118, %xor3A_126 : vector<64x2048xi32>
    %shift_left3A_128 = arith.constant 26 : i32
    %shift_left3A_129 = vector.broadcast %shift_left3A_128 : i32 to vector<64x2048xi32>
    %shift_left3A_130 = arith.shli %xor3A_126, %shift_left3A_129 : vector<64x2048xi32>
    %shift_right_logical3A_131 = arith.constant 6 : i32
    %shift_right_logical3A_132 = vector.broadcast %shift_right_logical3A_131 : i32 to vector<64x2048xi32>
    %shift_right_logical3A_133 = arith.shrui %xor3A_126, %shift_right_logical3A_132 : vector<64x2048xi32>
    %or3A_134 = arith.ori %shift_left3A_130, %shift_right_logical3A_133 : vector<64x2048xi32>
    %xor3A_135 = arith.xori %or3A_134, %add3A_127 : vector<64x2048xi32>
    %add3A_136 = arith.addi %add3A_127, %xor3A_135 : vector<64x2048xi32>
    %shift_left3A_137 = arith.constant 6 : i32
    %shift_left3A_138 = vector.broadcast %shift_left3A_137 : i32 to vector<64x2048xi32>
    %shift_left3A_139 = arith.shli %xor3A_135, %shift_left3A_138 : vector<64x2048xi32>
    %shift_right_logical3A_140 = arith.constant 26 : i32
    %shift_right_logical3A_141 = vector.broadcast %shift_right_logical3A_140 : i32 to vector<64x2048xi32>
    %shift_right_logical3A_142 = arith.shrui %xor3A_135, %shift_right_logical3A_141 : vector<64x2048xi32>
    %or3A_143 = arith.ori %shift_left3A_139, %shift_right_logical3A_142 : vector<64x2048xi32>
    %xor3A_144 = arith.xori %or3A_143, %add3A_136 : vector<64x2048xi32>
    %add3A_145 = arith.constant 0 : i32
    %add3A_146 = vector.broadcast %add3A_145 : i32 to vector<64x2048xi32>
    %add3A_147 = arith.addi %add3A_136, %add3A_146 : vector<64x2048xi32>
    %add3A_148 = arith.constant 42 : i32
    %add3A_149 = vector.broadcast %add3A_148 : i32 to vector<64x2048xi32>
    %add3A_150 = arith.addi %xor3A_144, %add3A_149 : vector<64x2048xi32>
    %add3A_151 = arith.constant 3 : i32
    %add3A_152 = vector.broadcast %add3A_151 : i32 to vector<64x2048xi32>
    %add3A_153 = arith.addi %add3A_150, %add3A_152 : vector<64x2048xi32>
    %add3A_154 = arith.addi %add3A_147, %add3A_153 : vector<64x2048xi32>
    %shift_left3A_155 = arith.constant 17 : i32
    %shift_left3A_156 = vector.broadcast %shift_left3A_155 : i32 to vector<64x2048xi32>
    %shift_left3A_157 = arith.shli %add3A_153, %shift_left3A_156 : vector<64x2048xi32>
    %shift_right_logical3A_158 = arith.constant 15 : i32
    %shift_right_logical3A_159 = vector.broadcast %shift_right_logical3A_158 : i32 to vector<64x2048xi32>
    %shift_right_logical3A_160 = arith.shrui %add3A_153, %shift_right_logical3A_159 : vector<64x2048xi32>
    %or3A_161 = arith.ori %shift_left3A_157, %shift_right_logical3A_160 : vector<64x2048xi32>
    %xor3A_162 = arith.xori %or3A_161, %add3A_154 : vector<64x2048xi32>
    %add3A_163 = arith.addi %add3A_154, %xor3A_162 : vector<64x2048xi32>
    %shift_left3A_164 = arith.constant 29 : i32
    %shift_left3A_165 = vector.broadcast %shift_left3A_164 : i32 to vector<64x2048xi32>
    %shift_left3A_166 = arith.shli %xor3A_162, %shift_left3A_165 : vector<64x2048xi32>
    %shift_right_logical3A_167 = arith.constant 3 : i32
    %shift_right_logical3A_168 = vector.broadcast %shift_right_logical3A_167 : i32 to vector<64x2048xi32>
    %shift_right_logical3A_169 = arith.shrui %xor3A_162, %shift_right_logical3A_168 : vector<64x2048xi32>
    %or3A_170 = arith.ori %shift_left3A_166, %shift_right_logical3A_169 : vector<64x2048xi32>
    %xor3A_171 = arith.xori %or3A_170, %add3A_163 : vector<64x2048xi32>
    %add3A_172 = arith.addi %add3A_163, %xor3A_171 : vector<64x2048xi32>
    %shift_left3A_173 = arith.constant 16 : i32
    %shift_left3A_174 = vector.broadcast %shift_left3A_173 : i32 to vector<64x2048xi32>
    %shift_left3A_175 = arith.shli %xor3A_171, %shift_left3A_174 : vector<64x2048xi32>
    %shift_right_logical3A_176 = arith.constant 16 : i32
    %shift_right_logical3A_177 = vector.broadcast %shift_right_logical3A_176 : i32 to vector<64x2048xi32>
    %shift_right_logical3A_178 = arith.shrui %xor3A_171, %shift_right_logical3A_177 : vector<64x2048xi32>
    %or3A_179 = arith.ori %shift_left3A_175, %shift_right_logical3A_178 : vector<64x2048xi32>
    %xor3A_180 = arith.xori %or3A_179, %add3A_172 : vector<64x2048xi32>
    %add3A_181 = arith.addi %add3A_172, %xor3A_180 : vector<64x2048xi32>
    %shift_left3A_182 = arith.constant 24 : i32
    %shift_left3A_183 = vector.broadcast %shift_left3A_182 : i32 to vector<64x2048xi32>
    %shift_left3A_184 = arith.shli %xor3A_180, %shift_left3A_183 : vector<64x2048xi32>
    %shift_right_logical3A_185 = arith.constant 8 : i32
    %shift_right_logical3A_186 = vector.broadcast %shift_right_logical3A_185 : i32 to vector<64x2048xi32>
    %shift_right_logical3A_187 = arith.shrui %xor3A_180, %shift_right_logical3A_186 : vector<64x2048xi32>
    %or3A_188 = arith.ori %shift_left3A_184, %shift_right_logical3A_187 : vector<64x2048xi32>
    %xor3A_189 = arith.xori %or3A_188, %add3A_181 : vector<64x2048xi32>
    %add3A_190 = arith.constant 42 : i32
    %add3A_191 = vector.broadcast %add3A_190 : i32 to vector<64x2048xi32>
    %add3A_192 = arith.addi %add3A_181, %add3A_191 : vector<64x2048xi32>
    %add3A_193 = arith.constant 466689008 : i32
    %add3A_194 = vector.broadcast %add3A_193 : i32 to vector<64x2048xi32>
    %add3A_195 = arith.addi %xor3A_189, %add3A_194 : vector<64x2048xi32>
    %add3A_196 = arith.constant 4 : i32
    %add3A_197 = vector.broadcast %add3A_196 : i32 to vector<64x2048xi32>
    %add3A_198 = arith.addi %add3A_195, %add3A_197 : vector<64x2048xi32>
    %add3A_199 = arith.addi %add3A_192, %add3A_198 : vector<64x2048xi32>
    %shift_left3A_200 = arith.constant 13 : i32
    %shift_left3A_201 = vector.broadcast %shift_left3A_200 : i32 to vector<64x2048xi32>
    %shift_left3A_202 = arith.shli %add3A_198, %shift_left3A_201 : vector<64x2048xi32>
    %shift_right_logical3A_203 = arith.constant 19 : i32
    %shift_right_logical3A_204 = vector.broadcast %shift_right_logical3A_203 : i32 to vector<64x2048xi32>
    %shift_right_logical3A_205 = arith.shrui %add3A_198, %shift_right_logical3A_204 : vector<64x2048xi32>
    %or3A_206 = arith.ori %shift_left3A_202, %shift_right_logical3A_205 : vector<64x2048xi32>
    %xor3A_207 = arith.xori %or3A_206, %add3A_199 : vector<64x2048xi32>
    %add3A_208 = arith.addi %add3A_199, %xor3A_207 : vector<64x2048xi32>
    %shift_left3A_209 = arith.constant 15 : i32
    %shift_left3A_210 = vector.broadcast %shift_left3A_209 : i32 to vector<64x2048xi32>
    %shift_left3A_211 = arith.shli %xor3A_207, %shift_left3A_210 : vector<64x2048xi32>
    %shift_right_logical3A_212 = arith.constant 17 : i32
    %shift_right_logical3A_213 = vector.broadcast %shift_right_logical3A_212 : i32 to vector<64x2048xi32>
    %shift_right_logical3A_214 = arith.shrui %xor3A_207, %shift_right_logical3A_213 : vector<64x2048xi32>
    %or3A_215 = arith.ori %shift_left3A_211, %shift_right_logical3A_214 : vector<64x2048xi32>
    %xor3A_216 = arith.xori %or3A_215, %add3A_208 : vector<64x2048xi32>
    %add3A_217 = arith.addi %add3A_208, %xor3A_216 : vector<64x2048xi32>
    %shift_left3A_218 = arith.constant 26 : i32
    %shift_left3A_219 = vector.broadcast %shift_left3A_218 : i32 to vector<64x2048xi32>
    %shift_left3A_220 = arith.shli %xor3A_216, %shift_left3A_219 : vector<64x2048xi32>
    %shift_right_logical3A_221 = arith.constant 6 : i32
    %shift_right_logical3A_222 = vector.broadcast %shift_right_logical3A_221 : i32 to vector<64x2048xi32>
    %shift_right_logical3A_223 = arith.shrui %xor3A_216, %shift_right_logical3A_222 : vector<64x2048xi32>
    %or3A_224 = arith.ori %shift_left3A_220, %shift_right_logical3A_223 : vector<64x2048xi32>
    %xor3A_225 = arith.xori %or3A_224, %add3A_217 : vector<64x2048xi32>
    %add3A_226 = arith.addi %add3A_217, %xor3A_225 : vector<64x2048xi32>
    %shift_left3A_227 = arith.constant 6 : i32
    %shift_left3A_228 = vector.broadcast %shift_left3A_227 : i32 to vector<64x2048xi32>
    %shift_left3A_229 = arith.shli %xor3A_225, %shift_left3A_228 : vector<64x2048xi32>
    %shift_right_logical3A_230 = arith.constant 26 : i32
    %shift_right_logical3A_231 = vector.broadcast %shift_right_logical3A_230 : i32 to vector<64x2048xi32>
    %shift_right_logical3A_232 = arith.shrui %xor3A_225, %shift_right_logical3A_231 : vector<64x2048xi32>
    %or3A_233 = arith.ori %shift_left3A_229, %shift_right_logical3A_232 : vector<64x2048xi32>
    %xor3A_234 = arith.xori %or3A_233, %add3A_226 : vector<64x2048xi32>
    %add3A_235 = arith.constant 466689008 : i32
    %add3A_236 = vector.broadcast %add3A_235 : i32 to vector<64x2048xi32>
    %add3A_237 = arith.addi %add3A_226, %add3A_236 : vector<64x2048xi32>
    %add3A_238 = arith.constant 0 : i32
    %add3A_239 = vector.broadcast %add3A_238 : i32 to vector<64x2048xi32>
    %add3A_240 = arith.addi %xor3A_234, %add3A_239 : vector<64x2048xi32>
    %add3A_241 = arith.constant 5 : i32
    %add3A_242 = vector.broadcast %add3A_241 : i32 to vector<64x2048xi32>
    %add3A_243 = arith.addi %add3A_240, %add3A_242 : vector<64x2048xi32>
    %xor3A_244 = arith.xori %add3A_237, %add3A_243 : vector<64x2048xi32>
    %shift_right_logical3A_245 = arith.constant 9 : i32
    %shift_right_logical3A_246 = vector.broadcast %shift_right_logical3A_245 : i32 to vector<64x2048xi32>
    %shift_right_logical3A_247 = arith.shrui %xor3A_244, %shift_right_logical3A_246 : vector<64x2048xi32>
    %or3A_248 = arith.constant 1065353216 : i32
    %or3A_249 = vector.broadcast %or3A_248 : i32 to vector<64x2048xi32>
    %or3A_250 = arith.ori %shift_right_logical3A_247, %or3A_249 : vector<64x2048xi32>
    %bitcast_convert_type3A = tpu.bitcast %or3A_250 : vector<64x2048xi32> -> vector<64x2048xf32>
    %sub3A = arith.constant 1.000000e+00 : f32
    %sub3A_251 = vector.broadcast %sub3A : f32 to vector<64x2048xf32>
    %sub3A_252 = arith.subf %bitcast_convert_type3A, %sub3A_251 : vector<64x2048xf32>
    %max3A = arith.constant 9.99999968E-21 : f32
    %max3A_253 = vector.broadcast %max3A : f32 to vector<64x2048xf32>
    %max3A_254 = arith.maximumf %sub3A_252, %max3A_253 : vector<64x2048xf32>
    %log3A = math.log %max3A_254 : vector<64x2048xf32>
    %neg3A = arith.constant 0.000000e+00 : f32
    %neg3A_255 = vector.broadcast %neg3A : f32 to vector<64x2048xf32>
    %neg3A_256 = arith.subf %neg3A_255, %log3A : vector<64x2048xf32>
    %log3A_257 = math.log %neg3A_256 : vector<64x2048xf32>
    %neg3A_258 = arith.constant 0.000000e+00 : f32
    %neg3A_259 = vector.broadcast %neg3A_258 : f32 to vector<64x2048xf32>
    %neg3A_260 = arith.subf %neg3A_259, %log3A_257 : vector<64x2048xf32>
    %get3A_261 = arith.constant 0 : index
    %get3A_262 = arith.constant 0 : index
    %get3A_263 = vector.load %arg1[%get3A_261, %get3A_262] : memref<64x8192xf32, #tpu.memory_space<vmem>>, vector<64x2048xf32>
    %add3A_264 = arith.addf %get3A_263, %neg3A_260 : vector<64x2048xf32>
    %lt3A = arith.constant 100000 : i32
    %lt3A_265 = vector.broadcast %lt3A : i32 to vector<64x2048xi32>
    %lt3A_266 = arith.cmpi slt, %add3A_18, %lt3A_265 : vector<64x2048xi32>
    %jit3A = arith.constant 0xFF800000 : f32
    %broadcast_in_dim3A = vector.broadcast %jit3A : f32 to vector<64x2048xf32>
    %select_n3A = arith.select %lt3A_266, %add3A_264, %broadcast_in_dim3A : vector<64x2048xi1>, vector<64x2048xf32>
    %slice3A = vector.extract_strided_slice %select_n3A {offsets = [0, 0], sizes = [64, 128], strides = [1, 1]} : vector<64x2048xf32> to vector<64x128xf32>
    %slice3A_267 = vector.extract_strided_slice %add3A_18 {offsets = [0, 0], sizes = [64, 128], strides = [1, 1]} : vector<64x2048xi32> to vector<64x128xi32>
    %gt3A = arith.cmpf ogt, %slice3A, %get3A_3 : vector<64x128xf32>
    %select_n3A_268 = arith.select %gt3A, %slice3A_267, %get3A_6 : vector<64x128xi1>, vector<64x128xi32>
    %max3A_269 = arith.maximumf %get3A_3, %slice3A : vector<64x128xf32>
    %slice3A_270 = vector.extract_strided_slice %select_n3A {offsets = [0, 128], sizes = [64, 128], strides = [1, 1]} : vector<64x2048xf32> to vector<64x128xf32>
    %slice3A_271 = vector.extract_strided_slice %add3A_18 {offsets = [0, 128], sizes = [64, 128], strides = [1, 1]} : vector<64x2048xi32> to vector<64x128xi32>
    %gt3A_272 = arith.cmpf ogt, %slice3A_270, %max3A_269 : vector<64x128xf32>
    %select_n3A_273 = arith.select %gt3A_272, %slice3A_271, %select_n3A_268 : vector<64x128xi1>, vector<64x128xi32>
    %max3A_274 = arith.maximumf %max3A_269, %slice3A_270 : vector<64x128xf32>
    %slice3A_275 = vector.extract_strided_slice %select_n3A {offsets = [0, 256], sizes = [64, 128], strides = [1, 1]} : vector<64x2048xf32> to vector<64x128xf32>
    %slice3A_276 = vector.extract_strided_slice %add3A_18 {offsets = [0, 256], sizes = [64, 128], strides = [1, 1]} : vector<64x2048xi32> to vector<64x128xi32>
    %gt3A_277 = arith.cmpf ogt, %slice3A_275, %max3A_274 : vector<64x128xf32>
    %select_n3A_278 = arith.select %gt3A_277, %slice3A_276, %select_n3A_273 : vector<64x128xi1>, vector<64x128xi32>
    %max3A_279 = arith.maximumf %max3A_274, %slice3A_275 : vector<64x128xf32>
    %slice3A_280 = vector.extract_strided_slice %select_n3A {offsets = [0, 384], sizes = [64, 128], strides = [1, 1]} : vector<64x2048xf32> to vector<64x128xf32>
    %slice3A_281 = vector.extract_strided_slice %add3A_18 {offsets = [0, 384], sizes = [64, 128], strides = [1, 1]} : vector<64x2048xi32> to vector<64x128xi32>
    %gt3A_282 = arith.cmpf ogt, %slice3A_280, %max3A_279 : vector<64x128xf32>
    %select_n3A_283 = arith.select %gt3A_282, %slice3A_281, %select_n3A_278 : vector<64x128xi1>, vector<64x128xi32>
    %max3A_284 = arith.maximumf %max3A_279, %slice3A_280 : vector<64x128xf32>
    %slice3A_285 = vector.extract_strided_slice %select_n3A {offsets = [0, 512], sizes = [64, 128], strides = [1, 1]} : vector<64x2048xf32> to vector<64x128xf32>
    %slice3A_286 = vector.extract_strided_slice %add3A_18 {offsets = [0, 512], sizes = [64, 128], strides = [1, 1]} : vector<64x2048xi32> to vector<64x128xi32>
    %gt3A_287 = arith.cmpf ogt, %slice3A_285, %max3A_284 : vector<64x128xf32>
    %select_n3A_288 = arith.select %gt3A_287, %slice3A_286, %select_n3A_283 : vector<64x128xi1>, vector<64x128xi32>
    %max3A_289 = arith.maximumf %max3A_284, %slice3A_285 : vector<64x128xf32>
    %slice3A_290 = vector.extract_strided_slice %select_n3A {offsets = [0, 640], sizes = [64, 128], strides = [1, 1]} : vector<64x2048xf32> to vector<64x128xf32>
    %slice3A_291 = vector.extract_strided_slice %add3A_18 {offsets = [0, 640], sizes = [64, 128], strides = [1, 1]} : vector<64x2048xi32> to vector<64x128xi32>
    %gt3A_292 = arith.cmpf ogt, %slice3A_290, %max3A_289 : vector<64x128xf32>
    %select_n3A_293 = arith.select %gt3A_292, %slice3A_291, %select_n3A_288 : vector<64x128xi1>, vector<64x128xi32>
    %max3A_294 = arith.maximumf %max3A_289, %slice3A_290 : vector<64x128xf32>
    %slice3A_295 = vector.extract_strided_slice %select_n3A {offsets = [0, 768], sizes = [64, 128], strides = [1, 1]} : vector<64x2048xf32> to vector<64x128xf32>
    %slice3A_296 = vector.extract_strided_slice %add3A_18 {offsets = [0, 768], sizes = [64, 128], strides = [1, 1]} : vector<64x2048xi32> to vector<64x128xi32>
    %gt3A_297 = arith.cmpf ogt, %slice3A_295, %max3A_294 : vector<64x128xf32>
    %select_n3A_298 = arith.select %gt3A_297, %slice3A_296, %select_n3A_293 : vector<64x128xi1>, vector<64x128xi32>
    %max3A_299 = arith.maximumf %max3A_294, %slice3A_295 : vector<64x128xf32>
    %slice3A_300 = vector.extract_strided_slice %select_n3A {offsets = [0, 896], sizes = [64, 128], strides = [1, 1]} : vector<64x2048xf32> to vector<64x128xf32>
    %slice3A_301 = vector.extract_strided_slice %add3A_18 {offsets = [0, 896], sizes = [64, 128], strides = [1, 1]} : vector<64x2048xi32> to vector<64x128xi32>
    %gt3A_302 = arith.cmpf ogt, %slice3A_300, %max3A_299 : vector<64x128xf32>
    %select_n3A_303 = arith.select %gt3A_302, %slice3A_301, %select_n3A_298 : vector<64x128xi1>, vector<64x128xi32>
    %max3A_304 = arith.maximumf %max3A_299, %slice3A_300 : vector<64x128xf32>
    %slice3A_305 = vector.extract_strided_slice %select_n3A {offsets = [0, 1024], sizes = [64, 128], strides = [1, 1]} : vector<64x2048xf32> to vector<64x128xf32>
    %slice3A_306 = vector.extract_strided_slice %add3A_18 {offsets = [0, 1024], sizes = [64, 128], strides = [1, 1]} : vector<64x2048xi32> to vector<64x128xi32>
    %gt3A_307 = arith.cmpf ogt, %slice3A_305, %max3A_304 : vector<64x128xf32>
    %select_n3A_308 = arith.select %gt3A_307, %slice3A_306, %select_n3A_303 : vector<64x128xi1>, vector<64x128xi32>
    %max3A_309 = arith.maximumf %max3A_304, %slice3A_305 : vector<64x128xf32>
    %slice3A_310 = vector.extract_strided_slice %select_n3A {offsets = [0, 1152], sizes = [64, 128], strides = [1, 1]} : vector<64x2048xf32> to vector<64x128xf32>
    %slice3A_311 = vector.extract_strided_slice %add3A_18 {offsets = [0, 1152], sizes = [64, 128], strides = [1, 1]} : vector<64x2048xi32> to vector<64x128xi32>
    %gt3A_312 = arith.cmpf ogt, %slice3A_310, %max3A_309 : vector<64x128xf32>
    %select_n3A_313 = arith.select %gt3A_312, %slice3A_311, %select_n3A_308 : vector<64x128xi1>, vector<64x128xi32>
    %max3A_314 = arith.maximumf %max3A_309, %slice3A_310 : vector<64x128xf32>
    %slice3A_315 = vector.extract_strided_slice %select_n3A {offsets = [0, 1280], sizes = [64, 128], strides = [1, 1]} : vector<64x2048xf32> to vector<64x128xf32>
    %slice3A_316 = vector.extract_strided_slice %add3A_18 {offsets = [0, 1280], sizes = [64, 128], strides = [1, 1]} : vector<64x2048xi32> to vector<64x128xi32>
    %gt3A_317 = arith.cmpf ogt, %slice3A_315, %max3A_314 : vector<64x128xf32>
    %select_n3A_318 = arith.select %gt3A_317, %slice3A_316, %select_n3A_313 : vector<64x128xi1>, vector<64x128xi32>
    %max3A_319 = arith.maximumf %max3A_314, %slice3A_315 : vector<64x128xf32>
    %slice3A_320 = vector.extract_strided_slice %select_n3A {offsets = [0, 1408], sizes = [64, 128], strides = [1, 1]} : vector<64x2048xf32> to vector<64x128xf32>
    %slice3A_321 = vector.extract_strided_slice %add3A_18 {offsets = [0, 1408], sizes = [64, 128], strides = [1, 1]} : vector<64x2048xi32> to vector<64x128xi32>
    %gt3A_322 = arith.cmpf ogt, %slice3A_320, %max3A_319 : vector<64x128xf32>
    %select_n3A_323 = arith.select %gt3A_322, %slice3A_321, %select_n3A_318 : vector<64x128xi1>, vector<64x128xi32>
    %max3A_324 = arith.maximumf %max3A_319, %slice3A_320 : vector<64x128xf32>
    %slice3A_325 = vector.extract_strided_slice %select_n3A {offsets = [0, 1536], sizes = [64, 128], strides = [1, 1]} : vector<64x2048xf32> to vector<64x128xf32>
    %slice3A_326 = vector.extract_strided_slice %add3A_18 {offsets = [0, 1536], sizes = [64, 128], strides = [1, 1]} : vector<64x2048xi32> to vector<64x128xi32>
    %gt3A_327 = arith.cmpf ogt, %slice3A_325, %max3A_324 : vector<64x128xf32>
    %select_n3A_328 = arith.select %gt3A_327, %slice3A_326, %select_n3A_323 : vector<64x128xi1>, vector<64x128xi32>
    %max3A_329 = arith.maximumf %max3A_324, %slice3A_325 : vector<64x128xf32>
    %slice3A_330 = vector.extract_strided_slice %select_n3A {offsets = [0, 1664], sizes = [64, 128], strides = [1, 1]} : vector<64x2048xf32> to vector<64x128xf32>
    %slice3A_331 = vector.extract_strided_slice %add3A_18 {offsets = [0, 1664], sizes = [64, 128], strides = [1, 1]} : vector<64x2048xi32> to vector<64x128xi32>
    %gt3A_332 = arith.cmpf ogt, %slice3A_330, %max3A_329 : vector<64x128xf32>
    %select_n3A_333 = arith.select %gt3A_332, %slice3A_331, %select_n3A_328 : vector<64x128xi1>, vector<64x128xi32>
    %max3A_334 = arith.maximumf %max3A_329, %slice3A_330 : vector<64x128xf32>
    %slice3A_335 = vector.extract_strided_slice %select_n3A {offsets = [0, 1792], sizes = [64, 128], strides = [1, 1]} : vector<64x2048xf32> to vector<64x128xf32>
    %slice3A_336 = vector.extract_strided_slice %add3A_18 {offsets = [0, 1792], sizes = [64, 128], strides = [1, 1]} : vector<64x2048xi32> to vector<64x128xi32>
    %gt3A_337 = arith.cmpf ogt, %slice3A_335, %max3A_334 : vector<64x128xf32>
    %select_n3A_338 = arith.select %gt3A_337, %slice3A_336, %select_n3A_333 : vector<64x128xi1>, vector<64x128xi32>
    %max3A_339 = arith.maximumf %max3A_334, %slice3A_335 : vector<64x128xf32>
    %slice3A_340 = vector.extract_strided_slice %select_n3A {offsets = [0, 1920], sizes = [64, 128], strides = [1, 1]} : vector<64x2048xf32> to vector<64x128xf32>
    %slice3A_341 = vector.extract_strided_slice %add3A_18 {offsets = [0, 1920], sizes = [64, 128], strides = [1, 1]} : vector<64x2048xi32> to vector<64x128xi32>
    %gt3A_342 = arith.cmpf ogt, %slice3A_340, %max3A_339 : vector<64x128xf32>
    %select_n3A_343 = arith.select %gt3A_342, %slice3A_341, %select_n3A_338 : vector<64x128xi1>, vector<64x128xi32>
    %max3A_344 = arith.maximumf %max3A_339, %slice3A_340 : vector<64x128xf32>
    %mul3A_345 = arith.constant 8192 : i32
    %mul3A_346 = arith.muli %arg0, %mul3A_345 : i32
    %add3A_347 = arith.constant 2048 : i32
    %add3A_348 = arith.addi %mul3A_346, %add3A_347 : i32
    %add3A_349 = arith.constant 24576 : i32
    %add3A_350 = arith.addi %add3A_348, %add3A_349 : i32
    %add3A_351 = vector.broadcast %add3A_350 : i32 to vector<64x2048xi32>
    %add3A_352 = arith.addi %iota3A_10, %add3A_351 : vector<64x2048xi32>
    %add3A_353 = vector.broadcast %add3A_350 : i32 to vector<64x2048xi32>
    %add3A_354 = arith.addi %add3A, %add3A_353 : vector<64x2048xi32>
    %add3A_355 = arith.constant 42 : i32
    %add3A_356 = vector.broadcast %add3A_355 : i32 to vector<64x2048xi32>
    %add3A_357 = arith.addi %add3A_354, %add3A_356 : vector<64x2048xi32>
    %shift_left3A_358 = arith.constant 13 : i32
    %shift_left3A_359 = vector.broadcast %shift_left3A_358 : i32 to vector<64x2048xi32>
    %shift_left3A_360 = arith.shli %add3A_357, %shift_left3A_359 : vector<64x2048xi32>
    %shift_right_logical3A_361 = arith.constant 19 : i32
    %shift_right_logical3A_362 = vector.broadcast %shift_right_logical3A_361 : i32 to vector<64x2048xi32>
    %shift_right_logical3A_363 = arith.shrui %add3A_357, %shift_right_logical3A_362 : vector<64x2048xi32>
    %or3A_364 = arith.ori %shift_left3A_360, %shift_right_logical3A_363 : vector<64x2048xi32>
    %xor3A_365 = arith.xori %or3A_364, %add3A_357 : vector<64x2048xi32>
    %add3A_366 = arith.addi %add3A_357, %xor3A_365 : vector<64x2048xi32>
    %shift_left3A_367 = arith.constant 15 : i32
    %shift_left3A_368 = vector.broadcast %shift_left3A_367 : i32 to vector<64x2048xi32>
    %shift_left3A_369 = arith.shli %xor3A_365, %shift_left3A_368 : vector<64x2048xi32>
    %shift_right_logical3A_370 = arith.constant 17 : i32
    %shift_right_logical3A_371 = vector.broadcast %shift_right_logical3A_370 : i32 to vector<64x2048xi32>
    %shift_right_logical3A_372 = arith.shrui %xor3A_365, %shift_right_logical3A_371 : vector<64x2048xi32>
    %or3A_373 = arith.ori %shift_left3A_369, %shift_right_logical3A_372 : vector<64x2048xi32>
    %xor3A_374 = arith.xori %or3A_373, %add3A_366 : vector<64x2048xi32>
    %add3A_375 = arith.addi %add3A_366, %xor3A_374 : vector<64x2048xi32>
    %shift_left3A_376 = arith.constant 26 : i32
    %shift_left3A_377 = vector.broadcast %shift_left3A_376 : i32 to vector<64x2048xi32>
    %shift_left3A_378 = arith.shli %xor3A_374, %shift_left3A_377 : vector<64x2048xi32>
    %shift_right_logical3A_379 = arith.constant 6 : i32
    %shift_right_logical3A_380 = vector.broadcast %shift_right_logical3A_379 : i32 to vector<64x2048xi32>
    %shift_right_logical3A_381 = arith.shrui %xor3A_374, %shift_right_logical3A_380 : vector<64x2048xi32>
    %or3A_382 = arith.ori %shift_left3A_378, %shift_right_logical3A_381 : vector<64x2048xi32>
    %xor3A_383 = arith.xori %or3A_382, %add3A_375 : vector<64x2048xi32>
    %add3A_384 = arith.addi %add3A_375, %xor3A_383 : vector<64x2048xi32>
    %shift_left3A_385 = arith.constant 6 : i32
    %shift_left3A_386 = vector.broadcast %shift_left3A_385 : i32 to vector<64x2048xi32>
    %shift_left3A_387 = arith.shli %xor3A_383, %shift_left3A_386 : vector<64x2048xi32>
    %shift_right_logical3A_388 = arith.constant 26 : i32
    %shift_right_logical3A_389 = vector.broadcast %shift_right_logical3A_388 : i32 to vector<64x2048xi32>
    %shift_right_logical3A_390 = arith.shrui %xor3A_383, %shift_right_logical3A_389 : vector<64x2048xi32>
    %or3A_391 = arith.ori %shift_left3A_387, %shift_right_logical3A_390 : vector<64x2048xi32>
    %xor3A_392 = arith.xori %or3A_391, %add3A_384 : vector<64x2048xi32>
    %add3A_393 = arith.constant 42 : i32
    %add3A_394 = vector.broadcast %add3A_393 : i32 to vector<64x2048xi32>
    %add3A_395 = arith.addi %add3A_384, %add3A_394 : vector<64x2048xi32>
    %add3A_396 = arith.constant 466689008 : i32
    %add3A_397 = vector.broadcast %add3A_396 : i32 to vector<64x2048xi32>
    %add3A_398 = arith.addi %xor3A_392, %add3A_397 : vector<64x2048xi32>
    %add3A_399 = arith.constant 1 : i32
    %add3A_400 = vector.broadcast %add3A_399 : i32 to vector<64x2048xi32>
    %add3A_401 = arith.addi %add3A_398, %add3A_400 : vector<64x2048xi32>
    %add3A_402 = arith.addi %add3A_395, %add3A_401 : vector<64x2048xi32>
    %shift_left3A_403 = arith.constant 17 : i32
    %shift_left3A_404 = vector.broadcast %shift_left3A_403 : i32 to vector<64x2048xi32>
    %shift_left3A_405 = arith.shli %add3A_401, %shift_left3A_404 : vector<64x2048xi32>
    %shift_right_logical3A_406 = arith.constant 15 : i32
    %shift_right_logical3A_407 = vector.broadcast %shift_right_logical3A_406 : i32 to vector<64x2048xi32>
    %shift_right_logical3A_408 = arith.shrui %add3A_401, %shift_right_logical3A_407 : vector<64x2048xi32>
    %or3A_409 = arith.ori %shift_left3A_405, %shift_right_logical3A_408 : vector<64x2048xi32>
    %xor3A_410 = arith.xori %or3A_409, %add3A_402 : vector<64x2048xi32>
    %add3A_411 = arith.addi %add3A_402, %xor3A_410 : vector<64x2048xi32>
    %shift_left3A_412 = arith.constant 29 : i32
    %shift_left3A_413 = vector.broadcast %shift_left3A_412 : i32 to vector<64x2048xi32>
    %shift_left3A_414 = arith.shli %xor3A_410, %shift_left3A_413 : vector<64x2048xi32>
    %shift_right_logical3A_415 = arith.constant 3 : i32
    %shift_right_logical3A_416 = vector.broadcast %shift_right_logical3A_415 : i32 to vector<64x2048xi32>
    %shift_right_logical3A_417 = arith.shrui %xor3A_410, %shift_right_logical3A_416 : vector<64x2048xi32>
    %or3A_418 = arith.ori %shift_left3A_414, %shift_right_logical3A_417 : vector<64x2048xi32>
    %xor3A_419 = arith.xori %or3A_418, %add3A_411 : vector<64x2048xi32>
    %add3A_420 = arith.addi %add3A_411, %xor3A_419 : vector<64x2048xi32>
    %shift_left3A_421 = arith.constant 16 : i32
    %shift_left3A_422 = vector.broadcast %shift_left3A_421 : i32 to vector<64x2048xi32>
    %shift_left3A_423 = arith.shli %xor3A_419, %shift_left3A_422 : vector<64x2048xi32>
    %shift_right_logical3A_424 = arith.constant 16 : i32
    %shift_right_logical3A_425 = vector.broadcast %shift_right_logical3A_424 : i32 to vector<64x2048xi32>
    %shift_right_logical3A_426 = arith.shrui %xor3A_419, %shift_right_logical3A_425 : vector<64x2048xi32>
    %or3A_427 = arith.ori %shift_left3A_423, %shift_right_logical3A_426 : vector<64x2048xi32>
    %xor3A_428 = arith.xori %or3A_427, %add3A_420 : vector<64x2048xi32>
    %add3A_429 = arith.addi %add3A_420, %xor3A_428 : vector<64x2048xi32>
    %shift_left3A_430 = arith.constant 24 : i32
    %shift_left3A_431 = vector.broadcast %shift_left3A_430 : i32 to vector<64x2048xi32>
    %shift_left3A_432 = arith.shli %xor3A_428, %shift_left3A_431 : vector<64x2048xi32>
    %shift_right_logical3A_433 = arith.constant 8 : i32
    %shift_right_logical3A_434 = vector.broadcast %shift_right_logical3A_433 : i32 to vector<64x2048xi32>
    %shift_right_logical3A_435 = arith.shrui %xor3A_428, %shift_right_logical3A_434 : vector<64x2048xi32>
    %or3A_436 = arith.ori %shift_left3A_432, %shift_right_logical3A_435 : vector<64x2048xi32>
    %xor3A_437 = arith.xori %or3A_436, %add3A_429 : vector<64x2048xi32>
    %add3A_438 = arith.constant 466689008 : i32
    %add3A_439 = vector.broadcast %add3A_438 : i32 to vector<64x2048xi32>
    %add3A_440 = arith.addi %add3A_429, %add3A_439 : vector<64x2048xi32>
    %add3A_441 = arith.constant 0 : i32
    %add3A_442 = vector.broadcast %add3A_441 : i32 to vector<64x2048xi32>
    %add3A_443 = arith.addi %xor3A_437, %add3A_442 : vector<64x2048xi32>
    %add3A_444 = arith.constant 2 : i32
    %add3A_445 = vector.broadcast %add3A_444 : i32 to vector<64x2048xi32>
    %add3A_446 = arith.addi %add3A_443, %add3A_445 : vector<64x2048xi32>
    %add3A_447 = arith.addi %add3A_440, %add3A_446 : vector<64x2048xi32>
    %shift_left3A_448 = arith.constant 13 : i32
    %shift_left3A_449 = vector.broadcast %shift_left3A_448 : i32 to vector<64x2048xi32>
    %shift_left3A_450 = arith.shli %add3A_446, %shift_left3A_449 : vector<64x2048xi32>
    %shift_right_logical3A_451 = arith.constant 19 : i32
    %shift_right_logical3A_452 = vector.broadcast %shift_right_logical3A_451 : i32 to vector<64x2048xi32>
    %shift_right_logical3A_453 = arith.shrui %add3A_446, %shift_right_logical3A_452 : vector<64x2048xi32>
    %or3A_454 = arith.ori %shift_left3A_450, %shift_right_logical3A_453 : vector<64x2048xi32>
    %xor3A_455 = arith.xori %or3A_454, %add3A_447 : vector<64x2048xi32>
    %add3A_456 = arith.addi %add3A_447, %xor3A_455 : vector<64x2048xi32>
    %shift_left3A_457 = arith.constant 15 : i32
    %shift_left3A_458 = vector.broadcast %shift_left3A_457 : i32 to vector<64x2048xi32>
    %shift_left3A_459 = arith.shli %xor3A_455, %shift_left3A_458 : vector<64x2048xi32>
    %shift_right_logical3A_460 = arith.constant 17 : i32
    %shift_right_logical3A_461 = vector.broadcast %shift_right_logical3A_460 : i32 to vector<64x2048xi32>
    %shift_right_logical3A_462 = arith.shrui %xor3A_455, %shift_right_logical3A_461 : vector<64x2048xi32>
    %or3A_463 = arith.ori %shift_left3A_459, %shift_right_logical3A_462 : vector<64x2048xi32>
    %xor3A_464 = arith.xori %or3A_463, %add3A_456 : vector<64x2048xi32>
    %add3A_465 = arith.addi %add3A_456, %xor3A_464 : vector<64x2048xi32>
    %shift_left3A_466 = arith.constant 26 : i32
    %shift_left3A_467 = vector.broadcast %shift_left3A_466 : i32 to vector<64x2048xi32>
    %shift_left3A_468 = arith.shli %xor3A_464, %shift_left3A_467 : vector<64x2048xi32>
    %shift_right_logical3A_469 = arith.constant 6 : i32
    %shift_right_logical3A_470 = vector.broadcast %shift_right_logical3A_469 : i32 to vector<64x2048xi32>
    %shift_right_logical3A_471 = arith.shrui %xor3A_464, %shift_right_logical3A_470 : vector<64x2048xi32>
    %or3A_472 = arith.ori %shift_left3A_468, %shift_right_logical3A_471 : vector<64x2048xi32>
    %xor3A_473 = arith.xori %or3A_472, %add3A_465 : vector<64x2048xi32>
    %add3A_474 = arith.addi %add3A_465, %xor3A_473 : vector<64x2048xi32>
    %shift_left3A_475 = arith.constant 6 : i32
    %shift_left3A_476 = vector.broadcast %shift_left3A_475 : i32 to vector<64x2048xi32>
    %shift_left3A_477 = arith.shli %xor3A_473, %shift_left3A_476 : vector<64x2048xi32>
    %shift_right_logical3A_478 = arith.constant 26 : i32
    %shift_right_logical3A_479 = vector.broadcast %shift_right_logical3A_478 : i32 to vector<64x2048xi32>
    %shift_right_logical3A_480 = arith.shrui %xor3A_473, %shift_right_logical3A_479 : vector<64x2048xi32>
    %or3A_481 = arith.ori %shift_left3A_477, %shift_right_logical3A_480 : vector<64x2048xi32>
    %xor3A_482 = arith.xori %or3A_481, %add3A_474 : vector<64x2048xi32>
    %add3A_483 = arith.constant 0 : i32
    %add3A_484 = vector.broadcast %add3A_483 : i32 to vector<64x2048xi32>
    %add3A_485 = arith.addi %add3A_474, %add3A_484 : vector<64x2048xi32>
    %add3A_486 = arith.constant 42 : i32
    %add3A_487 = vector.broadcast %add3A_486 : i32 to vector<64x2048xi32>
    %add3A_488 = arith.addi %xor3A_482, %add3A_487 : vector<64x2048xi32>
    %add3A_489 = arith.constant 3 : i32
    %add3A_490 = vector.broadcast %add3A_489 : i32 to vector<64x2048xi32>
    %add3A_491 = arith.addi %add3A_488, %add3A_490 : vector<64x2048xi32>
    %add3A_492 = arith.addi %add3A_485, %add3A_491 : vector<64x2048xi32>
    %shift_left3A_493 = arith.constant 17 : i32
    %shift_left3A_494 = vector.broadcast %shift_left3A_493 : i32 to vector<64x2048xi32>
    %shift_left3A_495 = arith.shli %add3A_491, %shift_left3A_494 : vector<64x2048xi32>
    %shift_right_logical3A_496 = arith.constant 15 : i32
    %shift_right_logical3A_497 = vector.broadcast %shift_right_logical3A_496 : i32 to vector<64x2048xi32>
    %shift_right_logical3A_498 = arith.shrui %add3A_491, %shift_right_logical3A_497 : vector<64x2048xi32>
    %or3A_499 = arith.ori %shift_left3A_495, %shift_right_logical3A_498 : vector<64x2048xi32>
    %xor3A_500 = arith.xori %or3A_499, %add3A_492 : vector<64x2048xi32>
    %add3A_501 = arith.addi %add3A_492, %xor3A_500 : vector<64x2048xi32>
    %shift_left3A_502 = arith.constant 29 : i32
    %shift_left3A_503 = vector.broadcast %shift_left3A_502 : i32 to vector<64x2048xi32>
    %shift_left3A_504 = arith.shli %xor3A_500, %shift_left3A_503 : vector<64x2048xi32>
    %shift_right_logical3A_505 = arith.constant 3 : i32
    %shift_right_logical3A_506 = vector.broadcast %shift_right_logical3A_505 : i32 to vector<64x2048xi32>
    %shift_right_logical3A_507 = arith.shrui %xor3A_500, %shift_right_logical3A_506 : vector<64x2048xi32>
    %or3A_508 = arith.ori %shift_left3A_504, %shift_right_logical3A_507 : vector<64x2048xi32>
    %xor3A_509 = arith.xori %or3A_508, %add3A_501 : vector<64x2048xi32>
    %add3A_510 = arith.addi %add3A_501, %xor3A_509 : vector<64x2048xi32>
    %shift_left3A_511 = arith.constant 16 : i32
    %shift_left3A_512 = vector.broadcast %shift_left3A_511 : i32 to vector<64x2048xi32>
    %shift_left3A_513 = arith.shli %xor3A_509, %shift_left3A_512 : vector<64x2048xi32>
    %shift_right_logical3A_514 = arith.constant 16 : i32
    %shift_right_logical3A_515 = vector.broadcast %shift_right_logical3A_514 : i32 to vector<64x2048xi32>
    %shift_right_logical3A_516 = arith.shrui %xor3A_509, %shift_right_logical3A_515 : vector<64x2048xi32>
    %or3A_517 = arith.ori %shift_left3A_513, %shift_right_logical3A_516 : vector<64x2048xi32>
    %xor3A_518 = arith.xori %or3A_517, %add3A_510 : vector<64x2048xi32>
    %add3A_519 = arith.addi %add3A_510, %xor3A_518 : vector<64x2048xi32>
    %shift_left3A_520 = arith.constant 24 : i32
    %shift_left3A_521 = vector.broadcast %shift_left3A_520 : i32 to vector<64x2048xi32>
    %shift_left3A_522 = arith.shli %xor3A_518, %shift_left3A_521 : vector<64x2048xi32>
    %shift_right_logical3A_523 = arith.constant 8 : i32
    %shift_right_logical3A_524 = vector.broadcast %shift_right_logical3A_523 : i32 to vector<64x2048xi32>
    %shift_right_logical3A_525 = arith.shrui %xor3A_518, %shift_right_logical3A_524 : vector<64x2048xi32>
    %or3A_526 = arith.ori %shift_left3A_522, %shift_right_logical3A_525 : vector<64x2048xi32>
    %xor3A_527 = arith.xori %or3A_526, %add3A_519 : vector<64x2048xi32>
    %add3A_528 = arith.constant 42 : i32
    %add3A_529 = vector.broadcast %add3A_528 : i32 to vector<64x2048xi32>
    %add3A_530 = arith.addi %add3A_519, %add3A_529 : vector<64x2048xi32>
    %add3A_531 = arith.constant 466689008 : i32
    %add3A_532 = vector.broadcast %add3A_531 : i32 to vector<64x2048xi32>
    %add3A_533 = arith.addi %xor3A_527, %add3A_532 : vector<64x2048xi32>
    %add3A_534 = arith.constant 4 : i32
    %add3A_535 = vector.broadcast %add3A_534 : i32 to vector<64x2048xi32>
    %add3A_536 = arith.addi %add3A_533, %add3A_535 : vector<64x2048xi32>
    %add3A_537 = arith.addi %add3A_530, %add3A_536 : vector<64x2048xi32>
    %shift_left3A_538 = arith.constant 13 : i32
    %shift_left3A_539 = vector.broadcast %shift_left3A_538 : i32 to vector<64x2048xi32>
    %shift_left3A_540 = arith.shli %add3A_536, %shift_left3A_539 : vector<64x2048xi32>
    %shift_right_logical3A_541 = arith.constant 19 : i32
    %shift_right_logical3A_542 = vector.broadcast %shift_right_logical3A_541 : i32 to vector<64x2048xi32>
    %shift_right_logical3A_543 = arith.shrui %add3A_536, %shift_right_logical3A_542 : vector<64x2048xi32>
    %or3A_544 = arith.ori %shift_left3A_540, %shift_right_logical3A_543 : vector<64x2048xi32>
    %xor3A_545 = arith.xori %or3A_544, %add3A_537 : vector<64x2048xi32>
    %add3A_546 = arith.addi %add3A_537, %xor3A_545 : vector<64x2048xi32>
    %shift_left3A_547 = arith.constant 15 : i32
    %shift_left3A_548 = vector.broadcast %shift_left3A_547 : i32 to vector<64x2048xi32>
    %shift_left3A_549 = arith.shli %xor3A_545, %shift_left3A_548 : vector<64x2048xi32>
    %shift_right_logical3A_550 = arith.constant 17 : i32
    %shift_right_logical3A_551 = vector.broadcast %shift_right_logical3A_550 : i32 to vector<64x2048xi32>
    %shift_right_logical3A_552 = arith.shrui %xor3A_545, %shift_right_logical3A_551 : vector<64x2048xi32>
    %or3A_553 = arith.ori %shift_left3A_549, %shift_right_logical3A_552 : vector<64x2048xi32>
    %xor3A_554 = arith.xori %or3A_553, %add3A_546 : vector<64x2048xi32>
    %add3A_555 = arith.addi %add3A_546, %xor3A_554 : vector<64x2048xi32>
    %shift_left3A_556 = arith.constant 26 : i32
    %shift_left3A_557 = vector.broadcast %shift_left3A_556 : i32 to vector<64x2048xi32>
    %shift_left3A_558 = arith.shli %xor3A_554, %shift_left3A_557 : vector<64x2048xi32>
    %shift_right_logical3A_559 = arith.constant 6 : i32
    %shift_right_logical3A_560 = vector.broadcast %shift_right_logical3A_559 : i32 to vector<64x2048xi32>
    %shift_right_logical3A_561 = arith.shrui %xor3A_554, %shift_right_logical3A_560 : vector<64x2048xi32>
    %or3A_562 = arith.ori %shift_left3A_558, %shift_right_logical3A_561 : vector<64x2048xi32>
    %xor3A_563 = arith.xori %or3A_562, %add3A_555 : vector<64x2048xi32>
    %add3A_564 = arith.addi %add3A_555, %xor3A_563 : vector<64x2048xi32>
    %shift_left3A_565 = arith.constant 6 : i32
    %shift_left3A_566 = vector.broadcast %shift_left3A_565 : i32 to vector<64x2048xi32>
    %shift_left3A_567 = arith.shli %xor3A_563, %shift_left3A_566 : vector<64x2048xi32>
    %shift_right_logical3A_568 = arith.constant 26 : i32
    %shift_right_logical3A_569 = vector.broadcast %shift_right_logical3A_568 : i32 to vector<64x2048xi32>
    %shift_right_logical3A_570 = arith.shrui %xor3A_563, %shift_right_logical3A_569 : vector<64x2048xi32>
    %or3A_571 = arith.ori %shift_left3A_567, %shift_right_logical3A_570 : vector<64x2048xi32>
    %xor3A_572 = arith.xori %or3A_571, %add3A_564 : vector<64x2048xi32>
    %add3A_573 = arith.constant 466689008 : i32
    %add3A_574 = vector.broadcast %add3A_573 : i32 to vector<64x2048xi32>
    %add3A_575 = arith.addi %add3A_564, %add3A_574 : vector<64x2048xi32>
    %add3A_576 = arith.constant 0 : i32
    %add3A_577 = vector.broadcast %add3A_576 : i32 to vector<64x2048xi32>
    %add3A_578 = arith.addi %xor3A_572, %add3A_577 : vector<64x2048xi32>
    %add3A_579 = arith.constant 5 : i32
    %add3A_580 = vector.broadcast %add3A_579 : i32 to vector<64x2048xi32>
    %add3A_581 = arith.addi %add3A_578, %add3A_580 : vector<64x2048xi32>
    %xor3A_582 = arith.xori %add3A_575, %add3A_581 : vector<64x2048xi32>
    %shift_right_logical3A_583 = arith.constant 9 : i32
    %shift_right_logical3A_584 = vector.broadcast %shift_right_logical3A_583 : i32 to vector<64x2048xi32>
    %shift_right_logical3A_585 = arith.shrui %xor3A_582, %shift_right_logical3A_584 : vector<64x2048xi32>
    %or3A_586 = arith.constant 1065353216 : i32
    %or3A_587 = vector.broadcast %or3A_586 : i32 to vector<64x2048xi32>
    %or3A_588 = arith.ori %shift_right_logical3A_585, %or3A_587 : vector<64x2048xi32>
    %bitcast_convert_type3A_589 = tpu.bitcast %or3A_588 : vector<64x2048xi32> -> vector<64x2048xf32>
    %sub3A_590 = arith.constant 1.000000e+00 : f32
    %sub3A_591 = vector.broadcast %sub3A_590 : f32 to vector<64x2048xf32>
    %sub3A_592 = arith.subf %bitcast_convert_type3A_589, %sub3A_591 : vector<64x2048xf32>
    %max3A_593 = arith.constant 9.99999968E-21 : f32
    %max3A_594 = vector.broadcast %max3A_593 : f32 to vector<64x2048xf32>
    %max3A_595 = arith.maximumf %sub3A_592, %max3A_594 : vector<64x2048xf32>
    %log3A_596 = math.log %max3A_595 : vector<64x2048xf32>
    %neg3A_597 = arith.constant 0.000000e+00 : f32
    %neg3A_598 = vector.broadcast %neg3A_597 : f32 to vector<64x2048xf32>
    %neg3A_599 = arith.subf %neg3A_598, %log3A_596 : vector<64x2048xf32>
    %log3A_600 = math.log %neg3A_599 : vector<64x2048xf32>
    %neg3A_601 = arith.constant 0.000000e+00 : f32
    %neg3A_602 = vector.broadcast %neg3A_601 : f32 to vector<64x2048xf32>
    %neg3A_603 = arith.subf %neg3A_602, %log3A_600 : vector<64x2048xf32>
    %get3A_604 = arith.constant 0 : index
    %get3A_605 = arith.constant 2048 : index
    %get3A_606 = vector.load %arg1[%get3A_604, %get3A_605] : memref<64x8192xf32, #tpu.memory_space<vmem>>, vector<64x2048xf32>
    %add3A_607 = arith.addf %get3A_606, %neg3A_603 : vector<64x2048xf32>
    %lt3A_608 = arith.constant 100000 : i32
    %lt3A_609 = vector.broadcast %lt3A_608 : i32 to vector<64x2048xi32>
    %lt3A_610 = arith.cmpi slt, %add3A_352, %lt3A_609 : vector<64x2048xi32>
    %jit3A_611 = arith.constant 0xFF800000 : f32
    %broadcast_in_dim3A_612 = vector.broadcast %jit3A_611 : f32 to vector<64x2048xf32>
    %select_n3A_613 = arith.select %lt3A_610, %add3A_607, %broadcast_in_dim3A_612 : vector<64x2048xi1>, vector<64x2048xf32>
    %slice3A_614 = vector.extract_strided_slice %select_n3A_613 {offsets = [0, 0], sizes = [64, 128], strides = [1, 1]} : vector<64x2048xf32> to vector<64x128xf32>
    %slice3A_615 = vector.extract_strided_slice %add3A_352 {offsets = [0, 0], sizes = [64, 128], strides = [1, 1]} : vector<64x2048xi32> to vector<64x128xi32>
    %gt3A_616 = arith.cmpf ogt, %slice3A_614, %max3A_344 : vector<64x128xf32>
    %select_n3A_617 = arith.select %gt3A_616, %slice3A_615, %select_n3A_343 : vector<64x128xi1>, vector<64x128xi32>
    %max3A_618 = arith.maximumf %max3A_344, %slice3A_614 : vector<64x128xf32>
    %slice3A_619 = vector.extract_strided_slice %select_n3A_613 {offsets = [0, 128], sizes = [64, 128], strides = [1, 1]} : vector<64x2048xf32> to vector<64x128xf32>
    %slice3A_620 = vector.extract_strided_slice %add3A_352 {offsets = [0, 128], sizes = [64, 128], strides = [1, 1]} : vector<64x2048xi32> to vector<64x128xi32>
    %gt3A_621 = arith.cmpf ogt, %slice3A_619, %max3A_618 : vector<64x128xf32>
    %select_n3A_622 = arith.select %gt3A_621, %slice3A_620, %select_n3A_617 : vector<64x128xi1>, vector<64x128xi32>
    %max3A_623 = arith.maximumf %max3A_618, %slice3A_619 : vector<64x128xf32>
    %slice3A_624 = vector.extract_strided_slice %select_n3A_613 {offsets = [0, 256], sizes = [64, 128], strides = [1, 1]} : vector<64x2048xf32> to vector<64x128xf32>
    %slice3A_625 = vector.extract_strided_slice %add3A_352 {offsets = [0, 256], sizes = [64, 128], strides = [1, 1]} : vector<64x2048xi32> to vector<64x128xi32>
    %gt3A_626 = arith.cmpf ogt, %slice3A_624, %max3A_623 : vector<64x128xf32>
    %select_n3A_627 = arith.select %gt3A_626, %slice3A_625, %select_n3A_622 : vector<64x128xi1>, vector<64x128xi32>
    %max3A_628 = arith.maximumf %max3A_623, %slice3A_624 : vector<64x128xf32>
    %slice3A_629 = vector.extract_strided_slice %select_n3A_613 {offsets = [0, 384], sizes = [64, 128], strides = [1, 1]} : vector<64x2048xf32> to vector<64x128xf32>
    %slice3A_630 = vector.extract_strided_slice %add3A_352 {offsets = [0, 384], sizes = [64, 128], strides = [1, 1]} : vector<64x2048xi32> to vector<64x128xi32>
    %gt3A_631 = arith.cmpf ogt, %slice3A_629, %max3A_628 : vector<64x128xf32>
    %select_n3A_632 = arith.select %gt3A_631, %slice3A_630, %select_n3A_627 : vector<64x128xi1>, vector<64x128xi32>
    %max3A_633 = arith.maximumf %max3A_628, %slice3A_629 : vector<64x128xf32>
    %slice3A_634 = vector.extract_strided_slice %select_n3A_613 {offsets = [0, 512], sizes = [64, 128], strides = [1, 1]} : vector<64x2048xf32> to vector<64x128xf32>
    %slice3A_635 = vector.extract_strided_slice %add3A_352 {offsets = [0, 512], sizes = [64, 128], strides = [1, 1]} : vector<64x2048xi32> to vector<64x128xi32>
    %gt3A_636 = arith.cmpf ogt, %slice3A_634, %max3A_633 : vector<64x128xf32>
    %select_n3A_637 = arith.select %gt3A_636, %slice3A_635, %select_n3A_632 : vector<64x128xi1>, vector<64x128xi32>
    %max3A_638 = arith.maximumf %max3A_633, %slice3A_634 : vector<64x128xf32>
    %slice3A_639 = vector.extract_strided_slice %select_n3A_613 {offsets = [0, 640], sizes = [64, 128], strides = [1, 1]} : vector<64x2048xf32> to vector<64x128xf32>
    %slice3A_640 = vector.extract_strided_slice %add3A_352 {offsets = [0, 640], sizes = [64, 128], strides = [1, 1]} : vector<64x2048xi32> to vector<64x128xi32>
    %gt3A_641 = arith.cmpf ogt, %slice3A_639, %max3A_638 : vector<64x128xf32>
    %select_n3A_642 = arith.select %gt3A_641, %slice3A_640, %select_n3A_637 : vector<64x128xi1>, vector<64x128xi32>
    %max3A_643 = arith.maximumf %max3A_638, %slice3A_639 : vector<64x128xf32>
    %slice3A_644 = vector.extract_strided_slice %select_n3A_613 {offsets = [0, 768], sizes = [64, 128], strides = [1, 1]} : vector<64x2048xf32> to vector<64x128xf32>
    %slice3A_645 = vector.extract_strided_slice %add3A_352 {offsets = [0, 768], sizes = [64, 128], strides = [1, 1]} : vector<64x2048xi32> to vector<64x128xi32>
    %gt3A_646 = arith.cmpf ogt, %slice3A_644, %max3A_643 : vector<64x128xf32>
    %select_n3A_647 = arith.select %gt3A_646, %slice3A_645, %select_n3A_642 : vector<64x128xi1>, vector<64x128xi32>
    %max3A_648 = arith.maximumf %max3A_643, %slice3A_644 : vector<64x128xf32>
    %slice3A_649 = vector.extract_strided_slice %select_n3A_613 {offsets = [0, 896], sizes = [64, 128], strides = [1, 1]} : vector<64x2048xf32> to vector<64x128xf32>
    %slice3A_650 = vector.extract_strided_slice %add3A_352 {offsets = [0, 896], sizes = [64, 128], strides = [1, 1]} : vector<64x2048xi32> to vector<64x128xi32>
    %gt3A_651 = arith.cmpf ogt, %slice3A_649, %max3A_648 : vector<64x128xf32>
    %select_n3A_652 = arith.select %gt3A_651, %slice3A_650, %select_n3A_647 : vector<64x128xi1>, vector<64x128xi32>
    %max3A_653 = arith.maximumf %max3A_648, %slice3A_649 : vector<64x128xf32>
    %slice3A_654 = vector.extract_strided_slice %select_n3A_613 {offsets = [0, 1024], sizes = [64, 128], strides = [1, 1]} : vector<64x2048xf32> to vector<64x128xf32>
    %slice3A_655 = vector.extract_strided_slice %add3A_352 {offsets = [0, 1024], sizes = [64, 128], strides = [1, 1]} : vector<64x2048xi32> to vector<64x128xi32>
    %gt3A_656 = arith.cmpf ogt, %slice3A_654, %max3A_653 : vector<64x128xf32>
    %select_n3A_657 = arith.select %gt3A_656, %slice3A_655, %select_n3A_652 : vector<64x128xi1>, vector<64x128xi32>
    %max3A_658 = arith.maximumf %max3A_653, %slice3A_654 : vector<64x128xf32>
    %slice3A_659 = vector.extract_strided_slice %select_n3A_613 {offsets = [0, 1152], sizes = [64, 128], strides = [1, 1]} : vector<64x2048xf32> to vector<64x128xf32>
    %slice3A_660 = vector.extract_strided_slice %add3A_352 {offsets = [0, 1152], sizes = [64, 128], strides = [1, 1]} : vector<64x2048xi32> to vector<64x128xi32>
    %gt3A_661 = arith.cmpf ogt, %slice3A_659, %max3A_658 : vector<64x128xf32>
    %select_n3A_662 = arith.select %gt3A_661, %slice3A_660, %select_n3A_657 : vector<64x128xi1>, vector<64x128xi32>
    %max3A_663 = arith.maximumf %max3A_658, %slice3A_659 : vector<64x128xf32>
    %slice3A_664 = vector.extract_strided_slice %select_n3A_613 {offsets = [0, 1280], sizes = [64, 128], strides = [1, 1]} : vector<64x2048xf32> to vector<64x128xf32>
    %slice3A_665 = vector.extract_strided_slice %add3A_352 {offsets = [0, 1280], sizes = [64, 128], strides = [1, 1]} : vector<64x2048xi32> to vector<64x128xi32>
    %gt3A_666 = arith.cmpf ogt, %slice3A_664, %max3A_663 : vector<64x128xf32>
    %select_n3A_667 = arith.select %gt3A_666, %slice3A_665, %select_n3A_662 : vector<64x128xi1>, vector<64x128xi32>
    %max3A_668 = arith.maximumf %max3A_663, %slice3A_664 : vector<64x128xf32>
    %slice3A_669 = vector.extract_strided_slice %select_n3A_613 {offsets = [0, 1408], sizes = [64, 128], strides = [1, 1]} : vector<64x2048xf32> to vector<64x128xf32>
    %slice3A_670 = vector.extract_strided_slice %add3A_352 {offsets = [0, 1408], sizes = [64, 128], strides = [1, 1]} : vector<64x2048xi32> to vector<64x128xi32>
    %gt3A_671 = arith.cmpf ogt, %slice3A_669, %max3A_668 : vector<64x128xf32>
    %select_n3A_672 = arith.select %gt3A_671, %slice3A_670, %select_n3A_667 : vector<64x128xi1>, vector<64x128xi32>
    %max3A_673 = arith.maximumf %max3A_668, %slice3A_669 : vector<64x128xf32>
    %slice3A_674 = vector.extract_strided_slice %select_n3A_613 {offsets = [0, 1536], sizes = [64, 128], strides = [1, 1]} : vector<64x2048xf32> to vector<64x128xf32>
    %slice3A_675 = vector.extract_strided_slice %add3A_352 {offsets = [0, 1536], sizes = [64, 128], strides = [1, 1]} : vector<64x2048xi32> to vector<64x128xi32>
    %gt3A_676 = arith.cmpf ogt, %slice3A_674, %max3A_673 : vector<64x128xf32>
    %select_n3A_677 = arith.select %gt3A_676, %slice3A_675, %select_n3A_672 : vector<64x128xi1>, vector<64x128xi32>
    %max3A_678 = arith.maximumf %max3A_673, %slice3A_674 : vector<64x128xf32>
    %slice3A_679 = vector.extract_strided_slice %select_n3A_613 {offsets = [0, 1664], sizes = [64, 128], strides = [1, 1]} : vector<64x2048xf32> to vector<64x128xf32>
    %slice3A_680 = vector.extract_strided_slice %add3A_352 {offsets = [0, 1664], sizes = [64, 128], strides = [1, 1]} : vector<64x2048xi32> to vector<64x128xi32>
    %gt3A_681 = arith.cmpf ogt, %slice3A_679, %max3A_678 : vector<64x128xf32>
    %select_n3A_682 = arith.select %gt3A_681, %slice3A_680, %select_n3A_677 : vector<64x128xi1>, vector<64x128xi32>
    %max3A_683 = arith.maximumf %max3A_678, %slice3A_679 : vector<64x128xf32>
    %slice3A_684 = vector.extract_strided_slice %select_n3A_613 {offsets = [0, 1792], sizes = [64, 128], strides = [1, 1]} : vector<64x2048xf32> to vector<64x128xf32>
    %slice3A_685 = vector.extract_strided_slice %add3A_352 {offsets = [0, 1792], sizes = [64, 128], strides = [1, 1]} : vector<64x2048xi32> to vector<64x128xi32>
    %gt3A_686 = arith.cmpf ogt, %slice3A_684, %max3A_683 : vector<64x128xf32>
    %select_n3A_687 = arith.select %gt3A_686, %slice3A_685, %select_n3A_682 : vector<64x128xi1>, vector<64x128xi32>
    %max3A_688 = arith.maximumf %max3A_683, %slice3A_684 : vector<64x128xf32>
    %slice3A_689 = vector.extract_strided_slice %select_n3A_613 {offsets = [0, 1920], sizes = [64, 128], strides = [1, 1]} : vector<64x2048xf32> to vector<64x128xf32>
    %slice3A_690 = vector.extract_strided_slice %add3A_352 {offsets = [0, 1920], sizes = [64, 128], strides = [1, 1]} : vector<64x2048xi32> to vector<64x128xi32>
    %gt3A_691 = arith.cmpf ogt, %slice3A_689, %max3A_688 : vector<64x128xf32>
    %select_n3A_692 = arith.select %gt3A_691, %slice3A_690, %select_n3A_687 : vector<64x128xi1>, vector<64x128xi32>
    %max3A_693 = arith.maximumf %max3A_688, %slice3A_689 : vector<64x128xf32>
    %mul3A_694 = arith.constant 8192 : i32
    %mul3A_695 = arith.muli %arg0, %mul3A_694 : i32
    %add3A_696 = arith.constant 4096 : i32
    %add3A_697 = arith.addi %mul3A_695, %add3A_696 : i32
    %add3A_698 = arith.constant 24576 : i32
    %add3A_699 = arith.addi %add3A_697, %add3A_698 : i32
    %add3A_700 = vector.broadcast %add3A_699 : i32 to vector<64x2048xi32>
    %add3A_701 = arith.addi %iota3A_10, %add3A_700 : vector<64x2048xi32>
    %add3A_702 = vector.broadcast %add3A_699 : i32 to vector<64x2048xi32>
    %add3A_703 = arith.addi %add3A, %add3A_702 : vector<64x2048xi32>
    %add3A_704 = arith.constant 42 : i32
    %add3A_705 = vector.broadcast %add3A_704 : i32 to vector<64x2048xi32>
    %add3A_706 = arith.addi %add3A_703, %add3A_705 : vector<64x2048xi32>
    %shift_left3A_707 = arith.constant 13 : i32
    %shift_left3A_708 = vector.broadcast %shift_left3A_707 : i32 to vector<64x2048xi32>
    %shift_left3A_709 = arith.shli %add3A_706, %shift_left3A_708 : vector<64x2048xi32>
    %shift_right_logical3A_710 = arith.constant 19 : i32
    %shift_right_logical3A_711 = vector.broadcast %shift_right_logical3A_710 : i32 to vector<64x2048xi32>
    %shift_right_logical3A_712 = arith.shrui %add3A_706, %shift_right_logical3A_711 : vector<64x2048xi32>
    %or3A_713 = arith.ori %shift_left3A_709, %shift_right_logical3A_712 : vector<64x2048xi32>
    %xor3A_714 = arith.xori %or3A_713, %add3A_706 : vector<64x2048xi32>
    %add3A_715 = arith.addi %add3A_706, %xor3A_714 : vector<64x2048xi32>
    %shift_left3A_716 = arith.constant 15 : i32
    %shift_left3A_717 = vector.broadcast %shift_left3A_716 : i32 to vector<64x2048xi32>
    %shift_left3A_718 = arith.shli %xor3A_714, %shift_left3A_717 : vector<64x2048xi32>
    %shift_right_logical3A_719 = arith.constant 17 : i32
    %shift_right_logical3A_720 = vector.broadcast %shift_right_logical3A_719 : i32 to vector<64x2048xi32>
    %shift_right_logical3A_721 = arith.shrui %xor3A_714, %shift_right_logical3A_720 : vector<64x2048xi32>
    %or3A_722 = arith.ori %shift_left3A_718, %shift_right_logical3A_721 : vector<64x2048xi32>
    %xor3A_723 = arith.xori %or3A_722, %add3A_715 : vector<64x2048xi32>
    %add3A_724 = arith.addi %add3A_715, %xor3A_723 : vector<64x2048xi32>
    %shift_left3A_725 = arith.constant 26 : i32
    %shift_left3A_726 = vector.broadcast %shift_left3A_725 : i32 to vector<64x2048xi32>
    %shift_left3A_727 = arith.shli %xor3A_723, %shift_left3A_726 : vector<64x2048xi32>
    %shift_right_logical3A_728 = arith.constant 6 : i32
    %shift_right_logical3A_729 = vector.broadcast %shift_right_logical3A_728 : i32 to vector<64x2048xi32>
    %shift_right_logical3A_730 = arith.shrui %xor3A_723, %shift_right_logical3A_729 : vector<64x2048xi32>
    %or3A_731 = arith.ori %shift_left3A_727, %shift_right_logical3A_730 : vector<64x2048xi32>
    %xor3A_732 = arith.xori %or3A_731, %add3A_724 : vector<64x2048xi32>
    %add3A_733 = arith.addi %add3A_724, %xor3A_732 : vector<64x2048xi32>
    %shift_left3A_734 = arith.constant 6 : i32
    %shift_left3A_735 = vector.broadcast %shift_left3A_734 : i32 to vector<64x2048xi32>
    %shift_left3A_736 = arith.shli %xor3A_732, %shift_left3A_735 : vector<64x2048xi32>
    %shift_right_logical3A_737 = arith.constant 26 : i32
    %shift_right_logical3A_738 = vector.broadcast %shift_right_logical3A_737 : i32 to vector<64x2048xi32>
    %shift_right_logical3A_739 = arith.shrui %xor3A_732, %shift_right_logical3A_738 : vector<64x2048xi32>
    %or3A_740 = arith.ori %shift_left3A_736, %shift_right_logical3A_739 : vector<64x2048xi32>
    %xor3A_741 = arith.xori %or3A_740, %add3A_733 : vector<64x2048xi32>
    %add3A_742 = arith.constant 42 : i32
    %add3A_743 = vector.broadcast %add3A_742 : i32 to vector<64x2048xi32>
    %add3A_744 = arith.addi %add3A_733, %add3A_743 : vector<64x2048xi32>
    %add3A_745 = arith.constant 466689008 : i32
    %add3A_746 = vector.broadcast %add3A_745 : i32 to vector<64x2048xi32>
    %add3A_747 = arith.addi %xor3A_741, %add3A_746 : vector<64x2048xi32>
    %add3A_748 = arith.constant 1 : i32
    %add3A_749 = vector.broadcast %add3A_748 : i32 to vector<64x2048xi32>
    %add3A_750 = arith.addi %add3A_747, %add3A_749 : vector<64x2048xi32>
    %add3A_751 = arith.addi %add3A_744, %add3A_750 : vector<64x2048xi32>
    %shift_left3A_752 = arith.constant 17 : i32
    %shift_left3A_753 = vector.broadcast %shift_left3A_752 : i32 to vector<64x2048xi32>
    %shift_left3A_754 = arith.shli %add3A_750, %shift_left3A_753 : vector<64x2048xi32>
    %shift_right_logical3A_755 = arith.constant 15 : i32
    %shift_right_logical3A_756 = vector.broadcast %shift_right_logical3A_755 : i32 to vector<64x2048xi32>
    %shift_right_logical3A_757 = arith.shrui %add3A_750, %shift_right_logical3A_756 : vector<64x2048xi32>
    %or3A_758 = arith.ori %shift_left3A_754, %shift_right_logical3A_757 : vector<64x2048xi32>
    %xor3A_759 = arith.xori %or3A_758, %add3A_751 : vector<64x2048xi32>
    %add3A_760 = arith.addi %add3A_751, %xor3A_759 : vector<64x2048xi32>
    %shift_left3A_761 = arith.constant 29 : i32
    %shift_left3A_762 = vector.broadcast %shift_left3A_761 : i32 to vector<64x2048xi32>
    %shift_left3A_763 = arith.shli %xor3A_759, %shift_left3A_762 : vector<64x2048xi32>
    %shift_right_logical3A_764 = arith.constant 3 : i32
    %shift_right_logical3A_765 = vector.broadcast %shift_right_logical3A_764 : i32 to vector<64x2048xi32>
    %shift_right_logical3A_766 = arith.shrui %xor3A_759, %shift_right_logical3A_765 : vector<64x2048xi32>
    %or3A_767 = arith.ori %shift_left3A_763, %shift_right_logical3A_766 : vector<64x2048xi32>
    %xor3A_768 = arith.xori %or3A_767, %add3A_760 : vector<64x2048xi32>
    %add3A_769 = arith.addi %add3A_760, %xor3A_768 : vector<64x2048xi32>
    %shift_left3A_770 = arith.constant 16 : i32
    %shift_left3A_771 = vector.broadcast %shift_left3A_770 : i32 to vector<64x2048xi32>
    %shift_left3A_772 = arith.shli %xor3A_768, %shift_left3A_771 : vector<64x2048xi32>
    %shift_right_logical3A_773 = arith.constant 16 : i32
    %shift_right_logical3A_774 = vector.broadcast %shift_right_logical3A_773 : i32 to vector<64x2048xi32>
    %shift_right_logical3A_775 = arith.shrui %xor3A_768, %shift_right_logical3A_774 : vector<64x2048xi32>
    %or3A_776 = arith.ori %shift_left3A_772, %shift_right_logical3A_775 : vector<64x2048xi32>
    %xor3A_777 = arith.xori %or3A_776, %add3A_769 : vector<64x2048xi32>
    %add3A_778 = arith.addi %add3A_769, %xor3A_777 : vector<64x2048xi32>
    %shift_left3A_779 = arith.constant 24 : i32
    %shift_left3A_780 = vector.broadcast %shift_left3A_779 : i32 to vector<64x2048xi32>
    %shift_left3A_781 = arith.shli %xor3A_777, %shift_left3A_780 : vector<64x2048xi32>
    %shift_right_logical3A_782 = arith.constant 8 : i32
    %shift_right_logical3A_783 = vector.broadcast %shift_right_logical3A_782 : i32 to vector<64x2048xi32>
    %shift_right_logical3A_784 = arith.shrui %xor3A_777, %shift_right_logical3A_783 : vector<64x2048xi32>
    %or3A_785 = arith.ori %shift_left3A_781, %shift_right_logical3A_784 : vector<64x2048xi32>
    %xor3A_786 = arith.xori %or3A_785, %add3A_778 : vector<64x2048xi32>
    %add3A_787 = arith.constant 466689008 : i32
    %add3A_788 = vector.broadcast %add3A_787 : i32 to vector<64x2048xi32>
    %add3A_789 = arith.addi %add3A_778, %add3A_788 : vector<64x2048xi32>
    %add3A_790 = arith.constant 0 : i32
    %add3A_791 = vector.broadcast %add3A_790 : i32 to vector<64x2048xi32>
    %add3A_792 = arith.addi %xor3A_786, %add3A_791 : vector<64x2048xi32>
    %add3A_793 = arith.constant 2 : i32
    %add3A_794 = vector.broadcast %add3A_793 : i32 to vector<64x2048xi32>
    %add3A_795 = arith.addi %add3A_792, %add3A_794 : vector<64x2048xi32>
    %add3A_796 = arith.addi %add3A_789, %add3A_795 : vector<64x2048xi32>
    %shift_left3A_797 = arith.constant 13 : i32
    %shift_left3A_798 = vector.broadcast %shift_left3A_797 : i32 to vector<64x2048xi32>
    %shift_left3A_799 = arith.shli %add3A_795, %shift_left3A_798 : vector<64x2048xi32>
    %shift_right_logical3A_800 = arith.constant 19 : i32
    %shift_right_logical3A_801 = vector.broadcast %shift_right_logical3A_800 : i32 to vector<64x2048xi32>
    %shift_right_logical3A_802 = arith.shrui %add3A_795, %shift_right_logical3A_801 : vector<64x2048xi32>
    %or3A_803 = arith.ori %shift_left3A_799, %shift_right_logical3A_802 : vector<64x2048xi32>
    %xor3A_804 = arith.xori %or3A_803, %add3A_796 : vector<64x2048xi32>
    %add3A_805 = arith.addi %add3A_796, %xor3A_804 : vector<64x2048xi32>
    %shift_left3A_806 = arith.constant 15 : i32
    %shift_left3A_807 = vector.broadcast %shift_left3A_806 : i32 to vector<64x2048xi32>
    %shift_left3A_808 = arith.shli %xor3A_804, %shift_left3A_807 : vector<64x2048xi32>
    %shift_right_logical3A_809 = arith.constant 17 : i32
    %shift_right_logical3A_810 = vector.broadcast %shift_right_logical3A_809 : i32 to vector<64x2048xi32>
    %shift_right_logical3A_811 = arith.shrui %xor3A_804, %shift_right_logical3A_810 : vector<64x2048xi32>
    %or3A_812 = arith.ori %shift_left3A_808, %shift_right_logical3A_811 : vector<64x2048xi32>
    %xor3A_813 = arith.xori %or3A_812, %add3A_805 : vector<64x2048xi32>
    %add3A_814 = arith.addi %add3A_805, %xor3A_813 : vector<64x2048xi32>
    %shift_left3A_815 = arith.constant 26 : i32
    %shift_left3A_816 = vector.broadcast %shift_left3A_815 : i32 to vector<64x2048xi32>
    %shift_left3A_817 = arith.shli %xor3A_813, %shift_left3A_816 : vector<64x2048xi32>
    %shift_right_logical3A_818 = arith.constant 6 : i32
    %shift_right_logical3A_819 = vector.broadcast %shift_right_logical3A_818 : i32 to vector<64x2048xi32>
    %shift_right_logical3A_820 = arith.shrui %xor3A_813, %shift_right_logical3A_819 : vector<64x2048xi32>
    %or3A_821 = arith.ori %shift_left3A_817, %shift_right_logical3A_820 : vector<64x2048xi32>
    %xor3A_822 = arith.xori %or3A_821, %add3A_814 : vector<64x2048xi32>
    %add3A_823 = arith.addi %add3A_814, %xor3A_822 : vector<64x2048xi32>
    %shift_left3A_824 = arith.constant 6 : i32
    %shift_left3A_825 = vector.broadcast %shift_left3A_824 : i32 to vector<64x2048xi32>
    %shift_left3A_826 = arith.shli %xor3A_822, %shift_left3A_825 : vector<64x2048xi32>
    %shift_right_logical3A_827 = arith.constant 26 : i32
    %shift_right_logical3A_828 = vector.broadcast %shift_right_logical3A_827 : i32 to vector<64x2048xi32>
    %shift_right_logical3A_829 = arith.shrui %xor3A_822, %shift_right_logical3A_828 : vector<64x2048xi32>
    %or3A_830 = arith.ori %shift_left3A_826, %shift_right_logical3A_829 : vector<64x2048xi32>
    %xor3A_831 = arith.xori %or3A_830, %add3A_823 : vector<64x2048xi32>
    %add3A_832 = arith.constant 0 : i32
    %add3A_833 = vector.broadcast %add3A_832 : i32 to vector<64x2048xi32>
    %add3A_834 = arith.addi %add3A_823, %add3A_833 : vector<64x2048xi32>
    %add3A_835 = arith.constant 42 : i32
    %add3A_836 = vector.broadcast %add3A_835 : i32 to vector<64x2048xi32>
    %add3A_837 = arith.addi %xor3A_831, %add3A_836 : vector<64x2048xi32>
    %add3A_838 = arith.constant 3 : i32
    %add3A_839 = vector.broadcast %add3A_838 : i32 to vector<64x2048xi32>
    %add3A_840 = arith.addi %add3A_837, %add3A_839 : vector<64x2048xi32>
    %add3A_841 = arith.addi %add3A_834, %add3A_840 : vector<64x2048xi32>
    %shift_left3A_842 = arith.constant 17 : i32
    %shift_left3A_843 = vector.broadcast %shift_left3A_842 : i32 to vector<64x2048xi32>
    %shift_left3A_844 = arith.shli %add3A_840, %shift_left3A_843 : vector<64x2048xi32>
    %shift_right_logical3A_845 = arith.constant 15 : i32
    %shift_right_logical3A_846 = vector.broadcast %shift_right_logical3A_845 : i32 to vector<64x2048xi32>
    %shift_right_logical3A_847 = arith.shrui %add3A_840, %shift_right_logical3A_846 : vector<64x2048xi32>
    %or3A_848 = arith.ori %shift_left3A_844, %shift_right_logical3A_847 : vector<64x2048xi32>
    %xor3A_849 = arith.xori %or3A_848, %add3A_841 : vector<64x2048xi32>
    %add3A_850 = arith.addi %add3A_841, %xor3A_849 : vector<64x2048xi32>
    %shift_left3A_851 = arith.constant 29 : i32
    %shift_left3A_852 = vector.broadcast %shift_left3A_851 : i32 to vector<64x2048xi32>
    %shift_left3A_853 = arith.shli %xor3A_849, %shift_left3A_852 : vector<64x2048xi32>
    %shift_right_logical3A_854 = arith.constant 3 : i32
    %shift_right_logical3A_855 = vector.broadcast %shift_right_logical3A_854 : i32 to vector<64x2048xi32>
    %shift_right_logical3A_856 = arith.shrui %xor3A_849, %shift_right_logical3A_855 : vector<64x2048xi32>
    %or3A_857 = arith.ori %shift_left3A_853, %shift_right_logical3A_856 : vector<64x2048xi32>
    %xor3A_858 = arith.xori %or3A_857, %add3A_850 : vector<64x2048xi32>
    %add3A_859 = arith.addi %add3A_850, %xor3A_858 : vector<64x2048xi32>
    %shift_left3A_860 = arith.constant 16 : i32
    %shift_left3A_861 = vector.broadcast %shift_left3A_860 : i32 to vector<64x2048xi32>
    %shift_left3A_862 = arith.shli %xor3A_858, %shift_left3A_861 : vector<64x2048xi32>
    %shift_right_logical3A_863 = arith.constant 16 : i32
    %shift_right_logical3A_864 = vector.broadcast %shift_right_logical3A_863 : i32 to vector<64x2048xi32>
    %shift_right_logical3A_865 = arith.shrui %xor3A_858, %shift_right_logical3A_864 : vector<64x2048xi32>
    %or3A_866 = arith.ori %shift_left3A_862, %shift_right_logical3A_865 : vector<64x2048xi32>
    %xor3A_867 = arith.xori %or3A_866, %add3A_859 : vector<64x2048xi32>
    %add3A_868 = arith.addi %add3A_859, %xor3A_867 : vector<64x2048xi32>
    %shift_left3A_869 = arith.constant 24 : i32
    %shift_left3A_870 = vector.broadcast %shift_left3A_869 : i32 to vector<64x2048xi32>
    %shift_left3A_871 = arith.shli %xor3A_867, %shift_left3A_870 : vector<64x2048xi32>
    %shift_right_logical3A_872 = arith.constant 8 : i32
    %shift_right_logical3A_873 = vector.broadcast %shift_right_logical3A_872 : i32 to vector<64x2048xi32>
    %shift_right_logical3A_874 = arith.shrui %xor3A_867, %shift_right_logical3A_873 : vector<64x2048xi32>
    %or3A_875 = arith.ori %shift_left3A_871, %shift_right_logical3A_874 : vector<64x2048xi32>
    %xor3A_876 = arith.xori %or3A_875, %add3A_868 : vector<64x2048xi32>
    %add3A_877 = arith.constant 42 : i32
    %add3A_878 = vector.broadcast %add3A_877 : i32 to vector<64x2048xi32>
    %add3A_879 = arith.addi %add3A_868, %add3A_878 : vector<64x2048xi32>
    %add3A_880 = arith.constant 466689008 : i32
    %add3A_881 = vector.broadcast %add3A_880 : i32 to vector<64x2048xi32>
    %add3A_882 = arith.addi %xor3A_876, %add3A_881 : vector<64x2048xi32>
    %add3A_883 = arith.constant 4 : i32
    %add3A_884 = vector.broadcast %add3A_883 : i32 to vector<64x2048xi32>
    %add3A_885 = arith.addi %add3A_882, %add3A_884 : vector<64x2048xi32>
    %add3A_886 = arith.addi %add3A_879, %add3A_885 : vector<64x2048xi32>
    %shift_left3A_887 = arith.constant 13 : i32
    %shift_left3A_888 = vector.broadcast %shift_left3A_887 : i32 to vector<64x2048xi32>
    %shift_left3A_889 = arith.shli %add3A_885, %shift_left3A_888 : vector<64x2048xi32>
    %shift_right_logical3A_890 = arith.constant 19 : i32
    %shift_right_logical3A_891 = vector.broadcast %shift_right_logical3A_890 : i32 to vector<64x2048xi32>
    %shift_right_logical3A_892 = arith.shrui %add3A_885, %shift_right_logical3A_891 : vector<64x2048xi32>
    %or3A_893 = arith.ori %shift_left3A_889, %shift_right_logical3A_892 : vector<64x2048xi32>
    %xor3A_894 = arith.xori %or3A_893, %add3A_886 : vector<64x2048xi32>
    %add3A_895 = arith.addi %add3A_886, %xor3A_894 : vector<64x2048xi32>
    %shift_left3A_896 = arith.constant 15 : i32
    %shift_left3A_897 = vector.broadcast %shift_left3A_896 : i32 to vector<64x2048xi32>
    %shift_left3A_898 = arith.shli %xor3A_894, %shift_left3A_897 : vector<64x2048xi32>
    %shift_right_logical3A_899 = arith.constant 17 : i32
    %shift_right_logical3A_900 = vector.broadcast %shift_right_logical3A_899 : i32 to vector<64x2048xi32>
    %shift_right_logical3A_901 = arith.shrui %xor3A_894, %shift_right_logical3A_900 : vector<64x2048xi32>
    %or3A_902 = arith.ori %shift_left3A_898, %shift_right_logical3A_901 : vector<64x2048xi32>
    %xor3A_903 = arith.xori %or3A_902, %add3A_895 : vector<64x2048xi32>
    %add3A_904 = arith.addi %add3A_895, %xor3A_903 : vector<64x2048xi32>
    %shift_left3A_905 = arith.constant 26 : i32
    %shift_left3A_906 = vector.broadcast %shift_left3A_905 : i32 to vector<64x2048xi32>
    %shift_left3A_907 = arith.shli %xor3A_903, %shift_left3A_906 : vector<64x2048xi32>
    %shift_right_logical3A_908 = arith.constant 6 : i32
    %shift_right_logical3A_909 = vector.broadcast %shift_right_logical3A_908 : i32 to vector<64x2048xi32>
    %shift_right_logical3A_910 = arith.shrui %xor3A_903, %shift_right_logical3A_909 : vector<64x2048xi32>
    %or3A_911 = arith.ori %shift_left3A_907, %shift_right_logical3A_910 : vector<64x2048xi32>
    %xor3A_912 = arith.xori %or3A_911, %add3A_904 : vector<64x2048xi32>
    %add3A_913 = arith.addi %add3A_904, %xor3A_912 : vector<64x2048xi32>
    %shift_left3A_914 = arith.constant 6 : i32
    %shift_left3A_915 = vector.broadcast %shift_left3A_914 : i32 to vector<64x2048xi32>
    %shift_left3A_916 = arith.shli %xor3A_912, %shift_left3A_915 : vector<64x2048xi32>
    %shift_right_logical3A_917 = arith.constant 26 : i32
    %shift_right_logical3A_918 = vector.broadcast %shift_right_logical3A_917 : i32 to vector<64x2048xi32>
    %shift_right_logical3A_919 = arith.shrui %xor3A_912, %shift_right_logical3A_918 : vector<64x2048xi32>
    %or3A_920 = arith.ori %shift_left3A_916, %shift_right_logical3A_919 : vector<64x2048xi32>
    %xor3A_921 = arith.xori %or3A_920, %add3A_913 : vector<64x2048xi32>
    %add3A_922 = arith.constant 466689008 : i32
    %add3A_923 = vector.broadcast %add3A_922 : i32 to vector<64x2048xi32>
    %add3A_924 = arith.addi %add3A_913, %add3A_923 : vector<64x2048xi32>
    %add3A_925 = arith.constant 0 : i32
    %add3A_926 = vector.broadcast %add3A_925 : i32 to vector<64x2048xi32>
    %add3A_927 = arith.addi %xor3A_921, %add3A_926 : vector<64x2048xi32>
    %add3A_928 = arith.constant 5 : i32
    %add3A_929 = vector.broadcast %add3A_928 : i32 to vector<64x2048xi32>
    %add3A_930 = arith.addi %add3A_927, %add3A_929 : vector<64x2048xi32>
    %xor3A_931 = arith.xori %add3A_924, %add3A_930 : vector<64x2048xi32>
    %shift_right_logical3A_932 = arith.constant 9 : i32
    %shift_right_logical3A_933 = vector.broadcast %shift_right_logical3A_932 : i32 to vector<64x2048xi32>
    %shift_right_logical3A_934 = arith.shrui %xor3A_931, %shift_right_logical3A_933 : vector<64x2048xi32>
    %or3A_935 = arith.constant 1065353216 : i32
    %or3A_936 = vector.broadcast %or3A_935 : i32 to vector<64x2048xi32>
    %or3A_937 = arith.ori %shift_right_logical3A_934, %or3A_936 : vector<64x2048xi32>
    %bitcast_convert_type3A_938 = tpu.bitcast %or3A_937 : vector<64x2048xi32> -> vector<64x2048xf32>
    %sub3A_939 = arith.constant 1.000000e+00 : f32
    %sub3A_940 = vector.broadcast %sub3A_939 : f32 to vector<64x2048xf32>
    %sub3A_941 = arith.subf %bitcast_convert_type3A_938, %sub3A_940 : vector<64x2048xf32>
    %max3A_942 = arith.constant 9.99999968E-21 : f32
    %max3A_943 = vector.broadcast %max3A_942 : f32 to vector<64x2048xf32>
    %max3A_944 = arith.maximumf %sub3A_941, %max3A_943 : vector<64x2048xf32>
    %log3A_945 = math.log %max3A_944 : vector<64x2048xf32>
    %neg3A_946 = arith.constant 0.000000e+00 : f32
    %neg3A_947 = vector.broadcast %neg3A_946 : f32 to vector<64x2048xf32>
    %neg3A_948 = arith.subf %neg3A_947, %log3A_945 : vector<64x2048xf32>
    %log3A_949 = math.log %neg3A_948 : vector<64x2048xf32>
    %neg3A_950 = arith.constant 0.000000e+00 : f32
    %neg3A_951 = vector.broadcast %neg3A_950 : f32 to vector<64x2048xf32>
    %neg3A_952 = arith.subf %neg3A_951, %log3A_949 : vector<64x2048xf32>
    %get3A_953 = arith.constant 0 : index
    %get3A_954 = arith.constant 4096 : index
    %get3A_955 = vector.load %arg1[%get3A_953, %get3A_954] : memref<64x8192xf32, #tpu.memory_space<vmem>>, vector<64x2048xf32>
    %add3A_956 = arith.addf %get3A_955, %neg3A_952 : vector<64x2048xf32>
    %lt3A_957 = arith.constant 100000 : i32
    %lt3A_958 = vector.broadcast %lt3A_957 : i32 to vector<64x2048xi32>
    %lt3A_959 = arith.cmpi slt, %add3A_701, %lt3A_958 : vector<64x2048xi32>
    %jit3A_960 = arith.constant 0xFF800000 : f32
    %broadcast_in_dim3A_961 = vector.broadcast %jit3A_960 : f32 to vector<64x2048xf32>
    %select_n3A_962 = arith.select %lt3A_959, %add3A_956, %broadcast_in_dim3A_961 : vector<64x2048xi1>, vector<64x2048xf32>
    %slice3A_963 = vector.extract_strided_slice %select_n3A_962 {offsets = [0, 0], sizes = [64, 128], strides = [1, 1]} : vector<64x2048xf32> to vector<64x128xf32>
    %slice3A_964 = vector.extract_strided_slice %add3A_701 {offsets = [0, 0], sizes = [64, 128], strides = [1, 1]} : vector<64x2048xi32> to vector<64x128xi32>
    %gt3A_965 = arith.cmpf ogt, %slice3A_963, %max3A_693 : vector<64x128xf32>
    %select_n3A_966 = arith.select %gt3A_965, %slice3A_964, %select_n3A_692 : vector<64x128xi1>, vector<64x128xi32>
    %max3A_967 = arith.maximumf %max3A_693, %slice3A_963 : vector<64x128xf32>
    %slice3A_968 = vector.extract_strided_slice %select_n3A_962 {offsets = [0, 128], sizes = [64, 128], strides = [1, 1]} : vector<64x2048xf32> to vector<64x128xf32>
    %slice3A_969 = vector.extract_strided_slice %add3A_701 {offsets = [0, 128], sizes = [64, 128], strides = [1, 1]} : vector<64x2048xi32> to vector<64x128xi32>
    %gt3A_970 = arith.cmpf ogt, %slice3A_968, %max3A_967 : vector<64x128xf32>
    %select_n3A_971 = arith.select %gt3A_970, %slice3A_969, %select_n3A_966 : vector<64x128xi1>, vector<64x128xi32>
    %max3A_972 = arith.maximumf %max3A_967, %slice3A_968 : vector<64x128xf32>
    %slice3A_973 = vector.extract_strided_slice %select_n3A_962 {offsets = [0, 256], sizes = [64, 128], strides = [1, 1]} : vector<64x2048xf32> to vector<64x128xf32>
    %slice3A_974 = vector.extract_strided_slice %add3A_701 {offsets = [0, 256], sizes = [64, 128], strides = [1, 1]} : vector<64x2048xi32> to vector<64x128xi32>
    %gt3A_975 = arith.cmpf ogt, %slice3A_973, %max3A_972 : vector<64x128xf32>
    %select_n3A_976 = arith.select %gt3A_975, %slice3A_974, %select_n3A_971 : vector<64x128xi1>, vector<64x128xi32>
    %max3A_977 = arith.maximumf %max3A_972, %slice3A_973 : vector<64x128xf32>
    %slice3A_978 = vector.extract_strided_slice %select_n3A_962 {offsets = [0, 384], sizes = [64, 128], strides = [1, 1]} : vector<64x2048xf32> to vector<64x128xf32>
    %slice3A_979 = vector.extract_strided_slice %add3A_701 {offsets = [0, 384], sizes = [64, 128], strides = [1, 1]} : vector<64x2048xi32> to vector<64x128xi32>
    %gt3A_980 = arith.cmpf ogt, %slice3A_978, %max3A_977 : vector<64x128xf32>
    %select_n3A_981 = arith.select %gt3A_980, %slice3A_979, %select_n3A_976 : vector<64x128xi1>, vector<64x128xi32>
    %max3A_982 = arith.maximumf %max3A_977, %slice3A_978 : vector<64x128xf32>
    %slice3A_983 = vector.extract_strided_slice %select_n3A_962 {offsets = [0, 512], sizes = [64, 128], strides = [1, 1]} : vector<64x2048xf32> to vector<64x128xf32>
    %slice3A_984 = vector.extract_strided_slice %add3A_701 {offsets = [0, 512], sizes = [64, 128], strides = [1, 1]} : vector<64x2048xi32> to vector<64x128xi32>
    %gt3A_985 = arith.cmpf ogt, %slice3A_983, %max3A_982 : vector<64x128xf32>
    %select_n3A_986 = arith.select %gt3A_985, %slice3A_984, %select_n3A_981 : vector<64x128xi1>, vector<64x128xi32>
    %max3A_987 = arith.maximumf %max3A_982, %slice3A_983 : vector<64x128xf32>
    %slice3A_988 = vector.extract_strided_slice %select_n3A_962 {offsets = [0, 640], sizes = [64, 128], strides = [1, 1]} : vector<64x2048xf32> to vector<64x128xf32>
    %slice3A_989 = vector.extract_strided_slice %add3A_701 {offsets = [0, 640], sizes = [64, 128], strides = [1, 1]} : vector<64x2048xi32> to vector<64x128xi32>
    %gt3A_990 = arith.cmpf ogt, %slice3A_988, %max3A_987 : vector<64x128xf32>
    %select_n3A_991 = arith.select %gt3A_990, %slice3A_989, %select_n3A_986 : vector<64x128xi1>, vector<64x128xi32>
    %max3A_992 = arith.maximumf %max3A_987, %slice3A_988 : vector<64x128xf32>
    %slice3A_993 = vector.extract_strided_slice %select_n3A_962 {offsets = [0, 768], sizes = [64, 128], strides = [1, 1]} : vector<64x2048xf32> to vector<64x128xf32>
    %slice3A_994 = vector.extract_strided_slice %add3A_701 {offsets = [0, 768], sizes = [64, 128], strides = [1, 1]} : vector<64x2048xi32> to vector<64x128xi32>
    %gt3A_995 = arith.cmpf ogt, %slice3A_993, %max3A_992 : vector<64x128xf32>
    %select_n3A_996 = arith.select %gt3A_995, %slice3A_994, %select_n3A_991 : vector<64x128xi1>, vector<64x128xi32>
    %max3A_997 = arith.maximumf %max3A_992, %slice3A_993 : vector<64x128xf32>
    %slice3A_998 = vector.extract_strided_slice %select_n3A_962 {offsets = [0, 896], sizes = [64, 128], strides = [1, 1]} : vector<64x2048xf32> to vector<64x128xf32>
    %slice3A_999 = vector.extract_strided_slice %add3A_701 {offsets = [0, 896], sizes = [64, 128], strides = [1, 1]} : vector<64x2048xi32> to vector<64x128xi32>
    %gt3A_1000 = arith.cmpf ogt, %slice3A_998, %max3A_997 : vector<64x128xf32>
    %select_n3A_1001 = arith.select %gt3A_1000, %slice3A_999, %select_n3A_996 : vector<64x128xi1>, vector<64x128xi32>
    %max3A_1002 = arith.maximumf %max3A_997, %slice3A_998 : vector<64x128xf32>
    %slice3A_1003 = vector.extract_strided_slice %select_n3A_962 {offsets = [0, 1024], sizes = [64, 128], strides = [1, 1]} : vector<64x2048xf32> to vector<64x128xf32>
    %slice3A_1004 = vector.extract_strided_slice %add3A_701 {offsets = [0, 1024], sizes = [64, 128], strides = [1, 1]} : vector<64x2048xi32> to vector<64x128xi32>
    %gt3A_1005 = arith.cmpf ogt, %slice3A_1003, %max3A_1002 : vector<64x128xf32>
    %select_n3A_1006 = arith.select %gt3A_1005, %slice3A_1004, %select_n3A_1001 : vector<64x128xi1>, vector<64x128xi32>
    %max3A_1007 = arith.maximumf %max3A_1002, %slice3A_1003 : vector<64x128xf32>
    %slice3A_1008 = vector.extract_strided_slice %select_n3A_962 {offsets = [0, 1152], sizes = [64, 128], strides = [1, 1]} : vector<64x2048xf32> to vector<64x128xf32>
    %slice3A_1009 = vector.extract_strided_slice %add3A_701 {offsets = [0, 1152], sizes = [64, 128], strides = [1, 1]} : vector<64x2048xi32> to vector<64x128xi32>
    %gt3A_1010 = arith.cmpf ogt, %slice3A_1008, %max3A_1007 : vector<64x128xf32>
    %select_n3A_1011 = arith.select %gt3A_1010, %slice3A_1009, %select_n3A_1006 : vector<64x128xi1>, vector<64x128xi32>
    %max3A_1012 = arith.maximumf %max3A_1007, %slice3A_1008 : vector<64x128xf32>
    %slice3A_1013 = vector.extract_strided_slice %select_n3A_962 {offsets = [0, 1280], sizes = [64, 128], strides = [1, 1]} : vector<64x2048xf32> to vector<64x128xf32>
    %slice3A_1014 = vector.extract_strided_slice %add3A_701 {offsets = [0, 1280], sizes = [64, 128], strides = [1, 1]} : vector<64x2048xi32> to vector<64x128xi32>
    %gt3A_1015 = arith.cmpf ogt, %slice3A_1013, %max3A_1012 : vector<64x128xf32>
    %select_n3A_1016 = arith.select %gt3A_1015, %slice3A_1014, %select_n3A_1011 : vector<64x128xi1>, vector<64x128xi32>
    %max3A_1017 = arith.maximumf %max3A_1012, %slice3A_1013 : vector<64x128xf32>
    %slice3A_1018 = vector.extract_strided_slice %select_n3A_962 {offsets = [0, 1408], sizes = [64, 128], strides = [1, 1]} : vector<64x2048xf32> to vector<64x128xf32>
    %slice3A_1019 = vector.extract_strided_slice %add3A_701 {offsets = [0, 1408], sizes = [64, 128], strides = [1, 1]} : vector<64x2048xi32> to vector<64x128xi32>
    %gt3A_1020 = arith.cmpf ogt, %slice3A_1018, %max3A_1017 : vector<64x128xf32>
    %select_n3A_1021 = arith.select %gt3A_1020, %slice3A_1019, %select_n3A_1016 : vector<64x128xi1>, vector<64x128xi32>
    %max3A_1022 = arith.maximumf %max3A_1017, %slice3A_1018 : vector<64x128xf32>
    %slice3A_1023 = vector.extract_strided_slice %select_n3A_962 {offsets = [0, 1536], sizes = [64, 128], strides = [1, 1]} : vector<64x2048xf32> to vector<64x128xf32>
    %slice3A_1024 = vector.extract_strided_slice %add3A_701 {offsets = [0, 1536], sizes = [64, 128], strides = [1, 1]} : vector<64x2048xi32> to vector<64x128xi32>
    %gt3A_1025 = arith.cmpf ogt, %slice3A_1023, %max3A_1022 : vector<64x128xf32>
    %select_n3A_1026 = arith.select %gt3A_1025, %slice3A_1024, %select_n3A_1021 : vector<64x128xi1>, vector<64x128xi32>
    %max3A_1027 = arith.maximumf %max3A_1022, %slice3A_1023 : vector<64x128xf32>
    %slice3A_1028 = vector.extract_strided_slice %select_n3A_962 {offsets = [0, 1664], sizes = [64, 128], strides = [1, 1]} : vector<64x2048xf32> to vector<64x128xf32>
    %slice3A_1029 = vector.extract_strided_slice %add3A_701 {offsets = [0, 1664], sizes = [64, 128], strides = [1, 1]} : vector<64x2048xi32> to vector<64x128xi32>
    %gt3A_1030 = arith.cmpf ogt, %slice3A_1028, %max3A_1027 : vector<64x128xf32>
    %select_n3A_1031 = arith.select %gt3A_1030, %slice3A_1029, %select_n3A_1026 : vector<64x128xi1>, vector<64x128xi32>
    %max3A_1032 = arith.maximumf %max3A_1027, %slice3A_1028 : vector<64x128xf32>
    %slice3A_1033 = vector.extract_strided_slice %select_n3A_962 {offsets = [0, 1792], sizes = [64, 128], strides = [1, 1]} : vector<64x2048xf32> to vector<64x128xf32>
    %slice3A_1034 = vector.extract_strided_slice %add3A_701 {offsets = [0, 1792], sizes = [64, 128], strides = [1, 1]} : vector<64x2048xi32> to vector<64x128xi32>
    %gt3A_1035 = arith.cmpf ogt, %slice3A_1033, %max3A_1032 : vector<64x128xf32>
    %select_n3A_1036 = arith.select %gt3A_1035, %slice3A_1034, %select_n3A_1031 : vector<64x128xi1>, vector<64x128xi32>
    %max3A_1037 = arith.maximumf %max3A_1032, %slice3A_1033 : vector<64x128xf32>
    %slice3A_1038 = vector.extract_strided_slice %select_n3A_962 {offsets = [0, 1920], sizes = [64, 128], strides = [1, 1]} : vector<64x2048xf32> to vector<64x128xf32>
    %slice3A_1039 = vector.extract_strided_slice %add3A_701 {offsets = [0, 1920], sizes = [64, 128], strides = [1, 1]} : vector<64x2048xi32> to vector<64x128xi32>
    %gt3A_1040 = arith.cmpf ogt, %slice3A_1038, %max3A_1037 : vector<64x128xf32>
    %select_n3A_1041 = arith.select %gt3A_1040, %slice3A_1039, %select_n3A_1036 : vector<64x128xi1>, vector<64x128xi32>
    %max3A_1042 = arith.maximumf %max3A_1037, %slice3A_1038 : vector<64x128xf32>
    %mul3A_1043 = arith.constant 8192 : i32
    %mul3A_1044 = arith.muli %arg0, %mul3A_1043 : i32
    %add3A_1045 = arith.constant 6144 : i32
    %add3A_1046 = arith.addi %mul3A_1044, %add3A_1045 : i32
    %add3A_1047 = arith.constant 24576 : i32
    %add3A_1048 = arith.addi %add3A_1046, %add3A_1047 : i32
    %add3A_1049 = vector.broadcast %add3A_1048 : i32 to vector<64x2048xi32>
    %add3A_1050 = arith.addi %iota3A_10, %add3A_1049 : vector<64x2048xi32>
    %add3A_1051 = vector.broadcast %add3A_1048 : i32 to vector<64x2048xi32>
    %add3A_1052 = arith.addi %add3A, %add3A_1051 : vector<64x2048xi32>
    %add3A_1053 = arith.constant 42 : i32
    %add3A_1054 = vector.broadcast %add3A_1053 : i32 to vector<64x2048xi32>
    %add3A_1055 = arith.addi %add3A_1052, %add3A_1054 : vector<64x2048xi32>
    %shift_left3A_1056 = arith.constant 13 : i32
    %shift_left3A_1057 = vector.broadcast %shift_left3A_1056 : i32 to vector<64x2048xi32>
    %shift_left3A_1058 = arith.shli %add3A_1055, %shift_left3A_1057 : vector<64x2048xi32>
    %shift_right_logical3A_1059 = arith.constant 19 : i32
    %shift_right_logical3A_1060 = vector.broadcast %shift_right_logical3A_1059 : i32 to vector<64x2048xi32>
    %shift_right_logical3A_1061 = arith.shrui %add3A_1055, %shift_right_logical3A_1060 : vector<64x2048xi32>
    %or3A_1062 = arith.ori %shift_left3A_1058, %shift_right_logical3A_1061 : vector<64x2048xi32>
    %xor3A_1063 = arith.xori %or3A_1062, %add3A_1055 : vector<64x2048xi32>
    %add3A_1064 = arith.addi %add3A_1055, %xor3A_1063 : vector<64x2048xi32>
    %shift_left3A_1065 = arith.constant 15 : i32
    %shift_left3A_1066 = vector.broadcast %shift_left3A_1065 : i32 to vector<64x2048xi32>
    %shift_left3A_1067 = arith.shli %xor3A_1063, %shift_left3A_1066 : vector<64x2048xi32>
    %shift_right_logical3A_1068 = arith.constant 17 : i32
    %shift_right_logical3A_1069 = vector.broadcast %shift_right_logical3A_1068 : i32 to vector<64x2048xi32>
    %shift_right_logical3A_1070 = arith.shrui %xor3A_1063, %shift_right_logical3A_1069 : vector<64x2048xi32>
    %or3A_1071 = arith.ori %shift_left3A_1067, %shift_right_logical3A_1070 : vector<64x2048xi32>
    %xor3A_1072 = arith.xori %or3A_1071, %add3A_1064 : vector<64x2048xi32>
    %add3A_1073 = arith.addi %add3A_1064, %xor3A_1072 : vector<64x2048xi32>
    %shift_left3A_1074 = arith.constant 26 : i32
    %shift_left3A_1075 = vector.broadcast %shift_left3A_1074 : i32 to vector<64x2048xi32>
    %shift_left3A_1076 = arith.shli %xor3A_1072, %shift_left3A_1075 : vector<64x2048xi32>
    %shift_right_logical3A_1077 = arith.constant 6 : i32
    %shift_right_logical3A_1078 = vector.broadcast %shift_right_logical3A_1077 : i32 to vector<64x2048xi32>
    %shift_right_logical3A_1079 = arith.shrui %xor3A_1072, %shift_right_logical3A_1078 : vector<64x2048xi32>
    %or3A_1080 = arith.ori %shift_left3A_1076, %shift_right_logical3A_1079 : vector<64x2048xi32>
    %xor3A_1081 = arith.xori %or3A_1080, %add3A_1073 : vector<64x2048xi32>
    %add3A_1082 = arith.addi %add3A_1073, %xor3A_1081 : vector<64x2048xi32>
    %shift_left3A_1083 = arith.constant 6 : i32
    %shift_left3A_1084 = vector.broadcast %shift_left3A_1083 : i32 to vector<64x2048xi32>
    %shift_left3A_1085 = arith.shli %xor3A_1081, %shift_left3A_1084 : vector<64x2048xi32>
    %shift_right_logical3A_1086 = arith.constant 26 : i32
    %shift_right_logical3A_1087 = vector.broadcast %shift_right_logical3A_1086 : i32 to vector<64x2048xi32>
    %shift_right_logical3A_1088 = arith.shrui %xor3A_1081, %shift_right_logical3A_1087 : vector<64x2048xi32>
    %or3A_1089 = arith.ori %shift_left3A_1085, %shift_right_logical3A_1088 : vector<64x2048xi32>
    %xor3A_1090 = arith.xori %or3A_1089, %add3A_1082 : vector<64x2048xi32>
    %add3A_1091 = arith.constant 42 : i32
    %add3A_1092 = vector.broadcast %add3A_1091 : i32 to vector<64x2048xi32>
    %add3A_1093 = arith.addi %add3A_1082, %add3A_1092 : vector<64x2048xi32>
    %add3A_1094 = arith.constant 466689008 : i32
    %add3A_1095 = vector.broadcast %add3A_1094 : i32 to vector<64x2048xi32>
    %add3A_1096 = arith.addi %xor3A_1090, %add3A_1095 : vector<64x2048xi32>
    %add3A_1097 = arith.constant 1 : i32
    %add3A_1098 = vector.broadcast %add3A_1097 : i32 to vector<64x2048xi32>
    %add3A_1099 = arith.addi %add3A_1096, %add3A_1098 : vector<64x2048xi32>
    %add3A_1100 = arith.addi %add3A_1093, %add3A_1099 : vector<64x2048xi32>
    %shift_left3A_1101 = arith.constant 17 : i32
    %shift_left3A_1102 = vector.broadcast %shift_left3A_1101 : i32 to vector<64x2048xi32>
    %shift_left3A_1103 = arith.shli %add3A_1099, %shift_left3A_1102 : vector<64x2048xi32>
    %shift_right_logical3A_1104 = arith.constant 15 : i32
    %shift_right_logical3A_1105 = vector.broadcast %shift_right_logical3A_1104 : i32 to vector<64x2048xi32>
    %shift_right_logical3A_1106 = arith.shrui %add3A_1099, %shift_right_logical3A_1105 : vector<64x2048xi32>
    %or3A_1107 = arith.ori %shift_left3A_1103, %shift_right_logical3A_1106 : vector<64x2048xi32>
    %xor3A_1108 = arith.xori %or3A_1107, %add3A_1100 : vector<64x2048xi32>
    %add3A_1109 = arith.addi %add3A_1100, %xor3A_1108 : vector<64x2048xi32>
    %shift_left3A_1110 = arith.constant 29 : i32
    %shift_left3A_1111 = vector.broadcast %shift_left3A_1110 : i32 to vector<64x2048xi32>
    %shift_left3A_1112 = arith.shli %xor3A_1108, %shift_left3A_1111 : vector<64x2048xi32>
    %shift_right_logical3A_1113 = arith.constant 3 : i32
    %shift_right_logical3A_1114 = vector.broadcast %shift_right_logical3A_1113 : i32 to vector<64x2048xi32>
    %shift_right_logical3A_1115 = arith.shrui %xor3A_1108, %shift_right_logical3A_1114 : vector<64x2048xi32>
    %or3A_1116 = arith.ori %shift_left3A_1112, %shift_right_logical3A_1115 : vector<64x2048xi32>
    %xor3A_1117 = arith.xori %or3A_1116, %add3A_1109 : vector<64x2048xi32>
    %add3A_1118 = arith.addi %add3A_1109, %xor3A_1117 : vector<64x2048xi32>
    %shift_left3A_1119 = arith.constant 16 : i32
    %shift_left3A_1120 = vector.broadcast %shift_left3A_1119 : i32 to vector<64x2048xi32>
    %shift_left3A_1121 = arith.shli %xor3A_1117, %shift_left3A_1120 : vector<64x2048xi32>
    %shift_right_logical3A_1122 = arith.constant 16 : i32
    %shift_right_logical3A_1123 = vector.broadcast %shift_right_logical3A_1122 : i32 to vector<64x2048xi32>
    %shift_right_logical3A_1124 = arith.shrui %xor3A_1117, %shift_right_logical3A_1123 : vector<64x2048xi32>
    %or3A_1125 = arith.ori %shift_left3A_1121, %shift_right_logical3A_1124 : vector<64x2048xi32>
    %xor3A_1126 = arith.xori %or3A_1125, %add3A_1118 : vector<64x2048xi32>
    %add3A_1127 = arith.addi %add3A_1118, %xor3A_1126 : vector<64x2048xi32>
    %shift_left3A_1128 = arith.constant 24 : i32
    %shift_left3A_1129 = vector.broadcast %shift_left3A_1128 : i32 to vector<64x2048xi32>
    %shift_left3A_1130 = arith.shli %xor3A_1126, %shift_left3A_1129 : vector<64x2048xi32>
    %shift_right_logical3A_1131 = arith.constant 8 : i32
    %shift_right_logical3A_1132 = vector.broadcast %shift_right_logical3A_1131 : i32 to vector<64x2048xi32>
    %shift_right_logical3A_1133 = arith.shrui %xor3A_1126, %shift_right_logical3A_1132 : vector<64x2048xi32>
    %or3A_1134 = arith.ori %shift_left3A_1130, %shift_right_logical3A_1133 : vector<64x2048xi32>
    %xor3A_1135 = arith.xori %or3A_1134, %add3A_1127 : vector<64x2048xi32>
    %add3A_1136 = arith.constant 466689008 : i32
    %add3A_1137 = vector.broadcast %add3A_1136 : i32 to vector<64x2048xi32>
    %add3A_1138 = arith.addi %add3A_1127, %add3A_1137 : vector<64x2048xi32>
    %add3A_1139 = arith.constant 0 : i32
    %add3A_1140 = vector.broadcast %add3A_1139 : i32 to vector<64x2048xi32>
    %add3A_1141 = arith.addi %xor3A_1135, %add3A_1140 : vector<64x2048xi32>
    %add3A_1142 = arith.constant 2 : i32
    %add3A_1143 = vector.broadcast %add3A_1142 : i32 to vector<64x2048xi32>
    %add3A_1144 = arith.addi %add3A_1141, %add3A_1143 : vector<64x2048xi32>
    %add3A_1145 = arith.addi %add3A_1138, %add3A_1144 : vector<64x2048xi32>
    %shift_left3A_1146 = arith.constant 13 : i32
    %shift_left3A_1147 = vector.broadcast %shift_left3A_1146 : i32 to vector<64x2048xi32>
    %shift_left3A_1148 = arith.shli %add3A_1144, %shift_left3A_1147 : vector<64x2048xi32>
    %shift_right_logical3A_1149 = arith.constant 19 : i32
    %shift_right_logical3A_1150 = vector.broadcast %shift_right_logical3A_1149 : i32 to vector<64x2048xi32>
    %shift_right_logical3A_1151 = arith.shrui %add3A_1144, %shift_right_logical3A_1150 : vector<64x2048xi32>
    %or3A_1152 = arith.ori %shift_left3A_1148, %shift_right_logical3A_1151 : vector<64x2048xi32>
    %xor3A_1153 = arith.xori %or3A_1152, %add3A_1145 : vector<64x2048xi32>
    %add3A_1154 = arith.addi %add3A_1145, %xor3A_1153 : vector<64x2048xi32>
    %shift_left3A_1155 = arith.constant 15 : i32
    %shift_left3A_1156 = vector.broadcast %shift_left3A_1155 : i32 to vector<64x2048xi32>
    %shift_left3A_1157 = arith.shli %xor3A_1153, %shift_left3A_1156 : vector<64x2048xi32>
    %shift_right_logical3A_1158 = arith.constant 17 : i32
    %shift_right_logical3A_1159 = vector.broadcast %shift_right_logical3A_1158 : i32 to vector<64x2048xi32>
    %shift_right_logical3A_1160 = arith.shrui %xor3A_1153, %shift_right_logical3A_1159 : vector<64x2048xi32>
    %or3A_1161 = arith.ori %shift_left3A_1157, %shift_right_logical3A_1160 : vector<64x2048xi32>
    %xor3A_1162 = arith.xori %or3A_1161, %add3A_1154 : vector<64x2048xi32>
    %add3A_1163 = arith.addi %add3A_1154, %xor3A_1162 : vector<64x2048xi32>
    %shift_left3A_1164 = arith.constant 26 : i32
    %shift_left3A_1165 = vector.broadcast %shift_left3A_1164 : i32 to vector<64x2048xi32>
    %shift_left3A_1166 = arith.shli %xor3A_1162, %shift_left3A_1165 : vector<64x2048xi32>
    %shift_right_logical3A_1167 = arith.constant 6 : i32
    %shift_right_logical3A_1168 = vector.broadcast %shift_right_logical3A_1167 : i32 to vector<64x2048xi32>
    %shift_right_logical3A_1169 = arith.shrui %xor3A_1162, %shift_right_logical3A_1168 : vector<64x2048xi32>
    %or3A_1170 = arith.ori %shift_left3A_1166, %shift_right_logical3A_1169 : vector<64x2048xi32>
    %xor3A_1171 = arith.xori %or3A_1170, %add3A_1163 : vector<64x2048xi32>
    %add3A_1172 = arith.addi %add3A_1163, %xor3A_1171 : vector<64x2048xi32>
    %shift_left3A_1173 = arith.constant 6 : i32
    %shift_left3A_1174 = vector.broadcast %shift_left3A_1173 : i32 to vector<64x2048xi32>
    %shift_left3A_1175 = arith.shli %xor3A_1171, %shift_left3A_1174 : vector<64x2048xi32>
    %shift_right_logical3A_1176 = arith.constant 26 : i32
    %shift_right_logical3A_1177 = vector.broadcast %shift_right_logical3A_1176 : i32 to vector<64x2048xi32>
    %shift_right_logical3A_1178 = arith.shrui %xor3A_1171, %shift_right_logical3A_1177 : vector<64x2048xi32>
    %or3A_1179 = arith.ori %shift_left3A_1175, %shift_right_logical3A_1178 : vector<64x2048xi32>
    %xor3A_1180 = arith.xori %or3A_1179, %add3A_1172 : vector<64x2048xi32>
    %add3A_1181 = arith.constant 0 : i32
    %add3A_1182 = vector.broadcast %add3A_1181 : i32 to vector<64x2048xi32>
    %add3A_1183 = arith.addi %add3A_1172, %add3A_1182 : vector<64x2048xi32>
    %add3A_1184 = arith.constant 42 : i32
    %add3A_1185 = vector.broadcast %add3A_1184 : i32 to vector<64x2048xi32>
    %add3A_1186 = arith.addi %xor3A_1180, %add3A_1185 : vector<64x2048xi32>
    %add3A_1187 = arith.constant 3 : i32
    %add3A_1188 = vector.broadcast %add3A_1187 : i32 to vector<64x2048xi32>
    %add3A_1189 = arith.addi %add3A_1186, %add3A_1188 : vector<64x2048xi32>
    %add3A_1190 = arith.addi %add3A_1183, %add3A_1189 : vector<64x2048xi32>
    %shift_left3A_1191 = arith.constant 17 : i32
    %shift_left3A_1192 = vector.broadcast %shift_left3A_1191 : i32 to vector<64x2048xi32>
    %shift_left3A_1193 = arith.shli %add3A_1189, %shift_left3A_1192 : vector<64x2048xi32>
    %shift_right_logical3A_1194 = arith.constant 15 : i32
    %shift_right_logical3A_1195 = vector.broadcast %shift_right_logical3A_1194 : i32 to vector<64x2048xi32>
    %shift_right_logical3A_1196 = arith.shrui %add3A_1189, %shift_right_logical3A_1195 : vector<64x2048xi32>
    %or3A_1197 = arith.ori %shift_left3A_1193, %shift_right_logical3A_1196 : vector<64x2048xi32>
    %xor3A_1198 = arith.xori %or3A_1197, %add3A_1190 : vector<64x2048xi32>
    %add3A_1199 = arith.addi %add3A_1190, %xor3A_1198 : vector<64x2048xi32>
    %shift_left3A_1200 = arith.constant 29 : i32
    %shift_left3A_1201 = vector.broadcast %shift_left3A_1200 : i32 to vector<64x2048xi32>
    %shift_left3A_1202 = arith.shli %xor3A_1198, %shift_left3A_1201 : vector<64x2048xi32>
    %shift_right_logical3A_1203 = arith.constant 3 : i32
    %shift_right_logical3A_1204 = vector.broadcast %shift_right_logical3A_1203 : i32 to vector<64x2048xi32>
    %shift_right_logical3A_1205 = arith.shrui %xor3A_1198, %shift_right_logical3A_1204 : vector<64x2048xi32>
    %or3A_1206 = arith.ori %shift_left3A_1202, %shift_right_logical3A_1205 : vector<64x2048xi32>
    %xor3A_1207 = arith.xori %or3A_1206, %add3A_1199 : vector<64x2048xi32>
    %add3A_1208 = arith.addi %add3A_1199, %xor3A_1207 : vector<64x2048xi32>
    %shift_left3A_1209 = arith.constant 16 : i32
    %shift_left3A_1210 = vector.broadcast %shift_left3A_1209 : i32 to vector<64x2048xi32>
    %shift_left3A_1211 = arith.shli %xor3A_1207, %shift_left3A_1210 : vector<64x2048xi32>
    %shift_right_logical3A_1212 = arith.constant 16 : i32
    %shift_right_logical3A_1213 = vector.broadcast %shift_right_logical3A_1212 : i32 to vector<64x2048xi32>
    %shift_right_logical3A_1214 = arith.shrui %xor3A_1207, %shift_right_logical3A_1213 : vector<64x2048xi32>
    %or3A_1215 = arith.ori %shift_left3A_1211, %shift_right_logical3A_1214 : vector<64x2048xi32>
    %xor3A_1216 = arith.xori %or3A_1215, %add3A_1208 : vector<64x2048xi32>
    %add3A_1217 = arith.addi %add3A_1208, %xor3A_1216 : vector<64x2048xi32>
    %shift_left3A_1218 = arith.constant 24 : i32
    %shift_left3A_1219 = vector.broadcast %shift_left3A_1218 : i32 to vector<64x2048xi32>
    %shift_left3A_1220 = arith.shli %xor3A_1216, %shift_left3A_1219 : vector<64x2048xi32>
    %shift_right_logical3A_1221 = arith.constant 8 : i32
    %shift_right_logical3A_1222 = vector.broadcast %shift_right_logical3A_1221 : i32 to vector<64x2048xi32>
    %shift_right_logical3A_1223 = arith.shrui %xor3A_1216, %shift_right_logical3A_1222 : vector<64x2048xi32>
    %or3A_1224 = arith.ori %shift_left3A_1220, %shift_right_logical3A_1223 : vector<64x2048xi32>
    %xor3A_1225 = arith.xori %or3A_1224, %add3A_1217 : vector<64x2048xi32>
    %add3A_1226 = arith.constant 42 : i32
    %add3A_1227 = vector.broadcast %add3A_1226 : i32 to vector<64x2048xi32>
    %add3A_1228 = arith.addi %add3A_1217, %add3A_1227 : vector<64x2048xi32>
    %add3A_1229 = arith.constant 466689008 : i32
    %add3A_1230 = vector.broadcast %add3A_1229 : i32 to vector<64x2048xi32>
    %add3A_1231 = arith.addi %xor3A_1225, %add3A_1230 : vector<64x2048xi32>
    %add3A_1232 = arith.constant 4 : i32
    %add3A_1233 = vector.broadcast %add3A_1232 : i32 to vector<64x2048xi32>
    %add3A_1234 = arith.addi %add3A_1231, %add3A_1233 : vector<64x2048xi32>
    %add3A_1235 = arith.addi %add3A_1228, %add3A_1234 : vector<64x2048xi32>
    %shift_left3A_1236 = arith.constant 13 : i32
    %shift_left3A_1237 = vector.broadcast %shift_left3A_1236 : i32 to vector<64x2048xi32>
    %shift_left3A_1238 = arith.shli %add3A_1234, %shift_left3A_1237 : vector<64x2048xi32>
    %shift_right_logical3A_1239 = arith.constant 19 : i32
    %shift_right_logical3A_1240 = vector.broadcast %shift_right_logical3A_1239 : i32 to vector<64x2048xi32>
    %shift_right_logical3A_1241 = arith.shrui %add3A_1234, %shift_right_logical3A_1240 : vector<64x2048xi32>
    %or3A_1242 = arith.ori %shift_left3A_1238, %shift_right_logical3A_1241 : vector<64x2048xi32>
    %xor3A_1243 = arith.xori %or3A_1242, %add3A_1235 : vector<64x2048xi32>
    %add3A_1244 = arith.addi %add3A_1235, %xor3A_1243 : vector<64x2048xi32>
    %shift_left3A_1245 = arith.constant 15 : i32
    %shift_left3A_1246 = vector.broadcast %shift_left3A_1245 : i32 to vector<64x2048xi32>
    %shift_left3A_1247 = arith.shli %xor3A_1243, %shift_left3A_1246 : vector<64x2048xi32>
    %shift_right_logical3A_1248 = arith.constant 17 : i32
    %shift_right_logical3A_1249 = vector.broadcast %shift_right_logical3A_1248 : i32 to vector<64x2048xi32>
    %shift_right_logical3A_1250 = arith.shrui %xor3A_1243, %shift_right_logical3A_1249 : vector<64x2048xi32>
    %or3A_1251 = arith.ori %shift_left3A_1247, %shift_right_logical3A_1250 : vector<64x2048xi32>
    %xor3A_1252 = arith.xori %or3A_1251, %add3A_1244 : vector<64x2048xi32>
    %add3A_1253 = arith.addi %add3A_1244, %xor3A_1252 : vector<64x2048xi32>
    %shift_left3A_1254 = arith.constant 26 : i32
    %shift_left3A_1255 = vector.broadcast %shift_left3A_1254 : i32 to vector<64x2048xi32>
    %shift_left3A_1256 = arith.shli %xor3A_1252, %shift_left3A_1255 : vector<64x2048xi32>
    %shift_right_logical3A_1257 = arith.constant 6 : i32
    %shift_right_logical3A_1258 = vector.broadcast %shift_right_logical3A_1257 : i32 to vector<64x2048xi32>
    %shift_right_logical3A_1259 = arith.shrui %xor3A_1252, %shift_right_logical3A_1258 : vector<64x2048xi32>
    %or3A_1260 = arith.ori %shift_left3A_1256, %shift_right_logical3A_1259 : vector<64x2048xi32>
    %xor3A_1261 = arith.xori %or3A_1260, %add3A_1253 : vector<64x2048xi32>
    %add3A_1262 = arith.addi %add3A_1253, %xor3A_1261 : vector<64x2048xi32>
    %shift_left3A_1263 = arith.constant 6 : i32
    %shift_left3A_1264 = vector.broadcast %shift_left3A_1263 : i32 to vector<64x2048xi32>
    %shift_left3A_1265 = arith.shli %xor3A_1261, %shift_left3A_1264 : vector<64x2048xi32>
    %shift_right_logical3A_1266 = arith.constant 26 : i32
    %shift_right_logical3A_1267 = vector.broadcast %shift_right_logical3A_1266 : i32 to vector<64x2048xi32>
    %shift_right_logical3A_1268 = arith.shrui %xor3A_1261, %shift_right_logical3A_1267 : vector<64x2048xi32>
    %or3A_1269 = arith.ori %shift_left3A_1265, %shift_right_logical3A_1268 : vector<64x2048xi32>
    %xor3A_1270 = arith.xori %or3A_1269, %add3A_1262 : vector<64x2048xi32>
    %add3A_1271 = arith.constant 466689008 : i32
    %add3A_1272 = vector.broadcast %add3A_1271 : i32 to vector<64x2048xi32>
    %add3A_1273 = arith.addi %add3A_1262, %add3A_1272 : vector<64x2048xi32>
    %add3A_1274 = arith.constant 0 : i32
    %add3A_1275 = vector.broadcast %add3A_1274 : i32 to vector<64x2048xi32>
    %add3A_1276 = arith.addi %xor3A_1270, %add3A_1275 : vector<64x2048xi32>
    %add3A_1277 = arith.constant 5 : i32
    %add3A_1278 = vector.broadcast %add3A_1277 : i32 to vector<64x2048xi32>
    %add3A_1279 = arith.addi %add3A_1276, %add3A_1278 : vector<64x2048xi32>
    %xor3A_1280 = arith.xori %add3A_1273, %add3A_1279 : vector<64x2048xi32>
    %shift_right_logical3A_1281 = arith.constant 9 : i32
    %shift_right_logical3A_1282 = vector.broadcast %shift_right_logical3A_1281 : i32 to vector<64x2048xi32>
    %shift_right_logical3A_1283 = arith.shrui %xor3A_1280, %shift_right_logical3A_1282 : vector<64x2048xi32>
    %or3A_1284 = arith.constant 1065353216 : i32
    %or3A_1285 = vector.broadcast %or3A_1284 : i32 to vector<64x2048xi32>
    %or3A_1286 = arith.ori %shift_right_logical3A_1283, %or3A_1285 : vector<64x2048xi32>
    %bitcast_convert_type3A_1287 = tpu.bitcast %or3A_1286 : vector<64x2048xi32> -> vector<64x2048xf32>
    %sub3A_1288 = arith.constant 1.000000e+00 : f32
    %sub3A_1289 = vector.broadcast %sub3A_1288 : f32 to vector<64x2048xf32>
    %sub3A_1290 = arith.subf %bitcast_convert_type3A_1287, %sub3A_1289 : vector<64x2048xf32>
    %max3A_1291 = arith.constant 9.99999968E-21 : f32
    %max3A_1292 = vector.broadcast %max3A_1291 : f32 to vector<64x2048xf32>
    %max3A_1293 = arith.maximumf %sub3A_1290, %max3A_1292 : vector<64x2048xf32>
    %log3A_1294 = math.log %max3A_1293 : vector<64x2048xf32>
    %neg3A_1295 = arith.constant 0.000000e+00 : f32
    %neg3A_1296 = vector.broadcast %neg3A_1295 : f32 to vector<64x2048xf32>
    %neg3A_1297 = arith.subf %neg3A_1296, %log3A_1294 : vector<64x2048xf32>
    %log3A_1298 = math.log %neg3A_1297 : vector<64x2048xf32>
    %neg3A_1299 = arith.constant 0.000000e+00 : f32
    %neg3A_1300 = vector.broadcast %neg3A_1299 : f32 to vector<64x2048xf32>
    %neg3A_1301 = arith.subf %neg3A_1300, %log3A_1298 : vector<64x2048xf32>
    %get3A_1302 = arith.constant 0 : index
    %get3A_1303 = arith.constant 6144 : index
    %get3A_1304 = vector.load %arg1[%get3A_1302, %get3A_1303] : memref<64x8192xf32, #tpu.memory_space<vmem>>, vector<64x2048xf32>
    %add3A_1305 = arith.addf %get3A_1304, %neg3A_1301 : vector<64x2048xf32>
    %lt3A_1306 = arith.constant 100000 : i32
    %lt3A_1307 = vector.broadcast %lt3A_1306 : i32 to vector<64x2048xi32>
    %lt3A_1308 = arith.cmpi slt, %add3A_1050, %lt3A_1307 : vector<64x2048xi32>
    %jit3A_1309 = arith.constant 0xFF800000 : f32
    %broadcast_in_dim3A_1310 = vector.broadcast %jit3A_1309 : f32 to vector<64x2048xf32>
    %select_n3A_1311 = arith.select %lt3A_1308, %add3A_1305, %broadcast_in_dim3A_1310 : vector<64x2048xi1>, vector<64x2048xf32>
    %slice3A_1312 = vector.extract_strided_slice %select_n3A_1311 {offsets = [0, 0], sizes = [64, 128], strides = [1, 1]} : vector<64x2048xf32> to vector<64x128xf32>
    %slice3A_1313 = vector.extract_strided_slice %add3A_1050 {offsets = [0, 0], sizes = [64, 128], strides = [1, 1]} : vector<64x2048xi32> to vector<64x128xi32>
    %gt3A_1314 = arith.cmpf ogt, %slice3A_1312, %max3A_1042 : vector<64x128xf32>
    %select_n3A_1315 = arith.select %gt3A_1314, %slice3A_1313, %select_n3A_1041 : vector<64x128xi1>, vector<64x128xi32>
    %max3A_1316 = arith.maximumf %max3A_1042, %slice3A_1312 : vector<64x128xf32>
    %slice3A_1317 = vector.extract_strided_slice %select_n3A_1311 {offsets = [0, 128], sizes = [64, 128], strides = [1, 1]} : vector<64x2048xf32> to vector<64x128xf32>
    %slice3A_1318 = vector.extract_strided_slice %add3A_1050 {offsets = [0, 128], sizes = [64, 128], strides = [1, 1]} : vector<64x2048xi32> to vector<64x128xi32>
    %gt3A_1319 = arith.cmpf ogt, %slice3A_1317, %max3A_1316 : vector<64x128xf32>
    %select_n3A_1320 = arith.select %gt3A_1319, %slice3A_1318, %select_n3A_1315 : vector<64x128xi1>, vector<64x128xi32>
    %max3A_1321 = arith.maximumf %max3A_1316, %slice3A_1317 : vector<64x128xf32>
    %slice3A_1322 = vector.extract_strided_slice %select_n3A_1311 {offsets = [0, 256], sizes = [64, 128], strides = [1, 1]} : vector<64x2048xf32> to vector<64x128xf32>
    %slice3A_1323 = vector.extract_strided_slice %add3A_1050 {offsets = [0, 256], sizes = [64, 128], strides = [1, 1]} : vector<64x2048xi32> to vector<64x128xi32>
    %gt3A_1324 = arith.cmpf ogt, %slice3A_1322, %max3A_1321 : vector<64x128xf32>
    %select_n3A_1325 = arith.select %gt3A_1324, %slice3A_1323, %select_n3A_1320 : vector<64x128xi1>, vector<64x128xi32>
    %max3A_1326 = arith.maximumf %max3A_1321, %slice3A_1322 : vector<64x128xf32>
    %slice3A_1327 = vector.extract_strided_slice %select_n3A_1311 {offsets = [0, 384], sizes = [64, 128], strides = [1, 1]} : vector<64x2048xf32> to vector<64x128xf32>
    %slice3A_1328 = vector.extract_strided_slice %add3A_1050 {offsets = [0, 384], sizes = [64, 128], strides = [1, 1]} : vector<64x2048xi32> to vector<64x128xi32>
    %gt3A_1329 = arith.cmpf ogt, %slice3A_1327, %max3A_1326 : vector<64x128xf32>
    %select_n3A_1330 = arith.select %gt3A_1329, %slice3A_1328, %select_n3A_1325 : vector<64x128xi1>, vector<64x128xi32>
    %max3A_1331 = arith.maximumf %max3A_1326, %slice3A_1327 : vector<64x128xf32>
    %slice3A_1332 = vector.extract_strided_slice %select_n3A_1311 {offsets = [0, 512], sizes = [64, 128], strides = [1, 1]} : vector<64x2048xf32> to vector<64x128xf32>
    %slice3A_1333 = vector.extract_strided_slice %add3A_1050 {offsets = [0, 512], sizes = [64, 128], strides = [1, 1]} : vector<64x2048xi32> to vector<64x128xi32>
    %gt3A_1334 = arith.cmpf ogt, %slice3A_1332, %max3A_1331 : vector<64x128xf32>
    %select_n3A_1335 = arith.select %gt3A_1334, %slice3A_1333, %select_n3A_1330 : vector<64x128xi1>, vector<64x128xi32>
    %max3A_1336 = arith.maximumf %max3A_1331, %slice3A_1332 : vector<64x128xf32>
    %slice3A_1337 = vector.extract_strided_slice %select_n3A_1311 {offsets = [0, 640], sizes = [64, 128], strides = [1, 1]} : vector<64x2048xf32> to vector<64x128xf32>
    %slice3A_1338 = vector.extract_strided_slice %add3A_1050 {offsets = [0, 640], sizes = [64, 128], strides = [1, 1]} : vector<64x2048xi32> to vector<64x128xi32>
    %gt3A_1339 = arith.cmpf ogt, %slice3A_1337, %max3A_1336 : vector<64x128xf32>
    %select_n3A_1340 = arith.select %gt3A_1339, %slice3A_1338, %select_n3A_1335 : vector<64x128xi1>, vector<64x128xi32>
    %max3A_1341 = arith.maximumf %max3A_1336, %slice3A_1337 : vector<64x128xf32>
    %slice3A_1342 = vector.extract_strided_slice %select_n3A_1311 {offsets = [0, 768], sizes = [64, 128], strides = [1, 1]} : vector<64x2048xf32> to vector<64x128xf32>
    %slice3A_1343 = vector.extract_strided_slice %add3A_1050 {offsets = [0, 768], sizes = [64, 128], strides = [1, 1]} : vector<64x2048xi32> to vector<64x128xi32>
    %gt3A_1344 = arith.cmpf ogt, %slice3A_1342, %max3A_1341 : vector<64x128xf32>
    %select_n3A_1345 = arith.select %gt3A_1344, %slice3A_1343, %select_n3A_1340 : vector<64x128xi1>, vector<64x128xi32>
    %max3A_1346 = arith.maximumf %max3A_1341, %slice3A_1342 : vector<64x128xf32>
    %slice3A_1347 = vector.extract_strided_slice %select_n3A_1311 {offsets = [0, 896], sizes = [64, 128], strides = [1, 1]} : vector<64x2048xf32> to vector<64x128xf32>
    %slice3A_1348 = vector.extract_strided_slice %add3A_1050 {offsets = [0, 896], sizes = [64, 128], strides = [1, 1]} : vector<64x2048xi32> to vector<64x128xi32>
    %gt3A_1349 = arith.cmpf ogt, %slice3A_1347, %max3A_1346 : vector<64x128xf32>
    %select_n3A_1350 = arith.select %gt3A_1349, %slice3A_1348, %select_n3A_1345 : vector<64x128xi1>, vector<64x128xi32>
    %max3A_1351 = arith.maximumf %max3A_1346, %slice3A_1347 : vector<64x128xf32>
    %slice3A_1352 = vector.extract_strided_slice %select_n3A_1311 {offsets = [0, 1024], sizes = [64, 128], strides = [1, 1]} : vector<64x2048xf32> to vector<64x128xf32>
    %slice3A_1353 = vector.extract_strided_slice %add3A_1050 {offsets = [0, 1024], sizes = [64, 128], strides = [1, 1]} : vector<64x2048xi32> to vector<64x128xi32>
    %gt3A_1354 = arith.cmpf ogt, %slice3A_1352, %max3A_1351 : vector<64x128xf32>
    %select_n3A_1355 = arith.select %gt3A_1354, %slice3A_1353, %select_n3A_1350 : vector<64x128xi1>, vector<64x128xi32>
    %max3A_1356 = arith.maximumf %max3A_1351, %slice3A_1352 : vector<64x128xf32>
    %slice3A_1357 = vector.extract_strided_slice %select_n3A_1311 {offsets = [0, 1152], sizes = [64, 128], strides = [1, 1]} : vector<64x2048xf32> to vector<64x128xf32>
    %slice3A_1358 = vector.extract_strided_slice %add3A_1050 {offsets = [0, 1152], sizes = [64, 128], strides = [1, 1]} : vector<64x2048xi32> to vector<64x128xi32>
    %gt3A_1359 = arith.cmpf ogt, %slice3A_1357, %max3A_1356 : vector<64x128xf32>
    %select_n3A_1360 = arith.select %gt3A_1359, %slice3A_1358, %select_n3A_1355 : vector<64x128xi1>, vector<64x128xi32>
    %max3A_1361 = arith.maximumf %max3A_1356, %slice3A_1357 : vector<64x128xf32>
    %slice3A_1362 = vector.extract_strided_slice %select_n3A_1311 {offsets = [0, 1280], sizes = [64, 128], strides = [1, 1]} : vector<64x2048xf32> to vector<64x128xf32>
    %slice3A_1363 = vector.extract_strided_slice %add3A_1050 {offsets = [0, 1280], sizes = [64, 128], strides = [1, 1]} : vector<64x2048xi32> to vector<64x128xi32>
    %gt3A_1364 = arith.cmpf ogt, %slice3A_1362, %max3A_1361 : vector<64x128xf32>
    %select_n3A_1365 = arith.select %gt3A_1364, %slice3A_1363, %select_n3A_1360 : vector<64x128xi1>, vector<64x128xi32>
    %max3A_1366 = arith.maximumf %max3A_1361, %slice3A_1362 : vector<64x128xf32>
    %slice3A_1367 = vector.extract_strided_slice %select_n3A_1311 {offsets = [0, 1408], sizes = [64, 128], strides = [1, 1]} : vector<64x2048xf32> to vector<64x128xf32>
    %slice3A_1368 = vector.extract_strided_slice %add3A_1050 {offsets = [0, 1408], sizes = [64, 128], strides = [1, 1]} : vector<64x2048xi32> to vector<64x128xi32>
    %gt3A_1369 = arith.cmpf ogt, %slice3A_1367, %max3A_1366 : vector<64x128xf32>
    %select_n3A_1370 = arith.select %gt3A_1369, %slice3A_1368, %select_n3A_1365 : vector<64x128xi1>, vector<64x128xi32>
    %max3A_1371 = arith.maximumf %max3A_1366, %slice3A_1367 : vector<64x128xf32>
    %slice3A_1372 = vector.extract_strided_slice %select_n3A_1311 {offsets = [0, 1536], sizes = [64, 128], strides = [1, 1]} : vector<64x2048xf32> to vector<64x128xf32>
    %slice3A_1373 = vector.extract_strided_slice %add3A_1050 {offsets = [0, 1536], sizes = [64, 128], strides = [1, 1]} : vector<64x2048xi32> to vector<64x128xi32>
    %gt3A_1374 = arith.cmpf ogt, %slice3A_1372, %max3A_1371 : vector<64x128xf32>
    %select_n3A_1375 = arith.select %gt3A_1374, %slice3A_1373, %select_n3A_1370 : vector<64x128xi1>, vector<64x128xi32>
    %max3A_1376 = arith.maximumf %max3A_1371, %slice3A_1372 : vector<64x128xf32>
    %slice3A_1377 = vector.extract_strided_slice %select_n3A_1311 {offsets = [0, 1664], sizes = [64, 128], strides = [1, 1]} : vector<64x2048xf32> to vector<64x128xf32>
    %slice3A_1378 = vector.extract_strided_slice %add3A_1050 {offsets = [0, 1664], sizes = [64, 128], strides = [1, 1]} : vector<64x2048xi32> to vector<64x128xi32>
    %gt3A_1379 = arith.cmpf ogt, %slice3A_1377, %max3A_1376 : vector<64x128xf32>
    %select_n3A_1380 = arith.select %gt3A_1379, %slice3A_1378, %select_n3A_1375 : vector<64x128xi1>, vector<64x128xi32>
    %max3A_1381 = arith.maximumf %max3A_1376, %slice3A_1377 : vector<64x128xf32>
    %slice3A_1382 = vector.extract_strided_slice %select_n3A_1311 {offsets = [0, 1792], sizes = [64, 128], strides = [1, 1]} : vector<64x2048xf32> to vector<64x128xf32>
    %slice3A_1383 = vector.extract_strided_slice %add3A_1050 {offsets = [0, 1792], sizes = [64, 128], strides = [1, 1]} : vector<64x2048xi32> to vector<64x128xi32>
    %gt3A_1384 = arith.cmpf ogt, %slice3A_1382, %max3A_1381 : vector<64x128xf32>
    %select_n3A_1385 = arith.select %gt3A_1384, %slice3A_1383, %select_n3A_1380 : vector<64x128xi1>, vector<64x128xi32>
    %max3A_1386 = arith.maximumf %max3A_1381, %slice3A_1382 : vector<64x128xf32>
    %slice3A_1387 = vector.extract_strided_slice %select_n3A_1311 {offsets = [0, 1920], sizes = [64, 128], strides = [1, 1]} : vector<64x2048xf32> to vector<64x128xf32>
    %slice3A_1388 = vector.extract_strided_slice %add3A_1050 {offsets = [0, 1920], sizes = [64, 128], strides = [1, 1]} : vector<64x2048xi32> to vector<64x128xi32>
    %gt3A_1389 = arith.cmpf ogt, %slice3A_1387, %max3A_1386 : vector<64x128xf32>
    %select_n3A_1390 = arith.select %gt3A_1389, %slice3A_1388, %select_n3A_1385 : vector<64x128xi1>, vector<64x128xi32>
    %max3A_1391 = arith.maximumf %max3A_1386, %slice3A_1387 : vector<64x128xf32>
    %swap3A = arith.constant 0 : index
    %swap3A_1392 = arith.constant 0 : index
    %swap3A_1393 = vector.load %arg4[%swap3A, %swap3A_1392] : memref<64x128xf32, #tpu.memory_space<vmem>>, vector<64x128xf32>
    tpu.vector_store %arg4[%swap3A, %swap3A_1392], %max3A_1391 {strides = array<i32>} : memref<64x128xf32, #tpu.memory_space<vmem>>, vector<64x128xf32>,
    %swap3A_1394 = arith.constant 0 : index
    %swap3A_1395 = arith.constant 0 : index
    %swap3A_1396 = vector.load %arg5[%swap3A_1394, %swap3A_1395] : memref<64x128xi32, #tpu.memory_space<vmem>>, vector<64x128xi32>
    tpu.vector_store %arg5[%swap3A_1394, %swap3A_1395], %select_n3A_1390 {strides = array<i32>} : memref<64x128xi32, #tpu.memory_space<vmem>>, vector<64x128xi32>,
    %eq3A_1397 = arith.constant 9 : i32
    %eq3A_1398 = arith.cmpi eq, %arg0, %eq3A_1397 : i32
    %convert_element_type3A_1399 = arith.extui %eq3A_1398 : i1 to i32
    %cond3A_1400 = arith.constant 0 : i32
    %cond3A_1401 = arith.cmpi ne, %convert_element_type3A_1399, %cond3A_1400 : i32
    scf.if %cond3A_1401 {
      %transpose3A = tpu.transpose %max3A_1391, [1, 0] : vector<64x128xf32> -> vector<128x64xf32>
      %transpose3A_1402 = tpu.transpose %select_n3A_1390, [1, 0] : vector<64x128xi32> -> vector<128x64xi32>
      %reduce_max3A = arith.constant dense<0xFF800000> : vector<64xf32>
      %reduce_max3A_1403 = vector.multi_reduction <maximumf>, %transpose3A, %reduce_max3A [0] : vector<128x64xf32> to vector<64xf32>
      %broadcast_in_dim3A_1404 = vector.shape_cast %reduce_max3A_1403 : vector<64xf32> to vector<1x64xf32>
      %eq3A_1405 = vector.broadcast %broadcast_in_dim3A_1404 : vector<1x64xf32> to vector<128x64xf32>
      %eq3A_1406 = arith.cmpf oeq, %transpose3A, %eq3A_1405 : vector<128x64xf32>
      %jit3A_1407 = arith.constant 2147483647 : i32
      %broadcast_in_dim3A_1408 = vector.broadcast %jit3A_1407 : i32 to vector<128x64xi32>
      %select_n3A_1409 = arith.select %eq3A_1406, %transpose3A_1402, %broadcast_in_dim3A_1408 : vector<128x64xi1>, vector<128x64xi32>
      %reduce_min3A = arith.constant dense<2147483647> : vector<64xi32>
      %reduce_min3A_1410 = vector.multi_reduction <minsi>, %select_n3A_1409, %reduce_min3A [0] : vector<128x64xi32> to vector<64xi32>
      %broadcast_in_dim3A_1411 = vector.shape_cast %reduce_min3A_1410 : vector<64xi32> to vector<1x64xi32>
      %swap3A_1412 = arith.constant 0 : index
      %swap3A_1413 = arith.constant 0 : index
      %swap3A_1414 = vector.load %arg2[%swap3A_1412, %swap3A_1413] : memref<1x64xi32, #tpu.memory_space<vmem>>, vector<1x64xi32>
      tpu.vector_store %arg2[%swap3A_1412, %swap3A_1413], %broadcast_in_dim3A_1411 {strides = array<i32>} : memref<1x64xi32, #tpu.memory_space<vmem>>, vector<1x64xi32>,
      %swap3A_1415 = arith.constant 0 : index
      %swap3A_1416 = arith.constant 0 : index
      %swap3A_1417 = vector.load %arg3[%swap3A_1415, %swap3A_1416] : memref<1x64xf32, #tpu.memory_space<vmem>>, vector<1x64xf32>
      tpu.vector_store %arg3[%swap3A_1415, %swap3A_1416], %broadcast_in_dim3A_1404 {strides = array<i32>} : memref<1x64xf32, #tpu.memory_space<vmem>>, vector<1x64xf32>,
    } else {
    }
    return
  }
  func.func @transform_0(%arg0: i32) -> (i32, i32) {
    %add3A = arith.constant 3 : i32
    %add3A_0 = arith.addi %arg0, %add3A : i32
    %c0_i32 = arith.constant 0 : i32
    %c0_i32_1 = arith.constant 0 : i32
    return %c0_i32, %add3A_0 : i32, i32
  }
  func.func @transform_1(%arg0: i32) -> (i32, i32) {
    %c0_i32 = arith.constant 0 : i32
    %c0_i32_0 = arith.constant 0 : i32
    %c0_i32_1 = arith.constant 0 : i32
    return %c0_i32, %c0_i32_0 : i32, i32
  }
  func.func @transform_2(%arg0: i32) -> (i32, i32) {
    %c0_i32 = arith.constant 0 : i32
    %c0_i32_0 = arith.constant 0 : i32
    %c0_i32_1 = arith.constant 0 : i32
    return %c0_i32, %c0_i32_0 : i32, i32
  }
}

module attributes {stable_mosaic.version = 14 : i64} {
  func.func @_merge_kernel(%arg0: memref<32x64xf32, #tpu.memory_space<vmem>>, %arg1: memref<32x64xi32, #tpu.memory_space<vmem>>, %arg2: memref<1x64xf32, #tpu.memory_space<vmem>>, %arg3: memref<1x64xi32, #tpu.memory_space<vmem>>, %arg4: memref<1x64xi32, #tpu.memory_space<vmem>>) attributes {dimension_semantics = [], scalar_prefetch = 0 : i64, scratch_operands = 0 : i64, tpu.core_type = #tpu.core_type<tc>} {
    %get3A = arith.constant 0 : index
    %get3A_0 = arith.constant 0 : index
    %get3A_1 = vector.load %arg1[%get3A, %get3A_0] : memref<32x64xi32, #tpu.memory_space<vmem>>, vector<32x64xi32>
    %iota3A = tpu.iota {dimensions = array<i32: 1>} : vector<32x64xi32>
    %mul3A = arith.constant 100000 : i32
    %mul3A_2 = vector.broadcast %mul3A : i32 to vector<32x64xi32>
    %mul3A_3 = arith.muli %iota3A, %mul3A_2 : vector<32x64xi32>
    %add3A = arith.addi %mul3A_3, %get3A_1 : vector<32x64xi32>
    %add3A_4 = arith.constant 42 : i32
    %add3A_5 = vector.broadcast %add3A_4 : i32 to vector<32x64xi32>
    %add3A_6 = arith.addi %add3A, %add3A_5 : vector<32x64xi32>
    %shift_left3A = arith.constant 13 : i32
    %shift_left3A_7 = vector.broadcast %shift_left3A : i32 to vector<32x64xi32>
    %shift_left3A_8 = arith.shli %add3A_6, %shift_left3A_7 : vector<32x64xi32>
    %shift_right_logical3A = arith.constant 19 : i32
    %shift_right_logical3A_9 = vector.broadcast %shift_right_logical3A : i32 to vector<32x64xi32>
    %shift_right_logical3A_10 = arith.shrui %add3A_6, %shift_right_logical3A_9 : vector<32x64xi32>
    %or3A = arith.ori %shift_left3A_8, %shift_right_logical3A_10 : vector<32x64xi32>
    %xor3A = arith.xori %or3A, %add3A_6 : vector<32x64xi32>
    %add3A_11 = arith.addi %add3A_6, %xor3A : vector<32x64xi32>
    %shift_left3A_12 = arith.constant 15 : i32
    %shift_left3A_13 = vector.broadcast %shift_left3A_12 : i32 to vector<32x64xi32>
    %shift_left3A_14 = arith.shli %xor3A, %shift_left3A_13 : vector<32x64xi32>
    %shift_right_logical3A_15 = arith.constant 17 : i32
    %shift_right_logical3A_16 = vector.broadcast %shift_right_logical3A_15 : i32 to vector<32x64xi32>
    %shift_right_logical3A_17 = arith.shrui %xor3A, %shift_right_logical3A_16 : vector<32x64xi32>
    %or3A_18 = arith.ori %shift_left3A_14, %shift_right_logical3A_17 : vector<32x64xi32>
    %xor3A_19 = arith.xori %or3A_18, %add3A_11 : vector<32x64xi32>
    %add3A_20 = arith.addi %add3A_11, %xor3A_19 : vector<32x64xi32>
    %shift_left3A_21 = arith.constant 26 : i32
    %shift_left3A_22 = vector.broadcast %shift_left3A_21 : i32 to vector<32x64xi32>
    %shift_left3A_23 = arith.shli %xor3A_19, %shift_left3A_22 : vector<32x64xi32>
    %shift_right_logical3A_24 = arith.constant 6 : i32
    %shift_right_logical3A_25 = vector.broadcast %shift_right_logical3A_24 : i32 to vector<32x64xi32>
    %shift_right_logical3A_26 = arith.shrui %xor3A_19, %shift_right_logical3A_25 : vector<32x64xi32>
    %or3A_27 = arith.ori %shift_left3A_23, %shift_right_logical3A_26 : vector<32x64xi32>
    %xor3A_28 = arith.xori %or3A_27, %add3A_20 : vector<32x64xi32>
    %add3A_29 = arith.addi %add3A_20, %xor3A_28 : vector<32x64xi32>
    %shift_left3A_30 = arith.constant 6 : i32
    %shift_left3A_31 = vector.broadcast %shift_left3A_30 : i32 to vector<32x64xi32>
    %shift_left3A_32 = arith.shli %xor3A_28, %shift_left3A_31 : vector<32x64xi32>
    %shift_right_logical3A_33 = arith.constant 26 : i32
    %shift_right_logical3A_34 = vector.broadcast %shift_right_logical3A_33 : i32 to vector<32x64xi32>
    %shift_right_logical3A_35 = arith.shrui %xor3A_28, %shift_right_logical3A_34 : vector<32x64xi32>
    %or3A_36 = arith.ori %shift_left3A_32, %shift_right_logical3A_35 : vector<32x64xi32>
    %xor3A_37 = arith.xori %or3A_36, %add3A_29 : vector<32x64xi32>
    %add3A_38 = arith.constant 42 : i32
    %add3A_39 = vector.broadcast %add3A_38 : i32 to vector<32x64xi32>
    %add3A_40 = arith.addi %add3A_29, %add3A_39 : vector<32x64xi32>
    %add3A_41 = arith.constant 466689008 : i32
    %add3A_42 = vector.broadcast %add3A_41 : i32 to vector<32x64xi32>
    %add3A_43 = arith.addi %xor3A_37, %add3A_42 : vector<32x64xi32>
    %add3A_44 = arith.constant 1 : i32
    %add3A_45 = vector.broadcast %add3A_44 : i32 to vector<32x64xi32>
    %add3A_46 = arith.addi %add3A_43, %add3A_45 : vector<32x64xi32>
    %add3A_47 = arith.addi %add3A_40, %add3A_46 : vector<32x64xi32>
    %shift_left3A_48 = arith.constant 17 : i32
    %shift_left3A_49 = vector.broadcast %shift_left3A_48 : i32 to vector<32x64xi32>
    %shift_left3A_50 = arith.shli %add3A_46, %shift_left3A_49 : vector<32x64xi32>
    %shift_right_logical3A_51 = arith.constant 15 : i32
    %shift_right_logical3A_52 = vector.broadcast %shift_right_logical3A_51 : i32 to vector<32x64xi32>
    %shift_right_logical3A_53 = arith.shrui %add3A_46, %shift_right_logical3A_52 : vector<32x64xi32>
    %or3A_54 = arith.ori %shift_left3A_50, %shift_right_logical3A_53 : vector<32x64xi32>
    %xor3A_55 = arith.xori %or3A_54, %add3A_47 : vector<32x64xi32>
    %add3A_56 = arith.addi %add3A_47, %xor3A_55 : vector<32x64xi32>
    %shift_left3A_57 = arith.constant 29 : i32
    %shift_left3A_58 = vector.broadcast %shift_left3A_57 : i32 to vector<32x64xi32>
    %shift_left3A_59 = arith.shli %xor3A_55, %shift_left3A_58 : vector<32x64xi32>
    %shift_right_logical3A_60 = arith.constant 3 : i32
    %shift_right_logical3A_61 = vector.broadcast %shift_right_logical3A_60 : i32 to vector<32x64xi32>
    %shift_right_logical3A_62 = arith.shrui %xor3A_55, %shift_right_logical3A_61 : vector<32x64xi32>
    %or3A_63 = arith.ori %shift_left3A_59, %shift_right_logical3A_62 : vector<32x64xi32>
    %xor3A_64 = arith.xori %or3A_63, %add3A_56 : vector<32x64xi32>
    %add3A_65 = arith.addi %add3A_56, %xor3A_64 : vector<32x64xi32>
    %shift_left3A_66 = arith.constant 16 : i32
    %shift_left3A_67 = vector.broadcast %shift_left3A_66 : i32 to vector<32x64xi32>
    %shift_left3A_68 = arith.shli %xor3A_64, %shift_left3A_67 : vector<32x64xi32>
    %shift_right_logical3A_69 = arith.constant 16 : i32
    %shift_right_logical3A_70 = vector.broadcast %shift_right_logical3A_69 : i32 to vector<32x64xi32>
    %shift_right_logical3A_71 = arith.shrui %xor3A_64, %shift_right_logical3A_70 : vector<32x64xi32>
    %or3A_72 = arith.ori %shift_left3A_68, %shift_right_logical3A_71 : vector<32x64xi32>
    %xor3A_73 = arith.xori %or3A_72, %add3A_65 : vector<32x64xi32>
    %add3A_74 = arith.addi %add3A_65, %xor3A_73 : vector<32x64xi32>
    %shift_left3A_75 = arith.constant 24 : i32
    %shift_left3A_76 = vector.broadcast %shift_left3A_75 : i32 to vector<32x64xi32>
    %shift_left3A_77 = arith.shli %xor3A_73, %shift_left3A_76 : vector<32x64xi32>
    %shift_right_logical3A_78 = arith.constant 8 : i32
    %shift_right_logical3A_79 = vector.broadcast %shift_right_logical3A_78 : i32 to vector<32x64xi32>
    %shift_right_logical3A_80 = arith.shrui %xor3A_73, %shift_right_logical3A_79 : vector<32x64xi32>
    %or3A_81 = arith.ori %shift_left3A_77, %shift_right_logical3A_80 : vector<32x64xi32>
    %xor3A_82 = arith.xori %or3A_81, %add3A_74 : vector<32x64xi32>
    %add3A_83 = arith.constant 466689008 : i32
    %add3A_84 = vector.broadcast %add3A_83 : i32 to vector<32x64xi32>
    %add3A_85 = arith.addi %add3A_74, %add3A_84 : vector<32x64xi32>
    %add3A_86 = arith.constant 0 : i32
    %add3A_87 = vector.broadcast %add3A_86 : i32 to vector<32x64xi32>
    %add3A_88 = arith.addi %xor3A_82, %add3A_87 : vector<32x64xi32>
    %add3A_89 = arith.constant 2 : i32
    %add3A_90 = vector.broadcast %add3A_89 : i32 to vector<32x64xi32>
    %add3A_91 = arith.addi %add3A_88, %add3A_90 : vector<32x64xi32>
    %add3A_92 = arith.addi %add3A_85, %add3A_91 : vector<32x64xi32>
    %shift_left3A_93 = arith.constant 13 : i32
    %shift_left3A_94 = vector.broadcast %shift_left3A_93 : i32 to vector<32x64xi32>
    %shift_left3A_95 = arith.shli %add3A_91, %shift_left3A_94 : vector<32x64xi32>
    %shift_right_logical3A_96 = arith.constant 19 : i32
    %shift_right_logical3A_97 = vector.broadcast %shift_right_logical3A_96 : i32 to vector<32x64xi32>
    %shift_right_logical3A_98 = arith.shrui %add3A_91, %shift_right_logical3A_97 : vector<32x64xi32>
    %or3A_99 = arith.ori %shift_left3A_95, %shift_right_logical3A_98 : vector<32x64xi32>
    %xor3A_100 = arith.xori %or3A_99, %add3A_92 : vector<32x64xi32>
    %add3A_101 = arith.addi %add3A_92, %xor3A_100 : vector<32x64xi32>
    %shift_left3A_102 = arith.constant 15 : i32
    %shift_left3A_103 = vector.broadcast %shift_left3A_102 : i32 to vector<32x64xi32>
    %shift_left3A_104 = arith.shli %xor3A_100, %shift_left3A_103 : vector<32x64xi32>
    %shift_right_logical3A_105 = arith.constant 17 : i32
    %shift_right_logical3A_106 = vector.broadcast %shift_right_logical3A_105 : i32 to vector<32x64xi32>
    %shift_right_logical3A_107 = arith.shrui %xor3A_100, %shift_right_logical3A_106 : vector<32x64xi32>
    %or3A_108 = arith.ori %shift_left3A_104, %shift_right_logical3A_107 : vector<32x64xi32>
    %xor3A_109 = arith.xori %or3A_108, %add3A_101 : vector<32x64xi32>
    %add3A_110 = arith.addi %add3A_101, %xor3A_109 : vector<32x64xi32>
    %shift_left3A_111 = arith.constant 26 : i32
    %shift_left3A_112 = vector.broadcast %shift_left3A_111 : i32 to vector<32x64xi32>
    %shift_left3A_113 = arith.shli %xor3A_109, %shift_left3A_112 : vector<32x64xi32>
    %shift_right_logical3A_114 = arith.constant 6 : i32
    %shift_right_logical3A_115 = vector.broadcast %shift_right_logical3A_114 : i32 to vector<32x64xi32>
    %shift_right_logical3A_116 = arith.shrui %xor3A_109, %shift_right_logical3A_115 : vector<32x64xi32>
    %or3A_117 = arith.ori %shift_left3A_113, %shift_right_logical3A_116 : vector<32x64xi32>
    %xor3A_118 = arith.xori %or3A_117, %add3A_110 : vector<32x64xi32>
    %add3A_119 = arith.addi %add3A_110, %xor3A_118 : vector<32x64xi32>
    %shift_left3A_120 = arith.constant 6 : i32
    %shift_left3A_121 = vector.broadcast %shift_left3A_120 : i32 to vector<32x64xi32>
    %shift_left3A_122 = arith.shli %xor3A_118, %shift_left3A_121 : vector<32x64xi32>
    %shift_right_logical3A_123 = arith.constant 26 : i32
    %shift_right_logical3A_124 = vector.broadcast %shift_right_logical3A_123 : i32 to vector<32x64xi32>
    %shift_right_logical3A_125 = arith.shrui %xor3A_118, %shift_right_logical3A_124 : vector<32x64xi32>
    %or3A_126 = arith.ori %shift_left3A_122, %shift_right_logical3A_125 : vector<32x64xi32>
    %xor3A_127 = arith.xori %or3A_126, %add3A_119 : vector<32x64xi32>
    %add3A_128 = arith.constant 0 : i32
    %add3A_129 = vector.broadcast %add3A_128 : i32 to vector<32x64xi32>
    %add3A_130 = arith.addi %add3A_119, %add3A_129 : vector<32x64xi32>
    %add3A_131 = arith.constant 42 : i32
    %add3A_132 = vector.broadcast %add3A_131 : i32 to vector<32x64xi32>
    %add3A_133 = arith.addi %xor3A_127, %add3A_132 : vector<32x64xi32>
    %add3A_134 = arith.constant 3 : i32
    %add3A_135 = vector.broadcast %add3A_134 : i32 to vector<32x64xi32>
    %add3A_136 = arith.addi %add3A_133, %add3A_135 : vector<32x64xi32>
    %add3A_137 = arith.addi %add3A_130, %add3A_136 : vector<32x64xi32>
    %shift_left3A_138 = arith.constant 17 : i32
    %shift_left3A_139 = vector.broadcast %shift_left3A_138 : i32 to vector<32x64xi32>
    %shift_left3A_140 = arith.shli %add3A_136, %shift_left3A_139 : vector<32x64xi32>
    %shift_right_logical3A_141 = arith.constant 15 : i32
    %shift_right_logical3A_142 = vector.broadcast %shift_right_logical3A_141 : i32 to vector<32x64xi32>
    %shift_right_logical3A_143 = arith.shrui %add3A_136, %shift_right_logical3A_142 : vector<32x64xi32>
    %or3A_144 = arith.ori %shift_left3A_140, %shift_right_logical3A_143 : vector<32x64xi32>
    %xor3A_145 = arith.xori %or3A_144, %add3A_137 : vector<32x64xi32>
    %add3A_146 = arith.addi %add3A_137, %xor3A_145 : vector<32x64xi32>
    %shift_left3A_147 = arith.constant 29 : i32
    %shift_left3A_148 = vector.broadcast %shift_left3A_147 : i32 to vector<32x64xi32>
    %shift_left3A_149 = arith.shli %xor3A_145, %shift_left3A_148 : vector<32x64xi32>
    %shift_right_logical3A_150 = arith.constant 3 : i32
    %shift_right_logical3A_151 = vector.broadcast %shift_right_logical3A_150 : i32 to vector<32x64xi32>
    %shift_right_logical3A_152 = arith.shrui %xor3A_145, %shift_right_logical3A_151 : vector<32x64xi32>
    %or3A_153 = arith.ori %shift_left3A_149, %shift_right_logical3A_152 : vector<32x64xi32>
    %xor3A_154 = arith.xori %or3A_153, %add3A_146 : vector<32x64xi32>
    %add3A_155 = arith.addi %add3A_146, %xor3A_154 : vector<32x64xi32>
    %shift_left3A_156 = arith.constant 16 : i32
    %shift_left3A_157 = vector.broadcast %shift_left3A_156 : i32 to vector<32x64xi32>
    %shift_left3A_158 = arith.shli %xor3A_154, %shift_left3A_157 : vector<32x64xi32>
    %shift_right_logical3A_159 = arith.constant 16 : i32
    %shift_right_logical3A_160 = vector.broadcast %shift_right_logical3A_159 : i32 to vector<32x64xi32>
    %shift_right_logical3A_161 = arith.shrui %xor3A_154, %shift_right_logical3A_160 : vector<32x64xi32>
    %or3A_162 = arith.ori %shift_left3A_158, %shift_right_logical3A_161 : vector<32x64xi32>
    %xor3A_163 = arith.xori %or3A_162, %add3A_155 : vector<32x64xi32>
    %add3A_164 = arith.addi %add3A_155, %xor3A_163 : vector<32x64xi32>
    %shift_left3A_165 = arith.constant 24 : i32
    %shift_left3A_166 = vector.broadcast %shift_left3A_165 : i32 to vector<32x64xi32>
    %shift_left3A_167 = arith.shli %xor3A_163, %shift_left3A_166 : vector<32x64xi32>
    %shift_right_logical3A_168 = arith.constant 8 : i32
    %shift_right_logical3A_169 = vector.broadcast %shift_right_logical3A_168 : i32 to vector<32x64xi32>
    %shift_right_logical3A_170 = arith.shrui %xor3A_163, %shift_right_logical3A_169 : vector<32x64xi32>
    %or3A_171 = arith.ori %shift_left3A_167, %shift_right_logical3A_170 : vector<32x64xi32>
    %xor3A_172 = arith.xori %or3A_171, %add3A_164 : vector<32x64xi32>
    %add3A_173 = arith.constant 42 : i32
    %add3A_174 = vector.broadcast %add3A_173 : i32 to vector<32x64xi32>
    %add3A_175 = arith.addi %add3A_164, %add3A_174 : vector<32x64xi32>
    %add3A_176 = arith.constant 466689008 : i32
    %add3A_177 = vector.broadcast %add3A_176 : i32 to vector<32x64xi32>
    %add3A_178 = arith.addi %xor3A_172, %add3A_177 : vector<32x64xi32>
    %add3A_179 = arith.constant 4 : i32
    %add3A_180 = vector.broadcast %add3A_179 : i32 to vector<32x64xi32>
    %add3A_181 = arith.addi %add3A_178, %add3A_180 : vector<32x64xi32>
    %add3A_182 = arith.addi %add3A_175, %add3A_181 : vector<32x64xi32>
    %shift_left3A_183 = arith.constant 13 : i32
    %shift_left3A_184 = vector.broadcast %shift_left3A_183 : i32 to vector<32x64xi32>
    %shift_left3A_185 = arith.shli %add3A_181, %shift_left3A_184 : vector<32x64xi32>
    %shift_right_logical3A_186 = arith.constant 19 : i32
    %shift_right_logical3A_187 = vector.broadcast %shift_right_logical3A_186 : i32 to vector<32x64xi32>
    %shift_right_logical3A_188 = arith.shrui %add3A_181, %shift_right_logical3A_187 : vector<32x64xi32>
    %or3A_189 = arith.ori %shift_left3A_185, %shift_right_logical3A_188 : vector<32x64xi32>
    %xor3A_190 = arith.xori %or3A_189, %add3A_182 : vector<32x64xi32>
    %add3A_191 = arith.addi %add3A_182, %xor3A_190 : vector<32x64xi32>
    %shift_left3A_192 = arith.constant 15 : i32
    %shift_left3A_193 = vector.broadcast %shift_left3A_192 : i32 to vector<32x64xi32>
    %shift_left3A_194 = arith.shli %xor3A_190, %shift_left3A_193 : vector<32x64xi32>
    %shift_right_logical3A_195 = arith.constant 17 : i32
    %shift_right_logical3A_196 = vector.broadcast %shift_right_logical3A_195 : i32 to vector<32x64xi32>
    %shift_right_logical3A_197 = arith.shrui %xor3A_190, %shift_right_logical3A_196 : vector<32x64xi32>
    %or3A_198 = arith.ori %shift_left3A_194, %shift_right_logical3A_197 : vector<32x64xi32>
    %xor3A_199 = arith.xori %or3A_198, %add3A_191 : vector<32x64xi32>
    %add3A_200 = arith.addi %add3A_191, %xor3A_199 : vector<32x64xi32>
    %shift_left3A_201 = arith.constant 26 : i32
    %shift_left3A_202 = vector.broadcast %shift_left3A_201 : i32 to vector<32x64xi32>
    %shift_left3A_203 = arith.shli %xor3A_199, %shift_left3A_202 : vector<32x64xi32>
    %shift_right_logical3A_204 = arith.constant 6 : i32
    %shift_right_logical3A_205 = vector.broadcast %shift_right_logical3A_204 : i32 to vector<32x64xi32>
    %shift_right_logical3A_206 = arith.shrui %xor3A_199, %shift_right_logical3A_205 : vector<32x64xi32>
    %or3A_207 = arith.ori %shift_left3A_203, %shift_right_logical3A_206 : vector<32x64xi32>
    %xor3A_208 = arith.xori %or3A_207, %add3A_200 : vector<32x64xi32>
    %add3A_209 = arith.addi %add3A_200, %xor3A_208 : vector<32x64xi32>
    %shift_left3A_210 = arith.constant 6 : i32
    %shift_left3A_211 = vector.broadcast %shift_left3A_210 : i32 to vector<32x64xi32>
    %shift_left3A_212 = arith.shli %xor3A_208, %shift_left3A_211 : vector<32x64xi32>
    %shift_right_logical3A_213 = arith.constant 26 : i32
    %shift_right_logical3A_214 = vector.broadcast %shift_right_logical3A_213 : i32 to vector<32x64xi32>
    %shift_right_logical3A_215 = arith.shrui %xor3A_208, %shift_right_logical3A_214 : vector<32x64xi32>
    %or3A_216 = arith.ori %shift_left3A_212, %shift_right_logical3A_215 : vector<32x64xi32>
    %xor3A_217 = arith.xori %or3A_216, %add3A_209 : vector<32x64xi32>
    %add3A_218 = arith.constant 466689008 : i32
    %add3A_219 = vector.broadcast %add3A_218 : i32 to vector<32x64xi32>
    %add3A_220 = arith.addi %add3A_209, %add3A_219 : vector<32x64xi32>
    %add3A_221 = arith.constant 0 : i32
    %add3A_222 = vector.broadcast %add3A_221 : i32 to vector<32x64xi32>
    %add3A_223 = arith.addi %xor3A_217, %add3A_222 : vector<32x64xi32>
    %add3A_224 = arith.constant 5 : i32
    %add3A_225 = vector.broadcast %add3A_224 : i32 to vector<32x64xi32>
    %add3A_226 = arith.addi %add3A_223, %add3A_225 : vector<32x64xi32>
    %xor3A_227 = arith.xori %add3A_220, %add3A_226 : vector<32x64xi32>
    %shift_right_logical3A_228 = arith.constant 9 : i32
    %shift_right_logical3A_229 = vector.broadcast %shift_right_logical3A_228 : i32 to vector<32x64xi32>
    %shift_right_logical3A_230 = arith.shrui %xor3A_227, %shift_right_logical3A_229 : vector<32x64xi32>
    %or3A_231 = arith.constant 1065353216 : i32
    %or3A_232 = vector.broadcast %or3A_231 : i32 to vector<32x64xi32>
    %or3A_233 = arith.ori %shift_right_logical3A_230, %or3A_232 : vector<32x64xi32>
    %bitcast_convert_type3A = tpu.bitcast %or3A_233 : vector<32x64xi32> -> vector<32x64xf32>
    %sub3A = arith.constant 1.000000e+00 : f32
    %sub3A_234 = vector.broadcast %sub3A : f32 to vector<32x64xf32>
    %sub3A_235 = arith.subf %bitcast_convert_type3A, %sub3A_234 : vector<32x64xf32>
    %max3A = arith.constant 9.99999968E-21 : f32
    %max3A_236 = vector.broadcast %max3A : f32 to vector<32x64xf32>
    %max3A_237 = arith.maximumf %sub3A_235, %max3A_236 : vector<32x64xf32>
    %log3A = math.log %max3A_237 : vector<32x64xf32>
    %neg3A = arith.constant 0.000000e+00 : f32
    %neg3A_238 = vector.broadcast %neg3A : f32 to vector<32x64xf32>
    %neg3A_239 = arith.subf %neg3A_238, %log3A : vector<32x64xf32>
    %log3A_240 = math.log %neg3A_239 : vector<32x64xf32>
    %neg3A_241 = arith.constant 0.000000e+00 : f32
    %neg3A_242 = vector.broadcast %neg3A_241 : f32 to vector<32x64xf32>
    %neg3A_243 = arith.subf %neg3A_242, %log3A_240 : vector<32x64xf32>
    %get3A_244 = arith.constant 0 : index
    %get3A_245 = arith.constant 0 : index
    %get3A_246 = vector.load %arg0[%get3A_244, %get3A_245] : memref<32x64xf32, #tpu.memory_space<vmem>>, vector<32x64xf32>
    %add3A_247 = arith.addf %get3A_246, %neg3A_243 : vector<32x64xf32>
    %reduce_max3A = arith.constant dense<0xFF800000> : vector<64xf32>
    %reduce_max3A_248 = vector.multi_reduction <maximumf>, %add3A_247, %reduce_max3A [0] : vector<32x64xf32> to vector<64xf32>
    %broadcast_in_dim3A = vector.shape_cast %reduce_max3A_248 : vector<64xf32> to vector<1x64xf32>
    %eq3A = vector.broadcast %broadcast_in_dim3A : vector<1x64xf32> to vector<32x64xf32>
    %eq3A_249 = arith.cmpf oeq, %add3A_247, %eq3A : vector<32x64xf32>
    %jit3A = arith.constant 2147483647 : i32
    %broadcast_in_dim3A_250 = vector.broadcast %jit3A : i32 to vector<32x64xi32>
    %select_n3A = arith.select %eq3A_249, %get3A_1, %broadcast_in_dim3A_250 : vector<32x64xi1>, vector<32x64xi32>
    %reduce_min3A = arith.constant dense<2147483647> : vector<64xi32>
    %reduce_min3A_251 = vector.multi_reduction <minsi>, %select_n3A, %reduce_min3A [0] : vector<32x64xi32> to vector<64xi32>
    %broadcast_in_dim3A_252 = vector.shape_cast %reduce_min3A_251 : vector<64xi32> to vector<1x64xi32>
    %get3A_253 = arith.constant 0 : index
    %get3A_254 = arith.constant 0 : index
    %get3A_255 = vector.load %arg2[%get3A_253, %get3A_254] : memref<1x64xf32, #tpu.memory_space<vmem>>, vector<1x64xf32>
    %ge3A = arith.cmpf oge, %broadcast_in_dim3A, %get3A_255 : vector<1x64xf32>
    %get3A_256 = arith.constant 0 : index
    %get3A_257 = arith.constant 0 : index
    %get3A_258 = vector.load %arg3[%get3A_256, %get3A_257] : memref<1x64xi32, #tpu.memory_space<vmem>>, vector<1x64xi32>
    %select_n3A_259 = arith.select %ge3A, %broadcast_in_dim3A_252, %get3A_258 : vector<1x64xi1>, vector<1x64xi32>
    %swap3A = arith.constant 0 : index
    %swap3A_260 = arith.constant 0 : index
    %swap3A_261 = vector.load %arg4[%swap3A, %swap3A_260] : memref<1x64xi32, #tpu.memory_space<vmem>>, vector<1x64xi32>
    tpu.vector_store %arg4[%swap3A, %swap3A_260], %select_n3A_259 {strides = array<i32>} : memref<1x64xi32, #tpu.memory_space<vmem>>, vector<1x64xi32>,
    return
  }
}

</mosaic_0001>

<sc_bundles>
// kernel: kernel.5.cloned.1.call-start
scs
__scs_entry_jumppad:
0x0: {  	(pc) =	sbr.rel $0x88, $3  }
0x1: {  	(tag) =	ssettag $0x0;
	lr =	simm.s32 $0x1  }
0x2: {  	[smem:$0x3FA0] =	sst lr;
	_ =	strace $0xD0000000  }
0x3: {  	_ = 	snop  }
0x4: {  	_ = 	snop  }
0x5: {  	_ = 	snop  }
0x6: {  	_ = 	snop  }
0x7: {  	_ = 	snop  }
__scs_overlays_trampoline_lowered:
0x8: {  	[smem:$0x3FAF] =	sst s0  }
0x9: {  	[smem:$0x3FB0] =	sst s1  }
0xa: {  	[smem:$0x3FB1] =	sst s2  }
0xb: {  	[smem:$0x3FB2] =	sst s3  }
0xc: {  	[smem:$0x3FB3] =	sst s4  }
0xd: {  	[smem:$0x3FB4] =	sst s5  }
0xe: {  	[smem:$0x3FB5] =	sst s6  }
0xf: {  	[smem:$0x3FB6] =	sst s7  }
0x10: {  	[smem:$0x3FB7] =	sst s8  }
0x11: {  	[smem:$0x3FB8] =	sst s9;
	s0 =	simm.s32 @!p0 $0x0  }
0x12: {  	s1 =	sld [smem:$0x3F9E];
	s0 =	simm.s32 @p0 $0x1  }
0x13: {  	[smem:$0x3FB9] =	sst s0;
	s0 =	simm.s32 @!p1 $0x0  }
0x14: {  	s2 =	sld [smem:$0x3F9D];
	s0 =	simm.s32 @p1 $0x1  }
0x15: {  	[smem:$0x3FBA] =	sst s0;
	s0 =	simm.s32 @!p2 $0x0  }
0x16: {  	s3 =	sld [smem:$0x3FDB];
	s0 =	simm.s32 @p2 $0x1  }
0x17: {  	s4 =	simm.s32 $0x1BF5;
	[smem:$0x3FBC] =	sst s0  }
0x18: {  	s0 =	sld [smem:$0x3F9F];
	_ =	swait.ge [sflag:s4], $0x0  }
0x19: {  	s7 =	sld [smem:$0x3FA0]  }
0x1a: {  	s8 =	sadd.s32 $0xFFFFE003, lr  }
0x1b: {  	s9 =	sadd.s32 $0xFFFFFEF7, lr;
	s5 =	simm.s32 $0xFFFFFFFF;
	p2 =	slt.u32 s8, $0xFFFFF086  }
0x1c: {  	p1 =	slt.u32 s9, $0xF7A;
	s5 =	simm.s32 @!p2 $0x0  }
0x1d: {  	s5 =	simm.s32 @p1 $0x1;
	p0 =	seq.s32 s7, s2  }
0x1e: {  	s7 =	smul.u32 @!p0 $0xF7A, s2;
	p2 =	seq.s32 @!p0 s5, $0x0  }
0x1f: {  	s9 =	smul.u32 $0xF7A, s1;
	s8 =	simm.s32 @!p0 $0x1BF5;
	p2 =	por !p2, p0  }
0x20: {  	[sflag:s8] =	ssyncset.s32 @!p0 $0xFFFFF086;
	s6 =	sadd.s32 @!p0 s3, s7;
	s7 =	simm.s32 @!p0 $0x108  }
0x21: {  	s3 =	sadd.s32 s3, s9;
	s6 =	sadd.s32 @!p0 $0x88, s6;
	s7 =	simm.s32 @p2 $0x1082  }
0x22: {  	[simem:s7], [sflag:s8] =	dma.local @!p0 [hbm:s6], $0xF7A  }
0x23: {  	s9 =	sor.u32 $0xD0000000, s2;
	s6 =	simm.s32 $0x108;
	_ =	swait.ge @!p0 [sflag:s8], $0x0  }
0x24: {  	s3 =	sadd.s32 $0x88, s3;
	s6 =	simm.s32 @!p1 $0x1082;
	[sflag:s4] =	ssyncset.s32 $0xFFFFF086  }
0x25: {  	[simem:s6], [sflag:s4] =	dma.local [hbm:s3], $0xF7A  }
0x26: {  	[smem:$0x3FA0] =	sst s1;
	(tag) =	ssettag s2;
	_ =	strace s9  }
0x27: {  	s1 =	sld [smem:$0x3FB0]  }
0x28: {  	s2 =	sld [smem:$0x3FB1]  }
0x29: {  	s4 =	sld [smem:$0x3FB3]  }
0x2a: {  	p0 =	seq.s32 s5, $0x0;
	s5 =	sld [smem:$0x3FB4]  }
0x2b: {  	s6 =	sld [smem:$0x3FB5]  }
0x2c: {  	s7 =	sld [smem:$0x3FB6]  }
0x2d: {  	s3 =	simm.s32 $0x108;
	s8 =	sld [smem:$0x3FB7]  }
0x2e: {  	s3 =	simm.s32 @!p0 $0x1082;
	s9 =	sld [smem:$0x3FB8]  }
0x2f: {  	lr =	sadd.s32 s0, s3;
	s0 =	sld [smem:$0x3FAF]  }
0x30: {  	s3 =	sld [smem:$0x3FB2]  }
0x31: {  	[smem:$0x3FBB] =	sst s10  }
0x32: {  	s10 =	sld [smem:$0x3FB9];
	_ =	sdelay $0x3  }
0x33: {  	p0 =	seq.s32 s10, $0x1;
	s10 =	sld [smem:$0x3FBB];
	_ =	sdelay $0x3  }
0x34: {  	[smem:$0x3FBB] =	sst s10  }
0x35: {  	s10 =	sld [smem:$0x3FBA];
	_ =	sdelay $0x3  }
0x36: {  	p1 =	seq.s32 s10, $0x1;
	s10 =	sld [smem:$0x3FBB];
	_ =	sdelay $0x3  }
0x37: {  	[smem:$0x3FBB] =	sst s10  }
0x38: {  	s10 =	sld [smem:$0x3FBC]  }
0x39: {  	_ = 	snop;
	(pc) =	sbr.ind lr, $3  }
0x3a: {  	_ = 	snop  }
0x3b: {  	_ = 	snop  }
0x3c: {  	p2 =	seq.s32 s10, $0x1;
	s10 =	sld [smem:$0x3FBB]  }
0x3d: {  	_ =	shalt  }
0x3e: {  	_ =	shalt  }
0x3f: {  	_ =	shalt  }
0x40: {  	_ =	shalt  }
0x41: {  	_ =	shalt  }
0x42: {  	_ =	shalt  }
0x43: {  	_ =	shalt  }
0x44: {  	_ =	shalt  }
0x45: {  	_ =	shalt  }
0x46: {  	_ =	shalt  }
0x47: {  	_ =	shalt  }
0x48: {  	_ =	shalt  }
0x49: {  	_ =	shalt  }
0x4a: {  	_ =	shalt  }
0x4b: {  	_ =	shalt  }
0x4c: {  	_ =	shalt  }
0x4d: {  	_ =	shalt  }
0x4e: {  	_ =	shalt  }
0x4f: {  	_ =	shalt  }
0x50: {  	_ =	shalt  }
0x51: {  	_ =	shalt  }
0x52: {  	_ =	shalt  }
0x53: {  	_ =	shalt  }
0x54: {  	_ =	shalt  }
0x55: {  	_ =	shalt  }
0x56: {  	_ =	shalt  }
0x57: {  	_ =	shalt  }
0x58: {  	_ =	shalt  }
0x59: {  	_ =	shalt  }
0x5a: {  	_ =	shalt  }
0x5b: {  	_ =	shalt  }
0x5c: {  	_ =	shalt  }
0x5d: {  	_ =	shalt  }
0x5e: {  	_ =	shalt  }
0x5f: {  	_ =	shalt  }
0x60: {  	_ =	shalt  }
0x61: {  	_ =	shalt  }
0x62: {  	_ =	shalt  }
0x63: {  	_ =	shalt  }
0x64: {  	_ =	shalt  }
0x65: {  	_ =	shalt  }
0x66: {  	_ =	shalt  }
0x67: {  	_ =	shalt  }
0x68: {  	_ =	shalt  }
0x69: {  	_ =	shalt  }
0x6a: {  	_ =	shalt  }
0x6b: {  	_ =	shalt  }
0x6c: {  	_ =	shalt  }
0x6d: {  	_ =	shalt  }
0x6e: {  	_ =	shalt  }
0x6f: {  	_ =	shalt  }
0x70: {  	_ =	shalt  }
0x71: {  	_ =	shalt  }
0x72: {  	_ =	shalt  }
0x73: {  	_ =	shalt  }
0x74: {  	_ =	shalt  }
0x75: {  	_ =	shalt  }
0x76: {  	_ =	shalt  }
0x77: {  	_ =	shalt  }
0x78: {  	_ =	shalt  }
0x79: {  	_ =	shalt  }
0x7a: {  	_ =	shalt  }
0x7b: {  	_ =	shalt  }
0x7c: {  	_ =	shalt  }
0x7d: {  	_ =	shalt  }
0x7e: {  	_ =	shalt  }
0x7f: {  	_ =	shalt  }
0x80: {  	_ =	shalt  }
0x81: {  	_ =	shalt  }
0x82: {  	_ =	shalt  }
0x83: {  	_ =	shalt  }
0x84: {  	_ =	shalt  }
0x85: {  	_ =	shalt  }
0x86: {  	_ =	shalt  }
0x87: {  	_ =	shalt  }
.Lfunc_end0:
.L_simem_size_0:
called_computation_lowered:
.L_overlay_start_0:
0x88: {  	s2 =	sld [smem:$0x3FD9]  }
0x89: {  	s3 =	sld [smem:$0x3FFE];
	_ =	sdelay $0x1  }
0x8a: {  	s1 =	srdreg.scid  }
0x8b: {  	s0 =	sand.u32 $0x1, s1  }
0x8c: {  	s17 =	sshll.u32 s0, $0xA;
	s2 =	sadd.s32 s3, s2  }
0x8d: {  	s2 =	sadd.s32 s2, s17  }
0x8e: {  	[smem:$0x3FC7] =	sst s2  }
0x8f: {  	_ = 	snop  }
0x90: {  	s2 =	sld [smem:$0x3FC9];
	(tm) =	ssettm $0x1  }
0x91: {  	s18 =	sld [smem:$0x3FFB];
	_ =	sdelay $0x3  }
0x92: {  	_ =	strace s18  }
0x93: {  	s3 =	sld [smem:$0x3FFC];
	_ =	sdelay $0x3  }
0x94: {  	_ =	strace s3  }
0x95: {  	s3 =	sld [smem:$0x3FFD];
	_ =	sdelay $0x3  }
0x96: {  	_ =	strace s3  }
0x97: {  	_ =	strace $0x8FFFFFFF  }
0x98: {  	s19 =	sld [smem:$0x3FDB];
	_ =	sdelay $0x1  }
0x99: {  	s4 =	simm.s32 $_scs_section_size  }
0x9a: {  	s5 =	simm.s32 $_size__tile_overlayer_lowered;
	s6 =	simm.s32 $_tile_overlayer_lowered  }
0x9b: {  	s22 =	simm.s32 $0x1BFF;
	s21 =	sshll.u32 s6, $0x1;
	s3 =	sadd.s32 s4, s19  }
0x9c: {  	s7 =	simm.s32 $0x0;
	s20 =	sshll.u32 s5, $0x1;
	s5 =	sadd.s32 s21, s3  }
0x9d: {  	[timem:s7], [sflag:s22] =	dma.local [hbm:s5], s20  }
0x9e: {  	_ =	swait.ge [sflag:s22], s20  }
0x9f: {  	s4 =	ssub.s32 $0x0, s20;
	[sflag:s22] =	ssyncset.done $0x0  }
0xa0: {  	[sflag:s22] =	ssyncadd.s32 s4;
	_ =	sdelay $0x1  }
0xa1: {  	s23 =	simm.s32 $0x1B8B  }
0xa2: {  	_ =	swait.ge [sflag:s23], $0x1  }
0xa3: {  	[sflag:s23] =	ssyncset.done $0x0  }
0xa4: {  	s25 =	simm.s32 $0x1B8E;
	s24 =	sld [smem:$0x3FFE];
	[sflag:s23] =	ssyncadd.s32 $0xFFFFFFFF  }
0xa5: {  	s26 =	simm.s32 $execute0_lowered;
	[smem:$0x3FD2] =	sst s25  }
0xa6: {  	s5 =	sshll.u32 s26, $0x1;
	_ =	strace $0x80000046;
	[dreg:$0x1] =	wrdreg $0xFFFFFFFF  }
0xa7: {  	s28 =	simm.s32 $_size_execute0_lowered;
	s3 =	sadd.s32 s3, s5;
	[dreg:$0x0] =	wrdreg $0x0  }
0xa8: {  	s5 =	sshll.u32 s28, $0x1;
	[dreg:$0x2] =	wrdreg s3  }
0xa9: {  	[dreg:$0x3] =	wrdreg s5  }
0xaa: {  	[dreg:$0x4] =	wrdreg $0xC0  }
0xab: {  	_ =	task [dreg:s7], $0x5FFFF  }
0xac: {  	[dreg:$0x1] =	wrdreg $0xFFFFFFFF  }
0xad: {  	[dreg:$0x0] =	wrdreg $0x60  }
0xae: {  	[dreg:$0x2] =	wrdreg s2  }
0xaf: {  	[dreg:$0x3] =	wrdreg s24  }
0xb0: {  	[dreg:$0x4] =	wrdreg $0x9  }
0xb1: {  	_ =	task.clear_ibuf [dreg:s7], $0x5FFFF;
	_ =	strace $0x90000046  }
0xb2: {  	s29 =	simm.s32 $0x9;
	_ =	strace $0x80000048  }
0xb3: {  	_ =	swait.ge [sflag:s29], $0x1  }
0xb4: {  	[sflag:s29] =	ssyncadd.s32 $0xFFFFFFFF  }
0xb5: {  	_ =	strace $0x90000048  }
0xb6: {  	_ =	sfence  }
0xb7: {  	s30 =	sld [smem:$0x0];
	_ =	sdelay $0x2  }
0xb8: {  	s31 =	sshll.u32 s1, $0xD;
	s1 =	sshrl.u32 s1, $0x2  }
0xb9: {  	s3 =	sand.u32 $0x4000, s31;
	s1 =	sadd.s32 s1, s30  }
0xba: {  	s0 =	sor.u32 s3, s0;
	s1 =	sshll.u32 s1, $0x11  }
0xbb: {  	s0 =	sor.u32 s1, s0  }
0xbc: {  	s0 =	sadd.s32 $0x8F2B, s0  }
0xbd: {  	[sflag:s0] =	ssyncadd.remote.s32 $0x1  }
0xbe: {  	_ =	sfence.sel $0xFFFF  }
0xbf: {  	[dreg:$0x0] =	wrdreg $0xFFFFFFFF;
	(pc) =	sbr.abs _section_cstart, $3  }
0xc0: {  	[dreg:$0x1] =	wrdreg $0xFFFFFFFF  }
0xc1: {  	_ =	task.clear_ibuf [dreg:s7], $0x2FFFF;
	_ =	strace $0x9FFFFFFF  }
0xc2: {  	(tm) =	ssettm $0x7FFFFFFF  }
0xc3: {  	_ =	shalt  }
tec
execute0_lowered:
.L_overlay_start_1:
0x0: {  	(tag) =	ssettag $0x1  }
0x1: {  	v0 =	vimm.s32 $0xFEDCBA98;
	s3 =	rddreg [dreg:$0x0];
	v1 =	vimm.s32 $0x76543210  }
0x2: {  	s4 =	rddreg [dreg:$0x1];
	v3 =	vimm.s32 $0x32107654;
	v4 =	vimm.s32 $0xDCFE98BA;
	v5 =	vimm.s32 $0x54761032  }
0x3: {  	s1 =	simm.s32 $0x0;
	s2 =	srdreg.scid;
	s0 =	rddreg [dreg:$0x2];
	v6 =	vimm.s32 $0xEFCDAB89;
	v7 =	vimm.s32 $0x67452301;
	v0 =	vunpack.c.l.s4.s8 v0  }
0x4: {  	s11 =	simm.s32 $0xC000;
	s12 =	simm.s32 $0xC080;
	s13 =	simm.s32 $0x2;
	v4 =	vunpack.c.l.s4.s8 v4;
	v5 =	vunpack.c.l.s4.s8 v5;
	v6 =	vunpack.c.l.s4.s8 v6  }
0x5: {  	s14 =	simm.s32 $0x3;
	s15 =	simm.s32 $0x0;
	s5 =	sand.u32 $0x1, s2;
	v7 =	vunpack.c.l.s4.s8 v7;
	v2 =	vunpack.c.0.s8.s32 v0;
	v0 =	vimm.s32 $0xBA98FEDC  }
0x6: {  	[smem:$0x7FF] =	sst s1;
	s2 =	stileid.u32;
	v3 =	vunpack.c.l.s4.s8 v3;
	s6 =	sshll.u32 s5, $0x4;
	v4 =	vunpack.c.0.s8.s32 v4;
	v0 =	vunpack.c.l.s4.s8 v0  }
0x7: {  	_ =	strace $0x80000047;
	s9 =	smul.u32 $0x3000, s5;
	s6 =	sor.u32 s2, s6;
	v5 =	vunpack.c.0.s8.s32 v5;
	v6 =	vunpack.c.0.s8.s32 v6;
	v7 =	vunpack.c.0.s8.s32 v7  }
0x8: {  	v1 =	vunpack.c.l.s4.s8 v1;
	s8 =	ssub.s32 $0x2, s5;
	v3 =	vunpack.c.0.s8.s32 v3;
	s7 =	sshll.u32 s6, $0x4;
	s6 =	smul.u32 $0x300, s6;
	v0 =	vunpack.c.0.s8.s32 v0  }
0x9: {  	s10 =	smul.u32 $0x300, s2;
	s31 =	sshrl.u32 s8, $0x1;
	s7 =	sadd.s32 s7, s4;
	v9 =	vand.u32 $0xF, v2;
	v5 =	vcombine.low v5, v4;
	v6 =	vcombine.low v7, v6  }
0xa: {  	s8 =	ssub.s32 s8, s31;
	v2 =	vimm.s32 $0x0;
	s3 =	sadd.s32 s3, s6;
	s4 =	sadd.s32 $0xE00, s7;
	v8 =	vcombine.low v3, v0;
	v3 =	vunpack.c.0.s8.s32 v1  }
0xb: {  	s5 =	sadd.s32 $0x1000, s7;
	s6 =	smax.u32 s8, $0x1;
	s7 =	sadd.s32 s10, s9;
	v5 =	vand.u32 $0xF, v5;
	v6 =	vand.u32 $0xF, v6;
	v0 =	vlaneseq.u32  }
0xc: {  	s8 =	simm.s32 $0x1800;
	s9 =	simm.s32 $0xC3800;
	s10 =	simm.s32 $0x1;
	v1 =	vadd.s32 $0x2A, v0;
	v3 =	vcombine.low v9, v3;
	v4 =	vand.u32 $0xF, v8  }
.LBB2_1:
0xd: {  	[tilespmem:s1], [sflag:$0x1] =	stream.strided.gather [hbm4b:s3+s8], $0xC000, s9, s8, $0x38;
	[tilespmem:$0xC100] =	vst v63  }
0xe: {  	_ =	swait.ge [sflag:s10], $0xC000  }
0xf: {  	[sflag:s10] =	ssyncset.done $0x0  }
0x10: {  	s16 =	smov.u32 s7;
	s17 =	simm.s32 $0x0;
	[sflag:s10] =	ssyncadd.s32 $0xFFFF4000  }
.LBB2_2:
0x11: {  	s18 =	sadd.s32 $0x30, s16  }
0x12: {  	v9 =	vimm.f32 $1.000000000e+00;
	v8 =	vimm.s32 $0x0;
	s25 =	sadd.s32 $0x30, s7;
	v7 =	vadd.s32 s18, v1;
	s19 =	sadd.s32 $0xFFFFFFF0, s18  }
0x13: {  	s20 =	sadd.s32 $0xFFFFFFE0, s18;
	s18 =	sadd.s32 $0xFFFFFFD0, s18;
	s28 =	sadd.s32 $0xFFFFFFD0, s25;
	v10 =	vshrl.u32 v7, $0x13;
	v11 =	vshll.u32 v7, $0xD;
	v12 =	vadd.s32 s19, v1  }
0x14: {  	v13 =	vadd.s32 s20, v1;
	v14 =	vadd.s32 s18, v1;
	v28 =	vor.u32 s28, v0  }
0x15: {  	v10 =	vor.u32 v10, v11;
	v11 =	vshrl.u32 v12, $0x13;
	v15 =	vshrl.u32 v13, $0x13  }
0x16: {  	v16 =	vshll.u32 v13, $0xD;
	v17 =	vshll.u32 v12, $0xD;
	v18 =	vshrl.u32 v14, $0x13  }
0x17: {  	v19 =	vshll.u32 v14, $0xD;
	v10 =	vxor.u32 v7, v10;
	v11 =	vor.u32 v11, v17  }
0x18: {  	v17 =	vor.u32 v18, v19;
	v15 =	vor.u32 v15, v16;
	v7 =	vadd.s32 v7, v10  }
0x19: {  	v16 =	vshrl.u32 v10, $0x11;
	v10 =	vshll.u32 v10, $0xF;
	v11 =	vxor.u32 v12, v11  }
0x1a: {  	v15 =	vxor.u32 v13, v15;
	v17 =	vxor.u32 v14, v17;
	v12 =	vadd.s32 v12, v11  }
0x1b: {  	v10 =	vor.u32 v16, v10;
	v13 =	vadd.s32 v13, v15;
	v16 =	vshrl.u32 v11, $0x11  }
0x1c: {  	v11 =	vshll.u32 v11, $0xF;
	v14 =	vadd.s32 v14, v17;
	v18 =	vshrl.u32 v15, $0x11  }
0x1d: {  	v15 =	vshll.u32 v15, $0xF;
	v19 =	vshrl.u32 v17, $0x11;
	v17 =	vshll.u32 v17, $0xF  }
0x1e: {  	v10 =	vxor.u32 v7, v10;
	v17 =	vor.u32 v19, v17;
	v15 =	vor.u32 v18, v15  }
0x1f: {  	v11 =	vor.u32 v16, v11;
	v7 =	vadd.s32 v7, v10;
	v16 =	vshrl.u32 v10, $0x6  }
0x20: {  	v10 =	vshll.u32 v10, $0x1A;
	v17 =	vxor.u32 v14, v17;
	v11 =	vxor.u32 v12, v11  }
0x21: {  	v15 =	vxor.u32 v13, v15;
	v12 =	vadd.s32 v12, v11;
	v18 =	vshrl.u32 v11, $0x6  }
0x22: {  	v10 =	vor.u32 v16, v10;
	v13 =	vadd.s32 v13, v15;
	v16 =	vshrl.u32 v15, $0x6  }
0x23: {  	v11 =	vshll.u32 v11, $0x1A;
	v14 =	vadd.s32 v14, v17;
	v19 =	vshrl.u32 v17, $0x6  }
0x24: {  	v15 =	vshll.u32 v15, $0x1A;
	v17 =	vshll.u32 v17, $0x1A;
	v11 =	vor.u32 v18, v11  }
0x25: {  	v10 =	vxor.u32 v7, v10;
	v17 =	vor.u32 v19, v17;
	v15 =	vor.u32 v16, v15  }
0x26: {  	v7 =	vadd.s32 v7, v10;
	v11 =	vxor.u32 v12, v11;
	v16 =	vshrl.u32 v10, $0x1A  }
0x27: {  	v10 =	vshll.u32 v10, $0x6;
	v17 =	vxor.u32 v14, v17;
	v15 =	vxor.u32 v13, v15  }
0x28: {  	v10 =	vor.u32 v16, v10;
	v12 =	vadd.s32 v12, v11;
	v16 =	vshrl.u32 v11, $0x1A  }
0x29: {  	v11 =	vshll.u32 v11, $0x6;
	v13 =	vadd.s32 v13, v15;
	v18 =	vshrl.u32 v15, $0x1A  }
0x2a: {  	v15 =	vshll.u32 v15, $0x6;
	v14 =	vadd.s32 v14, v17;
	v19 =	vshrl.u32 v17, $0x1A  }
0x2b: {  	v17 =	vshll.u32 v17, $0x6;
	v15 =	vor.u32 v18, v15;
	v11 =	vor.u32 v16, v11  }
0x2c: {  	v10 =	vxor.u32 v7, v10;
	v16 =	vor.u32 v19, v17;
	v11 =	vxor.u32 v12, v11  }
0x2d: {  	v10 =	vadd.s32 $0x1BD11BF1, v10;
	v16 =	vxor.u32 v14, v16;
	v15 =	vxor.u32 v13, v15  }
0x2e: {  	v7 =	vadd.s32 v10, v7;
	v11 =	vadd.s32 $0x1BD11BF1, v11;
	v17 =	vshrl.u32 v10, $0xF  }
0x2f: {  	v10 =	vshll.u32 v10, $0x11;
	v16 =	vadd.s32 $0x1BD11BF1, v16;
	v15 =	vadd.s32 $0x1BD11BF1, v15  }
0x30: {  	v7 =	vadd.s32 $0x2A, v7;
	v12 =	vadd.s32 v11, v12;
	v18 =	vshrl.u32 v11, $0xF  }
0x31: {  	v10 =	vor.u32 v17, v10;
	v13 =	vadd.s32 v15, v13;
	v17 =	vshrl.u32 v15, $0xF  }
0x32: {  	v11 =	vshll.u32 v11, $0x11;
	v14 =	vadd.s32 v16, v14;
	v19 =	vshrl.u32 v16, $0xF  }
0x33: {  	v15 =	vshll.u32 v15, $0x11;
	v16 =	vshll.u32 v16, $0x11;
	v12 =	vadd.s32 $0x2A, v12  }
0x34: {  	v10 =	vxor.u32 v7, v10;
	v13 =	vadd.s32 $0x2A, v13;
	v15 =	vor.u32 v17, v15  }
0x35: {  	v11 =	vor.u32 v18, v11;
	v14 =	vadd.s32 $0x2A, v14;
	v16 =	vor.u32 v19, v16  }
0x36: {  	v7 =	vadd.s32 v7, v10;
	v11 =	vxor.u32 v12, v11;
	v17 =	vshrl.u32 v10, $0x3  }
0x37: {  	v10 =	vshll.u32 v10, $0x1D;
	v16 =	vxor.u32 v14, v16;
	v15 =	vxor.u32 v13, v15  }
0x38: {  	v10 =	vor.u32 v17, v10;
	v12 =	vadd.s32 v12, v11;
	v17 =	vshrl.u32 v11, $0x3  }
0x39: {  	v11 =	vshll.u32 v11, $0x1D;
	v13 =	vadd.s32 v13, v15;
	v18 =	vshrl.u32 v15, $0x3  }
0x3a: {  	v15 =	vshll.u32 v15, $0x1D;
	v14 =	vadd.s32 v14, v16;
	v19 =	vshrl.u32 v16, $0x3  }
0x3b: {  	v16 =	vshll.u32 v16, $0x1D;
	v15 =	vor.u32 v18, v15;
	v10 =	vxor.u32 v7, v10  }
0x3c: {  	v11 =	vor.u32 v17, v11;
	v16 =	vor.u32 v19, v16;
	v7 =	vadd.s32 v7, v10  }
0x3d: {  	v17 =	vshrl.u32 v10, $0x10;
	v15 =	vxor.u32 v13, v15;
	v11 =	vxor.u32 v12, v11  }
0x3e: {  	v10 =	vshll.u32 v10, $0x10;
	v16 =	vxor.u32 v14, v16;
	v12 =	vadd.s32 v12, v11  }
0x3f: {  	v10 =	vor.u32 v17, v10;
	v13 =	vadd.s32 v13, v15;
	v17 =	vshrl.u32 v11, $0x10  }
0x40: {  	v11 =	vshll.u32 v11, $0x10;
	v14 =	vadd.s32 v14, v16;
	v18 =	vshrl.u32 v15, $0x10  }
0x41: {  	v15 =	vshll.u32 v15, $0x10;
	v19 =	vshrl.u32 v16, $0x10;
	v16 =	vshll.u32 v16, $0x10  }
0x42: {  	v10 =	vxor.u32 v7, v10;
	v16 =	vor.u32 v19, v16;
	v15 =	vor.u32 v18, v15  }
0x43: {  	v11 =	vor.u32 v17, v11;
	v7 =	vadd.s32 v7, v10;
	v17 =	vshrl.u32 v10, $0x8  }
0x44: {  	v10 =	vshll.u32 v10, $0x18;
	v16 =	vxor.u32 v14, v16;
	v11 =	vxor.u32 v12, v11  }
0x45: {  	v15 =	vxor.u32 v13, v15;
	v12 =	vadd.s32 v12, v11;
	v18 =	vshrl.u32 v11, $0x8  }
0x46: {  	v10 =	vor.u32 v17, v10;
	v13 =	vadd.s32 v13, v15;
	v17 =	vshrl.u32 v15, $0x8  }
0x47: {  	v11 =	vshll.u32 v11, $0x18;
	v14 =	vadd.s32 v14, v16;
	v19 =	vshrl.u32 v16, $0x8  }
0x48: {  	v15 =	vshll.u32 v15, $0x18;
	v16 =	vshll.u32 v16, $0x18;
	v11 =	vor.u32 v18, v11  }
0x49: {  	v10 =	vxor.u32 v7, v10;
	v16 =	vor.u32 v19, v16;
	v15 =	vor.u32 v17, v15  }
0x4a: {  	v10 =	vadd.s32 $0x2, v10;
	v16 =	vxor.u32 v14, v16;
	v15 =	vxor.u32 v13, v15  }
0x4b: {  	v11 =	vxor.u32 v12, v11;
	v7 =	vadd.s32 v10, v7;
	v17 =	vshrl.u32 v10, $0x13  }
0x4c: {  	v10 =	vshll.u32 v10, $0xD;
	v16 =	vadd.s32 $0x2, v16;
	v11 =	vadd.s32 $0x2, v11  }
0x4d: {  	v15 =	vadd.s32 $0x2, v15;
	v12 =	vadd.s32 v11, v12;
	v7 =	vadd.s32 $0x1BD11BF0, v7  }
0x4e: {  	v10 =	vor.u32 v17, v10;
	v13 =	vadd.s32 v15, v13;
	v17 =	vshrl.u32 v11, $0x13  }
0x4f: {  	v11 =	vshll.u32 v11, $0xD;
	v14 =	vadd.s32 v16, v14;
	v18 =	vshrl.u32 v15, $0x13  }
0x50: {  	v15 =	vshll.u32 v15, $0xD;
	v19 =	vshrl.u32 v16, $0x13;
	v16 =	vshll.u32 v16, $0xD  }
0x51: {  	v10 =	vxor.u32 v7, v10;
	v13 =	vadd.s32 $0x1BD11BF0, v13;
	v12 =	vadd.s32 $0x1BD11BF0, v12  }
0x52: {  	v11 =	vor.u32 v17, v11;
	v14 =	vadd.s32 $0x1BD11BF0, v14;
	v16 =	vor.u32 v19, v16  }
0x53: {  	v15 =	vor.u32 v18, v15;
	v7 =	vadd.s32 v7, v10;
	v17 =	vshrl.u32 v10, $0x11  }
0x54: {  	v10 =	vshll.u32 v10, $0xF;
	v16 =	vxor.u32 v14, v16;
	v11 =	vxor.u32 v12, v11  }
0x55: {  	v15 =	vxor.u32 v13, v15;
	v12 =	vadd.s32 v12, v11;
	v18 =	vshrl.u32 v11, $0x11  }
0x56: {  	v10 =	vor.u32 v17, v10;
	v13 =	vadd.s32 v13, v15;
	v17 =	vshrl.u32 v15, $0x11  }
0x57: {  	v11 =	vshll.u32 v11, $0xF;
	v14 =	vadd.s32 v14, v16;
	v19 =	vshrl.u32 v16, $0x11  }
0x58: {  	v15 =	vshll.u32 v15, $0xF;
	v16 =	vshll.u32 v16, $0xF;
	v11 =	vor.u32 v18, v11  }
0x59: {  	v10 =	vxor.u32 v7, v10;
	v16 =	vor.u32 v19, v16;
	v15 =	vor.u32 v17, v15  }
0x5a: {  	v7 =	vadd.s32 v7, v10;
	v11 =	vxor.u32 v12, v11;
	v17 =	vshrl.u32 v10, $0x6  }
0x5b: {  	v10 =	vshll.u32 v10, $0x1A;
	v16 =	vxor.u32 v14, v16;
	v15 =	vxor.u32 v13, v15  }
0x5c: {  	v10 =	vor.u32 v17, v10;
	v12 =	vadd.s32 v12, v11;
	v17 =	vshrl.u32 v11, $0x6  }
0x5d: {  	v11 =	vshll.u32 v11, $0x1A;
	v13 =	vadd.s32 v13, v15;
	v18 =	vshrl.u32 v15, $0x6  }
0x5e: {  	v15 =	vshll.u32 v15, $0x1A;
	v14 =	vadd.s32 v14, v16;
	v19 =	vshrl.u32 v16, $0x6  }
0x5f: {  	v16 =	vshll.u32 v16, $0x1A;
	v15 =	vor.u32 v18, v15;
	v10 =	vxor.u32 v7, v10  }
0x60: {  	v11 =	vor.u32 v17, v11;
	v16 =	vor.u32 v19, v16;
	v7 =	vadd.s32 v7, v10  }
0x61: {  	v17 =	vshrl.u32 v10, $0x1A;
	v15 =	vxor.u32 v13, v15;
	v11 =	vxor.u32 v12, v11  }
0x62: {  	v10 =	vshll.u32 v10, $0x6;
	v16 =	vxor.u32 v14, v16;
	v12 =	vadd.s32 v12, v11  }
0x63: {  	v10 =	vor.u32 v17, v10;
	v13 =	vadd.s32 v13, v15;
	v17 =	vshrl.u32 v11, $0x1A  }
0x64: {  	v11 =	vshll.u32 v11, $0x6;
	v14 =	vadd.s32 v14, v16;
	v18 =	vshrl.u32 v15, $0x1A  }
0x65: {  	v15 =	vshll.u32 v15, $0x6;
	v19 =	vshrl.u32 v16, $0x1A;
	v16 =	vshll.u32 v16, $0x6  }
0x66: {  	v10 =	vxor.u32 v7, v10;
	v16 =	vor.u32 v19, v16;
	v15 =	vor.u32 v18, v15  }
0x67: {  	v11 =	vor.u32 v17, v11;
	v15 =	vxor.u32 v13, v15;
	v10 =	vadd.s32 $0x2D, v10  }
0x68: {  	v11 =	vxor.u32 v12, v11;
	v16 =	vxor.u32 v14, v16;
	v7 =	vadd.s32 v7, v10  }
0x69: {  	v17 =	vshrl.u32 v10, $0xF;
	v15 =	vadd.s32 $0x2D, v15;
	v11 =	vadd.s32 $0x2D, v11  }
0x6a: {  	v10 =	vshll.u32 v10, $0x11;
	v16 =	vadd.s32 $0x2D, v16;
	v12 =	vadd.s32 v12, v11  }
0x6b: {  	v10 =	vor.u32 v17, v10;
	v13 =	vadd.s32 v13, v15;
	v17 =	vshrl.u32 v11, $0xF  }
0x6c: {  	v11 =	vshll.u32 v11, $0x11;
	v14 =	vadd.s32 v14, v16;
	v18 =	vshrl.u32 v15, $0xF  }
0x6d: {  	v15 =	vshll.u32 v15, $0x11;
	v19 =	vshrl.u32 v16, $0xF;
	v16 =	vshll.u32 v16, $0x11  }
0x6e: {  	v10 =	vxor.u32 v7, v10;
	v16 =	vor.u32 v19, v16;
	v15 =	vor.u32 v18, v15  }
0x6f: {  	v11 =	vor.u32 v17, v11;
	v7 =	vadd.s32 v7, v10;
	v17 =	vshrl.u32 v10, $0x3  }
0x70: {  	v10 =	vshll.u32 v10, $0x1D;
	v16 =	vxor.u32 v14, v16;
	v11 =	vxor.u32 v12, v11  }
0x71: {  	v15 =	vxor.u32 v13, v15;
	v12 =	vadd.s32 v12, v11;
	v18 =	vshrl.u32 v11, $0x3  }
0x72: {  	v10 =	vor.u32 v17, v10;
	v13 =	vadd.s32 v13, v15;
	v17 =	vshrl.u32 v15, $0x3  }
0x73: {  	v11 =	vshll.u32 v11, $0x1D;
	v14 =	vadd.s32 v14, v16;
	v19 =	vshrl.u32 v16, $0x3  }
0x74: {  	v15 =	vshll.u32 v15, $0x1D;
	v16 =	vshll.u32 v16, $0x1D;
	v11 =	vor.u32 v18, v11  }
0x75: {  	v10 =	vxor.u32 v7, v10;
	v16 =	vor.u32 v19, v16;
	v15 =	vor.u32 v17, v15  }
0x76: {  	v7 =	vadd.s32 v7, v10;
	v11 =	vxor.u32 v12, v11;
	v17 =	vshrl.u32 v10, $0x10  }
0x77: {  	v10 =	vshll.u32 v10, $0x10;
	v16 =	vxor.u32 v14, v16;
	v15 =	vxor.u32 v13, v15  }
0x78: {  	v10 =	vor.u32 v17, v10;
	v12 =	vadd.s32 v12, v11;
	v17 =	vshrl.u32 v11, $0x10  }
0x79: {  	v11 =	vshll.u32 v11, $0x10;
	v13 =	vadd.s32 v13, v15;
	v18 =	vshrl.u32 v15, $0x10  }
0x7a: {  	v15 =	vshll.u32 v15, $0x10;
	v14 =	vadd.s32 v14, v16;
	v19 =	vshrl.u32 v16, $0x10  }
0x7b: {  	v16 =	vshll.u32 v16, $0x10;
	v15 =	vor.u32 v18, v15;
	v10 =	vxor.u32 v7, v10  }
0x7c: {  	v11 =	vor.u32 v17, v11;
	v16 =	vor.u32 v19, v16;
	v7 =	vadd.s32 v7, v10  }
0x7d: {  	v17 =	vshrl.u32 v10, $0x8;
	v15 =	vxor.u32 v13, v15;
	v11 =	vxor.u32 v12, v11  }
0x7e: {  	v10 =	vshll.u32 v10, $0x18;
	v16 =	vxor.u32 v14, v16;
	v12 =	vadd.s32 v12, v11  }
0x7f: {  	v10 =	vor.u32 v17, v10;
	v13 =	vadd.s32 v13, v15;
	v17 =	vshrl.u32 v11, $0x8  }
0x80: {  	v11 =	vshll.u32 v11, $0x18;
	v14 =	vadd.s32 v14, v16;
	v18 =	vshrl.u32 v15, $0x8  }
0x81: {  	v15 =	vshll.u32 v15, $0x18;
	v19 =	vshrl.u32 v16, $0x8;
	v16 =	vshll.u32 v16, $0x18  }
0x82: {  	v10 =	vxor.u32 v7, v10;
	v16 =	vor.u32 v19, v16;
	v15 =	vor.u32 v18, v15  }
0x83: {  	v11 =	vor.u32 v17, v11;
	v15 =	vxor.u32 v13, v15;
	v10 =	vadd.s32 $0x1BD11BF4, v10  }
0x84: {  	v11 =	vxor.u32 v12, v11;
	v16 =	vxor.u32 v14, v16;
	v7 =	vadd.s32 v10, v7  }
0x85: {  	v17 =	vshrl.u32 v10, $0x13;
	v15 =	vadd.s32 $0x1BD11BF4, v15;
	v11 =	vadd.s32 $0x1BD11BF4, v11  }
0x86: {  	v10 =	vshll.u32 v10, $0xD;
	v16 =	vadd.s32 $0x1BD11BF4, v16;
	v7 =	vadd.s32 $0x2A, v7  }
0x87: {  	v10 =	vor.u32 v17, v10;
	v12 =	vadd.s32 v11, v12;
	v17 =	vshrl.u32 v11, $0x13  }
0x88: {  	v11 =	vshll.u32 v11, $0xD;
	v13 =	vadd.s32 v15, v13;
	v18 =	vshrl.u32 v15, $0x13  }
0x89: {  	v15 =	vshll.u32 v15, $0xD;
	v14 =	vadd.s32 v16, v14;
	v19 =	vshrl.u32 v16, $0x13  }
0x8a: {  	v16 =	vshll.u32 v16, $0xD;
	v12 =	vadd.s32 $0x2A, v12;
	v11 =	vor.u32 v17, v11  }
0x8b: {  	v10 =	vxor.u32 v7, v10;
	v14 =	vadd.s32 $0x2A, v14;
	v13 =	vadd.s32 $0x2A, v13  }
0x8c: {  	v15 =	vor.u32 v18, v15;
	v16 =	vor.u32 v19, v16;
	v7 =	vadd.s32 v7, v10  }
0x8d: {  	v17 =	vshrl.u32 v10, $0x11;
	v15 =	vxor.u32 v13, v15;
	v11 =	vxor.u32 v12, v11  }
0x8e: {  	v10 =	vshll.u32 v10, $0xF;
	v16 =	vxor.u32 v14, v16;
	v12 =	vadd.s32 v12, v11  }
0x8f: {  	v10 =	vor.u32 v17, v10;
	v13 =	vadd.s32 v13, v15;
	v17 =	vshrl.u32 v11, $0x11  }
0x90: {  	v11 =	vshll.u32 v11, $0xF;
	v14 =	vadd.s32 v14, v16;
	v18 =	vshrl.u32 v15, $0x11  }
0x91: {  	v15 =	vshll.u32 v15, $0xF;
	v19 =	vshrl.u32 v16, $0x11;
	v16 =	vshll.u32 v16, $0xF  }
0x92: {  	v10 =	vxor.u32 v7, v10;
	v16 =	vor.u32 v19, v16;
	v15 =	vor.u32 v18, v15  }
0x93: {  	v11 =	vor.u32 v17, v11;
	v7 =	vadd.s32 v7, v10;
	v17 =	vshrl.u32 v10, $0x6  }
0x94: {  	v10 =	vshll.u32 v10, $0x1A;
	v16 =	vxor.u32 v14, v16;
	v11 =	vxor.u32 v12, v11  }
0x95: {  	v15 =	vxor.u32 v13, v15;
	v12 =	vadd.s32 v12, v11;
	v18 =	vshrl.u32 v11, $0x6  }
0x96: {  	v10 =	vor.u32 v17, v10;
	v13 =	vadd.s32 v13, v15;
	v17 =	vshrl.u32 v15, $0x6  }
0x97: {  	v11 =	vshll.u32 v11, $0x1A;
	v14 =	vadd.s32 v14, v16;
	v19 =	vshrl.u32 v16, $0x6  }
0x98: {  	v15 =	vshll.u32 v15, $0x1A;
	v16 =	vshll.u32 v16, $0x1A;
	v11 =	vor.u32 v18, v11  }
0x99: {  	v10 =	vxor.u32 v7, v10;
	v16 =	vor.u32 v19, v16;
	v15 =	vor.u32 v17, v15  }
0x9a: {  	v7 =	vadd.s32 v7, v10;
	v11 =	vxor.u32 v12, v11;
	v17 =	vshrl.u32 v10, $0x1A  }
0x9b: {  	v10 =	vshll.u32 v10, $0x6;
	v16 =	vxor.u32 v14, v16;
	v15 =	vxor.u32 v13, v15  }
0x9c: {  	v18 =	vadd.s32 $0x1BD11BF0, v7;
	v12 =	vadd.s32 v12, v11;
	v19 =	vshrl.u32 v11, $0x1A  }
0x9d: {  	v10 =	vor.u32 v17, v10;
	v13 =	vadd.s32 v13, v15;
	v17 =	vshrl.u32 v15, $0x1A  }
0x9e: {  	v11 =	vshll.u32 v11, $0x6;
	v20 =	vshrl.u32 v16, $0x1A;
	v21 =	vshll.u32 v16, $0x6  }
0x9f: {  	v15 =	vshll.u32 v15, $0x6;
	v14 =	vadd.s32 v14, v16;
	v16 =	vor.u32 v20, v21  }
0xa0: {  	v7 =	vxor.u32 v7, v10;
	v11 =	vor.u32 v19, v11;
	v10 =	vxor.u32 v14, v16  }
0xa1: {  	v19 =	vadd.s32 $0x1BD11BF0, v13;
	v14 =	vadd.s32 $0x1BD11BF0, v14;
	v10 =	vadd.s32 $0x5, v10  }
0xa2: {  	v16 =	vadd.s32 $0x1BD11BF0, v12;
	v7 =	vadd.s32 $0x5, v7;
	v10 =	vxor.u32 v14, v10  }
0xa3: {  	v11 =	vxor.u32 v12, v11;
	v14 =	vor.u32 v17, v15;
	v10 =	vshrl.u32 v10, $0x9  }
0xa4: {  	v11 =	vadd.s32 $0x5, v11;
	v13 =	vxor.u32 v13, v14;
	v10 =	vor.u32 $0x3F800000, v10  }
0xa5: {  	v7 =	vxor.u32 v18, v7;
	v12 =	vadd.s32 $0x5, v13;
	v10 =	vadd.f32 $-1.000000000e+00, v10  }
0xa6: {  	v7 =	vshrl.u32 v7, $0x9;
	v11 =	vxor.u32 v16, v11;
	v12 =	vxor.u32 v19, v12  }
0xa7: {  	v7 =	vor.u32 $0x3F800000, v7;
	v20 =	vmax.f32 v10, $9.999999680e-21;
	v10 =	vshrl.u32 v12, $0x9  }
0xa8: {  	s21 =	sshll.u32 s17, $0x7;
	v11 =	vshrl.u32 v11, $0x9;
	v12 =	vand.u32 $0x7FFFFF, v20;
	v10 =	vor.u32 $0x3F800000, v10  }
0xa9: {  	s18 =	sand.u32 $0x380, s21;
	v13 =	vadd.f32 $-1.000000000e+00, v7;
	v12 =	vor.u32 $0x3F800000, v12;
	v10 =	vadd.f32 $-1.000000000e+00, v10  }
0xaa: {  	v11 =	vor.u32 $0x3F800000, v11;
	v7 =	vmov s18;
	v14 =	vmul.f32 $5.000000000e-01, v12  }
0xab: {  	v11 =	vadd.f32 $-1.000000000e+00, v11;
	vm0 =	vgt.f32 v12, $1.414213540e+00;
	v21 =	vmax.f32 v10, $9.999999680e-21  }
0xac: {  	s22 =	sshrl.u32 s17, $0x3;
	v19 =	vimm.f32 $0.0e+00;
	v15 =	vsel vm0, v14, v12;
	v10 =	vand.u32 $0x7FFFFF, v21  }
0xad: {  	s23 =	simm.s32 $0x30;
	s18 =	smul.u32 $0x6000, s22;
	v23 =	vmax.f32 v11, $9.999999680e-21;
	v11 =	vadd.f32 $1.000000000e+00, v15;
	v10 =	vor.u32 $0x3F800000, v10  }
0xae: {  	s19 =	simm.s32 $0x0;
	s20 =	sand.u32 $0x70, s23;
	v22 =	vmax.f32 v13, $9.999999680e-21;
	v20 =	vshrl.u32 v20, $0x17;
	v13 =	vmul.f32 $5.000000000e-01, v10  }
0xaf: {  	s23 =	simm.s32 $0x10;
	s21 =	sand.u32 $0x1C00, s19;
	s18 =	sshra.s32 s18, $0x2;
	v12 =	vand.u32 $0x7FFFFF, v23;
	vm1 =	vgt.f32 v10, $1.414213540e+00;
	(erf) = vrcp.f32 v11  }
0xb0: {  	s23 =	sand.u32 $0x50, s23;
	s21 =	sadd.s32 s21, s18;
	v41 =	vsel vm0, $0x1, v2;
	v14 =	vor.u32 $0x3F800000, v12;
	v24 =	vsel vm1, v13, v10  }
0xb1: {  	s23 =	sadd.s32 s23, s21;
	v12 =	vand.u32 $0x7FFFFF, v22;
	v16 =	vmul.f32 $5.000000000e-01, v14;
	v18 =	vadd.f32 $1.000000000e+00, v24  }
0xb2: {  	v17 =	vld.idx.msk [tilespmem:v7+s23+$0x0 ss:$0x1], $0xffff;
	v23 =	vshrl.u32 v23, $0x17;
	vm2 =	vgt.f32 v14, $1.414213540e+00;
	v11 =	vor.u32 $0x3F800000, v12  }
0xb3: {  	v25 =	vsel vm2, v16, v14;
	v14 =	vmul.f32 $5.000000000e-01, v11;
	(erf) = vrcp.f32 v18  }
0xb4: {  	s26 =	sadd.s32 $0x70, s16;
	v21 =	vshrl.u32 v21, $0x17;
	vm3 =	vgt.f32 v11, $1.414213540e+00;
	v16 =	vadd.f32 $1.000000000e+00, v25  }
0xb5: {  	s30 =	sadd.s32 $0xFFFFFFE0, s26;
	v20 =	vadd.s32 v41, v20;
	v32 =	vadd.f32 $-1.000000000e+00, v15;
	v26 =	vsel vm3, v14, v11  }
0xb6: {  	v15 =	vadd.s32 s30, v1;
	v14 =	vadd.f32 $1.000000000e+00, v26;
	(erf) = vrcp.f32 v16  }
0xb7: {  	s22 =	simm.s32 $0x20;
	v22 =	vshrl.u32 v22, $0x17;
	v20 =	vadd.s32 $0xFFFFFF81, v20;
	v34 =	vmul.f32 $1.442695020e+00, v17  }
0xb8: {  	s22 =	sand.u32 $0x60, s22;
	s20 =	sadd.s32 s20, s21;
	v20 =	vcvt.s32.f32 v20;
	v60 =	vsel vm2, $0x1, v2;
	(erf) = vrcp.f32 v14;
	v36 =	vpop (erf)  }
0xb9: {  	s22 =	sadd.s32 s22, s21;
	v12 =	vld.idx.msk [tilespmem:v7+s20+$0x0 ss:$0x1], $0xffff;
	v40 =	vsel vm1, $0x1, v2;
	v23 =	vadd.s32 v60, v23;
	v32 =	vmul.f32 v36, v32  }
0xba: {  	v10 =	vld.idx.msk [tilespmem:v7+s22+$0x0 ss:$0x1], $0xffff;
	v21 =	vadd.s32 v40, v21;
	v20 =	vmul.f32 $6.931471820e-01, v20;
	v24 =	vadd.f32 $-1.000000000e+00, v24  }
0xbb: {  	v23 =	vadd.s32 $0xFFFFFF81, v23;
	v21 =	vadd.s32 $0xFFFFFF81, v21;
	v51 =	vmul.f32 v32, v32  }
0xbc: {  	v25 =	vadd.f32 $-1.000000000e+00, v25;
	v21 =	vcvt.s32.f32 v21;
	v23 =	vcvt.s32.f32 v23;
	v52 =	vpop (erf)  }
0xbd: {  	v11 =	vadd.s32 s26, v1;
	v53 =	vmul.f32 $2.222222240e-01, v51;
	v24 =	vmul.f32 v52, v24  }
0xbe: {  	s24 =	simm.s32 $0x0;
	v30 =	vshrl.u32 v11, $0x13;
	v31 =	vshll.u32 v11, $0xD;
	v33 =	vmul.f32 $1.442695020e+00, v12  }
0xbf: {  	s20 =	sand.u32 $0x40, s24;
	v35 =	vmul.f32 $1.442695020e+00, v10;
	v54 =	vpop (erf);
	v55 =	vadd.f32 $2.857142980e-01, v53;
	v56 =	vmul.f32 v24, v24  }
0xc0: {  	s20 =	sadd.s32 s20, s21;
	v26 =	vadd.f32 $-1.000000000e+00, v26;
	(erf) = vpow2.f32 v33;
	v25 =	vmul.f32 v54, v25  }
0xc1: {  	v27 =	vld.idx.msk [tilespmem:v7+s20+$0x0 ss:$0x1], $0xffff;
	v30 =	vor.u32 v30, v31;
	v57 =	vpop (erf);
	v31 =	vmul.f32 v55, v51;
	v59 =	vmul.f32 $2.222222240e-01, v56  }
0xc2: {  	v13 =	vor.u32 s25, v0;
	v26 =	vmul.f32 v57, v26;
	v58 =	vmul.f32 v25, v25  }
0xc3: {  	s24 =	sadd.s32 $0xFFFFFFE0, s25;
	(erf) = vpow2.f32 v35;
	v31 =	vadd.f32 $4.000000060e-01, v31;
	v35 =	vadd.f32 $2.857142980e-01, v59  }
0xc4: {  	v29 =	vor.u32 s24, v0;
	v39 =	vmul.f32 v26, v26;
	v38 =	vmul.f32 $2.222222240e-01, v58  }
0xc5: {  	v37 =	vsel vm3, $0x1, v2;
	v31 =	vmul.f32 v31, v51;
	v35 =	vmul.f32 v35, v56  }
0xc6: {  	v50 =	vmul.f32 $1.442695020e+00, v27;
	v42 =	vmul.f32 $2.222222240e-01, v39;
	v38 =	vadd.f32 $2.857142980e-01, v38  }
0xc7: {  	(erf) = vpow2.f32 v34;
	v31 =	vadd.f32 $6.666666860e-01, v31;
	v35 =	vadd.f32 $4.000000060e-01, v35  }
0xc8: {  	(erf) = vpow2.f32 v50;
	v62 =	vadd.f32 $2.857142980e-01, v42;
	v61 =	vmul.f32 v38, v58  }
0xc9: {  	s22 =	sadd.s32 $0xFFFFFFF0, s25;
	v22 =	vadd.s32 v37, v22;
	v31 =	vmul.f32 v31, v51;
	v63 =	vmul.f32 v35, v56  }
0xca: {  	v18 =	vor.u32 s22, v0;
	v38 =	vmul.f32 v62, v39;
	v37 =	vadd.f32 $4.000000060e-01, v61  }
0xcb: {  	v22 =	vadd.s32 $0xFFFFFF81, v22;
	v31 =	vadd.f32 $2.000000000e+00, v31;
	v33 =	vadd.f32 $6.666666860e-01, v63  }
0xcc: {  	s31 =	sadd.s32 $0xFFFFFFD0, s26;
	v22 =	vcvt.s32.f32 v22;
	v41 =	vadd.f32 $4.000000060e-01, v38;
	v40 =	vmul.f32 v37, v58  }
0xcd: {  	v16 =	vadd.s32 s31, v1;
	v31 =	vmul.f32 v31, v32;
	v42 =	vmul.f32 v33, v56  }
0xce: {  	v21 =	vmul.f32 $6.931471820e-01, v21;
	v45 =	vpop (erf);
	v37 =	vmul.f32 v41, v39;
	v35 =	vadd.f32 $6.666666860e-01, v40  }
0xcf: {  	s29 =	sadd.s32 $0xFFFFFFF0, s26;
	v23 =	vmul.f32 $6.931471820e-01, v23;
	v47 =	vpop (erf);
	v20 =	vadd.f32 v31, v20;
	v46 =	vadd.f32 $2.000000000e+00, v42  }
0xd0: {  	v14 =	vadd.s32 s29, v1;
	v22 =	vmul.f32 $6.931471820e-01, v22;
	v48 =	vpop (erf);
	v44 =	vadd.f32 $6.666666860e-01, v37  }
0xd1: {  	v49 =	vpop (erf);
	v43 =	vmul.f32 v35, v58;
	v20 =	vsub.f32 $0.0e+00, v20;
	v24 =	vmul.f32 v46, v24  }
0xd2: {  	v60 =	vshll.u32 v16, $0xD;
	v51 =	vmul.f32 v49, v9;
	v34 =	vmul.f32 v44, v39  }
0xd3: {  	v33 =	vadd.f32 $2.000000000e+00, v43;
	v52 =	vmul.f32 v20, v19;
	v21 =	vadd.f32 v24, v21  }
0xd4: {  	v53 =	vshrl.u32 v14, $0x13;
	v61 =	vxor.u32 v11, v30;
	v50 =	vadd.f32 $2.000000000e+00, v34  }
0xd5: {  	v25 =	vmul.f32 v33, v25;
	vm12 =	vgt.f32 v51, v52;
	v21 =	vsub.f32 $0.0e+00, v21  }
0xd6: {  	v26 =	vmul.f32 v50, v26;
	v54 =	vsel vm12, v49, v19;
	v9 =	vsel vm12, v20, v9  }
0xd7: {  	v23 =	vadd.f32 v25, v23;
	v20 =	vmul.f32 v9, v48;
	v55 =	vmul.f32 v54, v21  }
0xd8: {  	v57 =	vshll.u32 v15, $0xD;
	v59 =	vshrl.u32 v16, $0x13;
	v62 =	vshrl.u32 v61, $0x11  }
0xd9: {  	v22 =	vadd.f32 v26, v22;
	vm13 =	vgt.f32 v20, v55;
	v20 =	vsub.f32 $0.0e+00, v23  }
0xda: {  	v19 =	vsel vm12, v27, v19;
	v23 =	vsel vm13, v48, v54;
	v9 =	vsel vm13, v21, v9  }
0xdb: {  	v17 =	vsel vm13, v17, v19;
	v19 =	vmul.f32 v9, v47;
	v21 =	vmul.f32 v23, v20  }
0xdc: {  	v56 =	vshrl.u32 v15, $0x13;
	v58 =	vshll.u32 v14, $0xD;
	v8 =	vsel vm12, v28, v8  }
0xdd: {  	v8 =	vsel vm13, v29, v8;
	vm14 =	vgt.f32 v19, v21;
	v19 =	vsub.f32 $0.0e+00, v22  }
0xde: {  	v21 =	vsel vm14, v47, v23;
	v9 =	vsel vm14, v20, v9;
	v17 =	vsel vm14, v10, v17  }
0xdf: {  	v18 =	vsel vm14, v18, v8;
	v8 =	vmul.f32 v9, v45;
	v10 =	vmul.f32 v21, v19  }
0xe0: {  	v63 =	vshll.u32 v61, $0xF;
	v24 =	vor.u32 v53, v58;
	v22 =	vor.u32 v56, v57  }
0xe1: {  	v20 =	vor.u32 v59, v60;
	v23 =	vadd.s32 v11, v61;
	vm15 =	vgt.f32 v8, v10  }
0xe2: {  	v11 =	vsel vm15, v45, v21;
	v10 =	vsel vm15, v19, v9;
	v8 =	vsel vm15, v12, v17  }
0xe3: {  	v12 =	vxor.u32 v15, v22;
	v17 =	vxor.u32 v14, v24;
	v9 =	vsel vm15, v13, v18  }
0xe4: {  	v13 =	vxor.u32 v16, v20;
	v18 =	vor.u32 v62, v63;
	v14 =	vadd.s32 v14, v17  }
0xe5: {  	v15 =	vadd.s32 v15, v12;
	v19 =	vshrl.u32 v17, $0x11;
	v17 =	vshll.u32 v17, $0xF  }
0xe6: {  	v16 =	vadd.s32 v16, v13;
	v20 =	vshrl.u32 v12, $0x11;
	v12 =	vshll.u32 v12, $0xF  }
0xe7: {  	v21 =	vshrl.u32 v13, $0x11;
	v13 =	vshll.u32 v13, $0xF;
	v18 =	vxor.u32 v23, v18  }
0xe8: {  	v13 =	vor.u32 v21, v13;
	v12 =	vor.u32 v20, v12;
	v17 =	vor.u32 v19, v17  }
0xe9: {  	v19 =	vadd.s32 v23, v18;
	v20 =	vshrl.u32 v18, $0x6;
	v18 =	vshll.u32 v18, $0x1A  }
0xea: {  	v13 =	vxor.u32 v16, v13;
	v12 =	vxor.u32 v15, v12;
	v17 =	vxor.u32 v14, v17  }
0xeb: {  	v18 =	vor.u32 v20, v18;
	v14 =	vadd.s32 v14, v17;
	v21 =	vshrl.u32 v17, $0x6  }
0xec: {  	v15 =	vadd.s32 v15, v12;
	v20 =	vshrl.u32 v12, $0x6;
	v17 =	vshll.u32 v17, $0x1A  }
0xed: {  	v16 =	vadd.s32 v16, v13;
	v22 =	vshrl.u32 v13, $0x6;
	v12 =	vshll.u32 v12, $0x1A  }
0xee: {  	v13 =	vshll.u32 v13, $0x1A;
	v18 =	vxor.u32 v19, v18;
	v17 =	vor.u32 v21, v17  }
0xef: {  	v13 =	vor.u32 v22, v13;
	v12 =	vor.u32 v20, v12;
	v19 =	vadd.s32 v19, v18  }
0xf0: {  	v20 =	vshrl.u32 v18, $0x1A;
	v18 =	vshll.u32 v18, $0x6;
	v17 =	vxor.u32 v14, v17  }
0xf1: {  	v13 =	vxor.u32 v16, v13;
	v12 =	vxor.u32 v15, v12;
	v18 =	vor.u32 v20, v18  }
0xf2: {  	v14 =	vadd.s32 v14, v17;
	v20 =	vshrl.u32 v17, $0x1A;
	v17 =	vshll.u32 v17, $0x6  }
0xf3: {  	v15 =	vadd.s32 v15, v12;
	v21 =	vshrl.u32 v12, $0x1A;
	v12 =	vshll.u32 v12, $0x6  }
0xf4: {  	v16 =	vadd.s32 v16, v13;
	v22 =	vshrl.u32 v13, $0x1A;
	v13 =	vshll.u32 v13, $0x6  }
0xf5: {  	v18 =	vxor.u32 v19, v18;
	v12 =	vor.u32 v21, v12;
	v17 =	vor.u32 v20, v17  }
0xf6: {  	v13 =	vor.u32 v22, v13;
	v18 =	vadd.s32 $0x1BD11BF1, v18;
	v17 =	vxor.u32 v14, v17  }
0xf7: {  	v13 =	vxor.u32 v16, v13;
	v12 =	vxor.u32 v15, v12;
	v19 =	vadd.s32 v18, v19  }
0xf8: {  	v20 =	vshrl.u32 v18, $0xF;
	v18 =	vshll.u32 v18, $0x11;
	v17 =	vadd.s32 $0x1BD11BF1, v17  }
0xf9: {  	v13 =	vadd.s32 $0x1BD11BF1, v13;
	v12 =	vadd.s32 $0x1BD11BF1, v12;
	v19 =	vadd.s32 $0x2A, v19  }
0xfa: {  	v18 =	vor.u32 v20, v18;
	v14 =	vadd.s32 v17, v14;
	v21 =	vshrl.u32 v17, $0xF  }
0xfb: {  	v15 =	vadd.s32 v12, v15;
	v20 =	vshrl.u32 v12, $0xF;
	v17 =	vshll.u32 v17, $0x11  }
0xfc: {  	v16 =	vadd.s32 v13, v16;
	v22 =	vshrl.u32 v13, $0xF;
	v12 =	vshll.u32 v12, $0x11  }
0xfd: {  	v13 =	vshll.u32 v13, $0x11;
	v18 =	vxor.u32 v19, v18;
	v14 =	vadd.s32 $0x2A, v14  }
0xfe: {  	v15 =	vadd.s32 $0x2A, v15;
	v12 =	vor.u32 v20, v12;
	v17 =	vor.u32 v21, v17  }
0xff: {  	v16 =	vadd.s32 $0x2A, v16;
	v13 =	vor.u32 v22, v13;
	v19 =	vadd.s32 v19, v18  }
0x100: {  	v20 =	vshrl.u32 v18, $0x3;
	v18 =	vshll.u32 v18, $0x1D;
	v17 =	vxor.u32 v14, v17  }
0x101: {  	v13 =	vxor.u32 v16, v13;
	v12 =	vxor.u32 v15, v12;
	v18 =	vor.u32 v20, v18  }
0x102: {  	v14 =	vadd.s32 v14, v17;
	v20 =	vshrl.u32 v17, $0x3;
	v17 =	vshll.u32 v17, $0x1D  }
0x103: {  	v15 =	vadd.s32 v15, v12;
	v21 =	vshrl.u32 v12, $0x3;
	v12 =	vshll.u32 v12, $0x1D  }
0x104: {  	v16 =	vadd.s32 v16, v13;
	v22 =	vshrl.u32 v13, $0x3;
	v13 =	vshll.u32 v13, $0x1D  }
0x105: {  	v18 =	vxor.u32 v19, v18;
	v12 =	vor.u32 v21, v12;
	v17 =	vor.u32 v20, v17  }
0x106: {  	v13 =	vor.u32 v22, v13;
	v19 =	vadd.s32 v19, v18;
	v20 =	vshrl.u32 v18, $0x10  }
0x107: {  	v18 =	vshll.u32 v18, $0x10;
	v12 =	vxor.u32 v15, v12;
	v17 =	vxor.u32 v14, v17  }
0x108: {  	v13 =	vxor.u32 v16, v13;
	v18 =	vor.u32 v20, v18;
	v14 =	vadd.s32 v14, v17  }
0x109: {  	v15 =	vadd.s32 v15, v12;
	v20 =	vshrl.u32 v17, $0x10;
	v17 =	vshll.u32 v17, $0x10  }
0x10a: {  	v16 =	vadd.s32 v16, v13;
	v21 =	vshrl.u32 v12, $0x10;
	v12 =	vshll.u32 v12, $0x10  }
0x10b: {  	v22 =	vshrl.u32 v13, $0x10;
	v13 =	vshll.u32 v13, $0x10;
	v18 =	vxor.u32 v19, v18  }
0x10c: {  	v13 =	vor.u32 v22, v13;
	v12 =	vor.u32 v21, v12;
	v17 =	vor.u32 v20, v17  }
0x10d: {  	v19 =	vadd.s32 v19, v18;
	v20 =	vshrl.u32 v18, $0x8;
	v18 =	vshll.u32 v18, $0x18  }
0x10e: {  	v13 =	vxor.u32 v16, v13;
	v12 =	vxor.u32 v15, v12;
	v17 =	vxor.u32 v14, v17  }
0x10f: {  	v18 =	vor.u32 v20, v18;
	v14 =	vadd.s32 v14, v17;
	v21 =	vshrl.u32 v17, $0x8  }
0x110: {  	v15 =	vadd.s32 v15, v12;
	v20 =	vshrl.u32 v12, $0x8;
	v17 =	vshll.u32 v17, $0x18  }
0x111: {  	v16 =	vadd.s32 v16, v13;
	v22 =	vshrl.u32 v13, $0x8;
	v12 =	vshll.u32 v12, $0x18  }
0x112: {  	v13 =	vshll.u32 v13, $0x18;
	v18 =	vxor.u32 v19, v18;
	v17 =	vor.u32 v21, v17  }
0x113: {  	v13 =	vor.u32 v22, v13;
	v12 =	vor.u32 v20, v12;
	v18 =	vadd.s32 $0x2, v18  }
0x114: {  	v13 =	vxor.u32 v16, v13;
	v12 =	vxor.u32 v15, v12;
	v17 =	vxor.u32 v14, v17  }
0x115: {  	v19 =	vadd.s32 v18, v19;
	v20 =	vshrl.u32 v18, $0x13;
	v18 =	vshll.u32 v18, $0xD  }
0x116: {  	v13 =	vadd.s32 $0x2, v13;
	v12 =	vadd.s32 $0x2, v12;
	v17 =	vadd.s32 $0x2, v17  }
0x117: {  	v19 =	vadd.s32 $0x1BD11BF0, v19;
	v18 =	vor.u32 v20, v18;
	v14 =	vadd.s32 v17, v14  }
0x118: {  	v15 =	vadd.s32 v12, v15;
	v20 =	vshrl.u32 v17, $0x13;
	v17 =	vshll.u32 v17, $0xD  }
0x119: {  	v16 =	vadd.s32 v13, v16;
	v21 =	vshrl.u32 v12, $0x13;
	v12 =	vshll.u32 v12, $0xD  }
0x11a: {  	v22 =	vshrl.u32 v13, $0x13;
	v13 =	vshll.u32 v13, $0xD;
	v18 =	vxor.u32 v19, v18  }
0x11b: {  	v15 =	vadd.s32 $0x1BD11BF0, v15;
	v14 =	vadd.s32 $0x1BD11BF0, v14;
	v17 =	vor.u32 v20, v17  }
0x11c: {  	v16 =	vadd.s32 $0x1BD11BF0, v16;
	v13 =	vor.u32 v22, v13;
	v12 =	vor.u32 v21, v12  }
0x11d: {  	v19 =	vadd.s32 v19, v18;
	v20 =	vshrl.u32 v18, $0x11;
	v18 =	vshll.u32 v18, $0xF  }
0x11e: {  	v13 =	vxor.u32 v16, v13;
	v12 =	vxor.u32 v15, v12;
	v17 =	vxor.u32 v14, v17  }
0x11f: {  	v18 =	vor.u32 v20, v18;
	v14 =	vadd.s32 v14, v17;
	v21 =	vshrl.u32 v17, $0x11  }
0x120: {  	v15 =	vadd.s32 v15, v12;
	v20 =	vshrl.u32 v12, $0x11;
	v17 =	vshll.u32 v17, $0xF  }
0x121: {  	v22 =	vadd.s32 v16, v13;
	v16 =	vshrl.u32 v13, $0x11;
	v12 =	vshll.u32 v12, $0xF  }
0x122: {  	v13 =	vshll.u32 v13, $0xF;
	v18 =	vxor.u32 v19, v18;
	v17 =	vor.u32 v21, v17  }
0x123: {  	v13 =	vor.u32 v16, v13;
	v16 =	vor.u32 v20, v12;
	v12 =	vadd.s32 v19, v18  }
0x124: {  	v19 =	vxor.u32 v14, v17;
	v17 =	vshrl.u32 v18, $0x6;
	v18 =	vshll.u32 v18, $0x1A  }
0x125: {  	v23 =	vxor.u32 v22, v13;
	v20 =	vxor.u32 v15, v16;
	v16 =	vor.u32 v17, v18  }
0x126: {  	v13 =	vadd.s32 v14, v19;
	v17 =	vshrl.u32 v19, $0x6;
	v18 =	vshll.u32 v19, $0x1A  }
0x127: {  	v14 =	vadd.s32 v15, v20;
	v19 =	vshrl.u32 v20, $0x6;
	v21 =	vshll.u32 v20, $0x1A  }
0x128: {  	s21 =	simm.s32 $0xB0;
	s20 =	simm.s32 $0x70;
	v15 =	vadd.s32 v22, v23;
	v20 =	vshrl.u32 v23, $0x6;
	v22 =	vshll.u32 v23, $0x1A  }
.LBB2_3:
0x129: {  	p0 =	sne.s32 s21, $0x2F0;
	v19 =	vor.u32 v19, v21;
	v17 =	vor.u32 v17, v18;
	v16 =	vxor.u32 v12, v16  }
0x12a: {  	v18 =	vor.u32 v20, v22;
	v12 =	vadd.s32 v12, v16;
	v20 =	vshrl.u32 v16, $0x1A  }
0x12b: {  	v19 =	vxor.u32 v14, v19;
	v17 =	vxor.u32 v13, v17;
	v16 =	vshll.u32 v16, $0x6  }
0x12c: {  	v18 =	vxor.u32 v15, v18;
	v13 =	vadd.s32 v13, v17;
	v16 =	vor.u32 v20, v16  }
0x12d: {  	v14 =	vadd.s32 v14, v19;
	v20 =	vshrl.u32 v17, $0x1A;
	v17 =	vshll.u32 v17, $0x6  }
0x12e: {  	v15 =	vadd.s32 v15, v18;
	v21 =	vshrl.u32 v19, $0x1A;
	v19 =	vshll.u32 v19, $0x6  }
0x12f: {  	v22 =	vshrl.u32 v18, $0x1A;
	v18 =	vshll.u32 v18, $0x6;
	v16 =	vxor.u32 v12, v16  }
0x130: {  	v18 =	vor.u32 v22, v18;
	v19 =	vor.u32 v21, v19;
	v17 =	vor.u32 v20, v17  }
0x131: {  	v19 =	vxor.u32 v14, v19;
	v17 =	vxor.u32 v13, v17;
	v16 =	vadd.s32 $0x2D, v16  }
0x132: {  	v18 =	vxor.u32 v15, v18;
	v12 =	vadd.s32 v12, v16;
	v20 =	vshrl.u32 v16, $0xF  }
0x133: {  	v19 =	vadd.s32 $0x2D, v19;
	v17 =	vadd.s32 $0x2D, v17;
	v16 =	vshll.u32 v16, $0x11  }
0x134: {  	v18 =	vadd.s32 $0x2D, v18;
	v13 =	vadd.s32 v13, v17;
	v16 =	vor.u32 v20, v16  }
0x135: {  	v14 =	vadd.s32 v14, v19;
	v20 =	vshrl.u32 v17, $0xF;
	v17 =	vshll.u32 v17, $0x11  }
0x136: {  	v15 =	vadd.s32 v15, v18;
	v21 =	vshrl.u32 v19, $0xF;
	v19 =	vshll.u32 v19, $0x11  }
0x137: {  	v22 =	vshrl.u32 v18, $0xF;
	v18 =	vshll.u32 v18, $0x11;
	v16 =	vxor.u32 v12, v16  }
0x138: {  	v18 =	vor.u32 v22, v18;
	v19 =	vor.u32 v21, v19;
	v17 =	vor.u32 v20, v17  }
0x139: {  	v12 =	vadd.s32 v12, v16;
	v20 =	vshrl.u32 v16, $0x3;
	v16 =	vshll.u32 v16, $0x1D  }
0x13a: {  	v18 =	vxor.u32 v15, v18;
	v19 =	vxor.u32 v14, v19;
	v17 =	vxor.u32 v13, v17  }
0x13b: {  	v13 =	vadd.s32 v13, v17;
	v21 =	vshrl.u32 v17, $0x3;
	v16 =	vor.u32 v20, v16  }
0x13c: {  	v14 =	vadd.s32 v14, v19;
	v20 =	vshrl.u32 v19, $0x3;
	v17 =	vshll.u32 v17, $0x1D  }
0x13d: {  	v15 =	vadd.s32 v15, v18;
	v22 =	vshrl.u32 v18, $0x3;
	v19 =	vshll.u32 v19, $0x1D  }
0x13e: {  	v18 =	vshll.u32 v18, $0x1D;
	v17 =	vor.u32 v21, v17;
	v16 =	vxor.u32 v12, v16  }
0x13f: {  	v18 =	vor.u32 v22, v18;
	v19 =	vor.u32 v20, v19;
	v12 =	vadd.s32 v12, v16  }
0x140: {  	v17 =	vxor.u32 v13, v17;
	v20 =	vshrl.u32 v16, $0x10;
	v16 =	vshll.u32 v16, $0x10  }
0x141: {  	v18 =	vxor.u32 v15, v18;
	v19 =	vxor.u32 v14, v19;
	v16 =	vor.u32 v20, v16  }
0x142: {  	v13 =	vadd.s32 v13, v17;
	v20 =	vshrl.u32 v17, $0x10;
	v17 =	vshll.u32 v17, $0x10  }
0x143: {  	v14 =	vadd.s32 v14, v19;
	v21 =	vshrl.u32 v19, $0x10;
	v19 =	vshll.u32 v19, $0x10  }
0x144: {  	v15 =	vadd.s32 v15, v18;
	v22 =	vshrl.u32 v18, $0x10;
	v18 =	vshll.u32 v18, $0x10  }
0x145: {  	v19 =	vor.u32 v21, v19;
	v17 =	vor.u32 v20, v17;
	v16 =	vxor.u32 v12, v16  }
0x146: {  	v18 =	vor.u32 v22, v18;
	v12 =	vadd.s32 v12, v16;
	v20 =	vshrl.u32 v16, $0x8  }
0x147: {  	v19 =	vxor.u32 v14, v19;
	v17 =	vxor.u32 v13, v17;
	v16 =	vshll.u32 v16, $0x18  }
0x148: {  	v18 =	vxor.u32 v15, v18;
	v13 =	vadd.s32 v13, v17;
	v16 =	vor.u32 v20, v16  }
0x149: {  	v14 =	vadd.s32 v14, v19;
	v20 =	vshrl.u32 v17, $0x8;
	v17 =	vshll.u32 v17, $0x18  }
0x14a: {  	v15 =	vadd.s32 v15, v18;
	v21 =	vshrl.u32 v19, $0x8;
	v19 =	vshll.u32 v19, $0x18  }
0x14b: {  	v22 =	vshrl.u32 v18, $0x8;
	v18 =	vshll.u32 v18, $0x18;
	v16 =	vxor.u32 v12, v16  }
0x14c: {  	v18 =	vor.u32 v22, v18;
	v19 =	vor.u32 v21, v19;
	v17 =	vor.u32 v20, v17  }
0x14d: {  	v19 =	vxor.u32 v14, v19;
	v17 =	vxor.u32 v13, v17;
	v16 =	vadd.s32 $0x1BD11BF4, v16  }
0x14e: {  	v18 =	vxor.u32 v15, v18;
	v12 =	vadd.s32 v16, v12;
	v20 =	vshrl.u32 v16, $0x13  }
0x14f: {  	v19 =	vadd.s32 $0x1BD11BF4, v19;
	v17 =	vadd.s32 $0x1BD11BF4, v17;
	v16 =	vshll.u32 v16, $0xD  }
0x150: {  	v18 =	vadd.s32 $0x1BD11BF4, v18;
	v12 =	vadd.s32 $0x2A, v12;
	v16 =	vor.u32 v20, v16  }
0x151: {  	v13 =	vadd.s32 v17, v13;
	v20 =	vshrl.u32 v17, $0x13;
	v17 =	vshll.u32 v17, $0xD  }
0x152: {  	v14 =	vadd.s32 v19, v14;
	v21 =	vshrl.u32 v19, $0x13;
	v19 =	vshll.u32 v19, $0xD  }
0x153: {  	v15 =	vadd.s32 v18, v15;
	v22 =	vshrl.u32 v18, $0x13;
	v18 =	vshll.u32 v18, $0xD  }
0x154: {  	v13 =	vadd.s32 $0x2A, v13;
	v17 =	vor.u32 v20, v17;
	v16 =	vxor.u32 v12, v16  }
0x155: {  	v15 =	vadd.s32 $0x2A, v15;
	v14 =	vadd.s32 $0x2A, v14;
	v19 =	vor.u32 v21, v19  }
0x156: {  	v18 =	vor.u32 v22, v18;
	v12 =	vadd.s32 v12, v16;
	v20 =	vshrl.u32 v16, $0x11  }
0x157: {  	v19 =	vxor.u32 v14, v19;
	v17 =	vxor.u32 v13, v17;
	v16 =	vshll.u32 v16, $0xF  }
0x158: {  	v18 =	vxor.u32 v15, v18;
	v13 =	vadd.s32 v13, v17;
	v16 =	vor.u32 v20, v16  }
0x159: {  	v14 =	vadd.s32 v14, v19;
	v20 =	vshrl.u32 v17, $0x11;
	v17 =	vshll.u32 v17, $0xF  }
0x15a: {  	v15 =	vadd.s32 v15, v18;
	v21 =	vshrl.u32 v19, $0x11;
	v19 =	vshll.u32 v19, $0xF  }
0x15b: {  	v22 =	vshrl.u32 v18, $0x11;
	v18 =	vshll.u32 v18, $0xF;
	v16 =	vxor.u32 v12, v16  }
0x15c: {  	v18 =	vor.u32 v22, v18;
	v19 =	vor.u32 v21, v19;
	v17 =	vor.u32 v20, v17  }
0x15d: {  	v12 =	vadd.s32 v12, v16;
	v20 =	vshrl.u32 v16, $0x6;
	v16 =	vshll.u32 v16, $0x1A  }
0x15e: {  	v18 =	vxor.u32 v15, v18;
	v19 =	vxor.u32 v14, v19;
	v17 =	vxor.u32 v13, v17  }
0x15f: {  	v13 =	vadd.s32 v13, v17;
	v21 =	vshrl.u32 v17, $0x6;
	v16 =	vor.u32 v20, v16  }
0x160: {  	v14 =	vadd.s32 v14, v19;
	v20 =	vshrl.u32 v19, $0x6;
	v17 =	vshll.u32 v17, $0x1A  }
0x161: {  	v15 =	vadd.s32 v15, v18;
	v22 =	vshrl.u32 v18, $0x6;
	v19 =	vshll.u32 v19, $0x1A  }
0x162: {  	v18 =	vshll.u32 v18, $0x1A;
	v17 =	vor.u32 v21, v17;
	v16 =	vxor.u32 v12, v16  }
0x163: {  	v18 =	vor.u32 v22, v18;
	v19 =	vor.u32 v20, v19;
	v12 =	vadd.s32 v12, v16  }
0x164: {  	v17 =	vxor.u32 v13, v17;
	v20 =	vshrl.u32 v16, $0x1A;
	v16 =	vshll.u32 v16, $0x6  }
0x165: {  	v18 =	vxor.u32 v15, v18;
	v19 =	vxor.u32 v14, v19;
	v21 =	vadd.s32 $0x1BD11BF0, v12  }
0x166: {  	v13 =	vadd.s32 v13, v17;
	v22 =	vshrl.u32 v17, $0x1A;
	v16 =	vor.u32 v20, v16  }
0x167: {  	v14 =	vadd.s32 v14, v19;
	v20 =	vshrl.u32 v19, $0x1A;
	v17 =	vshll.u32 v17, $0x6  }
0x168: {  	v23 =	vshrl.u32 v18, $0x1A;
	v24 =	vshll.u32 v18, $0x6;
	v19 =	vshll.u32 v19, $0x6  }
0x169: {  	v15 =	vadd.s32 v15, v18;
	v18 =	vor.u32 v23, v24;
	v12 =	vxor.u32 v12, v16  }
0x16a: {  	v17 =	vor.u32 v22, v17;
	v16 =	vxor.u32 v15, v18;
	v18 =	vadd.s32 $0x1BD11BF0, v13  }
0x16b: {  	v22 =	vadd.s32 $0x1BD11BF0, v14;
	v15 =	vadd.s32 $0x1BD11BF0, v15;
	v16 =	vadd.s32 $0x5, v16  }
0x16c: {  	v12 =	vadd.s32 $0x5, v12;
	v15 =	vxor.u32 v15, v16;
	v16 =	vor.u32 v20, v19  }
0x16d: {  	v13 =	vxor.u32 v13, v17;
	v15 =	vshrl.u32 v15, $0x9;
	v14 =	vxor.u32 v14, v16  }
0x16e: {  	v13 =	vadd.s32 $0x5, v13;
	v12 =	vxor.u32 v21, v12;
	v15 =	vor.u32 $0x3F800000, v15  }
0x16f: {  	v12 =	vshrl.u32 v12, $0x9;
	v14 =	vadd.s32 $0x5, v14;
	v15 =	vadd.f32 $-1.000000000e+00, v15  }
0x170: {  	v13 =	vxor.u32 v18, v13;
	v12 =	vor.u32 $0x3F800000, v12;
	v14 =	vxor.u32 v22, v14  }
0x171: {  	v13 =	vshrl.u32 v13, $0x9;
	v14 =	vshrl.u32 v14, $0x9;
	v25 =	vmax.f32 v15, $9.999999680e-21  }
0x172: {  	v12 =	vadd.f32 $-1.000000000e+00, v12;
	v14 =	vor.u32 $0x3F800000, v14;
	v15 =	vand.u32 $0x7FFFFF, v25  }
0x173: {  	v13 =	vor.u32 $0x3F800000, v13;
	v14 =	vadd.f32 $-1.000000000e+00, v14;
	v15 =	vor.u32 $0x3F800000, v15  }
0x174: {  	v13 =	vadd.f32 $-1.000000000e+00, v13;
	v16 =	vmul.f32 $5.000000000e-01, v15  }
0x175: {  	v27 =	vmax.f32 v12, $9.999999680e-21;
	vm0 =	vgt.f32 v15, $1.414213540e+00;
	v26 =	vmax.f32 v14, $9.999999680e-21  }
0x176: {  	s19 =	sadd.s32 $0x200, s19;
	v28 =	vmax.f32 v13, $9.999999680e-21;
	v12 =	vand.u32 $0x7FFFFF, v26;
	v17 =	vsel vm0, v16, v15  }
0x177: {  	s22 =	sand.u32 $0x1C00, s19;
	v14 =	vand.u32 $0x7FFFFF, v28;
	v12 =	vor.u32 $0x3F800000, v12;
	v13 =	vadd.f32 $1.000000000e+00, v17  }
0x178: {  	s23 =	sadd.s32 $0xFFFFFFF0, s20;
	s24 =	sand.u32 $0x70, s20;
	s22 =	sadd.s32 s22, s18;
	v16 =	vor.u32 $0x3F800000, v14;
	v14 =	vand.u32 $0x7FFFFF, v27;
	v15 =	vmul.f32 $5.000000000e-01, v12  }
0x179: {  	s25 =	sadd.s32 $0xFFFFFFE0, s20;
	s23 =	sand.u32 $0x60, s23;
	s24 =	sadd.s32 s24, s22;
	vm1 =	vgt.f32 v12, $1.414213540e+00;
	v18 =	vmul.f32 $5.000000000e-01, v16;
	(erf) = vrcp.f32 v13  }
0x17a: {  	s25 =	sand.u32 $0x50, s25;
	s23 =	sadd.s32 s23, s22;
	vm2 =	vgt.f32 v16, $1.414213540e+00;
	v29 =	vsel vm1, v15, v12;
	v15 =	vor.u32 $0x3F800000, v14;
	v12 =	vld.idx.msk [tilespmem:v7+s24+$0x0 ss:$0x1], $0xffff  }
0x17b: {  	s25 =	sadd.s32 s25, s22;
	v30 =	vsel vm2, v18, v16;
	v20 =	vadd.f32 $1.000000000e+00, v29;
	v16 =	vmul.f32 $5.000000000e-01, v15;
	s24 =	sadd.s32 $0xFFFFFFD0, s20;
	v14 =	vld.idx.msk [tilespmem:v7+s23+$0x0 ss:$0x1], $0xffff  }
0x17c: {  	v18 =	vadd.f32 $1.000000000e+00, v30;
	vm3 =	vgt.f32 v15, $1.414213540e+00;
	s23 =	sand.u32 $0x40, s24;
	s24 =	sadd.s32 s20, s7;
	s20 =	smov.u32 s21;
	v19 =	vld.idx.msk [tilespmem:v7+s25+$0x0 ss:$0x1], $0xffff  }
0x17d: {  	v31 =	vsel vm3, v16, v15;
	s25 =	sadd.s32 s21, s16;
	s22 =	sadd.s32 s23, s22;
	v13 =	vor.u32 s24, v0;
	(erf) = vrcp.f32 v20  }
0x17e: {  	v16 =	vadd.f32 $1.000000000e+00, v31;
	s23 =	sadd.s32 $0xFFFFFFE0, s24;
	v15 =	vadd.s32 s25, v1;
	v22 =	vld.idx.msk [tilespmem:v7+s22+$0x0 ss:$0x1], $0xffff;
	s22 =	sadd.s32 $0xFFFFFFD0, s24;
	s24 =	sadd.s32 $0xFFFFFFF0, s24;
	(erf) = vrcp.f32 v18  }
0x17f: {  	v21 =	vor.u32 s23, v0;
	v23 =	vor.u32 s22, v0;
	v20 =	vor.u32 s24, v0  }
0x180: {  	v24 =	vshrl.u32 v15, $0x13;
	v32 =	vshll.u32 v15, $0xD;
	s22 =	sadd.s32 $0xFFFFFFF0, s25;
	(erf) = vrcp.f32 v16  }
0x181: {  	v33 =	vadd.f32 $-1.000000000e+00, v17;
	s23 =	sadd.s32 $0xFFFFFFE0, s25;
	v34 =	vmul.f32 $1.442695020e+00, v12;
	v16 =	vadd.s32 s22, v1  }
0x182: {  	v17 =	vadd.s32 s23, v1;
	s22 =	sadd.s32 $0xFFFFFFD0, s25;
	v36 =	vmul.f32 $1.442695020e+00, v14;
	v35 =	vmul.f32 $1.442695020e+00, v19;
	v37 =	vpop (erf)  }
0x183: {  	v18 =	vadd.s32 s22, v1;
	v33 =	vmul.f32 v37, v33;
	(erf) = vpow2.f32 v34  }
0x184: {  	v24 =	vor.u32 v24, v32;
	v37 =	vmul.f32 $1.442695020e+00, v22;
	(erf) = vpow2.f32 v36  }
0x185: {  	v29 =	vadd.f32 $-1.000000000e+00, v29;
	v34 =	vmul.f32 v33, v33;
	(erf) = vpow2.f32 v35  }
0x186: {  	v27 =	vshrl.u32 v27, $0x17;
	v30 =	vadd.f32 $-1.000000000e+00, v30;
	(erf) = vpow2.f32 v37;
	v32 =	vpop (erf)  }
0x187: {  	v28 =	vshrl.u32 v28, $0x17;
	v35 =	vmul.f32 $2.222222240e-01, v34;
	v29 =	vmul.f32 v32, v29;
	v32 =	vpop (erf)  }
0x188: {  	v26 =	vshrl.u32 v26, $0x17;
	v31 =	vadd.f32 $-1.000000000e+00, v31;
	v30 =	vmul.f32 v32, v30  }
0x189: {  	v32 =	vshrl.u32 v25, $0x17;
	v42 =	vadd.f32 $2.857142980e-01, v35;
	v35 =	vmul.f32 v29, v29;
	v36 =	vpop (erf)  }
0x18a: {  	v38 =	vsel vm3, $0x1, v2;
	v37 =	vmul.f32 v30, v30;
	v31 =	vmul.f32 v36, v31  }
0x18b: {  	v27 =	vadd.s32 v38, v27;
	v36 =	vmul.f32 v42, v34;
	v39 =	vmul.f32 $2.222222240e-01, v35  }
0x18c: {  	v38 =	vsel vm2, $0x1, v2;
	v40 =	vmul.f32 $2.222222240e-01, v37;
	v41 =	vmul.f32 v31, v31;
	v25 =	vpop (erf)  }
0x18d: {  	v42 =	vsel vm1, $0x1, v2;
	v36 =	vadd.f32 $4.000000060e-01, v36;
	v39 =	vadd.f32 $2.857142980e-01, v39;
	v43 =	vpop (erf)  }
0x18e: {  	v44 =	vsel vm0, $0x1, v2;
	v40 =	vadd.f32 $2.857142980e-01, v40;
	v45 =	vmul.f32 $2.222222240e-01, v41;
	v46 =	vpop (erf)  }
0x18f: {  	v27 =	vadd.s32 $0xFFFFFF81, v27;
	v36 =	vmul.f32 v36, v34;
	v39 =	vmul.f32 v39, v35;
	v47 =	vpop (erf)  }
0x190: {  	v28 =	vadd.s32 v38, v28;
	v38 =	vmul.f32 v40, v37;
	v40 =	vadd.f32 $2.857142980e-01, v45  }
0x191: {  	v26 =	vadd.s32 v42, v26;
	v36 =	vadd.f32 $6.666666860e-01, v36;
	v39 =	vadd.f32 $4.000000060e-01, v39  }
0x192: {  	v32 =	vadd.s32 v44, v32;
	v38 =	vadd.f32 $4.000000060e-01, v38;
	v40 =	vmul.f32 v40, v41  }
0x193: {  	v32 =	vadd.s32 $0xFFFFFF81, v32;
	v34 =	vmul.f32 v36, v34;
	v36 =	vmul.f32 v39, v35  }
0x194: {  	v32 =	vcvt.s32.f32 v32;
	v38 =	vmul.f32 v38, v37;
	v39 =	vadd.f32 $4.000000060e-01, v40  }
0x195: {  	v27 =	vcvt.s32.f32 v27;
	v34 =	vadd.f32 $2.000000000e+00, v34;
	v36 =	vadd.f32 $6.666666860e-01, v36  }
0x196: {  	v32 =	vmul.f32 $6.931471820e-01, v32;
	v38 =	vadd.f32 $6.666666860e-01, v38;
	v39 =	vmul.f32 v39, v41  }
0x197: {  	v28 =	vadd.s32 $0xFFFFFF81, v28;
	v33 =	vmul.f32 v34, v33;
	v34 =	vmul.f32 v36, v35  }
0x198: {  	v26 =	vadd.s32 $0xFFFFFF81, v26;
	v35 =	vmul.f32 v38, v37;
	v36 =	vadd.f32 $6.666666860e-01, v39  }
0x199: {  	v26 =	vcvt.s32.f32 v26;
	v32 =	vadd.f32 v33, v32;
	v33 =	vadd.f32 $2.000000000e+00, v34  }
0x19a: {  	v28 =	vcvt.s32.f32 v28;
	v34 =	vadd.f32 $2.000000000e+00, v35;
	v35 =	vmul.f32 v36, v41  }
0x19b: {  	v26 =	vmul.f32 $6.931471820e-01, v26;
	v32 =	vsub.f32 $0.0e+00, v32;
	v29 =	vmul.f32 v33, v29  }
0x19c: {  	v28 =	vmul.f32 $6.931471820e-01, v28;
	v30 =	vmul.f32 v34, v30;
	v33 =	vadd.f32 $2.000000000e+00, v35  }
0x19d: {  	v34 =	vmul.f32 v47, v10;
	v35 =	vmul.f32 v32, v11;
	v26 =	vadd.f32 v29, v26  }
0x19e: {  	v27 =	vmul.f32 $6.931471820e-01, v27;
	v29 =	vshrl.u32 v16, $0x13;
	v31 =	vmul.f32 v33, v31  }
0x19f: {  	v28 =	vadd.f32 v30, v28;
	vm0 =	vgt.f32 v34, v35;
	v26 =	vsub.f32 $0.0e+00, v26  }
0x1a0: {  	v11 =	vsel vm0, v47, v11;
	v10 =	vsel vm0, v32, v10;
	v8 =	vsel vm0, v22, v8  }
0x1a1: {  	v9 =	vsel vm0, v23, v9;
	v22 =	vmul.f32 v10, v46;
	v23 =	vmul.f32 v11, v26  }
0x1a2: {  	v30 =	vshrl.u32 v17, $0x13;
	v33 =	vshll.u32 v16, $0xD;
	v32 =	vshll.u32 v17, $0xD  }
0x1a3: {  	vm0 =	vgt.f32 v22, v23;
	v22 =	vsub.f32 $0.0e+00, v28;
	v23 =	vadd.f32 v31, v27  }
0x1a4: {  	v11 =	vsel vm0, v46, v11;
	v10 =	vsel vm0, v26, v10;
	v8 =	vsel vm0, v19, v8  }
0x1a5: {  	v9 =	vsel vm0, v21, v9;
	v19 =	vmul.f32 v10, v43;
	v21 =	vmul.f32 v11, v22  }
0x1a6: {  	v24 =	vxor.u32 v15, v24;
	v27 =	vshll.u32 v18, $0xD;
	v26 =	vshrl.u32 v18, $0x13  }
0x1a7: {  	v28 =	vor.u32 v29, v33;
	vm0 =	vgt.f32 v19, v21;
	v19 =	vsub.f32 $0.0e+00, v23  }
0x1a8: {  	v11 =	vsel vm0, v43, v11;
	v10 =	vsel vm0, v22, v10;
	v8 =	vsel vm0, v14, v8  }
0x1a9: {  	v9 =	vsel vm0, v20, v9;
	v14 =	vmul.f32 v10, v25;
	v20 =	vmul.f32 v11, v19  }
0x1aa: {  	v15 =	vadd.s32 v15, v24;
	v21 =	vor.u32 v26, v27;
	v22 =	vor.u32 v30, v32  }
0x1ab: {  	v23 =	vshrl.u32 v24, $0x11;
	v24 =	vshll.u32 v24, $0xF;
	vm0 =	vgt.f32 v14, v20  }
0x1ac: {  	v11 =	vsel vm0, v25, v11;
	v10 =	vsel vm0, v19, v10;
	v8 =	vsel vm0, v12, v8  }
0x1ad: {  	v14 =	vxor.u32 v16, v28;
	v12 =	vxor.u32 v17, v22;
	v9 =	vsel vm0, v13, v9  }
0x1ae: {  	v13 =	vxor.u32 v18, v21;
	v16 =	vadd.s32 v16, v14;
	v19 =	vor.u32 v23, v24  }
0x1af: {  	v20 =	vshrl.u32 v14, $0x11;
	v14 =	vshll.u32 v14, $0xF;
	v17 =	vadd.s32 v17, v12  }
0x1b0: {  	v18 =	vadd.s32 v18, v13;
	v21 =	vshrl.u32 v12, $0x11;
	v12 =	vshll.u32 v12, $0xF  }
0x1b1: {  	v22 =	vshrl.u32 v13, $0x11;
	v13 =	vshll.u32 v13, $0xF;
	v19 =	vxor.u32 v15, v19  }
0x1b2: {  	v14 =	vor.u32 v20, v14;
	v13 =	vor.u32 v22, v13;
	v12 =	vor.u32 v21, v12  }
0x1b3: {  	v15 =	vadd.s32 v15, v19;
	v20 =	vshrl.u32 v19, $0x6;
	v19 =	vshll.u32 v19, $0x1A  }
0x1b4: {  	v14 =	vxor.u32 v16, v14;
	v13 =	vxor.u32 v18, v13;
	v12 =	vxor.u32 v17, v12  }
0x1b5: {  	v16 =	vadd.s32 v16, v14;
	v21 =	vshrl.u32 v14, $0x6;
	v19 =	vor.u32 v20, v19  }
0x1b6: {  	v14 =	vshll.u32 v14, $0x1A;
	v17 =	vadd.s32 v17, v12;
	v20 =	vshrl.u32 v12, $0x6  }
0x1b7: {  	v18 =	vadd.s32 v18, v13;
	v22 =	vshrl.u32 v13, $0x6;
	v12 =	vshll.u32 v12, $0x1A  }
0x1b8: {  	v13 =	vshll.u32 v13, $0x1A;
	v14 =	vor.u32 v21, v14;
	v19 =	vxor.u32 v15, v19  }
0x1b9: {  	v13 =	vor.u32 v22, v13;
	v12 =	vor.u32 v20, v12;
	v15 =	vadd.s32 v15, v19  }
0x1ba: {  	v14 =	vxor.u32 v16, v14;
	v20 =	vshrl.u32 v19, $0x1A;
	v19 =	vshll.u32 v19, $0x6  }
0x1bb: {  	v13 =	vxor.u32 v18, v13;
	v12 =	vxor.u32 v17, v12;
	v19 =	vor.u32 v20, v19  }
0x1bc: {  	v16 =	vadd.s32 v16, v14;
	v20 =	vshrl.u32 v14, $0x1A;
	v14 =	vshll.u32 v14, $0x6  }
0x1bd: {  	v17 =	vadd.s32 v17, v12;
	v21 =	vshrl.u32 v12, $0x1A;
	v12 =	vshll.u32 v12, $0x6  }
0x1be: {  	v18 =	vadd.s32 v18, v13;
	v22 =	vshrl.u32 v13, $0x1A;
	v13 =	vshll.u32 v13, $0x6  }
0x1bf: {  	v14 =	vor.u32 v20, v14;
	v19 =	vxor.u32 v15, v19;
	v12 =	vor.u32 v21, v12  }
0x1c0: {  	v13 =	vor.u32 v22, v13;
	v14 =	vxor.u32 v16, v14;
	v19 =	vadd.s32 $0x1BD11BF1, v19  }
0x1c1: {  	v13 =	vxor.u32 v18, v13;
	v12 =	vxor.u32 v17, v12;
	v15 =	vadd.s32 v19, v15  }
0x1c2: {  	v14 =	vadd.s32 $0x1BD11BF1, v14;
	v20 =	vshrl.u32 v19, $0xF;
	v19 =	vshll.u32 v19, $0x11  }
0x1c3: {  	v13 =	vadd.s32 $0x1BD11BF1, v13;
	v12 =	vadd.s32 $0x1BD11BF1, v12;
	v15 =	vadd.s32 $0x2A, v15  }
0x1c4: {  	v16 =	vadd.s32 v14, v16;
	v21 =	vshrl.u32 v14, $0xF;
	v19 =	vor.u32 v20, v19  }
0x1c5: {  	v14 =	vshll.u32 v14, $0x11;
	v17 =	vadd.s32 v12, v17;
	v20 =	vshrl.u32 v12, $0xF  }
0x1c6: {  	v18 =	vadd.s32 v13, v18;
	v22 =	vshrl.u32 v13, $0xF;
	v12 =	vshll.u32 v12, $0x11  }
0x1c7: {  	v13 =	vshll.u32 v13, $0x11;
	v16 =	vadd.s32 $0x2A, v16;
	v19 =	vxor.u32 v15, v19  }
0x1c8: {  	v14 =	vor.u32 v21, v14;
	v17 =	vadd.s32 $0x2A, v17;
	v12 =	vor.u32 v20, v12  }
0x1c9: {  	v18 =	vadd.s32 $0x2A, v18;
	v13 =	vor.u32 v22, v13;
	v15 =	vadd.s32 v15, v19  }
0x1ca: {  	v14 =	vxor.u32 v16, v14;
	v20 =	vshrl.u32 v19, $0x3;
	v19 =	vshll.u32 v19, $0x1D  }
0x1cb: {  	v13 =	vxor.u32 v18, v13;
	v12 =	vxor.u32 v17, v12;
	v19 =	vor.u32 v20, v19  }
0x1cc: {  	v16 =	vadd.s32 v16, v14;
	v20 =	vshrl.u32 v14, $0x3;
	v14 =	vshll.u32 v14, $0x1D  }
0x1cd: {  	v17 =	vadd.s32 v17, v12;
	v21 =	vshrl.u32 v12, $0x3;
	v12 =	vshll.u32 v12, $0x1D  }
0x1ce: {  	v18 =	vadd.s32 v18, v13;
	v22 =	vshrl.u32 v13, $0x3;
	v13 =	vshll.u32 v13, $0x1D  }
0x1cf: {  	v14 =	vor.u32 v20, v14;
	v19 =	vxor.u32 v15, v19;
	v12 =	vor.u32 v21, v12  }
0x1d0: {  	v13 =	vor.u32 v22, v13;
	v15 =	vadd.s32 v15, v19;
	v20 =	vshrl.u32 v19, $0x10  }
0x1d1: {  	v14 =	vxor.u32 v16, v14;
	v19 =	vshll.u32 v19, $0x10;
	v12 =	vxor.u32 v17, v12  }
0x1d2: {  	v13 =	vxor.u32 v18, v13;
	v16 =	vadd.s32 v16, v14;
	v19 =	vor.u32 v20, v19  }
0x1d3: {  	v20 =	vshrl.u32 v14, $0x10;
	v14 =	vshll.u32 v14, $0x10;
	v17 =	vadd.s32 v17, v12  }
0x1d4: {  	v18 =	vadd.s32 v18, v13;
	v21 =	vshrl.u32 v12, $0x10;
	v12 =	vshll.u32 v12, $0x10  }
0x1d5: {  	v22 =	vshrl.u32 v13, $0x10;
	v13 =	vshll.u32 v13, $0x10;
	v19 =	vxor.u32 v15, v19  }
0x1d6: {  	v14 =	vor.u32 v20, v14;
	v13 =	vor.u32 v22, v13;
	v12 =	vor.u32 v21, v12  }
0x1d7: {  	v15 =	vadd.s32 v15, v19;
	v20 =	vshrl.u32 v19, $0x8;
	v19 =	vshll.u32 v19, $0x18  }
0x1d8: {  	v14 =	vxor.u32 v16, v14;
	v13 =	vxor.u32 v18, v13;
	v12 =	vxor.u32 v17, v12  }
0x1d9: {  	v16 =	vadd.s32 v16, v14;
	v21 =	vshrl.u32 v14, $0x8;
	v19 =	vor.u32 v20, v19  }
0x1da: {  	v14 =	vshll.u32 v14, $0x18;
	v17 =	vadd.s32 v17, v12;
	v20 =	vshrl.u32 v12, $0x8  }
0x1db: {  	v18 =	vadd.s32 v18, v13;
	v22 =	vshrl.u32 v13, $0x8;
	v12 =	vshll.u32 v12, $0x18  }
0x1dc: {  	v13 =	vshll.u32 v13, $0x18;
	v14 =	vor.u32 v21, v14;
	v19 =	vxor.u32 v15, v19  }
0x1dd: {  	v13 =	vor.u32 v22, v13;
	v12 =	vor.u32 v20, v12;
	v19 =	vadd.s32 $0x2, v19  }
0x1de: {  	v14 =	vxor.u32 v16, v14;
	v13 =	vxor.u32 v18, v13;
	v12 =	vxor.u32 v17, v12  }
0x1df: {  	v15 =	vadd.s32 v19, v15;
	v20 =	vshrl.u32 v19, $0x13;
	v19 =	vshll.u32 v19, $0xD  }
0x1e0: {  	v14 =	vadd.s32 $0x2, v14;
	v13 =	vadd.s32 $0x2, v13;
	v12 =	vadd.s32 $0x2, v12  }
0x1e1: {  	v16 =	vadd.s32 v14, v16;
	v15 =	vadd.s32 $0x1BD11BF0, v15;
	v19 =	vor.u32 v20, v19  }
0x1e2: {  	v20 =	vshrl.u32 v14, $0x13;
	v14 =	vshll.u32 v14, $0xD;
	v17 =	vadd.s32 v12, v17  }
0x1e3: {  	v18 =	vadd.s32 v13, v18;
	v21 =	vshrl.u32 v12, $0x13;
	v12 =	vshll.u32 v12, $0xD  }
0x1e4: {  	v22 =	vshrl.u32 v13, $0x13;
	v13 =	vshll.u32 v13, $0xD;
	v19 =	vxor.u32 v15, v19  }
0x1e5: {  	v16 =	vadd.s32 $0x1BD11BF0, v16;
	v14 =	vor.u32 v20, v14;
	v17 =	vadd.s32 $0x1BD11BF0, v17  }
0x1e6: {  	v18 =	vadd.s32 $0x1BD11BF0, v18;
	v13 =	vor.u32 v22, v13;
	v12 =	vor.u32 v21, v12  }
0x1e7: {  	v15 =	vadd.s32 v15, v19;
	v20 =	vshrl.u32 v19, $0x11;
	v19 =	vshll.u32 v19, $0xF  }
0x1e8: {  	v14 =	vxor.u32 v16, v14;
	v13 =	vxor.u32 v18, v13;
	v12 =	vxor.u32 v17, v12  }
0x1e9: {  	v21 =	vadd.s32 v16, v14;
	v16 =	vshrl.u32 v14, $0x11;
	v19 =	vor.u32 v20, v19  }
0x1ea: {  	v14 =	vshll.u32 v14, $0xF;
	v20 =	vadd.s32 v17, v12;
	v17 =	vshrl.u32 v12, $0x11  }
0x1eb: {  	v22 =	vadd.s32 v18, v13;
	v18 =	vshrl.u32 v13, $0x11;
	v12 =	vshll.u32 v12, $0xF  }
0x1ec: {  	v13 =	vshll.u32 v13, $0xF;
	v14 =	vor.u32 v16, v14;
	v16 =	vxor.u32 v15, v19  }
0x1ed: {  	v13 =	vor.u32 v18, v13;
	v17 =	vor.u32 v17, v12;
	v12 =	vadd.s32 v15, v16  }
.Ltmp0:
0x1ee: {  	v14 =	vxor.u32 v21, v14;
	v15 =	vshrl.u32 v16, $0x6;
	v16 =	vshll.u32 v16, $0x1A;
	(pc) =	sbr.rel @p0 .LBB2_3-.Ltmp0, $4  }
0x1ef: {  	v23 =	vxor.u32 v22, v13;
	v24 =	vxor.u32 v20, v17;
	v16 =	vor.u32 v15, v16  }
0x1f0: {  	v13 =	vadd.s32 v21, v14;
	v17 =	vshrl.u32 v14, $0x6;
	v18 =	vshll.u32 v14, $0x1A  }
0x1f1: {  	v14 =	vadd.s32 v20, v24;
	v19 =	vshrl.u32 v24, $0x6;
	v21 =	vshll.u32 v24, $0x1A  }
0x1f2: {  	s21 =	sadd.s32 $0x40, s21;
	v15 =	vadd.s32 v22, v23;
	v20 =	vshrl.u32 v23, $0x6;
	v22 =	vshll.u32 v23, $0x1A  }
0x1f3: {  	v19 =	vor.u32 v19, v21;
	v17 =	vor.u32 v17, v18;
	v16 =	vxor.u32 v12, v16  }
0x1f4: {  	v28 =	vor.u32 v20, v22;
	v12 =	vadd.s32 v12, v16;
	v29 =	vshrl.u32 v16, $0x1A  }
0x1f5: {  	v19 =	vxor.u32 v14, v19;
	v17 =	vxor.u32 v13, v17;
	v16 =	vshll.u32 v16, $0x6  }
0x1f6: {  	v18 =	vxor.u32 v15, v28;
	v13 =	vadd.s32 v13, v17;
	v16 =	vor.u32 v29, v16  }
0x1f7: {  	v14 =	vadd.s32 v14, v19;
	v30 =	vshrl.u32 v17, $0x1A;
	v17 =	vshll.u32 v17, $0x6  }
0x1f8: {  	v15 =	vadd.s32 v15, v18;
	v31 =	vshrl.u32 v19, $0x1A;
	v19 =	vshll.u32 v19, $0x6  }
0x1f9: {  	v32 =	vshrl.u32 v18, $0x1A;
	v18 =	vshll.u32 v18, $0x6;
	v16 =	vxor.u32 v12, v16  }
0x1fa: {  	v19 =	vor.u32 v31, v19;
	v18 =	vor.u32 v32, v18;
	v17 =	vor.u32 v30, v17  }
0x1fb: {  	v19 =	vxor.u32 v14, v19;
	v17 =	vxor.u32 v13, v17;
	v16 =	vadd.s32 $0x2D, v16  }
0x1fc: {  	v18 =	vxor.u32 v15, v18;
	v12 =	vadd.s32 v12, v16;
	v33 =	vshrl.u32 v16, $0xF  }
0x1fd: {  	v19 =	vadd.s32 $0x2D, v19;
	v17 =	vadd.s32 $0x2D, v17;
	v16 =	vshll.u32 v16, $0x11  }
0x1fe: {  	v18 =	vadd.s32 $0x2D, v18;
	v13 =	vadd.s32 v13, v17;
	v16 =	vor.u32 v33, v16  }
0x1ff: {  	v14 =	vadd.s32 v14, v19;
	v34 =	vshrl.u32 v17, $0xF;
	v17 =	vshll.u32 v17, $0x11  }
0x200: {  	v15 =	vadd.s32 v15, v18;
	v35 =	vshrl.u32 v19, $0xF;
	v36 =	vshrl.u32 v18, $0xF  }
0x201: {  	v18 =	vshll.u32 v18, $0x11;
	v19 =	vshll.u32 v19, $0x11;
	v16 =	vxor.u32 v12, v16  }
0x202: {  	v18 =	vor.u32 v36, v18;
	v19 =	vor.u32 v35, v19;
	v17 =	vor.u32 v34, v17  }
0x203: {  	v12 =	vadd.s32 v12, v16;
	v37 =	vshrl.u32 v16, $0x3;
	v16 =	vshll.u32 v16, $0x1D  }
0x204: {  	v17 =	vxor.u32 v13, v17;
	v18 =	vxor.u32 v15, v18;
	v19 =	vxor.u32 v14, v19  }
0x205: {  	v13 =	vadd.s32 v13, v17;
	v38 =	vshrl.u32 v17, $0x3;
	v16 =	vor.u32 v37, v16  }
0x206: {  	v14 =	vadd.s32 v14, v19;
	v39 =	vshrl.u32 v19, $0x3;
	v17 =	vshll.u32 v17, $0x1D  }
0x207: {  	v15 =	vadd.s32 v15, v18;
	v40 =	vshrl.u32 v18, $0x3;
	v19 =	vshll.u32 v19, $0x1D  }
0x208: {  	v18 =	vshll.u32 v18, $0x1D;
	v17 =	vor.u32 v38, v17;
	v16 =	vxor.u32 v12, v16  }
0x209: {  	v18 =	vor.u32 v40, v18;
	v19 =	vor.u32 v39, v19;
	v12 =	vadd.s32 v12, v16  }
0x20a: {  	v17 =	vxor.u32 v13, v17;
	v41 =	vshrl.u32 v16, $0x10;
	v16 =	vshll.u32 v16, $0x10  }
0x20b: {  	v18 =	vxor.u32 v15, v18;
	v19 =	vxor.u32 v14, v19;
	v16 =	vor.u32 v41, v16  }
0x20c: {  	v13 =	vadd.s32 v13, v17;
	v42 =	vshrl.u32 v17, $0x10;
	v17 =	vshll.u32 v17, $0x10  }
0x20d: {  	v14 =	vadd.s32 v14, v19;
	v43 =	vshrl.u32 v19, $0x10;
	v19 =	vshll.u32 v19, $0x10  }
0x20e: {  	v15 =	vadd.s32 v15, v18;
	v44 =	vshrl.u32 v18, $0x10;
	v18 =	vshll.u32 v18, $0x10  }
0x20f: {  	v19 =	vor.u32 v43, v19;
	v17 =	vor.u32 v42, v17;
	v16 =	vxor.u32 v12, v16  }
0x210: {  	v18 =	vor.u32 v44, v18;
	v12 =	vadd.s32 v12, v16;
	v45 =	vshrl.u32 v16, $0x8  }
0x211: {  	v19 =	vxor.u32 v14, v19;
	v17 =	vxor.u32 v13, v17;
	v16 =	vshll.u32 v16, $0x18  }
0x212: {  	v18 =	vxor.u32 v15, v18;
	v13 =	vadd.s32 v13, v17;
	v16 =	vor.u32 v45, v16  }
0x213: {  	v14 =	vadd.s32 v14, v19;
	v46 =	vshrl.u32 v17, $0x8;
	v17 =	vshll.u32 v17, $0x18  }
0x214: {  	v15 =	vadd.s32 v15, v18;
	v47 =	vshrl.u32 v19, $0x8;
	v19 =	vshll.u32 v19, $0x18  }
0x215: {  	v48 =	vshrl.u32 v18, $0x8;
	v18 =	vshll.u32 v18, $0x18;
	v16 =	vxor.u32 v12, v16  }
0x216: {  	v19 =	vor.u32 v47, v19;
	v18 =	vor.u32 v48, v18;
	v17 =	vor.u32 v46, v17  }
0x217: {  	v19 =	vxor.u32 v14, v19;
	v17 =	vxor.u32 v13, v17;
	v16 =	vadd.s32 $0x1BD11BF4, v16  }
0x218: {  	v18 =	vxor.u32 v15, v18;
	v12 =	vadd.s32 v16, v12;
	v49 =	vshrl.u32 v16, $0x13  }
0x219: {  	v19 =	vadd.s32 $0x1BD11BF4, v19;
	v17 =	vadd.s32 $0x1BD11BF4, v17;
	v16 =	vshll.u32 v16, $0xD  }
0x21a: {  	v18 =	vadd.s32 $0x1BD11BF4, v18;
	v12 =	vadd.s32 $0x2A, v12;
	v16 =	vor.u32 v49, v16  }
0x21b: {  	v13 =	vadd.s32 v17, v13;
	v50 =	vshrl.u32 v17, $0x13;
	v17 =	vshll.u32 v17, $0xD  }
0x21c: {  	v14 =	vadd.s32 v19, v14;
	v51 =	vshrl.u32 v19, $0x13;
	v19 =	vshll.u32 v19, $0xD  }
0x21d: {  	v15 =	vadd.s32 v18, v15;
	v52 =	vshrl.u32 v18, $0x13;
	v18 =	vshll.u32 v18, $0xD  }
0x21e: {  	v13 =	vadd.s32 $0x2A, v13;
	v17 =	vor.u32 v50, v17;
	v16 =	vxor.u32 v12, v16  }
0x21f: {  	v15 =	vadd.s32 $0x2A, v15;
	v14 =	vadd.s32 $0x2A, v14;
	v19 =	vor.u32 v51, v19  }
0x220: {  	v18 =	vor.u32 v52, v18;
	v12 =	vadd.s32 v12, v16;
	v53 =	vshrl.u32 v16, $0x11  }
0x221: {  	v19 =	vxor.u32 v14, v19;
	v17 =	vxor.u32 v13, v17;
	v16 =	vshll.u32 v16, $0xF  }
0x222: {  	v18 =	vxor.u32 v15, v18;
	v13 =	vadd.s32 v13, v17;
	v16 =	vor.u32 v53, v16  }
0x223: {  	v14 =	vadd.s32 v14, v19;
	v54 =	vshrl.u32 v17, $0x11;
	v17 =	vshll.u32 v17, $0xF  }
0x224: {  	v15 =	vadd.s32 v15, v18;
	v55 =	vshrl.u32 v19, $0x11;
	v56 =	vshrl.u32 v18, $0x11  }
0x225: {  	v18 =	vshll.u32 v18, $0xF;
	v19 =	vshll.u32 v19, $0xF;
	v16 =	vxor.u32 v12, v16  }
0x226: {  	v18 =	vor.u32 v56, v18;
	v19 =	vor.u32 v55, v19;
	v17 =	vor.u32 v54, v17  }
0x227: {  	v12 =	vadd.s32 v12, v16;
	v57 =	vshrl.u32 v16, $0x6;
	v16 =	vshll.u32 v16, $0x1A  }
0x228: {  	v17 =	vxor.u32 v13, v17;
	v18 =	vxor.u32 v15, v18;
	v19 =	vxor.u32 v14, v19  }
0x229: {  	v13 =	vadd.s32 v13, v17;
	v58 =	vshrl.u32 v17, $0x6;
	v16 =	vor.u32 v57, v16  }
0x22a: {  	v14 =	vadd.s32 v14, v19;
	v59 =	vshrl.u32 v19, $0x6;
	v17 =	vshll.u32 v17, $0x1A  }
0x22b: {  	v15 =	vadd.s32 v15, v18;
	v60 =	vshrl.u32 v18, $0x6;
	v19 =	vshll.u32 v19, $0x1A  }
0x22c: {  	v18 =	vshll.u32 v18, $0x1A;
	v17 =	vor.u32 v58, v17;
	v16 =	vxor.u32 v12, v16  }
0x22d: {  	v18 =	vor.u32 v60, v18;
	v19 =	vor.u32 v59, v19;
	v12 =	vadd.s32 v12, v16  }
0x22e: {  	v17 =	vxor.u32 v13, v17;
	v61 =	vshrl.u32 v16, $0x1A;
	v16 =	vshll.u32 v16, $0x6  }
0x22f: {  	v18 =	vxor.u32 v15, v18;
	v19 =	vxor.u32 v14, v19;
	v62 =	vadd.s32 $0x1BD11BF0, v12  }
0x230: {  	v13 =	vadd.s32 v13, v17;
	v23 =	vshrl.u32 v18, $0x1A;
	v24 =	vshll.u32 v18, $0x6  }
0x231: {  	v63 =	vshrl.u32 v17, $0x1A;
	v15 =	vadd.s32 v15, v18;
	v27 =	vor.u32 v23, v24  }
0x232: {  	v16 =	vor.u32 v61, v16;
	v14 =	vadd.s32 v14, v19;
	v18 =	vxor.u32 v15, v27  }
0x233: {  	v28 =	vshrl.u32 v19, $0x1A;
	v15 =	vadd.s32 $0x1BD11BF0, v15;
	v18 =	vadd.s32 $0x5, v18  }
0x234: {  	v17 =	vshll.u32 v17, $0x6;
	v19 =	vshll.u32 v19, $0x6;
	v15 =	vxor.u32 v15, v18  }
0x235: {  	v12 =	vxor.u32 v12, v16;
	v30 =	vor.u32 v28, v19;
	v15 =	vshrl.u32 v15, $0x9  }
0x236: {  	v29 =	vor.u32 v63, v17;
	v17 =	vxor.u32 v14, v30;
	v15 =	vor.u32 $0x3F800000, v15  }
0x237: {  	v14 =	vadd.s32 $0x1BD11BF0, v14;
	v17 =	vadd.s32 $0x5, v17;
	v15 =	vadd.f32 $-1.000000000e+00, v15  }
0x238: {  	v31 =	vadd.s32 $0x1BD11BF0, v13;
	v12 =	vadd.s32 $0x5, v12;
	v14 =	vxor.u32 v14, v17  }
0x239: {  	v13 =	vxor.u32 v13, v29;
	v14 =	vshrl.u32 v14, $0x9;
	v15 =	vmax.f32 v15, $9.999999680e-21  }
0x23a: {  	v13 =	vadd.s32 $0x5, v13;
	v14 =	vor.u32 $0x3F800000, v14;
	v32 =	vand.u32 $0x7FFFFF, v15  }
0x23b: {  	v13 =	vxor.u32 v31, v13;
	v14 =	vadd.f32 $-1.000000000e+00, v14;
	v16 =	vor.u32 $0x3F800000, v32  }
0x23c: {  	v12 =	vxor.u32 v62, v12;
	v13 =	vshrl.u32 v13, $0x9;
	v33 =	vmul.f32 $5.000000000e-01, v16  }
0x23d: {  	v13 =	vor.u32 $0x3F800000, v13;
	v34 =	vmax.f32 v14, $9.999999680e-21;
	vm0 =	vgt.f32 v16, $1.414213540e+00  }
0x23e: {  	v13 =	vadd.f32 $-1.000000000e+00, v13;
	v14 =	vand.u32 $0x7FFFFF, v34;
	v16 =	vsel vm0, v33, v16  }
0x23f: {  	v12 =	vshrl.u32 v12, $0x9;
	v14 =	vor.u32 $0x3F800000, v14;
	v17 =	vadd.f32 $1.000000000e+00, v16  }
0x240: {  	v12 =	vor.u32 $0x3F800000, v12;
	v35 =	vmax.f32 v13, $9.999999680e-21;
	v36 =	vmul.f32 $5.000000000e-01, v14  }
0x241: {  	v37 =	vand.u32 $0x7FFFFF, v35;
	vm1 =	vgt.f32 v14, $1.414213540e+00;
	(erf) = vrcp.f32 v17  }
0x242: {  	v12 =	vadd.f32 $-1.000000000e+00, v12;
	v20 =	vor.u32 $0x3F800000, v37;
	v39 =	vsel vm1, v36, v14  }
0x243: {  	v40 =	vmul.f32 $5.000000000e-01, v20;
	v14 =	vadd.f32 $1.000000000e+00, v39  }
0x244: {  	v38 =	vmax.f32 v12, $9.999999680e-21;
	vm2 =	vgt.f32 v20, $1.414213540e+00  }
0x245: {  	s19 =	sadd.s32 $0x200, s19;
	v12 =	vand.u32 $0x7FFFFF, v38;
	v20 =	vsel vm2, v40, v20;
	(erf) = vrcp.f32 v14  }
0x246: {  	s19 =	sand.u32 $0x1C00, s19;
	v41 =	vor.u32 $0x3F800000, v12;
	v43 =	vadd.f32 $1.000000000e+00, v20  }
0x247: {  	s21 =	sand.u32 $0x70, s20;
	s18 =	sadd.s32 s19, s18;
	v42 =	vmul.f32 $5.000000000e-01, v41  }
0x248: {  	s23 =	sadd.s32 $0xFFFFFFF0, s20;
	s21 =	sadd.s32 s21, s18;
	vm3 =	vgt.f32 v41, $1.414213540e+00;
	(erf) = vrcp.f32 v43  }
0x249: {  	s19 =	sand.u32 $0x60, s23;
	v12 =	vld.idx.msk [tilespmem:v7+s21+$0x0 ss:$0x1], $0xffff;
	v22 =	vsel vm3, v42, v41;
	v16 =	vadd.f32 $-1.000000000e+00, v16  }
0x24a: {  	s19 =	sadd.s32 s19, s18;
	v23 =	vadd.f32 $1.000000000e+00, v22;
	v45 =	vpop (erf)  }
0x24b: {  	v13 =	vld.idx.msk [tilespmem:v7+s19+$0x0 ss:$0x1], $0xffff;
	v19 =	vshrl.u32 v35, $0x17;
	v16 =	vmul.f32 v45, v16  }
0x24c: {  	s22 =	sadd.s32 $0xFFFFFFE0, s20;
	v18 =	vshrl.u32 v34, $0x17;
	v15 =	vshrl.u32 v15, $0x17;
	(erf) = vrcp.f32 v23  }
0x24d: {  	s24 =	sadd.s32 $0xFFFFFFD0, s20;
	s22 =	sand.u32 $0x50, s22;
	v32 =	vsel vm0, $0x1, v2;
	v21 =	vadd.f32 $-1.000000000e+00, v39;
	v47 =	vmul.f32 v16, v16  }
0x24e: {  	s25 =	sand.u32 $0x40, s24;
	s22 =	sadd.s32 s22, s18;
	v29 =	vsel vm3, $0x1, v2;
	v15 =	vadd.s32 v32, v15;
	v44 =	vmul.f32 $1.442695020e+00, v12;
	v49 =	vpop (erf)  }
0x24f: {  	s18 =	sadd.s32 s25, s18;
	v15 =	vadd.s32 $0xFFFFFF81, v15;
	v14 =	vld.idx.msk [tilespmem:v7+s22+$0x0 ss:$0x1], $0xffff;
	v21 =	vmul.f32 v49, v21;
	v26 =	vmul.f32 $2.222222240e-01, v47  }
0x250: {  	v25 =	vmul.f32 $1.442695020e+00, v13;
	v20 =	vadd.f32 $-1.000000000e+00, v20;
	v15 =	vcvt.s32.f32 v15;
	v7 =	vld.idx.msk [tilespmem:v7+s18+$0x0 ss:$0x1], $0xffff  }
0x251: {  	(erf) = vpow2.f32 v44;
	v50 =	vpop (erf);
	v52 =	vmul.f32 v21, v21;
	v51 =	vadd.f32 $2.857142980e-01, v26  }
0x252: {  	v56 =	vsel vm2, $0x1, v2;
	(erf) = vpow2.f32 v25;
	v20 =	vmul.f32 v50, v20  }
0x253: {  	v31 =	vsel vm1, $0x1, v2;
	v27 =	vmul.f32 $2.222222240e-01, v52;
	v25 =	vmul.f32 v51, v47  }
0x254: {  	v22 =	vadd.f32 $-1.000000000e+00, v22;
	v46 =	vmul.f32 $1.442695020e+00, v14;
	v28 =	vmul.f32 v20, v20  }
0x255: {  	v48 =	vmul.f32 $1.442695020e+00, v7;
	v53 =	vpop (erf);
	v55 =	vadd.f32 $2.857142980e-01, v27;
	v54 =	vadd.f32 $4.000000060e-01, v25  }
0x256: {  	v17 =	vshrl.u32 v38, $0x17;
	v22 =	vmul.f32 v53, v22;
	v57 =	vmul.f32 $2.222222240e-01, v28  }
0x257: {  	v17 =	vadd.s32 v29, v17;
	v25 =	vmul.f32 v55, v52;
	v24 =	vmul.f32 v54, v47  }
0x258: {  	(erf) = vpow2.f32 v46;
	v30 =	vmul.f32 v22, v22;
	v29 =	vadd.f32 $2.857142980e-01, v57  }
0x259: {  	(erf) = vpow2.f32 v48;
	v25 =	vadd.f32 $4.000000060e-01, v25;
	v24 =	vadd.f32 $6.666666860e-01, v24  }
0x25a: {  	v19 =	vadd.s32 v56, v19;
	v33 =	vmul.f32 $2.222222240e-01, v30;
	v29 =	vmul.f32 v29, v28  }
0x25b: {  	v19 =	vadd.s32 $0xFFFFFF81, v19;
	v58 =	vmul.f32 v25, v52;
	v23 =	vmul.f32 v24, v47  }
0x25c: {  	v19 =	vcvt.s32.f32 v19;
	v33 =	vadd.f32 $2.857142980e-01, v33;
	v59 =	vadd.f32 $4.000000060e-01, v29  }
0x25d: {  	v15 =	vmul.f32 $6.931471820e-01, v15;
	v24 =	vadd.f32 $6.666666860e-01, v58;
	v23 =	vadd.f32 $2.000000000e+00, v23  }
0x25e: {  	v18 =	vadd.s32 v31, v18;
	v60 =	vmul.f32 v33, v30;
	v25 =	vmul.f32 v59, v28  }
0x25f: {  	v18 =	vadd.s32 $0xFFFFFF81, v18;
	v61 =	vmul.f32 v24, v52;
	v16 =	vmul.f32 v23, v16  }
0x260: {  	v32 =	vcvt.s32.f32 v18;
	v63 =	vpop (erf);
	v27 =	vadd.f32 $4.000000060e-01, v60;
	v62 =	vadd.f32 $6.666666860e-01, v25  }
0x261: {  	v19 =	vmul.f32 $6.931471820e-01, v19;
	v34 =	vpop (erf);
	v33 =	vadd.f32 $2.000000000e+00, v61;
	v15 =	vadd.f32 v16, v15  }
0x262: {  	v36 =	vpop (erf);
	v35 =	vmul.f32 v27, v30;
	v24 =	vmul.f32 v62, v28  }
0x263: {  	v37 =	vpop (erf);
	v18 =	vmul.f32 v33, v21;
	v16 =	vmul.f32 $6.931471820e-01, v32;
	v15 =	vsub.f32 $0.0e+00, v15  }
0x264: {  	v17 =	vadd.s32 $0xFFFFFF81, v17;
	v38 =	vmul.f32 v37, v10;
	v26 =	vadd.f32 $6.666666860e-01, v35  }
0x265: {  	v24 =	vadd.f32 $2.000000000e+00, v24;
	v16 =	vadd.f32 v18, v16;
	v39 =	vmul.f32 v15, v11  }
0x266: {  	v17 =	vcvt.s32.f32 v17;
	v40 =	vmul.f32 v26, v30  }
0x267: {  	v20 =	vmul.f32 v24, v20;
	v16 =	vsub.f32 $0.0e+00, v16;
	vm10 =	vgt.f32 v38, v39  }
0x268: {  	v18 =	vadd.f32 $2.000000000e+00, v40;
	v41 =	vsel vm10, v37, v11;
	v42 =	vsel vm10, v15, v10  }
0x269: {  	v43 =	vadd.f32 v20, v19;
	v44 =	vmul.f32 v42, v36;
	v45 =	vmul.f32 v41, v16  }
0x26a: {  	v17 =	vmul.f32 $6.931471820e-01, v17  }
0x26b: {  	v18 =	vmul.f32 v18, v22;
	v15 =	vsub.f32 $0.0e+00, v43;
	vm11 =	vgt.f32 v44, v45  }
0x26c: {  	v11 =	vsel vm11, v36, v41;
	v10 =	vsel vm11, v16, v42  }
0x26d: {  	v46 =	vadd.f32 v18, v17;
	v47 =	vmul.f32 v10, v34;
	v48 =	vmul.f32 v11, v15;
	_ =	sdelay $0x1  }
0x26e: {  	v16 =	vsub.f32 $0.0e+00, v46;
	vm12 =	vgt.f32 v47, v48  }
0x26f: {  	v11 =	vsel vm12, v34, v11;
	v10 =	vsel vm12, v15, v10  }
0x270: {  	v15 =	vmul.f32 v10, v63;
	v49 =	vmul.f32 v11, v16;
	_ =	sdelay $0x1  }
0x271: {  	vm13 =	vgt.f32 v15, v49  }
0x272: {  	v10 =	vsel vm13, v16, v10  }
0x273: {  	(erf) = vrcp.f32 v10;
	_ =	sdelay $0x8  }
0x274: {  	v50 =	vsel vm13, v63, v11;
	v51 =	vpop (erf)  }
0x275: {  	v10 =	vmul.f32 v51, v50;
	_ =	sdelay $0x1  }
0x276: {  	v11 =	vperm.xlane v10, v3;
	_ =	sdelay $0x1  }
0x277: {  	v11 =	vmax.f32 v10, v11  }
0x278: {  	v52 =	vperm.xlane v11, v4;
	_ =	sdelay $0x1  }
0x279: {  	v11 =	vmax.f32 v11, v52  }
0x27a: {  	s26 =	sadd.s32 s20, s7;
	v15 =	vperm.xlane v11, v5  }
0x27b: {  	s28 =	sadd.s32 $0xFFFFFFD0, s26  }
0x27c: {  	s20 =	sadd.s32 $0xFFFFFFE0, s26;
	v53 =	vor.u32 s28, v0;
	v11 =	vmax.f32 v11, v15  }
0x27d: {  	s29 =	sadd.s32 $0xFFFFFFF0, s26;
	v54 =	vor.u32 s20, v0;
	v9 =	vsel vm10, v53, v9;
	v55 =	vperm.xlane v11, v6  }
0x27e: {  	v56 =	vor.u32 s29, v0;
	v9 =	vsel vm11, v54, v9  }
0x27f: {  	v57 =	vor.u32 s26, v0;
	v9 =	vsel vm12, v56, v9;
	v11 =	vmax.f32 v11, v55  }
0x280: {  	v9 =	vsel vm13, v57, v9;
	vm4 =	veq.f32 v10, v11  }
0x281: {  	v10 =	vnsel vm4, $0x7FFFFFFF, v9  }
0x282: {  	v58 =	vperm.xlane v10, v3;
	_ =	sdelay $0x1  }
0x283: {  	vm4 =	vlt.s32 v10, v58  }
0x284: {  	v10 =	vsel vm4, v10, v58  }
0x285: {  	v11 =	vperm.xlane v10, v4;
	_ =	sdelay $0x1  }
0x286: {  	vm4 =	vlt.s32 v10, v11  }
0x287: {  	v10 =	vsel vm4, v10, v11  }
0x288: {  	v11 =	vperm.xlane v10, v5;
	_ =	sdelay $0x1  }
0x289: {  	vm4 =	vlt.s32 v10, v11  }
0x28a: {  	v10 =	vsel vm4, v10, v11  }
0x28b: {  	v11 =	vperm.xlane v10, v6  }
0x28c: {  	v7 =	vsel vm10, v7, v8  }
0x28d: {  	v7 =	vsel vm11, v14, v7;
	vm14 =	vlt.s32 v10, v11  }
0x28e: {  	v7 =	vsel vm12, v13, v7;
	v8 =	vsel vm14, v10, v11  }
0x28f: {  	v7 =	vsel vm13, v12, v7;
	vm0 =	veq.s32 v9, v8  }
0x290: {  	v7 =	vnsel vm0, $0x7F800000, v7  }
0x291: {  	v59 =	vperm.xlane v7, v3;
	_ =	sdelay $0x1  }
0x292: {  	v7 =	vmin.f32 v7, v59  }
0x293: {  	v9 =	vperm.xlane v7, v4;
	_ =	sdelay $0x1  }
0x294: {  	v7 =	vmin.f32 v7, v9  }
0x295: {  	s30 =	sand.u32 $0x30, s17;
	v9 =	vperm.xlane v7, v5  }
0x296: {  	v60 =	vld [tilespmem:s30+$0xC000]  }
0x297: {  	s31 =	sand.u32 $0xF, s17;
	s17 =	sadd.s32 $0x1, s17;
	v61 =	vld [tilespmem:s30+$0xC080];
	v7 =	vmin.f32 v7, v9  }
0x298: {  	p0 =	sne.s32 s17, $0x40;
	v62 =	vperm.xlane v7, v6  }
.Ltmp1:
0x299: {  	v63 =	vmov s31;
	(pc) =	sbr.rel @p0 .LBB2_2-.Ltmp1, $4  }
0x29a: {  	vm15 =	veq.s32 v63, v0;
	v7 =	vmin.f32 v7, v62  }
0x29b: {  	v7 =	vsel vm15, v7, v60  }
0x29c: {  	[tilespmem:s30+$0xC000] =	vst v7;
	v7 =	vsel vm15, v8, v61  }
0x29d: {  	s16 =	sadd.s32 $0x186A0, s16;
	[tilespmem:s30+$0xC080] =	vst v7  }
0x29e: {  	[hbm4b:s4+s1] =	stream.linear.scatter [tilespmem:s11], [sflag:$0x2], $0x80, $0x38;
	[tilespmem:$0xC100] =	vst v63  }
0x29f: {  	s15 =	sadd.s32 $0x1, s15  }
0x2a0: {  	[hbm4b:s5+s1] =	stream.linear.scatter [tilespmem:s12], [sflag:$0x3], $0x80, $0x38;
	[tilespmem:$0xC100] =	vst v63  }
0x2a1: {  	p0 =	sne.s32 s15, s6;
	_ =	swait.ge [sflag:s13], $0x80  }
.Ltmp2:
0x2a2: {  	[sflag:s13] =	ssyncset.done $0x0;
	(pc) =	sbr.rel @p0 .LBB2_1-.Ltmp2, $4  }
0x2a3: {  	[sflag:s13] =	ssyncadd.s32 $0xFFFFFF80  }
0x2a4: {  	_ =	swait.ge [sflag:s14], $0x80  }
0x2a5: {  	[sflag:s14] =	ssyncset.done $0x0  }
0x2a6: {  	[sflag:s14] =	ssyncadd.s32 $0xFFFFFF80  }
0x2a7: {  	_ =	sfence.sel $0x180000  }
0x2a8: {  	[bflag:$0x0] =	sbarrier.arrive $0xFFFF  }
0x2a9: {  	p0 =	sne.s32 s2, $0x0;
	_ =	strace $0x90000047  }
0x2aa: {  	s0 =	sadd.s32 @!p0 $0x100000, s0;
	[bflag:$0x2] =	sbarrier.arrive $0xFFFF  }
0x2ab: {  	[sflag:s0] =	ssyncadd.tile.s32 @!p0 $0x1;
	_ =	shalt  }
.Lfunc_end2:
_tile_overlayer_lowered:
.L_overlay_start_2:
0x2ac: {  	(tag) =	ssettag $0x2  }
0x2ad: {  	s0 =	rddreg [dreg:$0x0];
	s2 =	stileid.u32  }
0x2ae: {  	s1 =	rddreg [dreg:$0x1];
	p0 =	sne.s32 s2, $0x0  }
0x2af: {  	s3 =	rddreg [dreg:$0x2];
	[bflag:$0x3] =	sbarrier.arrive $0xFFFF;
	s2 =	simm.s32 @!p0 $0x1C04  }
0x2b0: {  	[timem:s3], [sflag:s2] =	dma.local @!p0 [hbm:s0], s1  }
0x2b1: {  	s0 =	simm.s32 @!p0 $0x4  }
0x2b2: {  	_ =	swait.ge @!p0 [sflag:s0], s1  }
0x2b3: {  	s1 =	ssub.s32 @!p0 $0x0, s1;
	[sflag:s0] =	ssyncset.done @!p0 $0x0  }
0x2b4: {  	[sflag:s0] =	ssyncadd.s32 @!p0 s1  }
0x2b5: {  	[bflag:$0x3] =	sbarrier.arrive $0xFFFF  }
0x2b6: {  	_ =	shalt  }

</sc_bundles>
